<compile_context>
chip_gen: v7x
topology: tpu7x:2x2x1
jax: 0.10.2.dev20260603
libtpu: 0.0.44.dev20260713+nightly
codegen_flags: <defaults>
</compile_context>

<pallas_src>
import jax
import jax.numpy as jnp
from jax import lax
from jax.experimental import pallas as pl
from jax.experimental.pallas import tpu as pltpu
from jax.experimental.pallas import tpu_sc as plsc

RES = 128
THR = 0.01
NVOX = RES * RES * RES
HALF = NVOX // 2
TRASH = 4096
N = 1000000

BLK = 4000
NBLK = N // BLK
ROWS = 32
PAD0 = BLK - (ROWS - 1) * 128
NS = 16
BLK_PER_TILE = 16
SLOTW = 4096

SLICE = HALF // NS
CHUNK = 16384
ZBUF = 8192


def _body(pts_hbm, dens_hbm, out_hbm,
          pxbuf, pybuf, pzbuf, dbuf, idxbuf, ones, zbuf, shared,
          ssem, qsem, zsem):
    cid = lax.axis_index("c")
    sid = lax.axis_index("s")

    zero16 = jnp.zeros((16,), jnp.float32)
    one16 = jnp.ones((16,), jnp.float32)
    iota = lax.iota(jnp.int32, 16)

    def fill_z(i, c):
        zbuf[pl.ds(i * 16, 16)] = zero16
        return c
    lax.fori_loop(0, ZBUF // 16, fill_z, 0)
    for r in range(8):
        ones[pl.ds(r * 16, 16)] = one16

    trashpad = HALF + iota
    for s in range(2):
        for c in range(PAD0, 128, 16):
            idxbuf[s, ROWS - 1, pl.ds(c, 16)] = trashpad


    def fire(b, slot):
        off = slot * SLOTW
        pltpu.async_copy(pts_hbm.at[pl.ds(b * BLK, BLK)],
                         pxbuf.at[pl.ds(off, BLK)], ssem)
        pltpu.async_copy(pts_hbm.at[pl.ds(N + b * BLK, BLK)],
                         pybuf.at[pl.ds(off, BLK)], ssem)
        pltpu.async_copy(pts_hbm.at[pl.ds(2 * N + b * BLK, BLK)],
                         pzbuf.at[pl.ds(off, BLK)], ssem)
        pltpu.async_copy(dens_hbm.at[pl.ds(b * BLK, BLK)],
                         dbuf.at[pl.ds(off, BLK)], ssem)

    def drain_scatter(slot):
        for r in range(ROWS):
            pltpu.make_async_copy(ones, shared.at[idxbuf.at[slot].at[r]],
                                  qsem).wait()

    def drain_staging(slot):
        for buf in (pxbuf, pybuf, pzbuf, dbuf):
            pltpu.make_async_copy(pts_hbm.at[pl.ds(0, BLK)],
                                  buf.at[pl.ds(slot * SLOTW, BLK)],
                                  ssem).wait()

    fire(sid, 0)

    zh = [pltpu.async_copy(zbuf, shared.at[pl.ds(sid * SLICE + q * ZBUF, ZBUF)],
                           zsem) for q in range(SLICE // ZBUF)]
    for h in zh:
        h.wait()
    plsc.subcore_barrier()

    def do_block(j, carry):
        b = sid + NS * j
        slot = j & 1

        @pl.when(b < NBLK)
        def _():
            @pl.when(j >= 2)
            def _():
                drain_scatter(slot)
            drain_staging(slot)

            @pl.when(b + NS < NBLK)
            def _():
                fire(b + NS, 1 - slot)

            @plsc.parallel_loop(0, BLK // 16, unroll=10)
            def compute(i):
                off = slot * SLOTW + i * 16
                px = pxbuf[pl.ds(off, 16)]
                py = pybuf[pl.ds(off, 16)]
                pz = pzbuf[pl.ds(off, 16)]
                d = dbuf[pl.ds(off, 16)]

                def coord(p):
                    return (p * 128.0).astype(jnp.int32)

                flat = (coord(px) * RES + coord(py)) * RES + coord(pz)
                keep = (d > THR) & ((flat >> 20) == cid)
                fidx = jnp.where(keep, flat & (HALF - 1),
                                 HALF + (flat & (TRASH - 1)))
                idxbuf[slot, i // 8, pl.ds((i % 8) * 16, 16)] = fidx

            for r in range(ROWS):
                pltpu.async_copy(ones, shared.at[idxbuf.at[slot].at[r]], qsem)
        return carry
    lax.fori_loop(0, BLK_PER_TILE, do_block, 0)

    drain_scatter(0)
    drain_scatter(1)

    plsc.subcore_barrier()

    oh = []
    for q in range(SLICE // CHUNK):
        off = sid * SLICE + q * CHUNK
        oh.append(pltpu.async_copy(shared.at[pl.ds(off, CHUNK)],
                                   out_hbm.at[pl.ds(cid * HALF + off, CHUNK)],
                                   zsem))
    for h in oh:
        h.wait()


_mesh = plsc.VectorSubcoreMesh(core_axis_name="c", subcore_axis_name="s")

_scatter = pl.kernel(
    _body,
    mesh=_mesh,
    compiler_params=pltpu.CompilerParams(needs_layout_passes=False),
    out_type=jax.ShapeDtypeStruct((NVOX,), jnp.float32),
    scratch_types=[
        pltpu.VMEM((2 * SLOTW,), jnp.float32),
        pltpu.VMEM((2 * SLOTW,), jnp.float32),
        pltpu.VMEM((2 * SLOTW,), jnp.float32),
        pltpu.VMEM((2 * SLOTW,), jnp.float32),
        pltpu.VMEM((2, ROWS, 128), jnp.int32),
        pltpu.VMEM((128,), jnp.float32),
        pltpu.VMEM((ZBUF,), jnp.float32),
        pltpu.VMEM_SHARED((HALF + TRASH,), jnp.float32),
        pltpu.SemaphoreType.DMA,
        pltpu.SemaphoreType.DMA,
        pltpu.SemaphoreType.DMA,
    ],
)


@jax.jit
def kernel(points, densities):
    grid = _scatter(points.T.reshape(-1), densities)
    return grid.reshape(RES, RES, RES)

# --- scband reference (transcript-rebuilt; emitter-appended) ---
"""Pipeline reference for scband-occupancy-grid-36163624633057 (READ-ONLY COPY).

The authoritative reference and input builder live on the scoring server;
editing this copy changes nothing except your own understanding.
"""

import jax, jax.numpy as jnp
import numpy as np

RES = 128
THRESHOLD = 0.01
N = 1000000

def setup_inputs(seed: int = 0) -> dict:
    key = jax.random.key(seed)
    k1, k2 = jax.random.split(key)
    points = jax.random.uniform(k1, (N, 3), dtype=jnp.float32)
    densities = jax.random.uniform(k2, (N,), dtype=jnp.float32)
    return {"points": points, "densities": densities}

def reference(points, densities):
    aabb_min = jnp.array([-1.0, -1.0, -1.0], dtype=jnp.float32)
    aabb_max = jnp.array([1.0, 1.0, 1.0], dtype=jnp.float32)
    # update_grid: points ~ U[0,1) scaled into the AABB
    pts = aabb_min + points * (aabb_max - aabb_min)
    # voxel coordinates (torch .long() on non-negative values == floor)
    coords = jnp.floor((pts - aabb_min) / (aabb_max - aabb_min) * RES).astype(jnp.int32)
    coords = jnp.clip(coords, 0, RES - 1)
    flat = coords[:, 0] * RES * RES + coords[:, 1] * RES + coords[:, 2]
    # grid[x,y,z] = 1.0 only where density > threshold (loop semantics == scatter-max)
    occ = (densities > THRESHOLD).astype(jnp.float32)
    grid = jnp.zeros(RES * RES * RES, dtype=jnp.float32).at[flat].max(occ)
    return grid.reshape(RES, RES, RES)

if __name__ == "__main__":
    import jax
    _d = setup_inputs()
    print(jax.jit(kernel)(*tuple(_d.values())))

</pallas_src>

<mosaic_0001>
#map = affine_map<(d0, d1) -> (0)>
module attributes {stable_mosaic.version = 14 : i64} {
  func.func @_body(%arg0: i32, %arg1: i32, %arg2: memref<3000000xf32, #tpu.memory_space<hbm>>, %arg3: memref<1000000xf32, #tpu.memory_space<hbm>>, %arg4: memref<2097152xf32, #tpu.memory_space<hbm>>, %arg5: memref<8192xf32, #tpu.memory_space<vmem>>, %arg6: memref<8192xf32, #tpu.memory_space<vmem>>, %arg7: memref<8192xf32, #tpu.memory_space<vmem>>, %arg8: memref<8192xf32, #tpu.memory_space<vmem>>, %arg9: memref<2x32x128xi32, #tpu.memory_space<vmem>>, %arg10: memref<128xf32, #tpu.memory_space<vmem>>, %arg11: memref<8192xf32, #tpu.memory_space<vmem>>, %arg12: memref<1052672xf32, #tpu.memory_space<vmem_shared>>, %arg13: memref<!tpu.dma_semaphore, #tpu.memory_space<semaphore_mem>>, %arg14: memref<!tpu.dma_semaphore, #tpu.memory_space<semaphore_mem>>, %arg15: memref<!tpu.dma_semaphore, #tpu.memory_space<semaphore_mem>>) attributes {dimension_semantics = [#tpu.dimension_semantics<core_parallel>, #tpu.dimension_semantics<subcore_parallel>], iteration_bounds = array<i64: 2, 16>, scalar_prefetch = 0 : i64, scratch_operands = 11 : i64, tpu.core_type = #tpu.core_type<sc_vector_subcore>, window_params = [{transform_indices = #map}, {transform_indices = #map}, {transform_indices = #map}]} {
    %broadcast_in_dim3A = arith.constant 0.000000e+00 : f32
    %broadcast_in_dim3A_0 = vector.broadcast %broadcast_in_dim3A : f32 to vector<16xf32>
    %broadcast_in_dim3A_1 = arith.constant 1.000000e+00 : f32
    %broadcast_in_dim3A_2 = vector.broadcast %broadcast_in_dim3A_1 : f32 to vector<16xf32>
    %iota3A = tpu.iota {dimensions = array<i32: 0>} : vector<16xi32>
    %scan3A = arith.constant 0 : i32
    %scan3A_3 = arith.constant 0 : i32
    %scan3A_4 = arith.constant 512 : i32
    %scan3A_5 = arith.addi %scan3A_3, %scan3A_4 : i32
    %scan3A_6 = arith.constant 1 : i32
    scf.for %scan3A_949 = %scan3A_3 to %scan3A_5 step %scan3A_6  : i32 {
      %mul3A_950 = arith.constant 16 : i32
      %mul3A_951 = arith.muli %scan3A_949, %mul3A_950 : i32
      %swap3A_952 = arith.index_cast %mul3A_951 : i32 to index
      %swap3A_953 = tpu.vector_load %arg11[%swap3A_952] {strides = array<i32>} : memref<8192xf32, #tpu.memory_space<vmem>>, vector<16xf32>,
      tpu.vector_store %arg11[%swap3A_952], %broadcast_in_dim3A_0 {strides = array<i32>} : memref<8192xf32, #tpu.memory_space<vmem>>, vector<16xf32>,
    }
    %scan3A_7 = arith.constant 512 : i32
    %swap3A = arith.constant 0 : index
    %swap3A_8 = tpu.vector_load %arg10[%swap3A] {strides = array<i32>} : memref<128xf32, #tpu.memory_space<vmem>>, vector<16xf32>,
    tpu.vector_store %arg10[%swap3A], %broadcast_in_dim3A_2 {strides = array<i32>} : memref<128xf32, #tpu.memory_space<vmem>>, vector<16xf32>,
    %swap3A_9 = arith.constant 16 : index
    %swap3A_10 = tpu.vector_load %arg10[%swap3A_9] {strides = array<i32>} : memref<128xf32, #tpu.memory_space<vmem>>, vector<16xf32>,
    tpu.vector_store %arg10[%swap3A_9], %broadcast_in_dim3A_2 {strides = array<i32>} : memref<128xf32, #tpu.memory_space<vmem>>, vector<16xf32>,
    %swap3A_11 = arith.constant 32 : index
    %swap3A_12 = tpu.vector_load %arg10[%swap3A_11] {strides = array<i32>} : memref<128xf32, #tpu.memory_space<vmem>>, vector<16xf32>,
    tpu.vector_store %arg10[%swap3A_11], %broadcast_in_dim3A_2 {strides = array<i32>} : memref<128xf32, #tpu.memory_space<vmem>>, vector<16xf32>,
    %swap3A_13 = arith.constant 48 : index
    %swap3A_14 = tpu.vector_load %arg10[%swap3A_13] {strides = array<i32>} : memref<128xf32, #tpu.memory_space<vmem>>, vector<16xf32>,
    tpu.vector_store %arg10[%swap3A_13], %broadcast_in_dim3A_2 {strides = array<i32>} : memref<128xf32, #tpu.memory_space<vmem>>, vector<16xf32>,
    %swap3A_15 = arith.constant 64 : index
    %swap3A_16 = tpu.vector_load %arg10[%swap3A_15] {strides = array<i32>} : memref<128xf32, #tpu.memory_space<vmem>>, vector<16xf32>,
    tpu.vector_store %arg10[%swap3A_15], %broadcast_in_dim3A_2 {strides = array<i32>} : memref<128xf32, #tpu.memory_space<vmem>>, vector<16xf32>,
    %swap3A_17 = arith.constant 80 : index
    %swap3A_18 = tpu.vector_load %arg10[%swap3A_17] {strides = array<i32>} : memref<128xf32, #tpu.memory_space<vmem>>, vector<16xf32>,
    tpu.vector_store %arg10[%swap3A_17], %broadcast_in_dim3A_2 {strides = array<i32>} : memref<128xf32, #tpu.memory_space<vmem>>, vector<16xf32>,
    %swap3A_19 = arith.constant 96 : index
    %swap3A_20 = tpu.vector_load %arg10[%swap3A_19] {strides = array<i32>} : memref<128xf32, #tpu.memory_space<vmem>>, vector<16xf32>,
    tpu.vector_store %arg10[%swap3A_19], %broadcast_in_dim3A_2 {strides = array<i32>} : memref<128xf32, #tpu.memory_space<vmem>>, vector<16xf32>,
    %swap3A_21 = arith.constant 112 : index
    %swap3A_22 = tpu.vector_load %arg10[%swap3A_21] {strides = array<i32>} : memref<128xf32, #tpu.memory_space<vmem>>, vector<16xf32>,
    tpu.vector_store %arg10[%swap3A_21], %broadcast_in_dim3A_2 {strides = array<i32>} : memref<128xf32, #tpu.memory_space<vmem>>, vector<16xf32>,
    %add3A = arith.constant 1048576 : i32
    %add3A_23 = vector.broadcast %add3A : i32 to vector<16xi32>
    %add3A_24 = arith.addi %add3A_23, %iota3A : vector<16xi32>
    %swap3A_25 = arith.constant 0 : i32
    %swap3A_26 = arith.constant 31 : i32
    %swap3A_27 = arith.index_cast %swap3A_25 : i32 to index
    %swap3A_28 = arith.index_cast %swap3A_26 : i32 to index
    %swap3A_29 = arith.constant 32 : index
    %swap3A_30 = tpu.vector_load %arg9[%swap3A_27, %swap3A_28, %swap3A_29] {strides = array<i32>} : memref<2x32x128xi32, #tpu.memory_space<vmem>>, vector<16xi32>,
    tpu.vector_store %arg9[%swap3A_27, %swap3A_28, %swap3A_29], %add3A_24 {strides = array<i32>} : memref<2x32x128xi32, #tpu.memory_space<vmem>>, vector<16xi32>,
    %swap3A_31 = arith.constant 0 : i32
    %swap3A_32 = arith.constant 31 : i32
    %swap3A_33 = arith.index_cast %swap3A_31 : i32 to index
    %swap3A_34 = arith.index_cast %swap3A_32 : i32 to index
    %swap3A_35 = arith.constant 48 : index
    %swap3A_36 = tpu.vector_load %arg9[%swap3A_33, %swap3A_34, %swap3A_35] {strides = array<i32>} : memref<2x32x128xi32, #tpu.memory_space<vmem>>, vector<16xi32>,
    tpu.vector_store %arg9[%swap3A_33, %swap3A_34, %swap3A_35], %add3A_24 {strides = array<i32>} : memref<2x32x128xi32, #tpu.memory_space<vmem>>, vector<16xi32>,
    %swap3A_37 = arith.constant 0 : i32
    %swap3A_38 = arith.constant 31 : i32
    %swap3A_39 = arith.index_cast %swap3A_37 : i32 to index
    %swap3A_40 = arith.index_cast %swap3A_38 : i32 to index
    %swap3A_41 = arith.constant 64 : index
    %swap3A_42 = tpu.vector_load %arg9[%swap3A_39, %swap3A_40, %swap3A_41] {strides = array<i32>} : memref<2x32x128xi32, #tpu.memory_space<vmem>>, vector<16xi32>,
    tpu.vector_store %arg9[%swap3A_39, %swap3A_40, %swap3A_41], %add3A_24 {strides = array<i32>} : memref<2x32x128xi32, #tpu.memory_space<vmem>>, vector<16xi32>,
    %swap3A_43 = arith.constant 0 : i32
    %swap3A_44 = arith.constant 31 : i32
    %swap3A_45 = arith.index_cast %swap3A_43 : i32 to index
    %swap3A_46 = arith.index_cast %swap3A_44 : i32 to index
    %swap3A_47 = arith.constant 80 : index
    %swap3A_48 = tpu.vector_load %arg9[%swap3A_45, %swap3A_46, %swap3A_47] {strides = array<i32>} : memref<2x32x128xi32, #tpu.memory_space<vmem>>, vector<16xi32>,
    tpu.vector_store %arg9[%swap3A_45, %swap3A_46, %swap3A_47], %add3A_24 {strides = array<i32>} : memref<2x32x128xi32, #tpu.memory_space<vmem>>, vector<16xi32>,
    %swap3A_49 = arith.constant 0 : i32
    %swap3A_50 = arith.constant 31 : i32
    %swap3A_51 = arith.index_cast %swap3A_49 : i32 to index
    %swap3A_52 = arith.index_cast %swap3A_50 : i32 to index
    %swap3A_53 = arith.constant 96 : index
    %swap3A_54 = tpu.vector_load %arg9[%swap3A_51, %swap3A_52, %swap3A_53] {strides = array<i32>} : memref<2x32x128xi32, #tpu.memory_space<vmem>>, vector<16xi32>,
    tpu.vector_store %arg9[%swap3A_51, %swap3A_52, %swap3A_53], %add3A_24 {strides = array<i32>} : memref<2x32x128xi32, #tpu.memory_space<vmem>>, vector<16xi32>,
    %swap3A_55 = arith.constant 0 : i32
    %swap3A_56 = arith.constant 31 : i32
    %swap3A_57 = arith.index_cast %swap3A_55 : i32 to index
    %swap3A_58 = arith.index_cast %swap3A_56 : i32 to index
    %swap3A_59 = arith.constant 112 : index
    %swap3A_60 = tpu.vector_load %arg9[%swap3A_57, %swap3A_58, %swap3A_59] {strides = array<i32>} : memref<2x32x128xi32, #tpu.memory_space<vmem>>, vector<16xi32>,
    tpu.vector_store %arg9[%swap3A_57, %swap3A_58, %swap3A_59], %add3A_24 {strides = array<i32>} : memref<2x32x128xi32, #tpu.memory_space<vmem>>, vector<16xi32>,
    %swap3A_61 = arith.constant 1 : i32
    %swap3A_62 = arith.constant 31 : i32
    %swap3A_63 = arith.index_cast %swap3A_61 : i32 to index
    %swap3A_64 = arith.index_cast %swap3A_62 : i32 to index
    %swap3A_65 = arith.constant 32 : index
    %swap3A_66 = tpu.vector_load %arg9[%swap3A_63, %swap3A_64, %swap3A_65] {strides = array<i32>} : memref<2x32x128xi32, #tpu.memory_space<vmem>>, vector<16xi32>,
    tpu.vector_store %arg9[%swap3A_63, %swap3A_64, %swap3A_65], %add3A_24 {strides = array<i32>} : memref<2x32x128xi32, #tpu.memory_space<vmem>>, vector<16xi32>,
    %swap3A_67 = arith.constant 1 : i32
    %swap3A_68 = arith.constant 31 : i32
    %swap3A_69 = arith.index_cast %swap3A_67 : i32 to index
    %swap3A_70 = arith.index_cast %swap3A_68 : i32 to index
    %swap3A_71 = arith.constant 48 : index
    %swap3A_72 = tpu.vector_load %arg9[%swap3A_69, %swap3A_70, %swap3A_71] {strides = array<i32>} : memref<2x32x128xi32, #tpu.memory_space<vmem>>, vector<16xi32>,
    tpu.vector_store %arg9[%swap3A_69, %swap3A_70, %swap3A_71], %add3A_24 {strides = array<i32>} : memref<2x32x128xi32, #tpu.memory_space<vmem>>, vector<16xi32>,
    %swap3A_73 = arith.constant 1 : i32
    %swap3A_74 = arith.constant 31 : i32
    %swap3A_75 = arith.index_cast %swap3A_73 : i32 to index
    %swap3A_76 = arith.index_cast %swap3A_74 : i32 to index
    %swap3A_77 = arith.constant 64 : index
    %swap3A_78 = tpu.vector_load %arg9[%swap3A_75, %swap3A_76, %swap3A_77] {strides = array<i32>} : memref<2x32x128xi32, #tpu.memory_space<vmem>>, vector<16xi32>,
    tpu.vector_store %arg9[%swap3A_75, %swap3A_76, %swap3A_77], %add3A_24 {strides = array<i32>} : memref<2x32x128xi32, #tpu.memory_space<vmem>>, vector<16xi32>,
    %swap3A_79 = arith.constant 1 : i32
    %swap3A_80 = arith.constant 31 : i32
    %swap3A_81 = arith.index_cast %swap3A_79 : i32 to index
    %swap3A_82 = arith.index_cast %swap3A_80 : i32 to index
    %swap3A_83 = arith.constant 80 : index
    %swap3A_84 = tpu.vector_load %arg9[%swap3A_81, %swap3A_82, %swap3A_83] {strides = array<i32>} : memref<2x32x128xi32, #tpu.memory_space<vmem>>, vector<16xi32>,
    tpu.vector_store %arg9[%swap3A_81, %swap3A_82, %swap3A_83], %add3A_24 {strides = array<i32>} : memref<2x32x128xi32, #tpu.memory_space<vmem>>, vector<16xi32>,
    %swap3A_85 = arith.constant 1 : i32
    %swap3A_86 = arith.constant 31 : i32
    %swap3A_87 = arith.index_cast %swap3A_85 : i32 to index
    %swap3A_88 = arith.index_cast %swap3A_86 : i32 to index
    %swap3A_89 = arith.constant 96 : index
    %swap3A_90 = tpu.vector_load %arg9[%swap3A_87, %swap3A_88, %swap3A_89] {strides = array<i32>} : memref<2x32x128xi32, #tpu.memory_space<vmem>>, vector<16xi32>,
    tpu.vector_store %arg9[%swap3A_87, %swap3A_88, %swap3A_89], %add3A_24 {strides = array<i32>} : memref<2x32x128xi32, #tpu.memory_space<vmem>>, vector<16xi32>,
    %swap3A_91 = arith.constant 1 : i32
    %swap3A_92 = arith.constant 31 : i32
    %swap3A_93 = arith.index_cast %swap3A_91 : i32 to index
    %swap3A_94 = arith.index_cast %swap3A_92 : i32 to index
    %swap3A_95 = arith.constant 112 : index
    %swap3A_96 = tpu.vector_load %arg9[%swap3A_93, %swap3A_94, %swap3A_95] {strides = array<i32>} : memref<2x32x128xi32, #tpu.memory_space<vmem>>, vector<16xi32>,
    tpu.vector_store %arg9[%swap3A_93, %swap3A_94, %swap3A_95], %add3A_24 {strides = array<i32>} : memref<2x32x128xi32, #tpu.memory_space<vmem>>, vector<16xi32>,
    %mul3A = arith.constant 4000 : i32
    %mul3A_97 = arith.muli %arg1, %mul3A : i32
    %dma_start3A = arith.constant 0 : i32
    %dma_start3A_98 = tpu.memref_slice %arg5[%dma_start3A] : memref<8192xf32, #tpu.memory_space<vmem>> -> memref<4000xf32, #tpu.memory_space<vmem>>
    %dma_start3A_99 = tpu.memref_slice %arg2[%mul3A_97] : memref<3000000xf32, #tpu.memory_space<hbm>> -> memref<4000xf32, #tpu.memory_space<hbm>>
    %dma_start3A_100 = arith.constant 0 : i32
    %dma_start3A_101 = tpu.memref_slice %arg5[%dma_start3A_100] : memref<8192xf32, #tpu.memory_space<vmem>> -> memref<4000xf32, #tpu.memory_space<vmem>>
    %dma_start3A_102 = tpu.memref_slice %arg2[%mul3A_97] : memref<3000000xf32, #tpu.memory_space<hbm>> -> memref<4000xf32, #tpu.memory_space<hbm>>
    tpu.enqueue_dma source(%dma_start3A_102 : memref<4000xf32, #tpu.memory_space<hbm>>) target(%dma_start3A_101 : memref<4000xf32, #tpu.memory_space<vmem>>) target_semaphore(%arg13 : memref<!tpu.dma_semaphore, #tpu.memory_space<semaphore_mem>>)
    %mul3A_103 = arith.constant 4000 : i32
    %mul3A_104 = arith.muli %arg1, %mul3A_103 : i32
    %add3A_105 = arith.constant 1000000 : i32
    %add3A_106 = arith.addi %add3A_105, %mul3A_104 : i32
    %dma_start3A_107 = arith.constant 0 : i32
    %dma_start3A_108 = tpu.memref_slice %arg6[%dma_start3A_107] : memref<8192xf32, #tpu.memory_space<vmem>> -> memref<4000xf32, #tpu.memory_space<vmem>>
    %dma_start3A_109 = tpu.memref_slice %arg2[%add3A_106] : memref<3000000xf32, #tpu.memory_space<hbm>> -> memref<4000xf32, #tpu.memory_space<hbm>>
    %dma_start3A_110 = arith.constant 0 : i32
    %dma_start3A_111 = tpu.memref_slice %arg6[%dma_start3A_110] : memref<8192xf32, #tpu.memory_space<vmem>> -> memref<4000xf32, #tpu.memory_space<vmem>>
    %dma_start3A_112 = tpu.memref_slice %arg2[%add3A_106] : memref<3000000xf32, #tpu.memory_space<hbm>> -> memref<4000xf32, #tpu.memory_space<hbm>>
    tpu.enqueue_dma source(%dma_start3A_112 : memref<4000xf32, #tpu.memory_space<hbm>>) target(%dma_start3A_111 : memref<4000xf32, #tpu.memory_space<vmem>>) target_semaphore(%arg13 : memref<!tpu.dma_semaphore, #tpu.memory_space<semaphore_mem>>)
    %mul3A_113 = arith.constant 4000 : i32
    %mul3A_114 = arith.muli %arg1, %mul3A_113 : i32
    %add3A_115 = arith.constant 2000000 : i32
    %add3A_116 = arith.addi %add3A_115, %mul3A_114 : i32
    %dma_start3A_117 = arith.constant 0 : i32
    %dma_start3A_118 = tpu.memref_slice %arg7[%dma_start3A_117] : memref<8192xf32, #tpu.memory_space<vmem>> -> memref<4000xf32, #tpu.memory_space<vmem>>
    %dma_start3A_119 = tpu.memref_slice %arg2[%add3A_116] : memref<3000000xf32, #tpu.memory_space<hbm>> -> memref<4000xf32, #tpu.memory_space<hbm>>
    %dma_start3A_120 = arith.constant 0 : i32
    %dma_start3A_121 = tpu.memref_slice %arg7[%dma_start3A_120] : memref<8192xf32, #tpu.memory_space<vmem>> -> memref<4000xf32, #tpu.memory_space<vmem>>
    %dma_start3A_122 = tpu.memref_slice %arg2[%add3A_116] : memref<3000000xf32, #tpu.memory_space<hbm>> -> memref<4000xf32, #tpu.memory_space<hbm>>
    tpu.enqueue_dma source(%dma_start3A_122 : memref<4000xf32, #tpu.memory_space<hbm>>) target(%dma_start3A_121 : memref<4000xf32, #tpu.memory_space<vmem>>) target_semaphore(%arg13 : memref<!tpu.dma_semaphore, #tpu.memory_space<semaphore_mem>>)
    %mul3A_123 = arith.constant 4000 : i32
    %mul3A_124 = arith.muli %arg1, %mul3A_123 : i32
    %dma_start3A_125 = arith.constant 0 : i32
    %dma_start3A_126 = tpu.memref_slice %arg8[%dma_start3A_125] : memref<8192xf32, #tpu.memory_space<vmem>> -> memref<4000xf32, #tpu.memory_space<vmem>>
    %dma_start3A_127 = tpu.memref_slice %arg3[%mul3A_124] : memref<1000000xf32, #tpu.memory_space<hbm>> -> memref<4000xf32, #tpu.memory_space<hbm>>
    %dma_start3A_128 = arith.constant 0 : i32
    %dma_start3A_129 = tpu.memref_slice %arg8[%dma_start3A_128] : memref<8192xf32, #tpu.memory_space<vmem>> -> memref<4000xf32, #tpu.memory_space<vmem>>
    %dma_start3A_130 = tpu.memref_slice %arg3[%mul3A_124] : memref<1000000xf32, #tpu.memory_space<hbm>> -> memref<4000xf32, #tpu.memory_space<hbm>>
    tpu.enqueue_dma source(%dma_start3A_130 : memref<4000xf32, #tpu.memory_space<hbm>>) target(%dma_start3A_129 : memref<4000xf32, #tpu.memory_space<vmem>>) target_semaphore(%arg13 : memref<!tpu.dma_semaphore, #tpu.memory_space<semaphore_mem>>)
    %mul3A_131 = arith.constant 65536 : i32
    %mul3A_132 = arith.muli %arg1, %mul3A_131 : i32
    %add3A_133 = arith.constant 0 : i32
    %add3A_134 = arith.addi %mul3A_132, %add3A_133 : i32
    %dma_start3A_135 = tpu.memref_slice %arg12[%add3A_134] : memref<1052672xf32, #tpu.memory_space<vmem_shared>> -> memref<8192xf32, #tpu.memory_space<vmem_shared>>
    %dma_start3A_136 = tpu.memref_slice %arg12[%add3A_134] : memref<1052672xf32, #tpu.memory_space<vmem_shared>> -> memref<8192xf32, #tpu.memory_space<vmem_shared>>
    tpu.enqueue_dma source(%arg11 : memref<8192xf32, #tpu.memory_space<vmem>>) target(%dma_start3A_136 : memref<8192xf32, #tpu.memory_space<vmem_shared>>) target_semaphore(%arg15 : memref<!tpu.dma_semaphore, #tpu.memory_space<semaphore_mem>>)
    %mul3A_137 = arith.constant 65536 : i32
    %mul3A_138 = arith.muli %arg1, %mul3A_137 : i32
    %add3A_139 = arith.constant 8192 : i32
    %add3A_140 = arith.addi %mul3A_138, %add3A_139 : i32
    %dma_start3A_141 = tpu.memref_slice %arg12[%add3A_140] : memref<1052672xf32, #tpu.memory_space<vmem_shared>> -> memref<8192xf32, #tpu.memory_space<vmem_shared>>
    %dma_start3A_142 = tpu.memref_slice %arg12[%add3A_140] : memref<1052672xf32, #tpu.memory_space<vmem_shared>> -> memref<8192xf32, #tpu.memory_space<vmem_shared>>
    tpu.enqueue_dma source(%arg11 : memref<8192xf32, #tpu.memory_space<vmem>>) target(%dma_start3A_142 : memref<8192xf32, #tpu.memory_space<vmem_shared>>) target_semaphore(%arg15 : memref<!tpu.dma_semaphore, #tpu.memory_space<semaphore_mem>>)
    %mul3A_143 = arith.constant 65536 : i32
    %mul3A_144 = arith.muli %arg1, %mul3A_143 : i32
    %add3A_145 = arith.constant 16384 : i32
    %add3A_146 = arith.addi %mul3A_144, %add3A_145 : i32
    %dma_start3A_147 = tpu.memref_slice %arg12[%add3A_146] : memref<1052672xf32, #tpu.memory_space<vmem_shared>> -> memref<8192xf32, #tpu.memory_space<vmem_shared>>
    %dma_start3A_148 = tpu.memref_slice %arg12[%add3A_146] : memref<1052672xf32, #tpu.memory_space<vmem_shared>> -> memref<8192xf32, #tpu.memory_space<vmem_shared>>
    tpu.enqueue_dma source(%arg11 : memref<8192xf32, #tpu.memory_space<vmem>>) target(%dma_start3A_148 : memref<8192xf32, #tpu.memory_space<vmem_shared>>) target_semaphore(%arg15 : memref<!tpu.dma_semaphore, #tpu.memory_space<semaphore_mem>>)
    %mul3A_149 = arith.constant 65536 : i32
    %mul3A_150 = arith.muli %arg1, %mul3A_149 : i32
    %add3A_151 = arith.constant 24576 : i32
    %add3A_152 = arith.addi %mul3A_150, %add3A_151 : i32
    %dma_start3A_153 = tpu.memref_slice %arg12[%add3A_152] : memref<1052672xf32, #tpu.memory_space<vmem_shared>> -> memref<8192xf32, #tpu.memory_space<vmem_shared>>
    %dma_start3A_154 = tpu.memref_slice %arg12[%add3A_152] : memref<1052672xf32, #tpu.memory_space<vmem_shared>> -> memref<8192xf32, #tpu.memory_space<vmem_shared>>
    tpu.enqueue_dma source(%arg11 : memref<8192xf32, #tpu.memory_space<vmem>>) target(%dma_start3A_154 : memref<8192xf32, #tpu.memory_space<vmem_shared>>) target_semaphore(%arg15 : memref<!tpu.dma_semaphore, #tpu.memory_space<semaphore_mem>>)
    %mul3A_155 = arith.constant 65536 : i32
    %mul3A_156 = arith.muli %arg1, %mul3A_155 : i32
    %add3A_157 = arith.constant 32768 : i32
    %add3A_158 = arith.addi %mul3A_156, %add3A_157 : i32
    %dma_start3A_159 = tpu.memref_slice %arg12[%add3A_158] : memref<1052672xf32, #tpu.memory_space<vmem_shared>> -> memref<8192xf32, #tpu.memory_space<vmem_shared>>
    %dma_start3A_160 = tpu.memref_slice %arg12[%add3A_158] : memref<1052672xf32, #tpu.memory_space<vmem_shared>> -> memref<8192xf32, #tpu.memory_space<vmem_shared>>
    tpu.enqueue_dma source(%arg11 : memref<8192xf32, #tpu.memory_space<vmem>>) target(%dma_start3A_160 : memref<8192xf32, #tpu.memory_space<vmem_shared>>) target_semaphore(%arg15 : memref<!tpu.dma_semaphore, #tpu.memory_space<semaphore_mem>>)
    %mul3A_161 = arith.constant 65536 : i32
    %mul3A_162 = arith.muli %arg1, %mul3A_161 : i32
    %add3A_163 = arith.constant 40960 : i32
    %add3A_164 = arith.addi %mul3A_162, %add3A_163 : i32
    %dma_start3A_165 = tpu.memref_slice %arg12[%add3A_164] : memref<1052672xf32, #tpu.memory_space<vmem_shared>> -> memref<8192xf32, #tpu.memory_space<vmem_shared>>
    %dma_start3A_166 = tpu.memref_slice %arg12[%add3A_164] : memref<1052672xf32, #tpu.memory_space<vmem_shared>> -> memref<8192xf32, #tpu.memory_space<vmem_shared>>
    tpu.enqueue_dma source(%arg11 : memref<8192xf32, #tpu.memory_space<vmem>>) target(%dma_start3A_166 : memref<8192xf32, #tpu.memory_space<vmem_shared>>) target_semaphore(%arg15 : memref<!tpu.dma_semaphore, #tpu.memory_space<semaphore_mem>>)
    %mul3A_167 = arith.constant 65536 : i32
    %mul3A_168 = arith.muli %arg1, %mul3A_167 : i32
    %add3A_169 = arith.constant 49152 : i32
    %add3A_170 = arith.addi %mul3A_168, %add3A_169 : i32
    %dma_start3A_171 = tpu.memref_slice %arg12[%add3A_170] : memref<1052672xf32, #tpu.memory_space<vmem_shared>> -> memref<8192xf32, #tpu.memory_space<vmem_shared>>
    %dma_start3A_172 = tpu.memref_slice %arg12[%add3A_170] : memref<1052672xf32, #tpu.memory_space<vmem_shared>> -> memref<8192xf32, #tpu.memory_space<vmem_shared>>
    tpu.enqueue_dma source(%arg11 : memref<8192xf32, #tpu.memory_space<vmem>>) target(%dma_start3A_172 : memref<8192xf32, #tpu.memory_space<vmem_shared>>) target_semaphore(%arg15 : memref<!tpu.dma_semaphore, #tpu.memory_space<semaphore_mem>>)
    %mul3A_173 = arith.constant 65536 : i32
    %mul3A_174 = arith.muli %arg1, %mul3A_173 : i32
    %add3A_175 = arith.constant 57344 : i32
    %add3A_176 = arith.addi %mul3A_174, %add3A_175 : i32
    %dma_start3A_177 = tpu.memref_slice %arg12[%add3A_176] : memref<1052672xf32, #tpu.memory_space<vmem_shared>> -> memref<8192xf32, #tpu.memory_space<vmem_shared>>
    %dma_start3A_178 = tpu.memref_slice %arg12[%add3A_176] : memref<1052672xf32, #tpu.memory_space<vmem_shared>> -> memref<8192xf32, #tpu.memory_space<vmem_shared>>
    tpu.enqueue_dma source(%arg11 : memref<8192xf32, #tpu.memory_space<vmem>>) target(%dma_start3A_178 : memref<8192xf32, #tpu.memory_space<vmem_shared>>) target_semaphore(%arg15 : memref<!tpu.dma_semaphore, #tpu.memory_space<semaphore_mem>>)
    %dma_wait3A = tpu.memref_slice %arg12[%add3A_134] : memref<1052672xf32, #tpu.memory_space<vmem_shared>> -> memref<8192xf32, #tpu.memory_space<vmem_shared>>
    %dma_wait3A_179 = tpu.memref_slice %arg12[%add3A_134] : memref<1052672xf32, #tpu.memory_space<vmem_shared>> -> memref<8192xf32, #tpu.memory_space<vmem_shared>>
    tpu.wait_dma2 semaphore(%arg15 : memref<!tpu.dma_semaphore, #tpu.memory_space<semaphore_mem>>) src(%arg11 : memref<8192xf32, #tpu.memory_space<vmem>>) dst(%dma_wait3A_179 : memref<8192xf32, #tpu.memory_space<vmem_shared>>)
    %dma_wait3A_180 = tpu.memref_slice %arg12[%add3A_140] : memref<1052672xf32, #tpu.memory_space<vmem_shared>> -> memref<8192xf32, #tpu.memory_space<vmem_shared>>
    %dma_wait3A_181 = tpu.memref_slice %arg12[%add3A_140] : memref<1052672xf32, #tpu.memory_space<vmem_shared>> -> memref<8192xf32, #tpu.memory_space<vmem_shared>>
    tpu.wait_dma2 semaphore(%arg15 : memref<!tpu.dma_semaphore, #tpu.memory_space<semaphore_mem>>) src(%arg11 : memref<8192xf32, #tpu.memory_space<vmem>>) dst(%dma_wait3A_181 : memref<8192xf32, #tpu.memory_space<vmem_shared>>)
    %dma_wait3A_182 = tpu.memref_slice %arg12[%add3A_146] : memref<1052672xf32, #tpu.memory_space<vmem_shared>> -> memref<8192xf32, #tpu.memory_space<vmem_shared>>
    %dma_wait3A_183 = tpu.memref_slice %arg12[%add3A_146] : memref<1052672xf32, #tpu.memory_space<vmem_shared>> -> memref<8192xf32, #tpu.memory_space<vmem_shared>>
    tpu.wait_dma2 semaphore(%arg15 : memref<!tpu.dma_semaphore, #tpu.memory_space<semaphore_mem>>) src(%arg11 : memref<8192xf32, #tpu.memory_space<vmem>>) dst(%dma_wait3A_183 : memref<8192xf32, #tpu.memory_space<vmem_shared>>)
    %dma_wait3A_184 = tpu.memref_slice %arg12[%add3A_152] : memref<1052672xf32, #tpu.memory_space<vmem_shared>> -> memref<8192xf32, #tpu.memory_space<vmem_shared>>
    %dma_wait3A_185 = tpu.memref_slice %arg12[%add3A_152] : memref<1052672xf32, #tpu.memory_space<vmem_shared>> -> memref<8192xf32, #tpu.memory_space<vmem_shared>>
    tpu.wait_dma2 semaphore(%arg15 : memref<!tpu.dma_semaphore, #tpu.memory_space<semaphore_mem>>) src(%arg11 : memref<8192xf32, #tpu.memory_space<vmem>>) dst(%dma_wait3A_185 : memref<8192xf32, #tpu.memory_space<vmem_shared>>)
    %dma_wait3A_186 = tpu.memref_slice %arg12[%add3A_158] : memref<1052672xf32, #tpu.memory_space<vmem_shared>> -> memref<8192xf32, #tpu.memory_space<vmem_shared>>
    %dma_wait3A_187 = tpu.memref_slice %arg12[%add3A_158] : memref<1052672xf32, #tpu.memory_space<vmem_shared>> -> memref<8192xf32, #tpu.memory_space<vmem_shared>>
    tpu.wait_dma2 semaphore(%arg15 : memref<!tpu.dma_semaphore, #tpu.memory_space<semaphore_mem>>) src(%arg11 : memref<8192xf32, #tpu.memory_space<vmem>>) dst(%dma_wait3A_187 : memref<8192xf32, #tpu.memory_space<vmem_shared>>)
    %dma_wait3A_188 = tpu.memref_slice %arg12[%add3A_164] : memref<1052672xf32, #tpu.memory_space<vmem_shared>> -> memref<8192xf32, #tpu.memory_space<vmem_shared>>
    %dma_wait3A_189 = tpu.memref_slice %arg12[%add3A_164] : memref<1052672xf32, #tpu.memory_space<vmem_shared>> -> memref<8192xf32, #tpu.memory_space<vmem_shared>>
    tpu.wait_dma2 semaphore(%arg15 : memref<!tpu.dma_semaphore, #tpu.memory_space<semaphore_mem>>) src(%arg11 : memref<8192xf32, #tpu.memory_space<vmem>>) dst(%dma_wait3A_189 : memref<8192xf32, #tpu.memory_space<vmem_shared>>)
    %dma_wait3A_190 = tpu.memref_slice %arg12[%add3A_170] : memref<1052672xf32, #tpu.memory_space<vmem_shared>> -> memref<8192xf32, #tpu.memory_space<vmem_shared>>
    %dma_wait3A_191 = tpu.memref_slice %arg12[%add3A_170] : memref<1052672xf32, #tpu.memory_space<vmem_shared>> -> memref<8192xf32, #tpu.memory_space<vmem_shared>>
    tpu.wait_dma2 semaphore(%arg15 : memref<!tpu.dma_semaphore, #tpu.memory_space<semaphore_mem>>) src(%arg11 : memref<8192xf32, #tpu.memory_space<vmem>>) dst(%dma_wait3A_191 : memref<8192xf32, #tpu.memory_space<vmem_shared>>)
    %dma_wait3A_192 = tpu.memref_slice %arg12[%add3A_176] : memref<1052672xf32, #tpu.memory_space<vmem_shared>> -> memref<8192xf32, #tpu.memory_space<vmem_shared>>
    %dma_wait3A_193 = tpu.memref_slice %arg12[%add3A_176] : memref<1052672xf32, #tpu.memory_space<vmem_shared>> -> memref<8192xf32, #tpu.memory_space<vmem_shared>>
    tpu.wait_dma2 semaphore(%arg15 : memref<!tpu.dma_semaphore, #tpu.memory_space<semaphore_mem>>) src(%arg11 : memref<8192xf32, #tpu.memory_space<vmem>>) dst(%dma_wait3A_193 : memref<8192xf32, #tpu.memory_space<vmem_shared>>)
    %barrier3A = arith.constant 0 : index
    tpu.barrier barrier_id(%barrier3A)
    %scan3A_194 = arith.constant 0 : i32
    %scan3A_195 = arith.constant 0 : i32
    %scan3A_196 = arith.constant 16 : i32
    %scan3A_197 = arith.addi %scan3A_195, %scan3A_196 : i32
    %scan3A_198 = arith.constant 1 : i32
    scf.for %scan3A_949 = %scan3A_195 to %scan3A_197 step %scan3A_198  : i32 {
      %mul3A_950 = arith.constant 16 : i32
      %mul3A_951 = arith.muli %mul3A_950, %scan3A_949 : i32
      %add3A_952 = arith.addi %arg1, %mul3A_951 : i32
      %and3A = arith.constant 1 : i32
      %and3A_953 = arith.andi %scan3A_949, %and3A : i32
      %lt3A = arith.constant 250 : i32
      %lt3A_954 = arith.cmpi slt, %add3A_952, %lt3A : i32
      %convert_element_type3A = arith.extui %lt3A_954 : i1 to i32
      %cond3A = arith.constant 0 : i32
      %cond3A_955 = arith.cmpi ne, %convert_element_type3A, %cond3A : i32
      scf.if %cond3A_955 {
        %ge3A = arith.constant 2 : i32
        %ge3A_956 = arith.cmpi sge, %scan3A_949, %ge3A : i32
        %convert_element_type3A_957 = arith.extui %ge3A_956 : i1 to i32
        %cond3A_958 = arith.constant 0 : i32
        %cond3A_959 = arith.cmpi ne, %convert_element_type3A_957, %cond3A_958 : i32
        scf.if %cond3A_959 {
          %dma_wait3A_1321 = arith.constant 0 : i32
          %dma_wait3A_1322 = arith.constant 0 : i32
          %dma_wait3A_1323 = arith.constant 0 : i32
          %dma_wait3A_1324 = tpu.memref_slice %arg9[%and3A_953, %dma_wait3A_1322, %dma_wait3A_1323] : memref<2x32x128xi32, #tpu.memory_space<vmem>> -> memref<1x32x128xi32, #tpu.memory_space<vmem>>
          %dma_wait3A_1325 = tpu.memref_squeeze %dma_wait3A_1324 : memref<1x32x128xi32, #tpu.memory_space<vmem>> -> memref<32x128xi32, #tpu.memory_space<vmem>>
          %dma_wait3A_1326 = arith.constant 0 : i32
          %dma_wait3A_1327 = tpu.memref_slice %dma_wait3A_1325[%dma_wait3A_1321, %dma_wait3A_1326] : memref<32x128xi32, #tpu.memory_space<vmem>> -> memref<1x128xi32, #tpu.memory_space<vmem>>
          %dma_wait3A_1328 = tpu.memref_squeeze %dma_wait3A_1327 : memref<1x128xi32, #tpu.memory_space<vmem>> -> memref<128xi32, #tpu.memory_space<vmem>>
          %dma_wait3A_1329 = arith.constant 0 : i32
          %dma_wait3A_1330 = tpu.memref_slice %arg12[%dma_wait3A_1329] : memref<1052672xf32, #tpu.memory_space<vmem_shared>> -> memref<1052672xf32, #tpu.memory_space<vmem_shared>>
          tpu.wait_indirect_dma semaphore(%arg14 : memref<!tpu.dma_semaphore, #tpu.memory_space<semaphore_mem>>) src(%arg10 : memref<128xf32, #tpu.memory_space<vmem>>) dst(%dma_wait3A_1330 : memref<1052672xf32, #tpu.memory_space<vmem_shared>>)
          %dma_wait3A_1331 = arith.constant 1 : i32
          %dma_wait3A_1332 = arith.constant 0 : i32
          %dma_wait3A_1333 = arith.constant 0 : i32
          %dma_wait3A_1334 = tpu.memref_slice %arg9[%and3A_953, %dma_wait3A_1332, %dma_wait3A_1333] : memref<2x32x128xi32, #tpu.memory_space<vmem>> -> memref<1x32x128xi32, #tpu.memory_space<vmem>>
          %dma_wait3A_1335 = tpu.memref_squeeze %dma_wait3A_1334 : memref<1x32x128xi32, #tpu.memory_space<vmem>> -> memref<32x128xi32, #tpu.memory_space<vmem>>
          %dma_wait3A_1336 = arith.constant 0 : i32
          %dma_wait3A_1337 = tpu.memref_slice %dma_wait3A_1335[%dma_wait3A_1331, %dma_wait3A_1336] : memref<32x128xi32, #tpu.memory_space<vmem>> -> memref<1x128xi32, #tpu.memory_space<vmem>>
          %dma_wait3A_1338 = tpu.memref_squeeze %dma_wait3A_1337 : memref<1x128xi32, #tpu.memory_space<vmem>> -> memref<128xi32, #tpu.memory_space<vmem>>
          %dma_wait3A_1339 = arith.constant 0 : i32
          %dma_wait3A_1340 = tpu.memref_slice %arg12[%dma_wait3A_1339] : memref<1052672xf32, #tpu.memory_space<vmem_shared>> -> memref<1052672xf32, #tpu.memory_space<vmem_shared>>
          tpu.wait_indirect_dma semaphore(%arg14 : memref<!tpu.dma_semaphore, #tpu.memory_space<semaphore_mem>>) src(%arg10 : memref<128xf32, #tpu.memory_space<vmem>>) dst(%dma_wait3A_1340 : memref<1052672xf32, #tpu.memory_space<vmem_shared>>)
          %dma_wait3A_1341 = arith.constant 2 : i32
          %dma_wait3A_1342 = arith.constant 0 : i32
          %dma_wait3A_1343 = arith.constant 0 : i32
          %dma_wait3A_1344 = tpu.memref_slice %arg9[%and3A_953, %dma_wait3A_1342, %dma_wait3A_1343] : memref<2x32x128xi32, #tpu.memory_space<vmem>> -> memref<1x32x128xi32, #tpu.memory_space<vmem>>
          %dma_wait3A_1345 = tpu.memref_squeeze %dma_wait3A_1344 : memref<1x32x128xi32, #tpu.memory_space<vmem>> -> memref<32x128xi32, #tpu.memory_space<vmem>>
          %dma_wait3A_1346 = arith.constant 0 : i32
          %dma_wait3A_1347 = tpu.memref_slice %dma_wait3A_1345[%dma_wait3A_1341, %dma_wait3A_1346] : memref<32x128xi32, #tpu.memory_space<vmem>> -> memref<1x128xi32, #tpu.memory_space<vmem>>
          %dma_wait3A_1348 = tpu.memref_squeeze %dma_wait3A_1347 : memref<1x128xi32, #tpu.memory_space<vmem>> -> memref<128xi32, #tpu.memory_space<vmem>>
          %dma_wait3A_1349 = arith.constant 0 : i32
          %dma_wait3A_1350 = tpu.memref_slice %arg12[%dma_wait3A_1349] : memref<1052672xf32, #tpu.memory_space<vmem_shared>> -> memref<1052672xf32, #tpu.memory_space<vmem_shared>>
          tpu.wait_indirect_dma semaphore(%arg14 : memref<!tpu.dma_semaphore, #tpu.memory_space<semaphore_mem>>) src(%arg10 : memref<128xf32, #tpu.memory_space<vmem>>) dst(%dma_wait3A_1350 : memref<1052672xf32, #tpu.memory_space<vmem_shared>>)
          %dma_wait3A_1351 = arith.constant 3 : i32
          %dma_wait3A_1352 = arith.constant 0 : i32
          %dma_wait3A_1353 = arith.constant 0 : i32
          %dma_wait3A_1354 = tpu.memref_slice %arg9[%and3A_953, %dma_wait3A_1352, %dma_wait3A_1353] : memref<2x32x128xi32, #tpu.memory_space<vmem>> -> memref<1x32x128xi32, #tpu.memory_space<vmem>>
          %dma_wait3A_1355 = tpu.memref_squeeze %dma_wait3A_1354 : memref<1x32x128xi32, #tpu.memory_space<vmem>> -> memref<32x128xi32, #tpu.memory_space<vmem>>
          %dma_wait3A_1356 = arith.constant 0 : i32
          %dma_wait3A_1357 = tpu.memref_slice %dma_wait3A_1355[%dma_wait3A_1351, %dma_wait3A_1356] : memref<32x128xi32, #tpu.memory_space<vmem>> -> memref<1x128xi32, #tpu.memory_space<vmem>>
          %dma_wait3A_1358 = tpu.memref_squeeze %dma_wait3A_1357 : memref<1x128xi32, #tpu.memory_space<vmem>> -> memref<128xi32, #tpu.memory_space<vmem>>
          %dma_wait3A_1359 = arith.constant 0 : i32
          %dma_wait3A_1360 = tpu.memref_slice %arg12[%dma_wait3A_1359] : memref<1052672xf32, #tpu.memory_space<vmem_shared>> -> memref<1052672xf32, #tpu.memory_space<vmem_shared>>
          tpu.wait_indirect_dma semaphore(%arg14 : memref<!tpu.dma_semaphore, #tpu.memory_space<semaphore_mem>>) src(%arg10 : memref<128xf32, #tpu.memory_space<vmem>>) dst(%dma_wait3A_1360 : memref<1052672xf32, #tpu.memory_space<vmem_shared>>)
          %dma_wait3A_1361 = arith.constant 4 : i32
          %dma_wait3A_1362 = arith.constant 0 : i32
          %dma_wait3A_1363 = arith.constant 0 : i32
          %dma_wait3A_1364 = tpu.memref_slice %arg9[%and3A_953, %dma_wait3A_1362, %dma_wait3A_1363] : memref<2x32x128xi32, #tpu.memory_space<vmem>> -> memref<1x32x128xi32, #tpu.memory_space<vmem>>
          %dma_wait3A_1365 = tpu.memref_squeeze %dma_wait3A_1364 : memref<1x32x128xi32, #tpu.memory_space<vmem>> -> memref<32x128xi32, #tpu.memory_space<vmem>>
          %dma_wait3A_1366 = arith.constant 0 : i32
          %dma_wait3A_1367 = tpu.memref_slice %dma_wait3A_1365[%dma_wait3A_1361, %dma_wait3A_1366] : memref<32x128xi32, #tpu.memory_space<vmem>> -> memref<1x128xi32, #tpu.memory_space<vmem>>
          %dma_wait3A_1368 = tpu.memref_squeeze %dma_wait3A_1367 : memref<1x128xi32, #tpu.memory_space<vmem>> -> memref<128xi32, #tpu.memory_space<vmem>>
          %dma_wait3A_1369 = arith.constant 0 : i32
          %dma_wait3A_1370 = tpu.memref_slice %arg12[%dma_wait3A_1369] : memref<1052672xf32, #tpu.memory_space<vmem_shared>> -> memref<1052672xf32, #tpu.memory_space<vmem_shared>>
          tpu.wait_indirect_dma semaphore(%arg14 : memref<!tpu.dma_semaphore, #tpu.memory_space<semaphore_mem>>) src(%arg10 : memref<128xf32, #tpu.memory_space<vmem>>) dst(%dma_wait3A_1370 : memref<1052672xf32, #tpu.memory_space<vmem_shared>>)
          %dma_wait3A_1371 = arith.constant 5 : i32
          %dma_wait3A_1372 = arith.constant 0 : i32
          %dma_wait3A_1373 = arith.constant 0 : i32
          %dma_wait3A_1374 = tpu.memref_slice %arg9[%and3A_953, %dma_wait3A_1372, %dma_wait3A_1373] : memref<2x32x128xi32, #tpu.memory_space<vmem>> -> memref<1x32x128xi32, #tpu.memory_space<vmem>>
          %dma_wait3A_1375 = tpu.memref_squeeze %dma_wait3A_1374 : memref<1x32x128xi32, #tpu.memory_space<vmem>> -> memref<32x128xi32, #tpu.memory_space<vmem>>
          %dma_wait3A_1376 = arith.constant 0 : i32
          %dma_wait3A_1377 = tpu.memref_slice %dma_wait3A_1375[%dma_wait3A_1371, %dma_wait3A_1376] : memref<32x128xi32, #tpu.memory_space<vmem>> -> memref<1x128xi32, #tpu.memory_space<vmem>>
          %dma_wait3A_1378 = tpu.memref_squeeze %dma_wait3A_1377 : memref<1x128xi32, #tpu.memory_space<vmem>> -> memref<128xi32, #tpu.memory_space<vmem>>
          %dma_wait3A_1379 = arith.constant 0 : i32
          %dma_wait3A_1380 = tpu.memref_slice %arg12[%dma_wait3A_1379] : memref<1052672xf32, #tpu.memory_space<vmem_shared>> -> memref<1052672xf32, #tpu.memory_space<vmem_shared>>
          tpu.wait_indirect_dma semaphore(%arg14 : memref<!tpu.dma_semaphore, #tpu.memory_space<semaphore_mem>>) src(%arg10 : memref<128xf32, #tpu.memory_space<vmem>>) dst(%dma_wait3A_1380 : memref<1052672xf32, #tpu.memory_space<vmem_shared>>)
          %dma_wait3A_1381 = arith.constant 6 : i32
          %dma_wait3A_1382 = arith.constant 0 : i32
          %dma_wait3A_1383 = arith.constant 0 : i32
          %dma_wait3A_1384 = tpu.memref_slice %arg9[%and3A_953, %dma_wait3A_1382, %dma_wait3A_1383] : memref<2x32x128xi32, #tpu.memory_space<vmem>> -> memref<1x32x128xi32, #tpu.memory_space<vmem>>
          %dma_wait3A_1385 = tpu.memref_squeeze %dma_wait3A_1384 : memref<1x32x128xi32, #tpu.memory_space<vmem>> -> memref<32x128xi32, #tpu.memory_space<vmem>>
          %dma_wait3A_1386 = arith.constant 0 : i32
          %dma_wait3A_1387 = tpu.memref_slice %dma_wait3A_1385[%dma_wait3A_1381, %dma_wait3A_1386] : memref<32x128xi32, #tpu.memory_space<vmem>> -> memref<1x128xi32, #tpu.memory_space<vmem>>
          %dma_wait3A_1388 = tpu.memref_squeeze %dma_wait3A_1387 : memref<1x128xi32, #tpu.memory_space<vmem>> -> memref<128xi32, #tpu.memory_space<vmem>>
          %dma_wait3A_1389 = arith.constant 0 : i32
          %dma_wait3A_1390 = tpu.memref_slice %arg12[%dma_wait3A_1389] : memref<1052672xf32, #tpu.memory_space<vmem_shared>> -> memref<1052672xf32, #tpu.memory_space<vmem_shared>>
          tpu.wait_indirect_dma semaphore(%arg14 : memref<!tpu.dma_semaphore, #tpu.memory_space<semaphore_mem>>) src(%arg10 : memref<128xf32, #tpu.memory_space<vmem>>) dst(%dma_wait3A_1390 : memref<1052672xf32, #tpu.memory_space<vmem_shared>>)
          %dma_wait3A_1391 = arith.constant 7 : i32
          %dma_wait3A_1392 = arith.constant 0 : i32
          %dma_wait3A_1393 = arith.constant 0 : i32
          %dma_wait3A_1394 = tpu.memref_slice %arg9[%and3A_953, %dma_wait3A_1392, %dma_wait3A_1393] : memref<2x32x128xi32, #tpu.memory_space<vmem>> -> memref<1x32x128xi32, #tpu.memory_space<vmem>>
          %dma_wait3A_1395 = tpu.memref_squeeze %dma_wait3A_1394 : memref<1x32x128xi32, #tpu.memory_space<vmem>> -> memref<32x128xi32, #tpu.memory_space<vmem>>
          %dma_wait3A_1396 = arith.constant 0 : i32
          %dma_wait3A_1397 = tpu.memref_slice %dma_wait3A_1395[%dma_wait3A_1391, %dma_wait3A_1396] : memref<32x128xi32, #tpu.memory_space<vmem>> -> memref<1x128xi32, #tpu.memory_space<vmem>>
          %dma_wait3A_1398 = tpu.memref_squeeze %dma_wait3A_1397 : memref<1x128xi32, #tpu.memory_space<vmem>> -> memref<128xi32, #tpu.memory_space<vmem>>
          %dma_wait3A_1399 = arith.constant 0 : i32
          %dma_wait3A_1400 = tpu.memref_slice %arg12[%dma_wait3A_1399] : memref<1052672xf32, #tpu.memory_space<vmem_shared>> -> memref<1052672xf32, #tpu.memory_space<vmem_shared>>
          tpu.wait_indirect_dma semaphore(%arg14 : memref<!tpu.dma_semaphore, #tpu.memory_space<semaphore_mem>>) src(%arg10 : memref<128xf32, #tpu.memory_space<vmem>>) dst(%dma_wait3A_1400 : memref<1052672xf32, #tpu.memory_space<vmem_shared>>)
          %dma_wait3A_1401 = arith.constant 8 : i32
          %dma_wait3A_1402 = arith.constant 0 : i32
          %dma_wait3A_1403 = arith.constant 0 : i32
          %dma_wait3A_1404 = tpu.memref_slice %arg9[%and3A_953, %dma_wait3A_1402, %dma_wait3A_1403] : memref<2x32x128xi32, #tpu.memory_space<vmem>> -> memref<1x32x128xi32, #tpu.memory_space<vmem>>
          %dma_wait3A_1405 = tpu.memref_squeeze %dma_wait3A_1404 : memref<1x32x128xi32, #tpu.memory_space<vmem>> -> memref<32x128xi32, #tpu.memory_space<vmem>>
          %dma_wait3A_1406 = arith.constant 0 : i32
          %dma_wait3A_1407 = tpu.memref_slice %dma_wait3A_1405[%dma_wait3A_1401, %dma_wait3A_1406] : memref<32x128xi32, #tpu.memory_space<vmem>> -> memref<1x128xi32, #tpu.memory_space<vmem>>
          %dma_wait3A_1408 = tpu.memref_squeeze %dma_wait3A_1407 : memref<1x128xi32, #tpu.memory_space<vmem>> -> memref<128xi32, #tpu.memory_space<vmem>>
          %dma_wait3A_1409 = arith.constant 0 : i32
          %dma_wait3A_1410 = tpu.memref_slice %arg12[%dma_wait3A_1409] : memref<1052672xf32, #tpu.memory_space<vmem_shared>> -> memref<1052672xf32, #tpu.memory_space<vmem_shared>>
          tpu.wait_indirect_dma semaphore(%arg14 : memref<!tpu.dma_semaphore, #tpu.memory_space<semaphore_mem>>) src(%arg10 : memref<128xf32, #tpu.memory_space<vmem>>) dst(%dma_wait3A_1410 : memref<1052672xf32, #tpu.memory_space<vmem_shared>>)
          %dma_wait3A_1411 = arith.constant 9 : i32
          %dma_wait3A_1412 = arith.constant 0 : i32
          %dma_wait3A_1413 = arith.constant 0 : i32
          %dma_wait3A_1414 = tpu.memref_slice %arg9[%and3A_953, %dma_wait3A_1412, %dma_wait3A_1413] : memref<2x32x128xi32, #tpu.memory_space<vmem>> -> memref<1x32x128xi32, #tpu.memory_space<vmem>>
          %dma_wait3A_1415 = tpu.memref_squeeze %dma_wait3A_1414 : memref<1x32x128xi32, #tpu.memory_space<vmem>> -> memref<32x128xi32, #tpu.memory_space<vmem>>
          %dma_wait3A_1416 = arith.constant 0 : i32
          %dma_wait3A_1417 = tpu.memref_slice %dma_wait3A_1415[%dma_wait3A_1411, %dma_wait3A_1416] : memref<32x128xi32, #tpu.memory_space<vmem>> -> memref<1x128xi32, #tpu.memory_space<vmem>>
          %dma_wait3A_1418 = tpu.memref_squeeze %dma_wait3A_1417 : memref<1x128xi32, #tpu.memory_space<vmem>> -> memref<128xi32, #tpu.memory_space<vmem>>
          %dma_wait3A_1419 = arith.constant 0 : i32
          %dma_wait3A_1420 = tpu.memref_slice %arg12[%dma_wait3A_1419] : memref<1052672xf32, #tpu.memory_space<vmem_shared>> -> memref<1052672xf32, #tpu.memory_space<vmem_shared>>
          tpu.wait_indirect_dma semaphore(%arg14 : memref<!tpu.dma_semaphore, #tpu.memory_space<semaphore_mem>>) src(%arg10 : memref<128xf32, #tpu.memory_space<vmem>>) dst(%dma_wait3A_1420 : memref<1052672xf32, #tpu.memory_space<vmem_shared>>)
          %dma_wait3A_1421 = arith.constant 10 : i32
          %dma_wait3A_1422 = arith.constant 0 : i32
          %dma_wait3A_1423 = arith.constant 0 : i32
          %dma_wait3A_1424 = tpu.memref_slice %arg9[%and3A_953, %dma_wait3A_1422, %dma_wait3A_1423] : memref<2x32x128xi32, #tpu.memory_space<vmem>> -> memref<1x32x128xi32, #tpu.memory_space<vmem>>
          %dma_wait3A_1425 = tpu.memref_squeeze %dma_wait3A_1424 : memref<1x32x128xi32, #tpu.memory_space<vmem>> -> memref<32x128xi32, #tpu.memory_space<vmem>>
          %dma_wait3A_1426 = arith.constant 0 : i32
          %dma_wait3A_1427 = tpu.memref_slice %dma_wait3A_1425[%dma_wait3A_1421, %dma_wait3A_1426] : memref<32x128xi32, #tpu.memory_space<vmem>> -> memref<1x128xi32, #tpu.memory_space<vmem>>
          %dma_wait3A_1428 = tpu.memref_squeeze %dma_wait3A_1427 : memref<1x128xi32, #tpu.memory_space<vmem>> -> memref<128xi32, #tpu.memory_space<vmem>>
          %dma_wait3A_1429 = arith.constant 0 : i32
          %dma_wait3A_1430 = tpu.memref_slice %arg12[%dma_wait3A_1429] : memref<1052672xf32, #tpu.memory_space<vmem_shared>> -> memref<1052672xf32, #tpu.memory_space<vmem_shared>>
          tpu.wait_indirect_dma semaphore(%arg14 : memref<!tpu.dma_semaphore, #tpu.memory_space<semaphore_mem>>) src(%arg10 : memref<128xf32, #tpu.memory_space<vmem>>) dst(%dma_wait3A_1430 : memref<1052672xf32, #tpu.memory_space<vmem_shared>>)
          %dma_wait3A_1431 = arith.constant 11 : i32
          %dma_wait3A_1432 = arith.constant 0 : i32
          %dma_wait3A_1433 = arith.constant 0 : i32
          %dma_wait3A_1434 = tpu.memref_slice %arg9[%and3A_953, %dma_wait3A_1432, %dma_wait3A_1433] : memref<2x32x128xi32, #tpu.memory_space<vmem>> -> memref<1x32x128xi32, #tpu.memory_space<vmem>>
          %dma_wait3A_1435 = tpu.memref_squeeze %dma_wait3A_1434 : memref<1x32x128xi32, #tpu.memory_space<vmem>> -> memref<32x128xi32, #tpu.memory_space<vmem>>
          %dma_wait3A_1436 = arith.constant 0 : i32
          %dma_wait3A_1437 = tpu.memref_slice %dma_wait3A_1435[%dma_wait3A_1431, %dma_wait3A_1436] : memref<32x128xi32, #tpu.memory_space<vmem>> -> memref<1x128xi32, #tpu.memory_space<vmem>>
          %dma_wait3A_1438 = tpu.memref_squeeze %dma_wait3A_1437 : memref<1x128xi32, #tpu.memory_space<vmem>> -> memref<128xi32, #tpu.memory_space<vmem>>
          %dma_wait3A_1439 = arith.constant 0 : i32
          %dma_wait3A_1440 = tpu.memref_slice %arg12[%dma_wait3A_1439] : memref<1052672xf32, #tpu.memory_space<vmem_shared>> -> memref<1052672xf32, #tpu.memory_space<vmem_shared>>
          tpu.wait_indirect_dma semaphore(%arg14 : memref<!tpu.dma_semaphore, #tpu.memory_space<semaphore_mem>>) src(%arg10 : memref<128xf32, #tpu.memory_space<vmem>>) dst(%dma_wait3A_1440 : memref<1052672xf32, #tpu.memory_space<vmem_shared>>)
          %dma_wait3A_1441 = arith.constant 12 : i32
          %dma_wait3A_1442 = arith.constant 0 : i32
          %dma_wait3A_1443 = arith.constant 0 : i32
          %dma_wait3A_1444 = tpu.memref_slice %arg9[%and3A_953, %dma_wait3A_1442, %dma_wait3A_1443] : memref<2x32x128xi32, #tpu.memory_space<vmem>> -> memref<1x32x128xi32, #tpu.memory_space<vmem>>
          %dma_wait3A_1445 = tpu.memref_squeeze %dma_wait3A_1444 : memref<1x32x128xi32, #tpu.memory_space<vmem>> -> memref<32x128xi32, #tpu.memory_space<vmem>>
          %dma_wait3A_1446 = arith.constant 0 : i32
          %dma_wait3A_1447 = tpu.memref_slice %dma_wait3A_1445[%dma_wait3A_1441, %dma_wait3A_1446] : memref<32x128xi32, #tpu.memory_space<vmem>> -> memref<1x128xi32, #tpu.memory_space<vmem>>
          %dma_wait3A_1448 = tpu.memref_squeeze %dma_wait3A_1447 : memref<1x128xi32, #tpu.memory_space<vmem>> -> memref<128xi32, #tpu.memory_space<vmem>>
          %dma_wait3A_1449 = arith.constant 0 : i32
          %dma_wait3A_1450 = tpu.memref_slice %arg12[%dma_wait3A_1449] : memref<1052672xf32, #tpu.memory_space<vmem_shared>> -> memref<1052672xf32, #tpu.memory_space<vmem_shared>>
          tpu.wait_indirect_dma semaphore(%arg14 : memref<!tpu.dma_semaphore, #tpu.memory_space<semaphore_mem>>) src(%arg10 : memref<128xf32, #tpu.memory_space<vmem>>) dst(%dma_wait3A_1450 : memref<1052672xf32, #tpu.memory_space<vmem_shared>>)
          %dma_wait3A_1451 = arith.constant 13 : i32
          %dma_wait3A_1452 = arith.constant 0 : i32
          %dma_wait3A_1453 = arith.constant 0 : i32
          %dma_wait3A_1454 = tpu.memref_slice %arg9[%and3A_953, %dma_wait3A_1452, %dma_wait3A_1453] : memref<2x32x128xi32, #tpu.memory_space<vmem>> -> memref<1x32x128xi32, #tpu.memory_space<vmem>>
          %dma_wait3A_1455 = tpu.memref_squeeze %dma_wait3A_1454 : memref<1x32x128xi32, #tpu.memory_space<vmem>> -> memref<32x128xi32, #tpu.memory_space<vmem>>
          %dma_wait3A_1456 = arith.constant 0 : i32
          %dma_wait3A_1457 = tpu.memref_slice %dma_wait3A_1455[%dma_wait3A_1451, %dma_wait3A_1456] : memref<32x128xi32, #tpu.memory_space<vmem>> -> memref<1x128xi32, #tpu.memory_space<vmem>>
          %dma_wait3A_1458 = tpu.memref_squeeze %dma_wait3A_1457 : memref<1x128xi32, #tpu.memory_space<vmem>> -> memref<128xi32, #tpu.memory_space<vmem>>
          %dma_wait3A_1459 = arith.constant 0 : i32
          %dma_wait3A_1460 = tpu.memref_slice %arg12[%dma_wait3A_1459] : memref<1052672xf32, #tpu.memory_space<vmem_shared>> -> memref<1052672xf32, #tpu.memory_space<vmem_shared>>
          tpu.wait_indirect_dma semaphore(%arg14 : memref<!tpu.dma_semaphore, #tpu.memory_space<semaphore_mem>>) src(%arg10 : memref<128xf32, #tpu.memory_space<vmem>>) dst(%dma_wait3A_1460 : memref<1052672xf32, #tpu.memory_space<vmem_shared>>)
          %dma_wait3A_1461 = arith.constant 14 : i32
          %dma_wait3A_1462 = arith.constant 0 : i32
          %dma_wait3A_1463 = arith.constant 0 : i32
          %dma_wait3A_1464 = tpu.memref_slice %arg9[%and3A_953, %dma_wait3A_1462, %dma_wait3A_1463] : memref<2x32x128xi32, #tpu.memory_space<vmem>> -> memref<1x32x128xi32, #tpu.memory_space<vmem>>
          %dma_wait3A_1465 = tpu.memref_squeeze %dma_wait3A_1464 : memref<1x32x128xi32, #tpu.memory_space<vmem>> -> memref<32x128xi32, #tpu.memory_space<vmem>>
          %dma_wait3A_1466 = arith.constant 0 : i32
          %dma_wait3A_1467 = tpu.memref_slice %dma_wait3A_1465[%dma_wait3A_1461, %dma_wait3A_1466] : memref<32x128xi32, #tpu.memory_space<vmem>> -> memref<1x128xi32, #tpu.memory_space<vmem>>
          %dma_wait3A_1468 = tpu.memref_squeeze %dma_wait3A_1467 : memref<1x128xi32, #tpu.memory_space<vmem>> -> memref<128xi32, #tpu.memory_space<vmem>>
          %dma_wait3A_1469 = arith.constant 0 : i32
          %dma_wait3A_1470 = tpu.memref_slice %arg12[%dma_wait3A_1469] : memref<1052672xf32, #tpu.memory_space<vmem_shared>> -> memref<1052672xf32, #tpu.memory_space<vmem_shared>>
          tpu.wait_indirect_dma semaphore(%arg14 : memref<!tpu.dma_semaphore, #tpu.memory_space<semaphore_mem>>) src(%arg10 : memref<128xf32, #tpu.memory_space<vmem>>) dst(%dma_wait3A_1470 : memref<1052672xf32, #tpu.memory_space<vmem_shared>>)
          %dma_wait3A_1471 = arith.constant 15 : i32
          %dma_wait3A_1472 = arith.constant 0 : i32
          %dma_wait3A_1473 = arith.constant 0 : i32
          %dma_wait3A_1474 = tpu.memref_slice %arg9[%and3A_953, %dma_wait3A_1472, %dma_wait3A_1473] : memref<2x32x128xi32, #tpu.memory_space<vmem>> -> memref<1x32x128xi32, #tpu.memory_space<vmem>>
          %dma_wait3A_1475 = tpu.memref_squeeze %dma_wait3A_1474 : memref<1x32x128xi32, #tpu.memory_space<vmem>> -> memref<32x128xi32, #tpu.memory_space<vmem>>
          %dma_wait3A_1476 = arith.constant 0 : i32
          %dma_wait3A_1477 = tpu.memref_slice %dma_wait3A_1475[%dma_wait3A_1471, %dma_wait3A_1476] : memref<32x128xi32, #tpu.memory_space<vmem>> -> memref<1x128xi32, #tpu.memory_space<vmem>>
          %dma_wait3A_1478 = tpu.memref_squeeze %dma_wait3A_1477 : memref<1x128xi32, #tpu.memory_space<vmem>> -> memref<128xi32, #tpu.memory_space<vmem>>
          %dma_wait3A_1479 = arith.constant 0 : i32
          %dma_wait3A_1480 = tpu.memref_slice %arg12[%dma_wait3A_1479] : memref<1052672xf32, #tpu.memory_space<vmem_shared>> -> memref<1052672xf32, #tpu.memory_space<vmem_shared>>
          tpu.wait_indirect_dma semaphore(%arg14 : memref<!tpu.dma_semaphore, #tpu.memory_space<semaphore_mem>>) src(%arg10 : memref<128xf32, #tpu.memory_space<vmem>>) dst(%dma_wait3A_1480 : memref<1052672xf32, #tpu.memory_space<vmem_shared>>)
          %dma_wait3A_1481 = arith.constant 16 : i32
          %dma_wait3A_1482 = arith.constant 0 : i32
          %dma_wait3A_1483 = arith.constant 0 : i32
          %dma_wait3A_1484 = tpu.memref_slice %arg9[%and3A_953, %dma_wait3A_1482, %dma_wait3A_1483] : memref<2x32x128xi32, #tpu.memory_space<vmem>> -> memref<1x32x128xi32, #tpu.memory_space<vmem>>
          %dma_wait3A_1485 = tpu.memref_squeeze %dma_wait3A_1484 : memref<1x32x128xi32, #tpu.memory_space<vmem>> -> memref<32x128xi32, #tpu.memory_space<vmem>>
          %dma_wait3A_1486 = arith.constant 0 : i32
          %dma_wait3A_1487 = tpu.memref_slice %dma_wait3A_1485[%dma_wait3A_1481, %dma_wait3A_1486] : memref<32x128xi32, #tpu.memory_space<vmem>> -> memref<1x128xi32, #tpu.memory_space<vmem>>
          %dma_wait3A_1488 = tpu.memref_squeeze %dma_wait3A_1487 : memref<1x128xi32, #tpu.memory_space<vmem>> -> memref<128xi32, #tpu.memory_space<vmem>>
          %dma_wait3A_1489 = arith.constant 0 : i32
          %dma_wait3A_1490 = tpu.memref_slice %arg12[%dma_wait3A_1489] : memref<1052672xf32, #tpu.memory_space<vmem_shared>> -> memref<1052672xf32, #tpu.memory_space<vmem_shared>>
          tpu.wait_indirect_dma semaphore(%arg14 : memref<!tpu.dma_semaphore, #tpu.memory_space<semaphore_mem>>) src(%arg10 : memref<128xf32, #tpu.memory_space<vmem>>) dst(%dma_wait3A_1490 : memref<1052672xf32, #tpu.memory_space<vmem_shared>>)
          %dma_wait3A_1491 = arith.constant 17 : i32
          %dma_wait3A_1492 = arith.constant 0 : i32
          %dma_wait3A_1493 = arith.constant 0 : i32
          %dma_wait3A_1494 = tpu.memref_slice %arg9[%and3A_953, %dma_wait3A_1492, %dma_wait3A_1493] : memref<2x32x128xi32, #tpu.memory_space<vmem>> -> memref<1x32x128xi32, #tpu.memory_space<vmem>>
          %dma_wait3A_1495 = tpu.memref_squeeze %dma_wait3A_1494 : memref<1x32x128xi32, #tpu.memory_space<vmem>> -> memref<32x128xi32, #tpu.memory_space<vmem>>
          %dma_wait3A_1496 = arith.constant 0 : i32
          %dma_wait3A_1497 = tpu.memref_slice %dma_wait3A_1495[%dma_wait3A_1491, %dma_wait3A_1496] : memref<32x128xi32, #tpu.memory_space<vmem>> -> memref<1x128xi32, #tpu.memory_space<vmem>>
          %dma_wait3A_1498 = tpu.memref_squeeze %dma_wait3A_1497 : memref<1x128xi32, #tpu.memory_space<vmem>> -> memref<128xi32, #tpu.memory_space<vmem>>
          %dma_wait3A_1499 = arith.constant 0 : i32
          %dma_wait3A_1500 = tpu.memref_slice %arg12[%dma_wait3A_1499] : memref<1052672xf32, #tpu.memory_space<vmem_shared>> -> memref<1052672xf32, #tpu.memory_space<vmem_shared>>
          tpu.wait_indirect_dma semaphore(%arg14 : memref<!tpu.dma_semaphore, #tpu.memory_space<semaphore_mem>>) src(%arg10 : memref<128xf32, #tpu.memory_space<vmem>>) dst(%dma_wait3A_1500 : memref<1052672xf32, #tpu.memory_space<vmem_shared>>)
          %dma_wait3A_1501 = arith.constant 18 : i32
          %dma_wait3A_1502 = arith.constant 0 : i32
          %dma_wait3A_1503 = arith.constant 0 : i32
          %dma_wait3A_1504 = tpu.memref_slice %arg9[%and3A_953, %dma_wait3A_1502, %dma_wait3A_1503] : memref<2x32x128xi32, #tpu.memory_space<vmem>> -> memref<1x32x128xi32, #tpu.memory_space<vmem>>
          %dma_wait3A_1505 = tpu.memref_squeeze %dma_wait3A_1504 : memref<1x32x128xi32, #tpu.memory_space<vmem>> -> memref<32x128xi32, #tpu.memory_space<vmem>>
          %dma_wait3A_1506 = arith.constant 0 : i32
          %dma_wait3A_1507 = tpu.memref_slice %dma_wait3A_1505[%dma_wait3A_1501, %dma_wait3A_1506] : memref<32x128xi32, #tpu.memory_space<vmem>> -> memref<1x128xi32, #tpu.memory_space<vmem>>
          %dma_wait3A_1508 = tpu.memref_squeeze %dma_wait3A_1507 : memref<1x128xi32, #tpu.memory_space<vmem>> -> memref<128xi32, #tpu.memory_space<vmem>>
          %dma_wait3A_1509 = arith.constant 0 : i32
          %dma_wait3A_1510 = tpu.memref_slice %arg12[%dma_wait3A_1509] : memref<1052672xf32, #tpu.memory_space<vmem_shared>> -> memref<1052672xf32, #tpu.memory_space<vmem_shared>>
          tpu.wait_indirect_dma semaphore(%arg14 : memref<!tpu.dma_semaphore, #tpu.memory_space<semaphore_mem>>) src(%arg10 : memref<128xf32, #tpu.memory_space<vmem>>) dst(%dma_wait3A_1510 : memref<1052672xf32, #tpu.memory_space<vmem_shared>>)
          %dma_wait3A_1511 = arith.constant 19 : i32
          %dma_wait3A_1512 = arith.constant 0 : i32
          %dma_wait3A_1513 = arith.constant 0 : i32
          %dma_wait3A_1514 = tpu.memref_slice %arg9[%and3A_953, %dma_wait3A_1512, %dma_wait3A_1513] : memref<2x32x128xi32, #tpu.memory_space<vmem>> -> memref<1x32x128xi32, #tpu.memory_space<vmem>>
          %dma_wait3A_1515 = tpu.memref_squeeze %dma_wait3A_1514 : memref<1x32x128xi32, #tpu.memory_space<vmem>> -> memref<32x128xi32, #tpu.memory_space<vmem>>
          %dma_wait3A_1516 = arith.constant 0 : i32
          %dma_wait3A_1517 = tpu.memref_slice %dma_wait3A_1515[%dma_wait3A_1511, %dma_wait3A_1516] : memref<32x128xi32, #tpu.memory_space<vmem>> -> memref<1x128xi32, #tpu.memory_space<vmem>>
          %dma_wait3A_1518 = tpu.memref_squeeze %dma_wait3A_1517 : memref<1x128xi32, #tpu.memory_space<vmem>> -> memref<128xi32, #tpu.memory_space<vmem>>
          %dma_wait3A_1519 = arith.constant 0 : i32
          %dma_wait3A_1520 = tpu.memref_slice %arg12[%dma_wait3A_1519] : memref<1052672xf32, #tpu.memory_space<vmem_shared>> -> memref<1052672xf32, #tpu.memory_space<vmem_shared>>
          tpu.wait_indirect_dma semaphore(%arg14 : memref<!tpu.dma_semaphore, #tpu.memory_space<semaphore_mem>>) src(%arg10 : memref<128xf32, #tpu.memory_space<vmem>>) dst(%dma_wait3A_1520 : memref<1052672xf32, #tpu.memory_space<vmem_shared>>)
          %dma_wait3A_1521 = arith.constant 20 : i32
          %dma_wait3A_1522 = arith.constant 0 : i32
          %dma_wait3A_1523 = arith.constant 0 : i32
          %dma_wait3A_1524 = tpu.memref_slice %arg9[%and3A_953, %dma_wait3A_1522, %dma_wait3A_1523] : memref<2x32x128xi32, #tpu.memory_space<vmem>> -> memref<1x32x128xi32, #tpu.memory_space<vmem>>
          %dma_wait3A_1525 = tpu.memref_squeeze %dma_wait3A_1524 : memref<1x32x128xi32, #tpu.memory_space<vmem>> -> memref<32x128xi32, #tpu.memory_space<vmem>>
          %dma_wait3A_1526 = arith.constant 0 : i32
          %dma_wait3A_1527 = tpu.memref_slice %dma_wait3A_1525[%dma_wait3A_1521, %dma_wait3A_1526] : memref<32x128xi32, #tpu.memory_space<vmem>> -> memref<1x128xi32, #tpu.memory_space<vmem>>
          %dma_wait3A_1528 = tpu.memref_squeeze %dma_wait3A_1527 : memref<1x128xi32, #tpu.memory_space<vmem>> -> memref<128xi32, #tpu.memory_space<vmem>>
          %dma_wait3A_1529 = arith.constant 0 : i32
          %dma_wait3A_1530 = tpu.memref_slice %arg12[%dma_wait3A_1529] : memref<1052672xf32, #tpu.memory_space<vmem_shared>> -> memref<1052672xf32, #tpu.memory_space<vmem_shared>>
          tpu.wait_indirect_dma semaphore(%arg14 : memref<!tpu.dma_semaphore, #tpu.memory_space<semaphore_mem>>) src(%arg10 : memref<128xf32, #tpu.memory_space<vmem>>) dst(%dma_wait3A_1530 : memref<1052672xf32, #tpu.memory_space<vmem_shared>>)
          %dma_wait3A_1531 = arith.constant 21 : i32
          %dma_wait3A_1532 = arith.constant 0 : i32
          %dma_wait3A_1533 = arith.constant 0 : i32
          %dma_wait3A_1534 = tpu.memref_slice %arg9[%and3A_953, %dma_wait3A_1532, %dma_wait3A_1533] : memref<2x32x128xi32, #tpu.memory_space<vmem>> -> memref<1x32x128xi32, #tpu.memory_space<vmem>>
          %dma_wait3A_1535 = tpu.memref_squeeze %dma_wait3A_1534 : memref<1x32x128xi32, #tpu.memory_space<vmem>> -> memref<32x128xi32, #tpu.memory_space<vmem>>
          %dma_wait3A_1536 = arith.constant 0 : i32
          %dma_wait3A_1537 = tpu.memref_slice %dma_wait3A_1535[%dma_wait3A_1531, %dma_wait3A_1536] : memref<32x128xi32, #tpu.memory_space<vmem>> -> memref<1x128xi32, #tpu.memory_space<vmem>>
          %dma_wait3A_1538 = tpu.memref_squeeze %dma_wait3A_1537 : memref<1x128xi32, #tpu.memory_space<vmem>> -> memref<128xi32, #tpu.memory_space<vmem>>
          %dma_wait3A_1539 = arith.constant 0 : i32
          %dma_wait3A_1540 = tpu.memref_slice %arg12[%dma_wait3A_1539] : memref<1052672xf32, #tpu.memory_space<vmem_shared>> -> memref<1052672xf32, #tpu.memory_space<vmem_shared>>
          tpu.wait_indirect_dma semaphore(%arg14 : memref<!tpu.dma_semaphore, #tpu.memory_space<semaphore_mem>>) src(%arg10 : memref<128xf32, #tpu.memory_space<vmem>>) dst(%dma_wait3A_1540 : memref<1052672xf32, #tpu.memory_space<vmem_shared>>)
          %dma_wait3A_1541 = arith.constant 22 : i32
          %dma_wait3A_1542 = arith.constant 0 : i32
          %dma_wait3A_1543 = arith.constant 0 : i32
          %dma_wait3A_1544 = tpu.memref_slice %arg9[%and3A_953, %dma_wait3A_1542, %dma_wait3A_1543] : memref<2x32x128xi32, #tpu.memory_space<vmem>> -> memref<1x32x128xi32, #tpu.memory_space<vmem>>
          %dma_wait3A_1545 = tpu.memref_squeeze %dma_wait3A_1544 : memref<1x32x128xi32, #tpu.memory_space<vmem>> -> memref<32x128xi32, #tpu.memory_space<vmem>>
          %dma_wait3A_1546 = arith.constant 0 : i32
          %dma_wait3A_1547 = tpu.memref_slice %dma_wait3A_1545[%dma_wait3A_1541, %dma_wait3A_1546] : memref<32x128xi32, #tpu.memory_space<vmem>> -> memref<1x128xi32, #tpu.memory_space<vmem>>
          %dma_wait3A_1548 = tpu.memref_squeeze %dma_wait3A_1547 : memref<1x128xi32, #tpu.memory_space<vmem>> -> memref<128xi32, #tpu.memory_space<vmem>>
          %dma_wait3A_1549 = arith.constant 0 : i32
          %dma_wait3A_1550 = tpu.memref_slice %arg12[%dma_wait3A_1549] : memref<1052672xf32, #tpu.memory_space<vmem_shared>> -> memref<1052672xf32, #tpu.memory_space<vmem_shared>>
          tpu.wait_indirect_dma semaphore(%arg14 : memref<!tpu.dma_semaphore, #tpu.memory_space<semaphore_mem>>) src(%arg10 : memref<128xf32, #tpu.memory_space<vmem>>) dst(%dma_wait3A_1550 : memref<1052672xf32, #tpu.memory_space<vmem_shared>>)
          %dma_wait3A_1551 = arith.constant 23 : i32
          %dma_wait3A_1552 = arith.constant 0 : i32
          %dma_wait3A_1553 = arith.constant 0 : i32
          %dma_wait3A_1554 = tpu.memref_slice %arg9[%and3A_953, %dma_wait3A_1552, %dma_wait3A_1553] : memref<2x32x128xi32, #tpu.memory_space<vmem>> -> memref<1x32x128xi32, #tpu.memory_space<vmem>>
          %dma_wait3A_1555 = tpu.memref_squeeze %dma_wait3A_1554 : memref<1x32x128xi32, #tpu.memory_space<vmem>> -> memref<32x128xi32, #tpu.memory_space<vmem>>
          %dma_wait3A_1556 = arith.constant 0 : i32
          %dma_wait3A_1557 = tpu.memref_slice %dma_wait3A_1555[%dma_wait3A_1551, %dma_wait3A_1556] : memref<32x128xi32, #tpu.memory_space<vmem>> -> memref<1x128xi32, #tpu.memory_space<vmem>>
          %dma_wait3A_1558 = tpu.memref_squeeze %dma_wait3A_1557 : memref<1x128xi32, #tpu.memory_space<vmem>> -> memref<128xi32, #tpu.memory_space<vmem>>
          %dma_wait3A_1559 = arith.constant 0 : i32
          %dma_wait3A_1560 = tpu.memref_slice %arg12[%dma_wait3A_1559] : memref<1052672xf32, #tpu.memory_space<vmem_shared>> -> memref<1052672xf32, #tpu.memory_space<vmem_shared>>
          tpu.wait_indirect_dma semaphore(%arg14 : memref<!tpu.dma_semaphore, #tpu.memory_space<semaphore_mem>>) src(%arg10 : memref<128xf32, #tpu.memory_space<vmem>>) dst(%dma_wait3A_1560 : memref<1052672xf32, #tpu.memory_space<vmem_shared>>)
          %dma_wait3A_1561 = arith.constant 24 : i32
          %dma_wait3A_1562 = arith.constant 0 : i32
          %dma_wait3A_1563 = arith.constant 0 : i32
          %dma_wait3A_1564 = tpu.memref_slice %arg9[%and3A_953, %dma_wait3A_1562, %dma_wait3A_1563] : memref<2x32x128xi32, #tpu.memory_space<vmem>> -> memref<1x32x128xi32, #tpu.memory_space<vmem>>
          %dma_wait3A_1565 = tpu.memref_squeeze %dma_wait3A_1564 : memref<1x32x128xi32, #tpu.memory_space<vmem>> -> memref<32x128xi32, #tpu.memory_space<vmem>>
          %dma_wait3A_1566 = arith.constant 0 : i32
          %dma_wait3A_1567 = tpu.memref_slice %dma_wait3A_1565[%dma_wait3A_1561, %dma_wait3A_1566] : memref<32x128xi32, #tpu.memory_space<vmem>> -> memref<1x128xi32, #tpu.memory_space<vmem>>
          %dma_wait3A_1568 = tpu.memref_squeeze %dma_wait3A_1567 : memref<1x128xi32, #tpu.memory_space<vmem>> -> memref<128xi32, #tpu.memory_space<vmem>>
          %dma_wait3A_1569 = arith.constant 0 : i32
          %dma_wait3A_1570 = tpu.memref_slice %arg12[%dma_wait3A_1569] : memref<1052672xf32, #tpu.memory_space<vmem_shared>> -> memref<1052672xf32, #tpu.memory_space<vmem_shared>>
          tpu.wait_indirect_dma semaphore(%arg14 : memref<!tpu.dma_semaphore, #tpu.memory_space<semaphore_mem>>) src(%arg10 : memref<128xf32, #tpu.memory_space<vmem>>) dst(%dma_wait3A_1570 : memref<1052672xf32, #tpu.memory_space<vmem_shared>>)
          %dma_wait3A_1571 = arith.constant 25 : i32
          %dma_wait3A_1572 = arith.constant 0 : i32
          %dma_wait3A_1573 = arith.constant 0 : i32
          %dma_wait3A_1574 = tpu.memref_slice %arg9[%and3A_953, %dma_wait3A_1572, %dma_wait3A_1573] : memref<2x32x128xi32, #tpu.memory_space<vmem>> -> memref<1x32x128xi32, #tpu.memory_space<vmem>>
          %dma_wait3A_1575 = tpu.memref_squeeze %dma_wait3A_1574 : memref<1x32x128xi32, #tpu.memory_space<vmem>> -> memref<32x128xi32, #tpu.memory_space<vmem>>
          %dma_wait3A_1576 = arith.constant 0 : i32
          %dma_wait3A_1577 = tpu.memref_slice %dma_wait3A_1575[%dma_wait3A_1571, %dma_wait3A_1576] : memref<32x128xi32, #tpu.memory_space<vmem>> -> memref<1x128xi32, #tpu.memory_space<vmem>>
          %dma_wait3A_1578 = tpu.memref_squeeze %dma_wait3A_1577 : memref<1x128xi32, #tpu.memory_space<vmem>> -> memref<128xi32, #tpu.memory_space<vmem>>
          %dma_wait3A_1579 = arith.constant 0 : i32
          %dma_wait3A_1580 = tpu.memref_slice %arg12[%dma_wait3A_1579] : memref<1052672xf32, #tpu.memory_space<vmem_shared>> -> memref<1052672xf32, #tpu.memory_space<vmem_shared>>
          tpu.wait_indirect_dma semaphore(%arg14 : memref<!tpu.dma_semaphore, #tpu.memory_space<semaphore_mem>>) src(%arg10 : memref<128xf32, #tpu.memory_space<vmem>>) dst(%dma_wait3A_1580 : memref<1052672xf32, #tpu.memory_space<vmem_shared>>)
          %dma_wait3A_1581 = arith.constant 26 : i32
          %dma_wait3A_1582 = arith.constant 0 : i32
          %dma_wait3A_1583 = arith.constant 0 : i32
          %dma_wait3A_1584 = tpu.memref_slice %arg9[%and3A_953, %dma_wait3A_1582, %dma_wait3A_1583] : memref<2x32x128xi32, #tpu.memory_space<vmem>> -> memref<1x32x128xi32, #tpu.memory_space<vmem>>
          %dma_wait3A_1585 = tpu.memref_squeeze %dma_wait3A_1584 : memref<1x32x128xi32, #tpu.memory_space<vmem>> -> memref<32x128xi32, #tpu.memory_space<vmem>>
          %dma_wait3A_1586 = arith.constant 0 : i32
          %dma_wait3A_1587 = tpu.memref_slice %dma_wait3A_1585[%dma_wait3A_1581, %dma_wait3A_1586] : memref<32x128xi32, #tpu.memory_space<vmem>> -> memref<1x128xi32, #tpu.memory_space<vmem>>
          %dma_wait3A_1588 = tpu.memref_squeeze %dma_wait3A_1587 : memref<1x128xi32, #tpu.memory_space<vmem>> -> memref<128xi32, #tpu.memory_space<vmem>>
          %dma_wait3A_1589 = arith.constant 0 : i32
          %dma_wait3A_1590 = tpu.memref_slice %arg12[%dma_wait3A_1589] : memref<1052672xf32, #tpu.memory_space<vmem_shared>> -> memref<1052672xf32, #tpu.memory_space<vmem_shared>>
          tpu.wait_indirect_dma semaphore(%arg14 : memref<!tpu.dma_semaphore, #tpu.memory_space<semaphore_mem>>) src(%arg10 : memref<128xf32, #tpu.memory_space<vmem>>) dst(%dma_wait3A_1590 : memref<1052672xf32, #tpu.memory_space<vmem_shared>>)
          %dma_wait3A_1591 = arith.constant 27 : i32
          %dma_wait3A_1592 = arith.constant 0 : i32
          %dma_wait3A_1593 = arith.constant 0 : i32
          %dma_wait3A_1594 = tpu.memref_slice %arg9[%and3A_953, %dma_wait3A_1592, %dma_wait3A_1593] : memref<2x32x128xi32, #tpu.memory_space<vmem>> -> memref<1x32x128xi32, #tpu.memory_space<vmem>>
          %dma_wait3A_1595 = tpu.memref_squeeze %dma_wait3A_1594 : memref<1x32x128xi32, #tpu.memory_space<vmem>> -> memref<32x128xi32, #tpu.memory_space<vmem>>
          %dma_wait3A_1596 = arith.constant 0 : i32
          %dma_wait3A_1597 = tpu.memref_slice %dma_wait3A_1595[%dma_wait3A_1591, %dma_wait3A_1596] : memref<32x128xi32, #tpu.memory_space<vmem>> -> memref<1x128xi32, #tpu.memory_space<vmem>>
          %dma_wait3A_1598 = tpu.memref_squeeze %dma_wait3A_1597 : memref<1x128xi32, #tpu.memory_space<vmem>> -> memref<128xi32, #tpu.memory_space<vmem>>
          %dma_wait3A_1599 = arith.constant 0 : i32
          %dma_wait3A_1600 = tpu.memref_slice %arg12[%dma_wait3A_1599] : memref<1052672xf32, #tpu.memory_space<vmem_shared>> -> memref<1052672xf32, #tpu.memory_space<vmem_shared>>
          tpu.wait_indirect_dma semaphore(%arg14 : memref<!tpu.dma_semaphore, #tpu.memory_space<semaphore_mem>>) src(%arg10 : memref<128xf32, #tpu.memory_space<vmem>>) dst(%dma_wait3A_1600 : memref<1052672xf32, #tpu.memory_space<vmem_shared>>)
          %dma_wait3A_1601 = arith.constant 28 : i32
          %dma_wait3A_1602 = arith.constant 0 : i32
          %dma_wait3A_1603 = arith.constant 0 : i32
          %dma_wait3A_1604 = tpu.memref_slice %arg9[%and3A_953, %dma_wait3A_1602, %dma_wait3A_1603] : memref<2x32x128xi32, #tpu.memory_space<vmem>> -> memref<1x32x128xi32, #tpu.memory_space<vmem>>
          %dma_wait3A_1605 = tpu.memref_squeeze %dma_wait3A_1604 : memref<1x32x128xi32, #tpu.memory_space<vmem>> -> memref<32x128xi32, #tpu.memory_space<vmem>>
          %dma_wait3A_1606 = arith.constant 0 : i32
          %dma_wait3A_1607 = tpu.memref_slice %dma_wait3A_1605[%dma_wait3A_1601, %dma_wait3A_1606] : memref<32x128xi32, #tpu.memory_space<vmem>> -> memref<1x128xi32, #tpu.memory_space<vmem>>
          %dma_wait3A_1608 = tpu.memref_squeeze %dma_wait3A_1607 : memref<1x128xi32, #tpu.memory_space<vmem>> -> memref<128xi32, #tpu.memory_space<vmem>>
          %dma_wait3A_1609 = arith.constant 0 : i32
          %dma_wait3A_1610 = tpu.memref_slice %arg12[%dma_wait3A_1609] : memref<1052672xf32, #tpu.memory_space<vmem_shared>> -> memref<1052672xf32, #tpu.memory_space<vmem_shared>>
          tpu.wait_indirect_dma semaphore(%arg14 : memref<!tpu.dma_semaphore, #tpu.memory_space<semaphore_mem>>) src(%arg10 : memref<128xf32, #tpu.memory_space<vmem>>) dst(%dma_wait3A_1610 : memref<1052672xf32, #tpu.memory_space<vmem_shared>>)
          %dma_wait3A_1611 = arith.constant 29 : i32
          %dma_wait3A_1612 = arith.constant 0 : i32
          %dma_wait3A_1613 = arith.constant 0 : i32
          %dma_wait3A_1614 = tpu.memref_slice %arg9[%and3A_953, %dma_wait3A_1612, %dma_wait3A_1613] : memref<2x32x128xi32, #tpu.memory_space<vmem>> -> memref<1x32x128xi32, #tpu.memory_space<vmem>>
          %dma_wait3A_1615 = tpu.memref_squeeze %dma_wait3A_1614 : memref<1x32x128xi32, #tpu.memory_space<vmem>> -> memref<32x128xi32, #tpu.memory_space<vmem>>
          %dma_wait3A_1616 = arith.constant 0 : i32
          %dma_wait3A_1617 = tpu.memref_slice %dma_wait3A_1615[%dma_wait3A_1611, %dma_wait3A_1616] : memref<32x128xi32, #tpu.memory_space<vmem>> -> memref<1x128xi32, #tpu.memory_space<vmem>>
          %dma_wait3A_1618 = tpu.memref_squeeze %dma_wait3A_1617 : memref<1x128xi32, #tpu.memory_space<vmem>> -> memref<128xi32, #tpu.memory_space<vmem>>
          %dma_wait3A_1619 = arith.constant 0 : i32
          %dma_wait3A_1620 = tpu.memref_slice %arg12[%dma_wait3A_1619] : memref<1052672xf32, #tpu.memory_space<vmem_shared>> -> memref<1052672xf32, #tpu.memory_space<vmem_shared>>
          tpu.wait_indirect_dma semaphore(%arg14 : memref<!tpu.dma_semaphore, #tpu.memory_space<semaphore_mem>>) src(%arg10 : memref<128xf32, #tpu.memory_space<vmem>>) dst(%dma_wait3A_1620 : memref<1052672xf32, #tpu.memory_space<vmem_shared>>)
          %dma_wait3A_1621 = arith.constant 30 : i32
          %dma_wait3A_1622 = arith.constant 0 : i32
          %dma_wait3A_1623 = arith.constant 0 : i32
          %dma_wait3A_1624 = tpu.memref_slice %arg9[%and3A_953, %dma_wait3A_1622, %dma_wait3A_1623] : memref<2x32x128xi32, #tpu.memory_space<vmem>> -> memref<1x32x128xi32, #tpu.memory_space<vmem>>
          %dma_wait3A_1625 = tpu.memref_squeeze %dma_wait3A_1624 : memref<1x32x128xi32, #tpu.memory_space<vmem>> -> memref<32x128xi32, #tpu.memory_space<vmem>>
          %dma_wait3A_1626 = arith.constant 0 : i32
          %dma_wait3A_1627 = tpu.memref_slice %dma_wait3A_1625[%dma_wait3A_1621, %dma_wait3A_1626] : memref<32x128xi32, #tpu.memory_space<vmem>> -> memref<1x128xi32, #tpu.memory_space<vmem>>
          %dma_wait3A_1628 = tpu.memref_squeeze %dma_wait3A_1627 : memref<1x128xi32, #tpu.memory_space<vmem>> -> memref<128xi32, #tpu.memory_space<vmem>>
          %dma_wait3A_1629 = arith.constant 0 : i32
          %dma_wait3A_1630 = tpu.memref_slice %arg12[%dma_wait3A_1629] : memref<1052672xf32, #tpu.memory_space<vmem_shared>> -> memref<1052672xf32, #tpu.memory_space<vmem_shared>>
          tpu.wait_indirect_dma semaphore(%arg14 : memref<!tpu.dma_semaphore, #tpu.memory_space<semaphore_mem>>) src(%arg10 : memref<128xf32, #tpu.memory_space<vmem>>) dst(%dma_wait3A_1630 : memref<1052672xf32, #tpu.memory_space<vmem_shared>>)
          %dma_wait3A_1631 = arith.constant 31 : i32
          %dma_wait3A_1632 = arith.constant 0 : i32
          %dma_wait3A_1633 = arith.constant 0 : i32
          %dma_wait3A_1634 = tpu.memref_slice %arg9[%and3A_953, %dma_wait3A_1632, %dma_wait3A_1633] : memref<2x32x128xi32, #tpu.memory_space<vmem>> -> memref<1x32x128xi32, #tpu.memory_space<vmem>>
          %dma_wait3A_1635 = tpu.memref_squeeze %dma_wait3A_1634 : memref<1x32x128xi32, #tpu.memory_space<vmem>> -> memref<32x128xi32, #tpu.memory_space<vmem>>
          %dma_wait3A_1636 = arith.constant 0 : i32
          %dma_wait3A_1637 = tpu.memref_slice %dma_wait3A_1635[%dma_wait3A_1631, %dma_wait3A_1636] : memref<32x128xi32, #tpu.memory_space<vmem>> -> memref<1x128xi32, #tpu.memory_space<vmem>>
          %dma_wait3A_1638 = tpu.memref_squeeze %dma_wait3A_1637 : memref<1x128xi32, #tpu.memory_space<vmem>> -> memref<128xi32, #tpu.memory_space<vmem>>
          %dma_wait3A_1639 = arith.constant 0 : i32
          %dma_wait3A_1640 = tpu.memref_slice %arg12[%dma_wait3A_1639] : memref<1052672xf32, #tpu.memory_space<vmem_shared>> -> memref<1052672xf32, #tpu.memory_space<vmem_shared>>
          tpu.wait_indirect_dma semaphore(%arg14 : memref<!tpu.dma_semaphore, #tpu.memory_space<semaphore_mem>>) src(%arg10 : memref<128xf32, #tpu.memory_space<vmem>>) dst(%dma_wait3A_1640 : memref<1052672xf32, #tpu.memory_space<vmem_shared>>)
        } else {
        }
        %mul3A_960 = arith.constant 4096 : i32
        %mul3A_961 = arith.muli %and3A_953, %mul3A_960 : i32
        %dma_wait3A_962 = tpu.memref_slice %arg5[%mul3A_961] : memref<8192xf32, #tpu.memory_space<vmem>> -> memref<4000xf32, #tpu.memory_space<vmem>>
        %dma_wait3A_963 = arith.constant 0 : i32
        %dma_wait3A_964 = tpu.memref_slice %arg2[%dma_wait3A_963] : memref<3000000xf32, #tpu.memory_space<hbm>> -> memref<4000xf32, #tpu.memory_space<hbm>>
        %dma_wait3A_965 = tpu.memref_slice %arg5[%mul3A_961] : memref<8192xf32, #tpu.memory_space<vmem>> -> memref<4000xf32, #tpu.memory_space<vmem>>
        %dma_wait3A_966 = arith.constant 0 : i32
        %dma_wait3A_967 = tpu.memref_slice %arg2[%dma_wait3A_966] : memref<3000000xf32, #tpu.memory_space<hbm>> -> memref<4000xf32, #tpu.memory_space<hbm>>
        tpu.wait_dma2 semaphore(%arg13 : memref<!tpu.dma_semaphore, #tpu.memory_space<semaphore_mem>>) src(%dma_wait3A_967 : memref<4000xf32, #tpu.memory_space<hbm>>) dst(%dma_wait3A_965 : memref<4000xf32, #tpu.memory_space<vmem>>)
        %mul3A_968 = arith.constant 4096 : i32
        %mul3A_969 = arith.muli %and3A_953, %mul3A_968 : i32
        %dma_wait3A_970 = tpu.memref_slice %arg6[%mul3A_969] : memref<8192xf32, #tpu.memory_space<vmem>> -> memref<4000xf32, #tpu.memory_space<vmem>>
        %dma_wait3A_971 = arith.constant 0 : i32
        %dma_wait3A_972 = tpu.memref_slice %arg2[%dma_wait3A_971] : memref<3000000xf32, #tpu.memory_space<hbm>> -> memref<4000xf32, #tpu.memory_space<hbm>>
        %dma_wait3A_973 = tpu.memref_slice %arg6[%mul3A_969] : memref<8192xf32, #tpu.memory_space<vmem>> -> memref<4000xf32, #tpu.memory_space<vmem>>
        %dma_wait3A_974 = arith.constant 0 : i32
        %dma_wait3A_975 = tpu.memref_slice %arg2[%dma_wait3A_974] : memref<3000000xf32, #tpu.memory_space<hbm>> -> memref<4000xf32, #tpu.memory_space<hbm>>
        tpu.wait_dma2 semaphore(%arg13 : memref<!tpu.dma_semaphore, #tpu.memory_space<semaphore_mem>>) src(%dma_wait3A_975 : memref<4000xf32, #tpu.memory_space<hbm>>) dst(%dma_wait3A_973 : memref<4000xf32, #tpu.memory_space<vmem>>)
        %mul3A_976 = arith.constant 4096 : i32
        %mul3A_977 = arith.muli %and3A_953, %mul3A_976 : i32
        %dma_wait3A_978 = tpu.memref_slice %arg7[%mul3A_977] : memref<8192xf32, #tpu.memory_space<vmem>> -> memref<4000xf32, #tpu.memory_space<vmem>>
        %dma_wait3A_979 = arith.constant 0 : i32
        %dma_wait3A_980 = tpu.memref_slice %arg2[%dma_wait3A_979] : memref<3000000xf32, #tpu.memory_space<hbm>> -> memref<4000xf32, #tpu.memory_space<hbm>>
        %dma_wait3A_981 = tpu.memref_slice %arg7[%mul3A_977] : memref<8192xf32, #tpu.memory_space<vmem>> -> memref<4000xf32, #tpu.memory_space<vmem>>
        %dma_wait3A_982 = arith.constant 0 : i32
        %dma_wait3A_983 = tpu.memref_slice %arg2[%dma_wait3A_982] : memref<3000000xf32, #tpu.memory_space<hbm>> -> memref<4000xf32, #tpu.memory_space<hbm>>
        tpu.wait_dma2 semaphore(%arg13 : memref<!tpu.dma_semaphore, #tpu.memory_space<semaphore_mem>>) src(%dma_wait3A_983 : memref<4000xf32, #tpu.memory_space<hbm>>) dst(%dma_wait3A_981 : memref<4000xf32, #tpu.memory_space<vmem>>)
        %mul3A_984 = arith.constant 4096 : i32
        %mul3A_985 = arith.muli %and3A_953, %mul3A_984 : i32
        %dma_wait3A_986 = tpu.memref_slice %arg8[%mul3A_985] : memref<8192xf32, #tpu.memory_space<vmem>> -> memref<4000xf32, #tpu.memory_space<vmem>>
        %dma_wait3A_987 = arith.constant 0 : i32
        %dma_wait3A_988 = tpu.memref_slice %arg2[%dma_wait3A_987] : memref<3000000xf32, #tpu.memory_space<hbm>> -> memref<4000xf32, #tpu.memory_space<hbm>>
        %dma_wait3A_989 = tpu.memref_slice %arg8[%mul3A_985] : memref<8192xf32, #tpu.memory_space<vmem>> -> memref<4000xf32, #tpu.memory_space<vmem>>
        %dma_wait3A_990 = arith.constant 0 : i32
        %dma_wait3A_991 = tpu.memref_slice %arg2[%dma_wait3A_990] : memref<3000000xf32, #tpu.memory_space<hbm>> -> memref<4000xf32, #tpu.memory_space<hbm>>
        tpu.wait_dma2 semaphore(%arg13 : memref<!tpu.dma_semaphore, #tpu.memory_space<semaphore_mem>>) src(%dma_wait3A_991 : memref<4000xf32, #tpu.memory_space<hbm>>) dst(%dma_wait3A_989 : memref<4000xf32, #tpu.memory_space<vmem>>)
        %add3A_992 = arith.constant 16 : i32
        %add3A_993 = arith.addi %add3A_952, %add3A_992 : i32
        %lt3A_994 = arith.constant 250 : i32
        %lt3A_995 = arith.cmpi slt, %add3A_993, %lt3A_994 : i32
        %convert_element_type3A_996 = arith.extui %lt3A_995 : i1 to i32
        %cond3A_997 = arith.constant 0 : i32
        %cond3A_998 = arith.cmpi ne, %convert_element_type3A_996, %cond3A_997 : i32
        scf.if %cond3A_998 {
          %add3A_1321 = arith.constant 16 : i32
          %add3A_1322 = arith.addi %add3A_952, %add3A_1321 : i32
          %sub3A = arith.constant 1 : i32
          %sub3A_1323 = arith.subi %sub3A, %and3A_953 : i32
          %mul3A_1324 = arith.constant 4096 : i32
          %mul3A_1325 = arith.muli %sub3A_1323, %mul3A_1324 : i32
          %mul3A_1326 = arith.constant 4000 : i32
          %mul3A_1327 = arith.muli %add3A_1322, %mul3A_1326 : i32
          %dma_start3A_1328 = tpu.memref_slice %arg5[%mul3A_1325] : memref<8192xf32, #tpu.memory_space<vmem>> -> memref<4000xf32, #tpu.memory_space<vmem>>
          %dma_start3A_1329 = tpu.memref_slice %arg2[%mul3A_1327] : memref<3000000xf32, #tpu.memory_space<hbm>> -> memref<4000xf32, #tpu.memory_space<hbm>>
          %dma_start3A_1330 = tpu.memref_slice %arg5[%mul3A_1325] : memref<8192xf32, #tpu.memory_space<vmem>> -> memref<4000xf32, #tpu.memory_space<vmem>>
          %dma_start3A_1331 = tpu.memref_slice %arg2[%mul3A_1327] : memref<3000000xf32, #tpu.memory_space<hbm>> -> memref<4000xf32, #tpu.memory_space<hbm>>
          tpu.enqueue_dma source(%dma_start3A_1331 : memref<4000xf32, #tpu.memory_space<hbm>>) target(%dma_start3A_1330 : memref<4000xf32, #tpu.memory_space<vmem>>) target_semaphore(%arg13 : memref<!tpu.dma_semaphore, #tpu.memory_space<semaphore_mem>>)
          %mul3A_1332 = arith.constant 4000 : i32
          %mul3A_1333 = arith.muli %add3A_1322, %mul3A_1332 : i32
          %add3A_1334 = arith.constant 1000000 : i32
          %add3A_1335 = arith.addi %add3A_1334, %mul3A_1333 : i32
          %dma_start3A_1336 = tpu.memref_slice %arg6[%mul3A_1325] : memref<8192xf32, #tpu.memory_space<vmem>> -> memref<4000xf32, #tpu.memory_space<vmem>>
          %dma_start3A_1337 = tpu.memref_slice %arg2[%add3A_1335] : memref<3000000xf32, #tpu.memory_space<hbm>> -> memref<4000xf32, #tpu.memory_space<hbm>>
          %dma_start3A_1338 = tpu.memref_slice %arg6[%mul3A_1325] : memref<8192xf32, #tpu.memory_space<vmem>> -> memref<4000xf32, #tpu.memory_space<vmem>>
          %dma_start3A_1339 = tpu.memref_slice %arg2[%add3A_1335] : memref<3000000xf32, #tpu.memory_space<hbm>> -> memref<4000xf32, #tpu.memory_space<hbm>>
          tpu.enqueue_dma source(%dma_start3A_1339 : memref<4000xf32, #tpu.memory_space<hbm>>) target(%dma_start3A_1338 : memref<4000xf32, #tpu.memory_space<vmem>>) target_semaphore(%arg13 : memref<!tpu.dma_semaphore, #tpu.memory_space<semaphore_mem>>)
          %mul3A_1340 = arith.constant 4000 : i32
          %mul3A_1341 = arith.muli %add3A_1322, %mul3A_1340 : i32
          %add3A_1342 = arith.constant 2000000 : i32
          %add3A_1343 = arith.addi %add3A_1342, %mul3A_1341 : i32
          %dma_start3A_1344 = tpu.memref_slice %arg7[%mul3A_1325] : memref<8192xf32, #tpu.memory_space<vmem>> -> memref<4000xf32, #tpu.memory_space<vmem>>
          %dma_start3A_1345 = tpu.memref_slice %arg2[%add3A_1343] : memref<3000000xf32, #tpu.memory_space<hbm>> -> memref<4000xf32, #tpu.memory_space<hbm>>
          %dma_start3A_1346 = tpu.memref_slice %arg7[%mul3A_1325] : memref<8192xf32, #tpu.memory_space<vmem>> -> memref<4000xf32, #tpu.memory_space<vmem>>
          %dma_start3A_1347 = tpu.memref_slice %arg2[%add3A_1343] : memref<3000000xf32, #tpu.memory_space<hbm>> -> memref<4000xf32, #tpu.memory_space<hbm>>
          tpu.enqueue_dma source(%dma_start3A_1347 : memref<4000xf32, #tpu.memory_space<hbm>>) target(%dma_start3A_1346 : memref<4000xf32, #tpu.memory_space<vmem>>) target_semaphore(%arg13 : memref<!tpu.dma_semaphore, #tpu.memory_space<semaphore_mem>>)
          %mul3A_1348 = arith.constant 4000 : i32
          %mul3A_1349 = arith.muli %add3A_1322, %mul3A_1348 : i32
          %dma_start3A_1350 = tpu.memref_slice %arg8[%mul3A_1325] : memref<8192xf32, #tpu.memory_space<vmem>> -> memref<4000xf32, #tpu.memory_space<vmem>>
          %dma_start3A_1351 = tpu.memref_slice %arg3[%mul3A_1349] : memref<1000000xf32, #tpu.memory_space<hbm>> -> memref<4000xf32, #tpu.memory_space<hbm>>
          %dma_start3A_1352 = tpu.memref_slice %arg8[%mul3A_1325] : memref<8192xf32, #tpu.memory_space<vmem>> -> memref<4000xf32, #tpu.memory_space<vmem>>
          %dma_start3A_1353 = tpu.memref_slice %arg3[%mul3A_1349] : memref<1000000xf32, #tpu.memory_space<hbm>> -> memref<4000xf32, #tpu.memory_space<hbm>>
          tpu.enqueue_dma source(%dma_start3A_1353 : memref<4000xf32, #tpu.memory_space<hbm>>) target(%dma_start3A_1352 : memref<4000xf32, #tpu.memory_space<vmem>>) target_semaphore(%arg13 : memref<!tpu.dma_semaphore, #tpu.memory_space<semaphore_mem>>)
        } else {
        }
        %parallel_loop3A = arith.constant 0 : i32
        %parallel_loop3A_999 = arith.constant 250 : i32
        %parallel_loop3A_1000 = arith.constant 1 : i32
        scf.for %parallel_loop3A_1321 = %parallel_loop3A to %parallel_loop3A_999 step %parallel_loop3A_1000  : i32 {
          %parallel_loop3A_1322 = arith.constant 4096 : i32
          %parallel_loop3A_1323 = arith.muli %and3A_953, %parallel_loop3A_1322 : i32
          %parallel_loop3A_1324 = arith.constant 16 : i32
          %parallel_loop3A_1325 = arith.muli %parallel_loop3A_1321, %parallel_loop3A_1324 : i32
          %parallel_loop3A_1326 = arith.addi %parallel_loop3A_1323, %parallel_loop3A_1325 : i32
          %parallel_loop3A_1327 = arith.index_cast %parallel_loop3A_1326 : i32 to index
          %parallel_loop3A_1328 = tpu.vector_load %arg5[%parallel_loop3A_1327] {strides = array<i32>} : memref<8192xf32, #tpu.memory_space<vmem>>, vector<16xf32>,
          %parallel_loop3A_1329 = arith.index_cast %parallel_loop3A_1326 : i32 to index
          %parallel_loop3A_1330 = tpu.vector_load %arg6[%parallel_loop3A_1329] {strides = array<i32>} : memref<8192xf32, #tpu.memory_space<vmem>>, vector<16xf32>,
          %parallel_loop3A_1331 = arith.index_cast %parallel_loop3A_1326 : i32 to index
          %parallel_loop3A_1332 = tpu.vector_load %arg7[%parallel_loop3A_1331] {strides = array<i32>} : memref<8192xf32, #tpu.memory_space<vmem>>, vector<16xf32>,
          %parallel_loop3A_1333 = arith.index_cast %parallel_loop3A_1326 : i32 to index
          %parallel_loop3A_1334 = tpu.vector_load %arg8[%parallel_loop3A_1333] {strides = array<i32>} : memref<8192xf32, #tpu.memory_space<vmem>>, vector<16xf32>,
          %parallel_loop3A_1335 = arith.constant 1.280000e+02 : f32
          %parallel_loop3A_1336 = vector.broadcast %parallel_loop3A_1335 : f32 to vector<16xf32>
          %parallel_loop3A_1337 = arith.mulf %parallel_loop3A_1328, %parallel_loop3A_1336 : vector<16xf32>
          %parallel_loop3A_1338 = arith.fptosi %parallel_loop3A_1337 : vector<16xf32> to vector<16xi32>
          %parallel_loop3A_1339 = arith.constant 128 : i32
          %parallel_loop3A_1340 = vector.broadcast %parallel_loop3A_1339 : i32 to vector<16xi32>
          %parallel_loop3A_1341 = arith.muli %parallel_loop3A_1338, %parallel_loop3A_1340 : vector<16xi32>
          %parallel_loop3A_1342 = arith.constant 1.280000e+02 : f32
          %parallel_loop3A_1343 = vector.broadcast %parallel_loop3A_1342 : f32 to vector<16xf32>
          %parallel_loop3A_1344 = arith.mulf %parallel_loop3A_1330, %parallel_loop3A_1343 : vector<16xf32>
          %parallel_loop3A_1345 = arith.fptosi %parallel_loop3A_1344 : vector<16xf32> to vector<16xi32>
          %parallel_loop3A_1346 = arith.addi %parallel_loop3A_1341, %parallel_loop3A_1345 : vector<16xi32>
          %parallel_loop3A_1347 = arith.constant 128 : i32
          %parallel_loop3A_1348 = vector.broadcast %parallel_loop3A_1347 : i32 to vector<16xi32>
          %parallel_loop3A_1349 = arith.muli %parallel_loop3A_1346, %parallel_loop3A_1348 : vector<16xi32>
          %parallel_loop3A_1350 = arith.constant 1.280000e+02 : f32
          %parallel_loop3A_1351 = vector.broadcast %parallel_loop3A_1350 : f32 to vector<16xf32>
          %parallel_loop3A_1352 = arith.mulf %parallel_loop3A_1332, %parallel_loop3A_1351 : vector<16xf32>
          %parallel_loop3A_1353 = arith.fptosi %parallel_loop3A_1352 : vector<16xf32> to vector<16xi32>
          %parallel_loop3A_1354 = arith.addi %parallel_loop3A_1349, %parallel_loop3A_1353 : vector<16xi32>
          %parallel_loop3A_1355 = arith.constant 0.00999999977 : f32
          %parallel_loop3A_1356 = vector.broadcast %parallel_loop3A_1355 : f32 to vector<16xf32>
          %parallel_loop3A_1357 = arith.cmpf ogt, %parallel_loop3A_1334, %parallel_loop3A_1356 : vector<16xf32>
          %parallel_loop3A_1358 = arith.constant 20 : i32
          %parallel_loop3A_1359 = vector.broadcast %parallel_loop3A_1358 : i32 to vector<16xi32>
          %parallel_loop3A_1360 = arith.shrsi %parallel_loop3A_1354, %parallel_loop3A_1359 : vector<16xi32>
          %parallel_loop3A_1361 = vector.broadcast %arg0 : i32 to vector<16xi32>
          %parallel_loop3A_1362 = arith.cmpi eq, %parallel_loop3A_1360, %parallel_loop3A_1361 : vector<16xi32>
          %parallel_loop3A_1363 = arith.andi %parallel_loop3A_1357, %parallel_loop3A_1362 : vector<16xi1>
          %parallel_loop3A_1364 = arith.constant 1048575 : i32
          %parallel_loop3A_1365 = vector.broadcast %parallel_loop3A_1364 : i32 to vector<16xi32>
          %parallel_loop3A_1366 = arith.andi %parallel_loop3A_1354, %parallel_loop3A_1365 : vector<16xi32>
          %parallel_loop3A_1367 = arith.constant 4095 : i32
          %parallel_loop3A_1368 = vector.broadcast %parallel_loop3A_1367 : i32 to vector<16xi32>
          %parallel_loop3A_1369 = arith.andi %parallel_loop3A_1354, %parallel_loop3A_1368 : vector<16xi32>
          %parallel_loop3A_1370 = arith.constant 1048576 : i32
          %parallel_loop3A_1371 = vector.broadcast %parallel_loop3A_1370 : i32 to vector<16xi32>
          %parallel_loop3A_1372 = arith.addi %parallel_loop3A_1371, %parallel_loop3A_1369 : vector<16xi32>
          %parallel_loop3A_1373 = arith.select %parallel_loop3A_1363, %parallel_loop3A_1366, %parallel_loop3A_1372 : vector<16xi1>, vector<16xi32>
          %parallel_loop3A_1374 = arith.constant 8 : i32
          %parallel_loop3A_1375 = arith.divsi %parallel_loop3A_1321, %parallel_loop3A_1374 : i32
          %parallel_loop3A_1376 = arith.constant 0 : i32
          %parallel_loop3A_1377 = arith.cmpi sgt, %parallel_loop3A_1321, %parallel_loop3A_1376 : i32
          %parallel_loop3A_1378 = arith.extui %parallel_loop3A_1377 : i1 to i32
          %parallel_loop3A_1379 = arith.constant 0 : i32
          %parallel_loop3A_1380 = arith.cmpi slt, %parallel_loop3A_1321, %parallel_loop3A_1379 : i32
          %parallel_loop3A_1381 = arith.extui %parallel_loop3A_1380 : i1 to i32
          %parallel_loop3A_1382 = arith.subi %parallel_loop3A_1378, %parallel_loop3A_1381 : i32
          %parallel_loop3A_1383 = arith.constant 0 : i32
          %parallel_loop3A_1384 = arith.cmpi sgt, %parallel_loop3A_1374, %parallel_loop3A_1383 : i32
          %parallel_loop3A_1385 = arith.extui %parallel_loop3A_1384 : i1 to i32
          %parallel_loop3A_1386 = arith.constant 0 : i32
          %parallel_loop3A_1387 = arith.cmpi slt, %parallel_loop3A_1374, %parallel_loop3A_1386 : i32
          %parallel_loop3A_1388 = arith.extui %parallel_loop3A_1387 : i1 to i32
          %parallel_loop3A_1389 = arith.subi %parallel_loop3A_1385, %parallel_loop3A_1388 : i32
          %parallel_loop3A_1390 = arith.cmpi ne, %parallel_loop3A_1382, %parallel_loop3A_1389 : i32
          %parallel_loop3A_1391 = arith.remsi %parallel_loop3A_1321, %parallel_loop3A_1374 : i32
          %parallel_loop3A_1392 = arith.constant 0 : i32
          %parallel_loop3A_1393 = arith.cmpi ne, %parallel_loop3A_1391, %parallel_loop3A_1392 : i32
          %parallel_loop3A_1394 = arith.andi %parallel_loop3A_1390, %parallel_loop3A_1393 : i1
          %parallel_loop3A_1395 = arith.constant 1 : i32
          %parallel_loop3A_1396 = arith.subi %parallel_loop3A_1375, %parallel_loop3A_1395 : i32
          %parallel_loop3A_1397 = arith.select %parallel_loop3A_1394, %parallel_loop3A_1396, %parallel_loop3A_1375 : i32
          %parallel_loop3A_1398 = arith.constant 8 : i32
          %parallel_loop3A_1399 = arith.constant 0 : i32
          %parallel_loop3A_1400 = arith.cmpi eq, %parallel_loop3A_1398, %parallel_loop3A_1399 : i32
          %parallel_loop3A_1401 = arith.constant 1 : i32
          %parallel_loop3A_1402 = arith.select %parallel_loop3A_1400, %parallel_loop3A_1401, %parallel_loop3A_1398 : i32
          %parallel_loop3A_1403 = arith.remsi %parallel_loop3A_1321, %parallel_loop3A_1402 : i32
          %parallel_loop3A_1404 = arith.constant 0 : i32
          %parallel_loop3A_1405 = arith.cmpi ne, %parallel_loop3A_1403, %parallel_loop3A_1404 : i32
          %parallel_loop3A_1406 = arith.constant 0 : i32
          %parallel_loop3A_1407 = arith.cmpi slt, %parallel_loop3A_1403, %parallel_loop3A_1406 : i32
          %parallel_loop3A_1408 = arith.constant 0 : i32
          %parallel_loop3A_1409 = arith.cmpi slt, %parallel_loop3A_1402, %parallel_loop3A_1408 : i32
          %parallel_loop3A_1410 = arith.xori %parallel_loop3A_1407, %parallel_loop3A_1409 : i1
          %parallel_loop3A_1411 = arith.andi %parallel_loop3A_1410, %parallel_loop3A_1405 : i1
          %parallel_loop3A_1412 = arith.addi %parallel_loop3A_1403, %parallel_loop3A_1402 : i32
          %parallel_loop3A_1413 = arith.select %parallel_loop3A_1411, %parallel_loop3A_1412, %parallel_loop3A_1403 : i32
          %parallel_loop3A_1414 = arith.constant 16 : i32
          %parallel_loop3A_1415 = arith.muli %parallel_loop3A_1413, %parallel_loop3A_1414 : i32
          %parallel_loop3A_1416 = arith.index_cast %and3A_953 : i32 to index
          %parallel_loop3A_1417 = arith.index_cast %parallel_loop3A_1397 : i32 to index
          %parallel_loop3A_1418 = arith.index_cast %parallel_loop3A_1415 : i32 to index
          %parallel_loop3A_1419 = tpu.vector_load %arg9[%parallel_loop3A_1416, %parallel_loop3A_1417, %parallel_loop3A_1418] {strides = array<i32>} : memref<2x32x128xi32, #tpu.memory_space<vmem>>, vector<16xi32>,
          tpu.vector_store %arg9[%parallel_loop3A_1416, %parallel_loop3A_1417, %parallel_loop3A_1418], %parallel_loop3A_1373 {strides = array<i32>} : memref<2x32x128xi32, #tpu.memory_space<vmem>>, vector<16xi32>,
        } {sc.loop_unroll_factor = 10 : i64, sc.parallel_access}
        %dma_start3A_1001 = arith.constant 0 : i32
        %dma_start3A_1002 = arith.constant 0 : i32
        %dma_start3A_1003 = arith.constant 0 : i32
        %dma_start3A_1004 = tpu.memref_slice %arg9[%and3A_953, %dma_start3A_1002, %dma_start3A_1003] : memref<2x32x128xi32, #tpu.memory_space<vmem>> -> memref<1x32x128xi32, #tpu.memory_space<vmem>>
        %dma_start3A_1005 = tpu.memref_squeeze %dma_start3A_1004 : memref<1x32x128xi32, #tpu.memory_space<vmem>> -> memref<32x128xi32, #tpu.memory_space<vmem>>
        %dma_start3A_1006 = arith.constant 0 : i32
        %dma_start3A_1007 = tpu.memref_slice %dma_start3A_1005[%dma_start3A_1001, %dma_start3A_1006] : memref<32x128xi32, #tpu.memory_space<vmem>> -> memref<1x128xi32, #tpu.memory_space<vmem>>
        %dma_start3A_1008 = tpu.memref_squeeze %dma_start3A_1007 : memref<1x128xi32, #tpu.memory_space<vmem>> -> memref<128xi32, #tpu.memory_space<vmem>>
        %dma_start3A_1009 = arith.constant 0 : i32
        %dma_start3A_1010 = tpu.memref_slice %arg12[%dma_start3A_1009] : memref<1052672xf32, #tpu.memory_space<vmem_shared>> -> memref<1052672xf32, #tpu.memory_space<vmem_shared>>
        tpu.enqueue_indirect_dma source(%arg10 : memref<128xf32, #tpu.memory_space<vmem>>) target(%dma_start3A_1010 : memref<1052672xf32, #tpu.memory_space<vmem_shared>>) offsets(%dma_start3A_1008 : memref<128xi32, #tpu.memory_space<vmem>>) semaphore(%arg14 : memref<!tpu.dma_semaphore, #tpu.memory_space<semaphore_mem>>)
        %dma_start3A_1011 = arith.constant 1 : i32
        %dma_start3A_1012 = arith.constant 0 : i32
        %dma_start3A_1013 = arith.constant 0 : i32
        %dma_start3A_1014 = tpu.memref_slice %arg9[%and3A_953, %dma_start3A_1012, %dma_start3A_1013] : memref<2x32x128xi32, #tpu.memory_space<vmem>> -> memref<1x32x128xi32, #tpu.memory_space<vmem>>
        %dma_start3A_1015 = tpu.memref_squeeze %dma_start3A_1014 : memref<1x32x128xi32, #tpu.memory_space<vmem>> -> memref<32x128xi32, #tpu.memory_space<vmem>>
        %dma_start3A_1016 = arith.constant 0 : i32
        %dma_start3A_1017 = tpu.memref_slice %dma_start3A_1015[%dma_start3A_1011, %dma_start3A_1016] : memref<32x128xi32, #tpu.memory_space<vmem>> -> memref<1x128xi32, #tpu.memory_space<vmem>>
        %dma_start3A_1018 = tpu.memref_squeeze %dma_start3A_1017 : memref<1x128xi32, #tpu.memory_space<vmem>> -> memref<128xi32, #tpu.memory_space<vmem>>
        %dma_start3A_1019 = arith.constant 0 : i32
        %dma_start3A_1020 = tpu.memref_slice %arg12[%dma_start3A_1019] : memref<1052672xf32, #tpu.memory_space<vmem_shared>> -> memref<1052672xf32, #tpu.memory_space<vmem_shared>>
        tpu.enqueue_indirect_dma source(%arg10 : memref<128xf32, #tpu.memory_space<vmem>>) target(%dma_start3A_1020 : memref<1052672xf32, #tpu.memory_space<vmem_shared>>) offsets(%dma_start3A_1018 : memref<128xi32, #tpu.memory_space<vmem>>) semaphore(%arg14 : memref<!tpu.dma_semaphore, #tpu.memory_space<semaphore_mem>>)
        %dma_start3A_1021 = arith.constant 2 : i32
        %dma_start3A_1022 = arith.constant 0 : i32
        %dma_start3A_1023 = arith.constant 0 : i32
        %dma_start3A_1024 = tpu.memref_slice %arg9[%and3A_953, %dma_start3A_1022, %dma_start3A_1023] : memref<2x32x128xi32, #tpu.memory_space<vmem>> -> memref<1x32x128xi32, #tpu.memory_space<vmem>>
        %dma_start3A_1025 = tpu.memref_squeeze %dma_start3A_1024 : memref<1x32x128xi32, #tpu.memory_space<vmem>> -> memref<32x128xi32, #tpu.memory_space<vmem>>
        %dma_start3A_1026 = arith.constant 0 : i32
        %dma_start3A_1027 = tpu.memref_slice %dma_start3A_1025[%dma_start3A_1021, %dma_start3A_1026] : memref<32x128xi32, #tpu.memory_space<vmem>> -> memref<1x128xi32, #tpu.memory_space<vmem>>
        %dma_start3A_1028 = tpu.memref_squeeze %dma_start3A_1027 : memref<1x128xi32, #tpu.memory_space<vmem>> -> memref<128xi32, #tpu.memory_space<vmem>>
        %dma_start3A_1029 = arith.constant 0 : i32
        %dma_start3A_1030 = tpu.memref_slice %arg12[%dma_start3A_1029] : memref<1052672xf32, #tpu.memory_space<vmem_shared>> -> memref<1052672xf32, #tpu.memory_space<vmem_shared>>
        tpu.enqueue_indirect_dma source(%arg10 : memref<128xf32, #tpu.memory_space<vmem>>) target(%dma_start3A_1030 : memref<1052672xf32, #tpu.memory_space<vmem_shared>>) offsets(%dma_start3A_1028 : memref<128xi32, #tpu.memory_space<vmem>>) semaphore(%arg14 : memref<!tpu.dma_semaphore, #tpu.memory_space<semaphore_mem>>)
        %dma_start3A_1031 = arith.constant 3 : i32
        %dma_start3A_1032 = arith.constant 0 : i32
        %dma_start3A_1033 = arith.constant 0 : i32
        %dma_start3A_1034 = tpu.memref_slice %arg9[%and3A_953, %dma_start3A_1032, %dma_start3A_1033] : memref<2x32x128xi32, #tpu.memory_space<vmem>> -> memref<1x32x128xi32, #tpu.memory_space<vmem>>
        %dma_start3A_1035 = tpu.memref_squeeze %dma_start3A_1034 : memref<1x32x128xi32, #tpu.memory_space<vmem>> -> memref<32x128xi32, #tpu.memory_space<vmem>>
        %dma_start3A_1036 = arith.constant 0 : i32
        %dma_start3A_1037 = tpu.memref_slice %dma_start3A_1035[%dma_start3A_1031, %dma_start3A_1036] : memref<32x128xi32, #tpu.memory_space<vmem>> -> memref<1x128xi32, #tpu.memory_space<vmem>>
        %dma_start3A_1038 = tpu.memref_squeeze %dma_start3A_1037 : memref<1x128xi32, #tpu.memory_space<vmem>> -> memref<128xi32, #tpu.memory_space<vmem>>
        %dma_start3A_1039 = arith.constant 0 : i32
        %dma_start3A_1040 = tpu.memref_slice %arg12[%dma_start3A_1039] : memref<1052672xf32, #tpu.memory_space<vmem_shared>> -> memref<1052672xf32, #tpu.memory_space<vmem_shared>>
        tpu.enqueue_indirect_dma source(%arg10 : memref<128xf32, #tpu.memory_space<vmem>>) target(%dma_start3A_1040 : memref<1052672xf32, #tpu.memory_space<vmem_shared>>) offsets(%dma_start3A_1038 : memref<128xi32, #tpu.memory_space<vmem>>) semaphore(%arg14 : memref<!tpu.dma_semaphore, #tpu.memory_space<semaphore_mem>>)
        %dma_start3A_1041 = arith.constant 4 : i32
        %dma_start3A_1042 = arith.constant 0 : i32
        %dma_start3A_1043 = arith.constant 0 : i32
        %dma_start3A_1044 = tpu.memref_slice %arg9[%and3A_953, %dma_start3A_1042, %dma_start3A_1043] : memref<2x32x128xi32, #tpu.memory_space<vmem>> -> memref<1x32x128xi32, #tpu.memory_space<vmem>>
        %dma_start3A_1045 = tpu.memref_squeeze %dma_start3A_1044 : memref<1x32x128xi32, #tpu.memory_space<vmem>> -> memref<32x128xi32, #tpu.memory_space<vmem>>
        %dma_start3A_1046 = arith.constant 0 : i32
        %dma_start3A_1047 = tpu.memref_slice %dma_start3A_1045[%dma_start3A_1041, %dma_start3A_1046] : memref<32x128xi32, #tpu.memory_space<vmem>> -> memref<1x128xi32, #tpu.memory_space<vmem>>
        %dma_start3A_1048 = tpu.memref_squeeze %dma_start3A_1047 : memref<1x128xi32, #tpu.memory_space<vmem>> -> memref<128xi32, #tpu.memory_space<vmem>>
        %dma_start3A_1049 = arith.constant 0 : i32
        %dma_start3A_1050 = tpu.memref_slice %arg12[%dma_start3A_1049] : memref<1052672xf32, #tpu.memory_space<vmem_shared>> -> memref<1052672xf32, #tpu.memory_space<vmem_shared>>
        tpu.enqueue_indirect_dma source(%arg10 : memref<128xf32, #tpu.memory_space<vmem>>) target(%dma_start3A_1050 : memref<1052672xf32, #tpu.memory_space<vmem_shared>>) offsets(%dma_start3A_1048 : memref<128xi32, #tpu.memory_space<vmem>>) semaphore(%arg14 : memref<!tpu.dma_semaphore, #tpu.memory_space<semaphore_mem>>)
        %dma_start3A_1051 = arith.constant 5 : i32
        %dma_start3A_1052 = arith.constant 0 : i32
        %dma_start3A_1053 = arith.constant 0 : i32
        %dma_start3A_1054 = tpu.memref_slice %arg9[%and3A_953, %dma_start3A_1052, %dma_start3A_1053] : memref<2x32x128xi32, #tpu.memory_space<vmem>> -> memref<1x32x128xi32, #tpu.memory_space<vmem>>
        %dma_start3A_1055 = tpu.memref_squeeze %dma_start3A_1054 : memref<1x32x128xi32, #tpu.memory_space<vmem>> -> memref<32x128xi32, #tpu.memory_space<vmem>>
        %dma_start3A_1056 = arith.constant 0 : i32
        %dma_start3A_1057 = tpu.memref_slice %dma_start3A_1055[%dma_start3A_1051, %dma_start3A_1056] : memref<32x128xi32, #tpu.memory_space<vmem>> -> memref<1x128xi32, #tpu.memory_space<vmem>>
        %dma_start3A_1058 = tpu.memref_squeeze %dma_start3A_1057 : memref<1x128xi32, #tpu.memory_space<vmem>> -> memref<128xi32, #tpu.memory_space<vmem>>
        %dma_start3A_1059 = arith.constant 0 : i32
        %dma_start3A_1060 = tpu.memref_slice %arg12[%dma_start3A_1059] : memref<1052672xf32, #tpu.memory_space<vmem_shared>> -> memref<1052672xf32, #tpu.memory_space<vmem_shared>>
        tpu.enqueue_indirect_dma source(%arg10 : memref<128xf32, #tpu.memory_space<vmem>>) target(%dma_start3A_1060 : memref<1052672xf32, #tpu.memory_space<vmem_shared>>) offsets(%dma_start3A_1058 : memref<128xi32, #tpu.memory_space<vmem>>) semaphore(%arg14 : memref<!tpu.dma_semaphore, #tpu.memory_space<semaphore_mem>>)
        %dma_start3A_1061 = arith.constant 6 : i32
        %dma_start3A_1062 = arith.constant 0 : i32
        %dma_start3A_1063 = arith.constant 0 : i32
        %dma_start3A_1064 = tpu.memref_slice %arg9[%and3A_953, %dma_start3A_1062, %dma_start3A_1063] : memref<2x32x128xi32, #tpu.memory_space<vmem>> -> memref<1x32x128xi32, #tpu.memory_space<vmem>>
        %dma_start3A_1065 = tpu.memref_squeeze %dma_start3A_1064 : memref<1x32x128xi32, #tpu.memory_space<vmem>> -> memref<32x128xi32, #tpu.memory_space<vmem>>
        %dma_start3A_1066 = arith.constant 0 : i32
        %dma_start3A_1067 = tpu.memref_slice %dma_start3A_1065[%dma_start3A_1061, %dma_start3A_1066] : memref<32x128xi32, #tpu.memory_space<vmem>> -> memref<1x128xi32, #tpu.memory_space<vmem>>
        %dma_start3A_1068 = tpu.memref_squeeze %dma_start3A_1067 : memref<1x128xi32, #tpu.memory_space<vmem>> -> memref<128xi32, #tpu.memory_space<vmem>>
        %dma_start3A_1069 = arith.constant 0 : i32
        %dma_start3A_1070 = tpu.memref_slice %arg12[%dma_start3A_1069] : memref<1052672xf32, #tpu.memory_space<vmem_shared>> -> memref<1052672xf32, #tpu.memory_space<vmem_shared>>
        tpu.enqueue_indirect_dma source(%arg10 : memref<128xf32, #tpu.memory_space<vmem>>) target(%dma_start3A_1070 : memref<1052672xf32, #tpu.memory_space<vmem_shared>>) offsets(%dma_start3A_1068 : memref<128xi32, #tpu.memory_space<vmem>>) semaphore(%arg14 : memref<!tpu.dma_semaphore, #tpu.memory_space<semaphore_mem>>)
        %dma_start3A_1071 = arith.constant 7 : i32
        %dma_start3A_1072 = arith.constant 0 : i32
        %dma_start3A_1073 = arith.constant 0 : i32
        %dma_start3A_1074 = tpu.memref_slice %arg9[%and3A_953, %dma_start3A_1072, %dma_start3A_1073] : memref<2x32x128xi32, #tpu.memory_space<vmem>> -> memref<1x32x128xi32, #tpu.memory_space<vmem>>
        %dma_start3A_1075 = tpu.memref_squeeze %dma_start3A_1074 : memref<1x32x128xi32, #tpu.memory_space<vmem>> -> memref<32x128xi32, #tpu.memory_space<vmem>>
        %dma_start3A_1076 = arith.constant 0 : i32
        %dma_start3A_1077 = tpu.memref_slice %dma_start3A_1075[%dma_start3A_1071, %dma_start3A_1076] : memref<32x128xi32, #tpu.memory_space<vmem>> -> memref<1x128xi32, #tpu.memory_space<vmem>>
        %dma_start3A_1078 = tpu.memref_squeeze %dma_start3A_1077 : memref<1x128xi32, #tpu.memory_space<vmem>> -> memref<128xi32, #tpu.memory_space<vmem>>
        %dma_start3A_1079 = arith.constant 0 : i32
        %dma_start3A_1080 = tpu.memref_slice %arg12[%dma_start3A_1079] : memref<1052672xf32, #tpu.memory_space<vmem_shared>> -> memref<1052672xf32, #tpu.memory_space<vmem_shared>>
        tpu.enqueue_indirect_dma source(%arg10 : memref<128xf32, #tpu.memory_space<vmem>>) target(%dma_start3A_1080 : memref<1052672xf32, #tpu.memory_space<vmem_shared>>) offsets(%dma_start3A_1078 : memref<128xi32, #tpu.memory_space<vmem>>) semaphore(%arg14 : memref<!tpu.dma_semaphore, #tpu.memory_space<semaphore_mem>>)
        %dma_start3A_1081 = arith.constant 8 : i32
        %dma_start3A_1082 = arith.constant 0 : i32
        %dma_start3A_1083 = arith.constant 0 : i32
        %dma_start3A_1084 = tpu.memref_slice %arg9[%and3A_953, %dma_start3A_1082, %dma_start3A_1083] : memref<2x32x128xi32, #tpu.memory_space<vmem>> -> memref<1x32x128xi32, #tpu.memory_space<vmem>>
        %dma_start3A_1085 = tpu.memref_squeeze %dma_start3A_1084 : memref<1x32x128xi32, #tpu.memory_space<vmem>> -> memref<32x128xi32, #tpu.memory_space<vmem>>
        %dma_start3A_1086 = arith.constant 0 : i32
        %dma_start3A_1087 = tpu.memref_slice %dma_start3A_1085[%dma_start3A_1081, %dma_start3A_1086] : memref<32x128xi32, #tpu.memory_space<vmem>> -> memref<1x128xi32, #tpu.memory_space<vmem>>
        %dma_start3A_1088 = tpu.memref_squeeze %dma_start3A_1087 : memref<1x128xi32, #tpu.memory_space<vmem>> -> memref<128xi32, #tpu.memory_space<vmem>>
        %dma_start3A_1089 = arith.constant 0 : i32
        %dma_start3A_1090 = tpu.memref_slice %arg12[%dma_start3A_1089] : memref<1052672xf32, #tpu.memory_space<vmem_shared>> -> memref<1052672xf32, #tpu.memory_space<vmem_shared>>
        tpu.enqueue_indirect_dma source(%arg10 : memref<128xf32, #tpu.memory_space<vmem>>) target(%dma_start3A_1090 : memref<1052672xf32, #tpu.memory_space<vmem_shared>>) offsets(%dma_start3A_1088 : memref<128xi32, #tpu.memory_space<vmem>>) semaphore(%arg14 : memref<!tpu.dma_semaphore, #tpu.memory_space<semaphore_mem>>)
        %dma_start3A_1091 = arith.constant 9 : i32
        %dma_start3A_1092 = arith.constant 0 : i32
        %dma_start3A_1093 = arith.constant 0 : i32
        %dma_start3A_1094 = tpu.memref_slice %arg9[%and3A_953, %dma_start3A_1092, %dma_start3A_1093] : memref<2x32x128xi32, #tpu.memory_space<vmem>> -> memref<1x32x128xi32, #tpu.memory_space<vmem>>
        %dma_start3A_1095 = tpu.memref_squeeze %dma_start3A_1094 : memref<1x32x128xi32, #tpu.memory_space<vmem>> -> memref<32x128xi32, #tpu.memory_space<vmem>>
        %dma_start3A_1096 = arith.constant 0 : i32
        %dma_start3A_1097 = tpu.memref_slice %dma_start3A_1095[%dma_start3A_1091, %dma_start3A_1096] : memref<32x128xi32, #tpu.memory_space<vmem>> -> memref<1x128xi32, #tpu.memory_space<vmem>>
        %dma_start3A_1098 = tpu.memref_squeeze %dma_start3A_1097 : memref<1x128xi32, #tpu.memory_space<vmem>> -> memref<128xi32, #tpu.memory_space<vmem>>
        %dma_start3A_1099 = arith.constant 0 : i32
        %dma_start3A_1100 = tpu.memref_slice %arg12[%dma_start3A_1099] : memref<1052672xf32, #tpu.memory_space<vmem_shared>> -> memref<1052672xf32, #tpu.memory_space<vmem_shared>>
        tpu.enqueue_indirect_dma source(%arg10 : memref<128xf32, #tpu.memory_space<vmem>>) target(%dma_start3A_1100 : memref<1052672xf32, #tpu.memory_space<vmem_shared>>) offsets(%dma_start3A_1098 : memref<128xi32, #tpu.memory_space<vmem>>) semaphore(%arg14 : memref<!tpu.dma_semaphore, #tpu.memory_space<semaphore_mem>>)
        %dma_start3A_1101 = arith.constant 10 : i32
        %dma_start3A_1102 = arith.constant 0 : i32
        %dma_start3A_1103 = arith.constant 0 : i32
        %dma_start3A_1104 = tpu.memref_slice %arg9[%and3A_953, %dma_start3A_1102, %dma_start3A_1103] : memref<2x32x128xi32, #tpu.memory_space<vmem>> -> memref<1x32x128xi32, #tpu.memory_space<vmem>>
        %dma_start3A_1105 = tpu.memref_squeeze %dma_start3A_1104 : memref<1x32x128xi32, #tpu.memory_space<vmem>> -> memref<32x128xi32, #tpu.memory_space<vmem>>
        %dma_start3A_1106 = arith.constant 0 : i32
        %dma_start3A_1107 = tpu.memref_slice %dma_start3A_1105[%dma_start3A_1101, %dma_start3A_1106] : memref<32x128xi32, #tpu.memory_space<vmem>> -> memref<1x128xi32, #tpu.memory_space<vmem>>
        %dma_start3A_1108 = tpu.memref_squeeze %dma_start3A_1107 : memref<1x128xi32, #tpu.memory_space<vmem>> -> memref<128xi32, #tpu.memory_space<vmem>>
        %dma_start3A_1109 = arith.constant 0 : i32
        %dma_start3A_1110 = tpu.memref_slice %arg12[%dma_start3A_1109] : memref<1052672xf32, #tpu.memory_space<vmem_shared>> -> memref<1052672xf32, #tpu.memory_space<vmem_shared>>
        tpu.enqueue_indirect_dma source(%arg10 : memref<128xf32, #tpu.memory_space<vmem>>) target(%dma_start3A_1110 : memref<1052672xf32, #tpu.memory_space<vmem_shared>>) offsets(%dma_start3A_1108 : memref<128xi32, #tpu.memory_space<vmem>>) semaphore(%arg14 : memref<!tpu.dma_semaphore, #tpu.memory_space<semaphore_mem>>)
        %dma_start3A_1111 = arith.constant 11 : i32
        %dma_start3A_1112 = arith.constant 0 : i32
        %dma_start3A_1113 = arith.constant 0 : i32
        %dma_start3A_1114 = tpu.memref_slice %arg9[%and3A_953, %dma_start3A_1112, %dma_start3A_1113] : memref<2x32x128xi32, #tpu.memory_space<vmem>> -> memref<1x32x128xi32, #tpu.memory_space<vmem>>
        %dma_start3A_1115 = tpu.memref_squeeze %dma_start3A_1114 : memref<1x32x128xi32, #tpu.memory_space<vmem>> -> memref<32x128xi32, #tpu.memory_space<vmem>>
        %dma_start3A_1116 = arith.constant 0 : i32
        %dma_start3A_1117 = tpu.memref_slice %dma_start3A_1115[%dma_start3A_1111, %dma_start3A_1116] : memref<32x128xi32, #tpu.memory_space<vmem>> -> memref<1x128xi32, #tpu.memory_space<vmem>>
        %dma_start3A_1118 = tpu.memref_squeeze %dma_start3A_1117 : memref<1x128xi32, #tpu.memory_space<vmem>> -> memref<128xi32, #tpu.memory_space<vmem>>
        %dma_start3A_1119 = arith.constant 0 : i32
        %dma_start3A_1120 = tpu.memref_slice %arg12[%dma_start3A_1119] : memref<1052672xf32, #tpu.memory_space<vmem_shared>> -> memref<1052672xf32, #tpu.memory_space<vmem_shared>>
        tpu.enqueue_indirect_dma source(%arg10 : memref<128xf32, #tpu.memory_space<vmem>>) target(%dma_start3A_1120 : memref<1052672xf32, #tpu.memory_space<vmem_shared>>) offsets(%dma_start3A_1118 : memref<128xi32, #tpu.memory_space<vmem>>) semaphore(%arg14 : memref<!tpu.dma_semaphore, #tpu.memory_space<semaphore_mem>>)
        %dma_start3A_1121 = arith.constant 12 : i32
        %dma_start3A_1122 = arith.constant 0 : i32
        %dma_start3A_1123 = arith.constant 0 : i32
        %dma_start3A_1124 = tpu.memref_slice %arg9[%and3A_953, %dma_start3A_1122, %dma_start3A_1123] : memref<2x32x128xi32, #tpu.memory_space<vmem>> -> memref<1x32x128xi32, #tpu.memory_space<vmem>>
        %dma_start3A_1125 = tpu.memref_squeeze %dma_start3A_1124 : memref<1x32x128xi32, #tpu.memory_space<vmem>> -> memref<32x128xi32, #tpu.memory_space<vmem>>
        %dma_start3A_1126 = arith.constant 0 : i32
        %dma_start3A_1127 = tpu.memref_slice %dma_start3A_1125[%dma_start3A_1121, %dma_start3A_1126] : memref<32x128xi32, #tpu.memory_space<vmem>> -> memref<1x128xi32, #tpu.memory_space<vmem>>
        %dma_start3A_1128 = tpu.memref_squeeze %dma_start3A_1127 : memref<1x128xi32, #tpu.memory_space<vmem>> -> memref<128xi32, #tpu.memory_space<vmem>>
        %dma_start3A_1129 = arith.constant 0 : i32
        %dma_start3A_1130 = tpu.memref_slice %arg12[%dma_start3A_1129] : memref<1052672xf32, #tpu.memory_space<vmem_shared>> -> memref<1052672xf32, #tpu.memory_space<vmem_shared>>
        tpu.enqueue_indirect_dma source(%arg10 : memref<128xf32, #tpu.memory_space<vmem>>) target(%dma_start3A_1130 : memref<1052672xf32, #tpu.memory_space<vmem_shared>>) offsets(%dma_start3A_1128 : memref<128xi32, #tpu.memory_space<vmem>>) semaphore(%arg14 : memref<!tpu.dma_semaphore, #tpu.memory_space<semaphore_mem>>)
        %dma_start3A_1131 = arith.constant 13 : i32
        %dma_start3A_1132 = arith.constant 0 : i32
        %dma_start3A_1133 = arith.constant 0 : i32
        %dma_start3A_1134 = tpu.memref_slice %arg9[%and3A_953, %dma_start3A_1132, %dma_start3A_1133] : memref<2x32x128xi32, #tpu.memory_space<vmem>> -> memref<1x32x128xi32, #tpu.memory_space<vmem>>
        %dma_start3A_1135 = tpu.memref_squeeze %dma_start3A_1134 : memref<1x32x128xi32, #tpu.memory_space<vmem>> -> memref<32x128xi32, #tpu.memory_space<vmem>>
        %dma_start3A_1136 = arith.constant 0 : i32
        %dma_start3A_1137 = tpu.memref_slice %dma_start3A_1135[%dma_start3A_1131, %dma_start3A_1136] : memref<32x128xi32, #tpu.memory_space<vmem>> -> memref<1x128xi32, #tpu.memory_space<vmem>>
        %dma_start3A_1138 = tpu.memref_squeeze %dma_start3A_1137 : memref<1x128xi32, #tpu.memory_space<vmem>> -> memref<128xi32, #tpu.memory_space<vmem>>
        %dma_start3A_1139 = arith.constant 0 : i32
        %dma_start3A_1140 = tpu.memref_slice %arg12[%dma_start3A_1139] : memref<1052672xf32, #tpu.memory_space<vmem_shared>> -> memref<1052672xf32, #tpu.memory_space<vmem_shared>>
        tpu.enqueue_indirect_dma source(%arg10 : memref<128xf32, #tpu.memory_space<vmem>>) target(%dma_start3A_1140 : memref<1052672xf32, #tpu.memory_space<vmem_shared>>) offsets(%dma_start3A_1138 : memref<128xi32, #tpu.memory_space<vmem>>) semaphore(%arg14 : memref<!tpu.dma_semaphore, #tpu.memory_space<semaphore_mem>>)
        %dma_start3A_1141 = arith.constant 14 : i32
        %dma_start3A_1142 = arith.constant 0 : i32
        %dma_start3A_1143 = arith.constant 0 : i32
        %dma_start3A_1144 = tpu.memref_slice %arg9[%and3A_953, %dma_start3A_1142, %dma_start3A_1143] : memref<2x32x128xi32, #tpu.memory_space<vmem>> -> memref<1x32x128xi32, #tpu.memory_space<vmem>>
        %dma_start3A_1145 = tpu.memref_squeeze %dma_start3A_1144 : memref<1x32x128xi32, #tpu.memory_space<vmem>> -> memref<32x128xi32, #tpu.memory_space<vmem>>
        %dma_start3A_1146 = arith.constant 0 : i32
        %dma_start3A_1147 = tpu.memref_slice %dma_start3A_1145[%dma_start3A_1141, %dma_start3A_1146] : memref<32x128xi32, #tpu.memory_space<vmem>> -> memref<1x128xi32, #tpu.memory_space<vmem>>
        %dma_start3A_1148 = tpu.memref_squeeze %dma_start3A_1147 : memref<1x128xi32, #tpu.memory_space<vmem>> -> memref<128xi32, #tpu.memory_space<vmem>>
        %dma_start3A_1149 = arith.constant 0 : i32
        %dma_start3A_1150 = tpu.memref_slice %arg12[%dma_start3A_1149] : memref<1052672xf32, #tpu.memory_space<vmem_shared>> -> memref<1052672xf32, #tpu.memory_space<vmem_shared>>
        tpu.enqueue_indirect_dma source(%arg10 : memref<128xf32, #tpu.memory_space<vmem>>) target(%dma_start3A_1150 : memref<1052672xf32, #tpu.memory_space<vmem_shared>>) offsets(%dma_start3A_1148 : memref<128xi32, #tpu.memory_space<vmem>>) semaphore(%arg14 : memref<!tpu.dma_semaphore, #tpu.memory_space<semaphore_mem>>)
        %dma_start3A_1151 = arith.constant 15 : i32
        %dma_start3A_1152 = arith.constant 0 : i32
        %dma_start3A_1153 = arith.constant 0 : i32
        %dma_start3A_1154 = tpu.memref_slice %arg9[%and3A_953, %dma_start3A_1152, %dma_start3A_1153] : memref<2x32x128xi32, #tpu.memory_space<vmem>> -> memref<1x32x128xi32, #tpu.memory_space<vmem>>
        %dma_start3A_1155 = tpu.memref_squeeze %dma_start3A_1154 : memref<1x32x128xi32, #tpu.memory_space<vmem>> -> memref<32x128xi32, #tpu.memory_space<vmem>>
        %dma_start3A_1156 = arith.constant 0 : i32
        %dma_start3A_1157 = tpu.memref_slice %dma_start3A_1155[%dma_start3A_1151, %dma_start3A_1156] : memref<32x128xi32, #tpu.memory_space<vmem>> -> memref<1x128xi32, #tpu.memory_space<vmem>>
        %dma_start3A_1158 = tpu.memref_squeeze %dma_start3A_1157 : memref<1x128xi32, #tpu.memory_space<vmem>> -> memref<128xi32, #tpu.memory_space<vmem>>
        %dma_start3A_1159 = arith.constant 0 : i32
        %dma_start3A_1160 = tpu.memref_slice %arg12[%dma_start3A_1159] : memref<1052672xf32, #tpu.memory_space<vmem_shared>> -> memref<1052672xf32, #tpu.memory_space<vmem_shared>>
        tpu.enqueue_indirect_dma source(%arg10 : memref<128xf32, #tpu.memory_space<vmem>>) target(%dma_start3A_1160 : memref<1052672xf32, #tpu.memory_space<vmem_shared>>) offsets(%dma_start3A_1158 : memref<128xi32, #tpu.memory_space<vmem>>) semaphore(%arg14 : memref<!tpu.dma_semaphore, #tpu.memory_space<semaphore_mem>>)
        %dma_start3A_1161 = arith.constant 16 : i32
        %dma_start3A_1162 = arith.constant 0 : i32
        %dma_start3A_1163 = arith.constant 0 : i32
        %dma_start3A_1164 = tpu.memref_slice %arg9[%and3A_953, %dma_start3A_1162, %dma_start3A_1163] : memref<2x32x128xi32, #tpu.memory_space<vmem>> -> memref<1x32x128xi32, #tpu.memory_space<vmem>>
        %dma_start3A_1165 = tpu.memref_squeeze %dma_start3A_1164 : memref<1x32x128xi32, #tpu.memory_space<vmem>> -> memref<32x128xi32, #tpu.memory_space<vmem>>
        %dma_start3A_1166 = arith.constant 0 : i32
        %dma_start3A_1167 = tpu.memref_slice %dma_start3A_1165[%dma_start3A_1161, %dma_start3A_1166] : memref<32x128xi32, #tpu.memory_space<vmem>> -> memref<1x128xi32, #tpu.memory_space<vmem>>
        %dma_start3A_1168 = tpu.memref_squeeze %dma_start3A_1167 : memref<1x128xi32, #tpu.memory_space<vmem>> -> memref<128xi32, #tpu.memory_space<vmem>>
        %dma_start3A_1169 = arith.constant 0 : i32
        %dma_start3A_1170 = tpu.memref_slice %arg12[%dma_start3A_1169] : memref<1052672xf32, #tpu.memory_space<vmem_shared>> -> memref<1052672xf32, #tpu.memory_space<vmem_shared>>
        tpu.enqueue_indirect_dma source(%arg10 : memref<128xf32, #tpu.memory_space<vmem>>) target(%dma_start3A_1170 : memref<1052672xf32, #tpu.memory_space<vmem_shared>>) offsets(%dma_start3A_1168 : memref<128xi32, #tpu.memory_space<vmem>>) semaphore(%arg14 : memref<!tpu.dma_semaphore, #tpu.memory_space<semaphore_mem>>)
        %dma_start3A_1171 = arith.constant 17 : i32
        %dma_start3A_1172 = arith.constant 0 : i32
        %dma_start3A_1173 = arith.constant 0 : i32
        %dma_start3A_1174 = tpu.memref_slice %arg9[%and3A_953, %dma_start3A_1172, %dma_start3A_1173] : memref<2x32x128xi32, #tpu.memory_space<vmem>> -> memref<1x32x128xi32, #tpu.memory_space<vmem>>
        %dma_start3A_1175 = tpu.memref_squeeze %dma_start3A_1174 : memref<1x32x128xi32, #tpu.memory_space<vmem>> -> memref<32x128xi32, #tpu.memory_space<vmem>>
        %dma_start3A_1176 = arith.constant 0 : i32
        %dma_start3A_1177 = tpu.memref_slice %dma_start3A_1175[%dma_start3A_1171, %dma_start3A_1176] : memref<32x128xi32, #tpu.memory_space<vmem>> -> memref<1x128xi32, #tpu.memory_space<vmem>>
        %dma_start3A_1178 = tpu.memref_squeeze %dma_start3A_1177 : memref<1x128xi32, #tpu.memory_space<vmem>> -> memref<128xi32, #tpu.memory_space<vmem>>
        %dma_start3A_1179 = arith.constant 0 : i32
        %dma_start3A_1180 = tpu.memref_slice %arg12[%dma_start3A_1179] : memref<1052672xf32, #tpu.memory_space<vmem_shared>> -> memref<1052672xf32, #tpu.memory_space<vmem_shared>>
        tpu.enqueue_indirect_dma source(%arg10 : memref<128xf32, #tpu.memory_space<vmem>>) target(%dma_start3A_1180 : memref<1052672xf32, #tpu.memory_space<vmem_shared>>) offsets(%dma_start3A_1178 : memref<128xi32, #tpu.memory_space<vmem>>) semaphore(%arg14 : memref<!tpu.dma_semaphore, #tpu.memory_space<semaphore_mem>>)
        %dma_start3A_1181 = arith.constant 18 : i32
        %dma_start3A_1182 = arith.constant 0 : i32
        %dma_start3A_1183 = arith.constant 0 : i32
        %dma_start3A_1184 = tpu.memref_slice %arg9[%and3A_953, %dma_start3A_1182, %dma_start3A_1183] : memref<2x32x128xi32, #tpu.memory_space<vmem>> -> memref<1x32x128xi32, #tpu.memory_space<vmem>>
        %dma_start3A_1185 = tpu.memref_squeeze %dma_start3A_1184 : memref<1x32x128xi32, #tpu.memory_space<vmem>> -> memref<32x128xi32, #tpu.memory_space<vmem>>
        %dma_start3A_1186 = arith.constant 0 : i32
        %dma_start3A_1187 = tpu.memref_slice %dma_start3A_1185[%dma_start3A_1181, %dma_start3A_1186] : memref<32x128xi32, #tpu.memory_space<vmem>> -> memref<1x128xi32, #tpu.memory_space<vmem>>
        %dma_start3A_1188 = tpu.memref_squeeze %dma_start3A_1187 : memref<1x128xi32, #tpu.memory_space<vmem>> -> memref<128xi32, #tpu.memory_space<vmem>>
        %dma_start3A_1189 = arith.constant 0 : i32
        %dma_start3A_1190 = tpu.memref_slice %arg12[%dma_start3A_1189] : memref<1052672xf32, #tpu.memory_space<vmem_shared>> -> memref<1052672xf32, #tpu.memory_space<vmem_shared>>
        tpu.enqueue_indirect_dma source(%arg10 : memref<128xf32, #tpu.memory_space<vmem>>) target(%dma_start3A_1190 : memref<1052672xf32, #tpu.memory_space<vmem_shared>>) offsets(%dma_start3A_1188 : memref<128xi32, #tpu.memory_space<vmem>>) semaphore(%arg14 : memref<!tpu.dma_semaphore, #tpu.memory_space<semaphore_mem>>)
        %dma_start3A_1191 = arith.constant 19 : i32
        %dma_start3A_1192 = arith.constant 0 : i32
        %dma_start3A_1193 = arith.constant 0 : i32
        %dma_start3A_1194 = tpu.memref_slice %arg9[%and3A_953, %dma_start3A_1192, %dma_start3A_1193] : memref<2x32x128xi32, #tpu.memory_space<vmem>> -> memref<1x32x128xi32, #tpu.memory_space<vmem>>
        %dma_start3A_1195 = tpu.memref_squeeze %dma_start3A_1194 : memref<1x32x128xi32, #tpu.memory_space<vmem>> -> memref<32x128xi32, #tpu.memory_space<vmem>>
        %dma_start3A_1196 = arith.constant 0 : i32
        %dma_start3A_1197 = tpu.memref_slice %dma_start3A_1195[%dma_start3A_1191, %dma_start3A_1196] : memref<32x128xi32, #tpu.memory_space<vmem>> -> memref<1x128xi32, #tpu.memory_space<vmem>>
        %dma_start3A_1198 = tpu.memref_squeeze %dma_start3A_1197 : memref<1x128xi32, #tpu.memory_space<vmem>> -> memref<128xi32, #tpu.memory_space<vmem>>
        %dma_start3A_1199 = arith.constant 0 : i32
        %dma_start3A_1200 = tpu.memref_slice %arg12[%dma_start3A_1199] : memref<1052672xf32, #tpu.memory_space<vmem_shared>> -> memref<1052672xf32, #tpu.memory_space<vmem_shared>>
        tpu.enqueue_indirect_dma source(%arg10 : memref<128xf32, #tpu.memory_space<vmem>>) target(%dma_start3A_1200 : memref<1052672xf32, #tpu.memory_space<vmem_shared>>) offsets(%dma_start3A_1198 : memref<128xi32, #tpu.memory_space<vmem>>) semaphore(%arg14 : memref<!tpu.dma_semaphore, #tpu.memory_space<semaphore_mem>>)
        %dma_start3A_1201 = arith.constant 20 : i32
        %dma_start3A_1202 = arith.constant 0 : i32
        %dma_start3A_1203 = arith.constant 0 : i32
        %dma_start3A_1204 = tpu.memref_slice %arg9[%and3A_953, %dma_start3A_1202, %dma_start3A_1203] : memref<2x32x128xi32, #tpu.memory_space<vmem>> -> memref<1x32x128xi32, #tpu.memory_space<vmem>>
        %dma_start3A_1205 = tpu.memref_squeeze %dma_start3A_1204 : memref<1x32x128xi32, #tpu.memory_space<vmem>> -> memref<32x128xi32, #tpu.memory_space<vmem>>
        %dma_start3A_1206 = arith.constant 0 : i32
        %dma_start3A_1207 = tpu.memref_slice %dma_start3A_1205[%dma_start3A_1201, %dma_start3A_1206] : memref<32x128xi32, #tpu.memory_space<vmem>> -> memref<1x128xi32, #tpu.memory_space<vmem>>
        %dma_start3A_1208 = tpu.memref_squeeze %dma_start3A_1207 : memref<1x128xi32, #tpu.memory_space<vmem>> -> memref<128xi32, #tpu.memory_space<vmem>>
        %dma_start3A_1209 = arith.constant 0 : i32
        %dma_start3A_1210 = tpu.memref_slice %arg12[%dma_start3A_1209] : memref<1052672xf32, #tpu.memory_space<vmem_shared>> -> memref<1052672xf32, #tpu.memory_space<vmem_shared>>
        tpu.enqueue_indirect_dma source(%arg10 : memref<128xf32, #tpu.memory_space<vmem>>) target(%dma_start3A_1210 : memref<1052672xf32, #tpu.memory_space<vmem_shared>>) offsets(%dma_start3A_1208 : memref<128xi32, #tpu.memory_space<vmem>>) semaphore(%arg14 : memref<!tpu.dma_semaphore, #tpu.memory_space<semaphore_mem>>)
        %dma_start3A_1211 = arith.constant 21 : i32
        %dma_start3A_1212 = arith.constant 0 : i32
        %dma_start3A_1213 = arith.constant 0 : i32
        %dma_start3A_1214 = tpu.memref_slice %arg9[%and3A_953, %dma_start3A_1212, %dma_start3A_1213] : memref<2x32x128xi32, #tpu.memory_space<vmem>> -> memref<1x32x128xi32, #tpu.memory_space<vmem>>
        %dma_start3A_1215 = tpu.memref_squeeze %dma_start3A_1214 : memref<1x32x128xi32, #tpu.memory_space<vmem>> -> memref<32x128xi32, #tpu.memory_space<vmem>>
        %dma_start3A_1216 = arith.constant 0 : i32
        %dma_start3A_1217 = tpu.memref_slice %dma_start3A_1215[%dma_start3A_1211, %dma_start3A_1216] : memref<32x128xi32, #tpu.memory_space<vmem>> -> memref<1x128xi32, #tpu.memory_space<vmem>>
        %dma_start3A_1218 = tpu.memref_squeeze %dma_start3A_1217 : memref<1x128xi32, #tpu.memory_space<vmem>> -> memref<128xi32, #tpu.memory_space<vmem>>
        %dma_start3A_1219 = arith.constant 0 : i32
        %dma_start3A_1220 = tpu.memref_slice %arg12[%dma_start3A_1219] : memref<1052672xf32, #tpu.memory_space<vmem_shared>> -> memref<1052672xf32, #tpu.memory_space<vmem_shared>>
        tpu.enqueue_indirect_dma source(%arg10 : memref<128xf32, #tpu.memory_space<vmem>>) target(%dma_start3A_1220 : memref<1052672xf32, #tpu.memory_space<vmem_shared>>) offsets(%dma_start3A_1218 : memref<128xi32, #tpu.memory_space<vmem>>) semaphore(%arg14 : memref<!tpu.dma_semaphore, #tpu.memory_space<semaphore_mem>>)
        %dma_start3A_1221 = arith.constant 22 : i32
        %dma_start3A_1222 = arith.constant 0 : i32
        %dma_start3A_1223 = arith.constant 0 : i32
        %dma_start3A_1224 = tpu.memref_slice %arg9[%and3A_953, %dma_start3A_1222, %dma_start3A_1223] : memref<2x32x128xi32, #tpu.memory_space<vmem>> -> memref<1x32x128xi32, #tpu.memory_space<vmem>>
        %dma_start3A_1225 = tpu.memref_squeeze %dma_start3A_1224 : memref<1x32x128xi32, #tpu.memory_space<vmem>> -> memref<32x128xi32, #tpu.memory_space<vmem>>
        %dma_start3A_1226 = arith.constant 0 : i32
        %dma_start3A_1227 = tpu.memref_slice %dma_start3A_1225[%dma_start3A_1221, %dma_start3A_1226] : memref<32x128xi32, #tpu.memory_space<vmem>> -> memref<1x128xi32, #tpu.memory_space<vmem>>
        %dma_start3A_1228 = tpu.memref_squeeze %dma_start3A_1227 : memref<1x128xi32, #tpu.memory_space<vmem>> -> memref<128xi32, #tpu.memory_space<vmem>>
        %dma_start3A_1229 = arith.constant 0 : i32
        %dma_start3A_1230 = tpu.memref_slice %arg12[%dma_start3A_1229] : memref<1052672xf32, #tpu.memory_space<vmem_shared>> -> memref<1052672xf32, #tpu.memory_space<vmem_shared>>
        tpu.enqueue_indirect_dma source(%arg10 : memref<128xf32, #tpu.memory_space<vmem>>) target(%dma_start3A_1230 : memref<1052672xf32, #tpu.memory_space<vmem_shared>>) offsets(%dma_start3A_1228 : memref<128xi32, #tpu.memory_space<vmem>>) semaphore(%arg14 : memref<!tpu.dma_semaphore, #tpu.memory_space<semaphore_mem>>)
        %dma_start3A_1231 = arith.constant 23 : i32
        %dma_start3A_1232 = arith.constant 0 : i32
        %dma_start3A_1233 = arith.constant 0 : i32
        %dma_start3A_1234 = tpu.memref_slice %arg9[%and3A_953, %dma_start3A_1232, %dma_start3A_1233] : memref<2x32x128xi32, #tpu.memory_space<vmem>> -> memref<1x32x128xi32, #tpu.memory_space<vmem>>
        %dma_start3A_1235 = tpu.memref_squeeze %dma_start3A_1234 : memref<1x32x128xi32, #tpu.memory_space<vmem>> -> memref<32x128xi32, #tpu.memory_space<vmem>>
        %dma_start3A_1236 = arith.constant 0 : i32
        %dma_start3A_1237 = tpu.memref_slice %dma_start3A_1235[%dma_start3A_1231, %dma_start3A_1236] : memref<32x128xi32, #tpu.memory_space<vmem>> -> memref<1x128xi32, #tpu.memory_space<vmem>>
        %dma_start3A_1238 = tpu.memref_squeeze %dma_start3A_1237 : memref<1x128xi32, #tpu.memory_space<vmem>> -> memref<128xi32, #tpu.memory_space<vmem>>
        %dma_start3A_1239 = arith.constant 0 : i32
        %dma_start3A_1240 = tpu.memref_slice %arg12[%dma_start3A_1239] : memref<1052672xf32, #tpu.memory_space<vmem_shared>> -> memref<1052672xf32, #tpu.memory_space<vmem_shared>>
        tpu.enqueue_indirect_dma source(%arg10 : memref<128xf32, #tpu.memory_space<vmem>>) target(%dma_start3A_1240 : memref<1052672xf32, #tpu.memory_space<vmem_shared>>) offsets(%dma_start3A_1238 : memref<128xi32, #tpu.memory_space<vmem>>) semaphore(%arg14 : memref<!tpu.dma_semaphore, #tpu.memory_space<semaphore_mem>>)
        %dma_start3A_1241 = arith.constant 24 : i32
        %dma_start3A_1242 = arith.constant 0 : i32
        %dma_start3A_1243 = arith.constant 0 : i32
        %dma_start3A_1244 = tpu.memref_slice %arg9[%and3A_953, %dma_start3A_1242, %dma_start3A_1243] : memref<2x32x128xi32, #tpu.memory_space<vmem>> -> memref<1x32x128xi32, #tpu.memory_space<vmem>>
        %dma_start3A_1245 = tpu.memref_squeeze %dma_start3A_1244 : memref<1x32x128xi32, #tpu.memory_space<vmem>> -> memref<32x128xi32, #tpu.memory_space<vmem>>
        %dma_start3A_1246 = arith.constant 0 : i32
        %dma_start3A_1247 = tpu.memref_slice %dma_start3A_1245[%dma_start3A_1241, %dma_start3A_1246] : memref<32x128xi32, #tpu.memory_space<vmem>> -> memref<1x128xi32, #tpu.memory_space<vmem>>
        %dma_start3A_1248 = tpu.memref_squeeze %dma_start3A_1247 : memref<1x128xi32, #tpu.memory_space<vmem>> -> memref<128xi32, #tpu.memory_space<vmem>>
        %dma_start3A_1249 = arith.constant 0 : i32
        %dma_start3A_1250 = tpu.memref_slice %arg12[%dma_start3A_1249] : memref<1052672xf32, #tpu.memory_space<vmem_shared>> -> memref<1052672xf32, #tpu.memory_space<vmem_shared>>
        tpu.enqueue_indirect_dma source(%arg10 : memref<128xf32, #tpu.memory_space<vmem>>) target(%dma_start3A_1250 : memref<1052672xf32, #tpu.memory_space<vmem_shared>>) offsets(%dma_start3A_1248 : memref<128xi32, #tpu.memory_space<vmem>>) semaphore(%arg14 : memref<!tpu.dma_semaphore, #tpu.memory_space<semaphore_mem>>)
        %dma_start3A_1251 = arith.constant 25 : i32
        %dma_start3A_1252 = arith.constant 0 : i32
        %dma_start3A_1253 = arith.constant 0 : i32
        %dma_start3A_1254 = tpu.memref_slice %arg9[%and3A_953, %dma_start3A_1252, %dma_start3A_1253] : memref<2x32x128xi32, #tpu.memory_space<vmem>> -> memref<1x32x128xi32, #tpu.memory_space<vmem>>
        %dma_start3A_1255 = tpu.memref_squeeze %dma_start3A_1254 : memref<1x32x128xi32, #tpu.memory_space<vmem>> -> memref<32x128xi32, #tpu.memory_space<vmem>>
        %dma_start3A_1256 = arith.constant 0 : i32
        %dma_start3A_1257 = tpu.memref_slice %dma_start3A_1255[%dma_start3A_1251, %dma_start3A_1256] : memref<32x128xi32, #tpu.memory_space<vmem>> -> memref<1x128xi32, #tpu.memory_space<vmem>>
        %dma_start3A_1258 = tpu.memref_squeeze %dma_start3A_1257 : memref<1x128xi32, #tpu.memory_space<vmem>> -> memref<128xi32, #tpu.memory_space<vmem>>
        %dma_start3A_1259 = arith.constant 0 : i32
        %dma_start3A_1260 = tpu.memref_slice %arg12[%dma_start3A_1259] : memref<1052672xf32, #tpu.memory_space<vmem_shared>> -> memref<1052672xf32, #tpu.memory_space<vmem_shared>>
        tpu.enqueue_indirect_dma source(%arg10 : memref<128xf32, #tpu.memory_space<vmem>>) target(%dma_start3A_1260 : memref<1052672xf32, #tpu.memory_space<vmem_shared>>) offsets(%dma_start3A_1258 : memref<128xi32, #tpu.memory_space<vmem>>) semaphore(%arg14 : memref<!tpu.dma_semaphore, #tpu.memory_space<semaphore_mem>>)
        %dma_start3A_1261 = arith.constant 26 : i32
        %dma_start3A_1262 = arith.constant 0 : i32
        %dma_start3A_1263 = arith.constant 0 : i32
        %dma_start3A_1264 = tpu.memref_slice %arg9[%and3A_953, %dma_start3A_1262, %dma_start3A_1263] : memref<2x32x128xi32, #tpu.memory_space<vmem>> -> memref<1x32x128xi32, #tpu.memory_space<vmem>>
        %dma_start3A_1265 = tpu.memref_squeeze %dma_start3A_1264 : memref<1x32x128xi32, #tpu.memory_space<vmem>> -> memref<32x128xi32, #tpu.memory_space<vmem>>
        %dma_start3A_1266 = arith.constant 0 : i32
        %dma_start3A_1267 = tpu.memref_slice %dma_start3A_1265[%dma_start3A_1261, %dma_start3A_1266] : memref<32x128xi32, #tpu.memory_space<vmem>> -> memref<1x128xi32, #tpu.memory_space<vmem>>
        %dma_start3A_1268 = tpu.memref_squeeze %dma_start3A_1267 : memref<1x128xi32, #tpu.memory_space<vmem>> -> memref<128xi32, #tpu.memory_space<vmem>>
        %dma_start3A_1269 = arith.constant 0 : i32
        %dma_start3A_1270 = tpu.memref_slice %arg12[%dma_start3A_1269] : memref<1052672xf32, #tpu.memory_space<vmem_shared>> -> memref<1052672xf32, #tpu.memory_space<vmem_shared>>
        tpu.enqueue_indirect_dma source(%arg10 : memref<128xf32, #tpu.memory_space<vmem>>) target(%dma_start3A_1270 : memref<1052672xf32, #tpu.memory_space<vmem_shared>>) offsets(%dma_start3A_1268 : memref<128xi32, #tpu.memory_space<vmem>>) semaphore(%arg14 : memref<!tpu.dma_semaphore, #tpu.memory_space<semaphore_mem>>)
        %dma_start3A_1271 = arith.constant 27 : i32
        %dma_start3A_1272 = arith.constant 0 : i32
        %dma_start3A_1273 = arith.constant 0 : i32
        %dma_start3A_1274 = tpu.memref_slice %arg9[%and3A_953, %dma_start3A_1272, %dma_start3A_1273] : memref<2x32x128xi32, #tpu.memory_space<vmem>> -> memref<1x32x128xi32, #tpu.memory_space<vmem>>
        %dma_start3A_1275 = tpu.memref_squeeze %dma_start3A_1274 : memref<1x32x128xi32, #tpu.memory_space<vmem>> -> memref<32x128xi32, #tpu.memory_space<vmem>>
        %dma_start3A_1276 = arith.constant 0 : i32
        %dma_start3A_1277 = tpu.memref_slice %dma_start3A_1275[%dma_start3A_1271, %dma_start3A_1276] : memref<32x128xi32, #tpu.memory_space<vmem>> -> memref<1x128xi32, #tpu.memory_space<vmem>>
        %dma_start3A_1278 = tpu.memref_squeeze %dma_start3A_1277 : memref<1x128xi32, #tpu.memory_space<vmem>> -> memref<128xi32, #tpu.memory_space<vmem>>
        %dma_start3A_1279 = arith.constant 0 : i32
        %dma_start3A_1280 = tpu.memref_slice %arg12[%dma_start3A_1279] : memref<1052672xf32, #tpu.memory_space<vmem_shared>> -> memref<1052672xf32, #tpu.memory_space<vmem_shared>>
        tpu.enqueue_indirect_dma source(%arg10 : memref<128xf32, #tpu.memory_space<vmem>>) target(%dma_start3A_1280 : memref<1052672xf32, #tpu.memory_space<vmem_shared>>) offsets(%dma_start3A_1278 : memref<128xi32, #tpu.memory_space<vmem>>) semaphore(%arg14 : memref<!tpu.dma_semaphore, #tpu.memory_space<semaphore_mem>>)
        %dma_start3A_1281 = arith.constant 28 : i32
        %dma_start3A_1282 = arith.constant 0 : i32
        %dma_start3A_1283 = arith.constant 0 : i32
        %dma_start3A_1284 = tpu.memref_slice %arg9[%and3A_953, %dma_start3A_1282, %dma_start3A_1283] : memref<2x32x128xi32, #tpu.memory_space<vmem>> -> memref<1x32x128xi32, #tpu.memory_space<vmem>>
        %dma_start3A_1285 = tpu.memref_squeeze %dma_start3A_1284 : memref<1x32x128xi32, #tpu.memory_space<vmem>> -> memref<32x128xi32, #tpu.memory_space<vmem>>
        %dma_start3A_1286 = arith.constant 0 : i32
        %dma_start3A_1287 = tpu.memref_slice %dma_start3A_1285[%dma_start3A_1281, %dma_start3A_1286] : memref<32x128xi32, #tpu.memory_space<vmem>> -> memref<1x128xi32, #tpu.memory_space<vmem>>
        %dma_start3A_1288 = tpu.memref_squeeze %dma_start3A_1287 : memref<1x128xi32, #tpu.memory_space<vmem>> -> memref<128xi32, #tpu.memory_space<vmem>>
        %dma_start3A_1289 = arith.constant 0 : i32
        %dma_start3A_1290 = tpu.memref_slice %arg12[%dma_start3A_1289] : memref<1052672xf32, #tpu.memory_space<vmem_shared>> -> memref<1052672xf32, #tpu.memory_space<vmem_shared>>
        tpu.enqueue_indirect_dma source(%arg10 : memref<128xf32, #tpu.memory_space<vmem>>) target(%dma_start3A_1290 : memref<1052672xf32, #tpu.memory_space<vmem_shared>>) offsets(%dma_start3A_1288 : memref<128xi32, #tpu.memory_space<vmem>>) semaphore(%arg14 : memref<!tpu.dma_semaphore, #tpu.memory_space<semaphore_mem>>)
        %dma_start3A_1291 = arith.constant 29 : i32
        %dma_start3A_1292 = arith.constant 0 : i32
        %dma_start3A_1293 = arith.constant 0 : i32
        %dma_start3A_1294 = tpu.memref_slice %arg9[%and3A_953, %dma_start3A_1292, %dma_start3A_1293] : memref<2x32x128xi32, #tpu.memory_space<vmem>> -> memref<1x32x128xi32, #tpu.memory_space<vmem>>
        %dma_start3A_1295 = tpu.memref_squeeze %dma_start3A_1294 : memref<1x32x128xi32, #tpu.memory_space<vmem>> -> memref<32x128xi32, #tpu.memory_space<vmem>>
        %dma_start3A_1296 = arith.constant 0 : i32
        %dma_start3A_1297 = tpu.memref_slice %dma_start3A_1295[%dma_start3A_1291, %dma_start3A_1296] : memref<32x128xi32, #tpu.memory_space<vmem>> -> memref<1x128xi32, #tpu.memory_space<vmem>>
        %dma_start3A_1298 = tpu.memref_squeeze %dma_start3A_1297 : memref<1x128xi32, #tpu.memory_space<vmem>> -> memref<128xi32, #tpu.memory_space<vmem>>
        %dma_start3A_1299 = arith.constant 0 : i32
        %dma_start3A_1300 = tpu.memref_slice %arg12[%dma_start3A_1299] : memref<1052672xf32, #tpu.memory_space<vmem_shared>> -> memref<1052672xf32, #tpu.memory_space<vmem_shared>>
        tpu.enqueue_indirect_dma source(%arg10 : memref<128xf32, #tpu.memory_space<vmem>>) target(%dma_start3A_1300 : memref<1052672xf32, #tpu.memory_space<vmem_shared>>) offsets(%dma_start3A_1298 : memref<128xi32, #tpu.memory_space<vmem>>) semaphore(%arg14 : memref<!tpu.dma_semaphore, #tpu.memory_space<semaphore_mem>>)
        %dma_start3A_1301 = arith.constant 30 : i32
        %dma_start3A_1302 = arith.constant 0 : i32
        %dma_start3A_1303 = arith.constant 0 : i32
        %dma_start3A_1304 = tpu.memref_slice %arg9[%and3A_953, %dma_start3A_1302, %dma_start3A_1303] : memref<2x32x128xi32, #tpu.memory_space<vmem>> -> memref<1x32x128xi32, #tpu.memory_space<vmem>>
        %dma_start3A_1305 = tpu.memref_squeeze %dma_start3A_1304 : memref<1x32x128xi32, #tpu.memory_space<vmem>> -> memref<32x128xi32, #tpu.memory_space<vmem>>
        %dma_start3A_1306 = arith.constant 0 : i32
        %dma_start3A_1307 = tpu.memref_slice %dma_start3A_1305[%dma_start3A_1301, %dma_start3A_1306] : memref<32x128xi32, #tpu.memory_space<vmem>> -> memref<1x128xi32, #tpu.memory_space<vmem>>
        %dma_start3A_1308 = tpu.memref_squeeze %dma_start3A_1307 : memref<1x128xi32, #tpu.memory_space<vmem>> -> memref<128xi32, #tpu.memory_space<vmem>>
        %dma_start3A_1309 = arith.constant 0 : i32
        %dma_start3A_1310 = tpu.memref_slice %arg12[%dma_start3A_1309] : memref<1052672xf32, #tpu.memory_space<vmem_shared>> -> memref<1052672xf32, #tpu.memory_space<vmem_shared>>
        tpu.enqueue_indirect_dma source(%arg10 : memref<128xf32, #tpu.memory_space<vmem>>) target(%dma_start3A_1310 : memref<1052672xf32, #tpu.memory_space<vmem_shared>>) offsets(%dma_start3A_1308 : memref<128xi32, #tpu.memory_space<vmem>>) semaphore(%arg14 : memref<!tpu.dma_semaphore, #tpu.memory_space<semaphore_mem>>)
        %dma_start3A_1311 = arith.constant 31 : i32
        %dma_start3A_1312 = arith.constant 0 : i32
        %dma_start3A_1313 = arith.constant 0 : i32
        %dma_start3A_1314 = tpu.memref_slice %arg9[%and3A_953, %dma_start3A_1312, %dma_start3A_1313] : memref<2x32x128xi32, #tpu.memory_space<vmem>> -> memref<1x32x128xi32, #tpu.memory_space<vmem>>
        %dma_start3A_1315 = tpu.memref_squeeze %dma_start3A_1314 : memref<1x32x128xi32, #tpu.memory_space<vmem>> -> memref<32x128xi32, #tpu.memory_space<vmem>>
        %dma_start3A_1316 = arith.constant 0 : i32
        %dma_start3A_1317 = tpu.memref_slice %dma_start3A_1315[%dma_start3A_1311, %dma_start3A_1316] : memref<32x128xi32, #tpu.memory_space<vmem>> -> memref<1x128xi32, #tpu.memory_space<vmem>>
        %dma_start3A_1318 = tpu.memref_squeeze %dma_start3A_1317 : memref<1x128xi32, #tpu.memory_space<vmem>> -> memref<128xi32, #tpu.memory_space<vmem>>
        %dma_start3A_1319 = arith.constant 0 : i32
        %dma_start3A_1320 = tpu.memref_slice %arg12[%dma_start3A_1319] : memref<1052672xf32, #tpu.memory_space<vmem_shared>> -> memref<1052672xf32, #tpu.memory_space<vmem_shared>>
        tpu.enqueue_indirect_dma source(%arg10 : memref<128xf32, #tpu.memory_space<vmem>>) target(%dma_start3A_1320 : memref<1052672xf32, #tpu.memory_space<vmem_shared>>) offsets(%dma_start3A_1318 : memref<128xi32, #tpu.memory_space<vmem>>) semaphore(%arg14 : memref<!tpu.dma_semaphore, #tpu.memory_space<semaphore_mem>>)
      } else {
      }
    }
    %scan3A_199 = arith.constant 16 : i32
    %dma_wait3A_200 = arith.constant 0 : i32
    %dma_wait3A_201 = arith.constant 0 : i32
    %dma_wait3A_202 = arith.constant 0 : i32
    %dma_wait3A_203 = arith.constant 0 : i32
    %dma_wait3A_204 = tpu.memref_slice %arg9[%dma_wait3A_200, %dma_wait3A_202, %dma_wait3A_203] : memref<2x32x128xi32, #tpu.memory_space<vmem>> -> memref<1x32x128xi32, #tpu.memory_space<vmem>>
    %dma_wait3A_205 = tpu.memref_squeeze %dma_wait3A_204 : memref<1x32x128xi32, #tpu.memory_space<vmem>> -> memref<32x128xi32, #tpu.memory_space<vmem>>
    %dma_wait3A_206 = arith.constant 0 : i32
    %dma_wait3A_207 = tpu.memref_slice %dma_wait3A_205[%dma_wait3A_201, %dma_wait3A_206] : memref<32x128xi32, #tpu.memory_space<vmem>> -> memref<1x128xi32, #tpu.memory_space<vmem>>
    %dma_wait3A_208 = tpu.memref_squeeze %dma_wait3A_207 : memref<1x128xi32, #tpu.memory_space<vmem>> -> memref<128xi32, #tpu.memory_space<vmem>>
    %dma_wait3A_209 = arith.constant 0 : i32
    %dma_wait3A_210 = tpu.memref_slice %arg12[%dma_wait3A_209] : memref<1052672xf32, #tpu.memory_space<vmem_shared>> -> memref<1052672xf32, #tpu.memory_space<vmem_shared>>
    tpu.wait_indirect_dma semaphore(%arg14 : memref<!tpu.dma_semaphore, #tpu.memory_space<semaphore_mem>>) src(%arg10 : memref<128xf32, #tpu.memory_space<vmem>>) dst(%dma_wait3A_210 : memref<1052672xf32, #tpu.memory_space<vmem_shared>>)
    %dma_wait3A_211 = arith.constant 0 : i32
    %dma_wait3A_212 = arith.constant 1 : i32
    %dma_wait3A_213 = arith.constant 0 : i32
    %dma_wait3A_214 = arith.constant 0 : i32
    %dma_wait3A_215 = tpu.memref_slice %arg9[%dma_wait3A_211, %dma_wait3A_213, %dma_wait3A_214] : memref<2x32x128xi32, #tpu.memory_space<vmem>> -> memref<1x32x128xi32, #tpu.memory_space<vmem>>
    %dma_wait3A_216 = tpu.memref_squeeze %dma_wait3A_215 : memref<1x32x128xi32, #tpu.memory_space<vmem>> -> memref<32x128xi32, #tpu.memory_space<vmem>>
    %dma_wait3A_217 = arith.constant 0 : i32
    %dma_wait3A_218 = tpu.memref_slice %dma_wait3A_216[%dma_wait3A_212, %dma_wait3A_217] : memref<32x128xi32, #tpu.memory_space<vmem>> -> memref<1x128xi32, #tpu.memory_space<vmem>>
    %dma_wait3A_219 = tpu.memref_squeeze %dma_wait3A_218 : memref<1x128xi32, #tpu.memory_space<vmem>> -> memref<128xi32, #tpu.memory_space<vmem>>
    %dma_wait3A_220 = arith.constant 0 : i32
    %dma_wait3A_221 = tpu.memref_slice %arg12[%dma_wait3A_220] : memref<1052672xf32, #tpu.memory_space<vmem_shared>> -> memref<1052672xf32, #tpu.memory_space<vmem_shared>>
    tpu.wait_indirect_dma semaphore(%arg14 : memref<!tpu.dma_semaphore, #tpu.memory_space<semaphore_mem>>) src(%arg10 : memref<128xf32, #tpu.memory_space<vmem>>) dst(%dma_wait3A_221 : memref<1052672xf32, #tpu.memory_space<vmem_shared>>)
    %dma_wait3A_222 = arith.constant 0 : i32
    %dma_wait3A_223 = arith.constant 2 : i32
    %dma_wait3A_224 = arith.constant 0 : i32
    %dma_wait3A_225 = arith.constant 0 : i32
    %dma_wait3A_226 = tpu.memref_slice %arg9[%dma_wait3A_222, %dma_wait3A_224, %dma_wait3A_225] : memref<2x32x128xi32, #tpu.memory_space<vmem>> -> memref<1x32x128xi32, #tpu.memory_space<vmem>>
    %dma_wait3A_227 = tpu.memref_squeeze %dma_wait3A_226 : memref<1x32x128xi32, #tpu.memory_space<vmem>> -> memref<32x128xi32, #tpu.memory_space<vmem>>
    %dma_wait3A_228 = arith.constant 0 : i32
    %dma_wait3A_229 = tpu.memref_slice %dma_wait3A_227[%dma_wait3A_223, %dma_wait3A_228] : memref<32x128xi32, #tpu.memory_space<vmem>> -> memref<1x128xi32, #tpu.memory_space<vmem>>
    %dma_wait3A_230 = tpu.memref_squeeze %dma_wait3A_229 : memref<1x128xi32, #tpu.memory_space<vmem>> -> memref<128xi32, #tpu.memory_space<vmem>>
    %dma_wait3A_231 = arith.constant 0 : i32
    %dma_wait3A_232 = tpu.memref_slice %arg12[%dma_wait3A_231] : memref<1052672xf32, #tpu.memory_space<vmem_shared>> -> memref<1052672xf32, #tpu.memory_space<vmem_shared>>
    tpu.wait_indirect_dma semaphore(%arg14 : memref<!tpu.dma_semaphore, #tpu.memory_space<semaphore_mem>>) src(%arg10 : memref<128xf32, #tpu.memory_space<vmem>>) dst(%dma_wait3A_232 : memref<1052672xf32, #tpu.memory_space<vmem_shared>>)
    %dma_wait3A_233 = arith.constant 0 : i32
    %dma_wait3A_234 = arith.constant 3 : i32
    %dma_wait3A_235 = arith.constant 0 : i32
    %dma_wait3A_236 = arith.constant 0 : i32
    %dma_wait3A_237 = tpu.memref_slice %arg9[%dma_wait3A_233, %dma_wait3A_235, %dma_wait3A_236] : memref<2x32x128xi32, #tpu.memory_space<vmem>> -> memref<1x32x128xi32, #tpu.memory_space<vmem>>
    %dma_wait3A_238 = tpu.memref_squeeze %dma_wait3A_237 : memref<1x32x128xi32, #tpu.memory_space<vmem>> -> memref<32x128xi32, #tpu.memory_space<vmem>>
    %dma_wait3A_239 = arith.constant 0 : i32
    %dma_wait3A_240 = tpu.memref_slice %dma_wait3A_238[%dma_wait3A_234, %dma_wait3A_239] : memref<32x128xi32, #tpu.memory_space<vmem>> -> memref<1x128xi32, #tpu.memory_space<vmem>>
    %dma_wait3A_241 = tpu.memref_squeeze %dma_wait3A_240 : memref<1x128xi32, #tpu.memory_space<vmem>> -> memref<128xi32, #tpu.memory_space<vmem>>
    %dma_wait3A_242 = arith.constant 0 : i32
    %dma_wait3A_243 = tpu.memref_slice %arg12[%dma_wait3A_242] : memref<1052672xf32, #tpu.memory_space<vmem_shared>> -> memref<1052672xf32, #tpu.memory_space<vmem_shared>>
    tpu.wait_indirect_dma semaphore(%arg14 : memref<!tpu.dma_semaphore, #tpu.memory_space<semaphore_mem>>) src(%arg10 : memref<128xf32, #tpu.memory_space<vmem>>) dst(%dma_wait3A_243 : memref<1052672xf32, #tpu.memory_space<vmem_shared>>)
    %dma_wait3A_244 = arith.constant 0 : i32
    %dma_wait3A_245 = arith.constant 4 : i32
    %dma_wait3A_246 = arith.constant 0 : i32
    %dma_wait3A_247 = arith.constant 0 : i32
    %dma_wait3A_248 = tpu.memref_slice %arg9[%dma_wait3A_244, %dma_wait3A_246, %dma_wait3A_247] : memref<2x32x128xi32, #tpu.memory_space<vmem>> -> memref<1x32x128xi32, #tpu.memory_space<vmem>>
    %dma_wait3A_249 = tpu.memref_squeeze %dma_wait3A_248 : memref<1x32x128xi32, #tpu.memory_space<vmem>> -> memref<32x128xi32, #tpu.memory_space<vmem>>
    %dma_wait3A_250 = arith.constant 0 : i32
    %dma_wait3A_251 = tpu.memref_slice %dma_wait3A_249[%dma_wait3A_245, %dma_wait3A_250] : memref<32x128xi32, #tpu.memory_space<vmem>> -> memref<1x128xi32, #tpu.memory_space<vmem>>
    %dma_wait3A_252 = tpu.memref_squeeze %dma_wait3A_251 : memref<1x128xi32, #tpu.memory_space<vmem>> -> memref<128xi32, #tpu.memory_space<vmem>>
    %dma_wait3A_253 = arith.constant 0 : i32
    %dma_wait3A_254 = tpu.memref_slice %arg12[%dma_wait3A_253] : memref<1052672xf32, #tpu.memory_space<vmem_shared>> -> memref<1052672xf32, #tpu.memory_space<vmem_shared>>
    tpu.wait_indirect_dma semaphore(%arg14 : memref<!tpu.dma_semaphore, #tpu.memory_space<semaphore_mem>>) src(%arg10 : memref<128xf32, #tpu.memory_space<vmem>>) dst(%dma_wait3A_254 : memref<1052672xf32, #tpu.memory_space<vmem_shared>>)
    %dma_wait3A_255 = arith.constant 0 : i32
    %dma_wait3A_256 = arith.constant 5 : i32
    %dma_wait3A_257 = arith.constant 0 : i32
    %dma_wait3A_258 = arith.constant 0 : i32
    %dma_wait3A_259 = tpu.memref_slice %arg9[%dma_wait3A_255, %dma_wait3A_257, %dma_wait3A_258] : memref<2x32x128xi32, #tpu.memory_space<vmem>> -> memref<1x32x128xi32, #tpu.memory_space<vmem>>
    %dma_wait3A_260 = tpu.memref_squeeze %dma_wait3A_259 : memref<1x32x128xi32, #tpu.memory_space<vmem>> -> memref<32x128xi32, #tpu.memory_space<vmem>>
    %dma_wait3A_261 = arith.constant 0 : i32
    %dma_wait3A_262 = tpu.memref_slice %dma_wait3A_260[%dma_wait3A_256, %dma_wait3A_261] : memref<32x128xi32, #tpu.memory_space<vmem>> -> memref<1x128xi32, #tpu.memory_space<vmem>>
    %dma_wait3A_263 = tpu.memref_squeeze %dma_wait3A_262 : memref<1x128xi32, #tpu.memory_space<vmem>> -> memref<128xi32, #tpu.memory_space<vmem>>
    %dma_wait3A_264 = arith.constant 0 : i32
    %dma_wait3A_265 = tpu.memref_slice %arg12[%dma_wait3A_264] : memref<1052672xf32, #tpu.memory_space<vmem_shared>> -> memref<1052672xf32, #tpu.memory_space<vmem_shared>>
    tpu.wait_indirect_dma semaphore(%arg14 : memref<!tpu.dma_semaphore, #tpu.memory_space<semaphore_mem>>) src(%arg10 : memref<128xf32, #tpu.memory_space<vmem>>) dst(%dma_wait3A_265 : memref<1052672xf32, #tpu.memory_space<vmem_shared>>)
    %dma_wait3A_266 = arith.constant 0 : i32
    %dma_wait3A_267 = arith.constant 6 : i32
    %dma_wait3A_268 = arith.constant 0 : i32
    %dma_wait3A_269 = arith.constant 0 : i32
    %dma_wait3A_270 = tpu.memref_slice %arg9[%dma_wait3A_266, %dma_wait3A_268, %dma_wait3A_269] : memref<2x32x128xi32, #tpu.memory_space<vmem>> -> memref<1x32x128xi32, #tpu.memory_space<vmem>>
    %dma_wait3A_271 = tpu.memref_squeeze %dma_wait3A_270 : memref<1x32x128xi32, #tpu.memory_space<vmem>> -> memref<32x128xi32, #tpu.memory_space<vmem>>
    %dma_wait3A_272 = arith.constant 0 : i32
    %dma_wait3A_273 = tpu.memref_slice %dma_wait3A_271[%dma_wait3A_267, %dma_wait3A_272] : memref<32x128xi32, #tpu.memory_space<vmem>> -> memref<1x128xi32, #tpu.memory_space<vmem>>
    %dma_wait3A_274 = tpu.memref_squeeze %dma_wait3A_273 : memref<1x128xi32, #tpu.memory_space<vmem>> -> memref<128xi32, #tpu.memory_space<vmem>>
    %dma_wait3A_275 = arith.constant 0 : i32
    %dma_wait3A_276 = tpu.memref_slice %arg12[%dma_wait3A_275] : memref<1052672xf32, #tpu.memory_space<vmem_shared>> -> memref<1052672xf32, #tpu.memory_space<vmem_shared>>
    tpu.wait_indirect_dma semaphore(%arg14 : memref<!tpu.dma_semaphore, #tpu.memory_space<semaphore_mem>>) src(%arg10 : memref<128xf32, #tpu.memory_space<vmem>>) dst(%dma_wait3A_276 : memref<1052672xf32, #tpu.memory_space<vmem_shared>>)
    %dma_wait3A_277 = arith.constant 0 : i32
    %dma_wait3A_278 = arith.constant 7 : i32
    %dma_wait3A_279 = arith.constant 0 : i32
    %dma_wait3A_280 = arith.constant 0 : i32
    %dma_wait3A_281 = tpu.memref_slice %arg9[%dma_wait3A_277, %dma_wait3A_279, %dma_wait3A_280] : memref<2x32x128xi32, #tpu.memory_space<vmem>> -> memref<1x32x128xi32, #tpu.memory_space<vmem>>
    %dma_wait3A_282 = tpu.memref_squeeze %dma_wait3A_281 : memref<1x32x128xi32, #tpu.memory_space<vmem>> -> memref<32x128xi32, #tpu.memory_space<vmem>>
    %dma_wait3A_283 = arith.constant 0 : i32
    %dma_wait3A_284 = tpu.memref_slice %dma_wait3A_282[%dma_wait3A_278, %dma_wait3A_283] : memref<32x128xi32, #tpu.memory_space<vmem>> -> memref<1x128xi32, #tpu.memory_space<vmem>>
    %dma_wait3A_285 = tpu.memref_squeeze %dma_wait3A_284 : memref<1x128xi32, #tpu.memory_space<vmem>> -> memref<128xi32, #tpu.memory_space<vmem>>
    %dma_wait3A_286 = arith.constant 0 : i32
    %dma_wait3A_287 = tpu.memref_slice %arg12[%dma_wait3A_286] : memref<1052672xf32, #tpu.memory_space<vmem_shared>> -> memref<1052672xf32, #tpu.memory_space<vmem_shared>>
    tpu.wait_indirect_dma semaphore(%arg14 : memref<!tpu.dma_semaphore, #tpu.memory_space<semaphore_mem>>) src(%arg10 : memref<128xf32, #tpu.memory_space<vmem>>) dst(%dma_wait3A_287 : memref<1052672xf32, #tpu.memory_space<vmem_shared>>)
    %dma_wait3A_288 = arith.constant 0 : i32
    %dma_wait3A_289 = arith.constant 8 : i32
    %dma_wait3A_290 = arith.constant 0 : i32
    %dma_wait3A_291 = arith.constant 0 : i32
    %dma_wait3A_292 = tpu.memref_slice %arg9[%dma_wait3A_288, %dma_wait3A_290, %dma_wait3A_291] : memref<2x32x128xi32, #tpu.memory_space<vmem>> -> memref<1x32x128xi32, #tpu.memory_space<vmem>>
    %dma_wait3A_293 = tpu.memref_squeeze %dma_wait3A_292 : memref<1x32x128xi32, #tpu.memory_space<vmem>> -> memref<32x128xi32, #tpu.memory_space<vmem>>
    %dma_wait3A_294 = arith.constant 0 : i32
    %dma_wait3A_295 = tpu.memref_slice %dma_wait3A_293[%dma_wait3A_289, %dma_wait3A_294] : memref<32x128xi32, #tpu.memory_space<vmem>> -> memref<1x128xi32, #tpu.memory_space<vmem>>
    %dma_wait3A_296 = tpu.memref_squeeze %dma_wait3A_295 : memref<1x128xi32, #tpu.memory_space<vmem>> -> memref<128xi32, #tpu.memory_space<vmem>>
    %dma_wait3A_297 = arith.constant 0 : i32
    %dma_wait3A_298 = tpu.memref_slice %arg12[%dma_wait3A_297] : memref<1052672xf32, #tpu.memory_space<vmem_shared>> -> memref<1052672xf32, #tpu.memory_space<vmem_shared>>
    tpu.wait_indirect_dma semaphore(%arg14 : memref<!tpu.dma_semaphore, #tpu.memory_space<semaphore_mem>>) src(%arg10 : memref<128xf32, #tpu.memory_space<vmem>>) dst(%dma_wait3A_298 : memref<1052672xf32, #tpu.memory_space<vmem_shared>>)
    %dma_wait3A_299 = arith.constant 0 : i32
    %dma_wait3A_300 = arith.constant 9 : i32
    %dma_wait3A_301 = arith.constant 0 : i32
    %dma_wait3A_302 = arith.constant 0 : i32
    %dma_wait3A_303 = tpu.memref_slice %arg9[%dma_wait3A_299, %dma_wait3A_301, %dma_wait3A_302] : memref<2x32x128xi32, #tpu.memory_space<vmem>> -> memref<1x32x128xi32, #tpu.memory_space<vmem>>
    %dma_wait3A_304 = tpu.memref_squeeze %dma_wait3A_303 : memref<1x32x128xi32, #tpu.memory_space<vmem>> -> memref<32x128xi32, #tpu.memory_space<vmem>>
    %dma_wait3A_305 = arith.constant 0 : i32
    %dma_wait3A_306 = tpu.memref_slice %dma_wait3A_304[%dma_wait3A_300, %dma_wait3A_305] : memref<32x128xi32, #tpu.memory_space<vmem>> -> memref<1x128xi32, #tpu.memory_space<vmem>>
    %dma_wait3A_307 = tpu.memref_squeeze %dma_wait3A_306 : memref<1x128xi32, #tpu.memory_space<vmem>> -> memref<128xi32, #tpu.memory_space<vmem>>
    %dma_wait3A_308 = arith.constant 0 : i32
    %dma_wait3A_309 = tpu.memref_slice %arg12[%dma_wait3A_308] : memref<1052672xf32, #tpu.memory_space<vmem_shared>> -> memref<1052672xf32, #tpu.memory_space<vmem_shared>>
    tpu.wait_indirect_dma semaphore(%arg14 : memref<!tpu.dma_semaphore, #tpu.memory_space<semaphore_mem>>) src(%arg10 : memref<128xf32, #tpu.memory_space<vmem>>) dst(%dma_wait3A_309 : memref<1052672xf32, #tpu.memory_space<vmem_shared>>)
    %dma_wait3A_310 = arith.constant 0 : i32
    %dma_wait3A_311 = arith.constant 10 : i32
    %dma_wait3A_312 = arith.constant 0 : i32
    %dma_wait3A_313 = arith.constant 0 : i32
    %dma_wait3A_314 = tpu.memref_slice %arg9[%dma_wait3A_310, %dma_wait3A_312, %dma_wait3A_313] : memref<2x32x128xi32, #tpu.memory_space<vmem>> -> memref<1x32x128xi32, #tpu.memory_space<vmem>>
    %dma_wait3A_315 = tpu.memref_squeeze %dma_wait3A_314 : memref<1x32x128xi32, #tpu.memory_space<vmem>> -> memref<32x128xi32, #tpu.memory_space<vmem>>
    %dma_wait3A_316 = arith.constant 0 : i32
    %dma_wait3A_317 = tpu.memref_slice %dma_wait3A_315[%dma_wait3A_311, %dma_wait3A_316] : memref<32x128xi32, #tpu.memory_space<vmem>> -> memref<1x128xi32, #tpu.memory_space<vmem>>
    %dma_wait3A_318 = tpu.memref_squeeze %dma_wait3A_317 : memref<1x128xi32, #tpu.memory_space<vmem>> -> memref<128xi32, #tpu.memory_space<vmem>>
    %dma_wait3A_319 = arith.constant 0 : i32
    %dma_wait3A_320 = tpu.memref_slice %arg12[%dma_wait3A_319] : memref<1052672xf32, #tpu.memory_space<vmem_shared>> -> memref<1052672xf32, #tpu.memory_space<vmem_shared>>
    tpu.wait_indirect_dma semaphore(%arg14 : memref<!tpu.dma_semaphore, #tpu.memory_space<semaphore_mem>>) src(%arg10 : memref<128xf32, #tpu.memory_space<vmem>>) dst(%dma_wait3A_320 : memref<1052672xf32, #tpu.memory_space<vmem_shared>>)
    %dma_wait3A_321 = arith.constant 0 : i32
    %dma_wait3A_322 = arith.constant 11 : i32
    %dma_wait3A_323 = arith.constant 0 : i32
    %dma_wait3A_324 = arith.constant 0 : i32
    %dma_wait3A_325 = tpu.memref_slice %arg9[%dma_wait3A_321, %dma_wait3A_323, %dma_wait3A_324] : memref<2x32x128xi32, #tpu.memory_space<vmem>> -> memref<1x32x128xi32, #tpu.memory_space<vmem>>
    %dma_wait3A_326 = tpu.memref_squeeze %dma_wait3A_325 : memref<1x32x128xi32, #tpu.memory_space<vmem>> -> memref<32x128xi32, #tpu.memory_space<vmem>>
    %dma_wait3A_327 = arith.constant 0 : i32
    %dma_wait3A_328 = tpu.memref_slice %dma_wait3A_326[%dma_wait3A_322, %dma_wait3A_327] : memref<32x128xi32, #tpu.memory_space<vmem>> -> memref<1x128xi32, #tpu.memory_space<vmem>>
    %dma_wait3A_329 = tpu.memref_squeeze %dma_wait3A_328 : memref<1x128xi32, #tpu.memory_space<vmem>> -> memref<128xi32, #tpu.memory_space<vmem>>
    %dma_wait3A_330 = arith.constant 0 : i32
    %dma_wait3A_331 = tpu.memref_slice %arg12[%dma_wait3A_330] : memref<1052672xf32, #tpu.memory_space<vmem_shared>> -> memref<1052672xf32, #tpu.memory_space<vmem_shared>>
    tpu.wait_indirect_dma semaphore(%arg14 : memref<!tpu.dma_semaphore, #tpu.memory_space<semaphore_mem>>) src(%arg10 : memref<128xf32, #tpu.memory_space<vmem>>) dst(%dma_wait3A_331 : memref<1052672xf32, #tpu.memory_space<vmem_shared>>)
    %dma_wait3A_332 = arith.constant 0 : i32
    %dma_wait3A_333 = arith.constant 12 : i32
    %dma_wait3A_334 = arith.constant 0 : i32
    %dma_wait3A_335 = arith.constant 0 : i32
    %dma_wait3A_336 = tpu.memref_slice %arg9[%dma_wait3A_332, %dma_wait3A_334, %dma_wait3A_335] : memref<2x32x128xi32, #tpu.memory_space<vmem>> -> memref<1x32x128xi32, #tpu.memory_space<vmem>>
    %dma_wait3A_337 = tpu.memref_squeeze %dma_wait3A_336 : memref<1x32x128xi32, #tpu.memory_space<vmem>> -> memref<32x128xi32, #tpu.memory_space<vmem>>
    %dma_wait3A_338 = arith.constant 0 : i32
    %dma_wait3A_339 = tpu.memref_slice %dma_wait3A_337[%dma_wait3A_333, %dma_wait3A_338] : memref<32x128xi32, #tpu.memory_space<vmem>> -> memref<1x128xi32, #tpu.memory_space<vmem>>
    %dma_wait3A_340 = tpu.memref_squeeze %dma_wait3A_339 : memref<1x128xi32, #tpu.memory_space<vmem>> -> memref<128xi32, #tpu.memory_space<vmem>>
    %dma_wait3A_341 = arith.constant 0 : i32
    %dma_wait3A_342 = tpu.memref_slice %arg12[%dma_wait3A_341] : memref<1052672xf32, #tpu.memory_space<vmem_shared>> -> memref<1052672xf32, #tpu.memory_space<vmem_shared>>
    tpu.wait_indirect_dma semaphore(%arg14 : memref<!tpu.dma_semaphore, #tpu.memory_space<semaphore_mem>>) src(%arg10 : memref<128xf32, #tpu.memory_space<vmem>>) dst(%dma_wait3A_342 : memref<1052672xf32, #tpu.memory_space<vmem_shared>>)
    %dma_wait3A_343 = arith.constant 0 : i32
    %dma_wait3A_344 = arith.constant 13 : i32
    %dma_wait3A_345 = arith.constant 0 : i32
    %dma_wait3A_346 = arith.constant 0 : i32
    %dma_wait3A_347 = tpu.memref_slice %arg9[%dma_wait3A_343, %dma_wait3A_345, %dma_wait3A_346] : memref<2x32x128xi32, #tpu.memory_space<vmem>> -> memref<1x32x128xi32, #tpu.memory_space<vmem>>
    %dma_wait3A_348 = tpu.memref_squeeze %dma_wait3A_347 : memref<1x32x128xi32, #tpu.memory_space<vmem>> -> memref<32x128xi32, #tpu.memory_space<vmem>>
    %dma_wait3A_349 = arith.constant 0 : i32
    %dma_wait3A_350 = tpu.memref_slice %dma_wait3A_348[%dma_wait3A_344, %dma_wait3A_349] : memref<32x128xi32, #tpu.memory_space<vmem>> -> memref<1x128xi32, #tpu.memory_space<vmem>>
    %dma_wait3A_351 = tpu.memref_squeeze %dma_wait3A_350 : memref<1x128xi32, #tpu.memory_space<vmem>> -> memref<128xi32, #tpu.memory_space<vmem>>
    %dma_wait3A_352 = arith.constant 0 : i32
    %dma_wait3A_353 = tpu.memref_slice %arg12[%dma_wait3A_352] : memref<1052672xf32, #tpu.memory_space<vmem_shared>> -> memref<1052672xf32, #tpu.memory_space<vmem_shared>>
    tpu.wait_indirect_dma semaphore(%arg14 : memref<!tpu.dma_semaphore, #tpu.memory_space<semaphore_mem>>) src(%arg10 : memref<128xf32, #tpu.memory_space<vmem>>) dst(%dma_wait3A_353 : memref<1052672xf32, #tpu.memory_space<vmem_shared>>)
    %dma_wait3A_354 = arith.constant 0 : i32
    %dma_wait3A_355 = arith.constant 14 : i32
    %dma_wait3A_356 = arith.constant 0 : i32
    %dma_wait3A_357 = arith.constant 0 : i32
    %dma_wait3A_358 = tpu.memref_slice %arg9[%dma_wait3A_354, %dma_wait3A_356, %dma_wait3A_357] : memref<2x32x128xi32, #tpu.memory_space<vmem>> -> memref<1x32x128xi32, #tpu.memory_space<vmem>>
    %dma_wait3A_359 = tpu.memref_squeeze %dma_wait3A_358 : memref<1x32x128xi32, #tpu.memory_space<vmem>> -> memref<32x128xi32, #tpu.memory_space<vmem>>
    %dma_wait3A_360 = arith.constant 0 : i32
    %dma_wait3A_361 = tpu.memref_slice %dma_wait3A_359[%dma_wait3A_355, %dma_wait3A_360] : memref<32x128xi32, #tpu.memory_space<vmem>> -> memref<1x128xi32, #tpu.memory_space<vmem>>
    %dma_wait3A_362 = tpu.memref_squeeze %dma_wait3A_361 : memref<1x128xi32, #tpu.memory_space<vmem>> -> memref<128xi32, #tpu.memory_space<vmem>>
    %dma_wait3A_363 = arith.constant 0 : i32
    %dma_wait3A_364 = tpu.memref_slice %arg12[%dma_wait3A_363] : memref<1052672xf32, #tpu.memory_space<vmem_shared>> -> memref<1052672xf32, #tpu.memory_space<vmem_shared>>
    tpu.wait_indirect_dma semaphore(%arg14 : memref<!tpu.dma_semaphore, #tpu.memory_space<semaphore_mem>>) src(%arg10 : memref<128xf32, #tpu.memory_space<vmem>>) dst(%dma_wait3A_364 : memref<1052672xf32, #tpu.memory_space<vmem_shared>>)
    %dma_wait3A_365 = arith.constant 0 : i32
    %dma_wait3A_366 = arith.constant 15 : i32
    %dma_wait3A_367 = arith.constant 0 : i32
    %dma_wait3A_368 = arith.constant 0 : i32
    %dma_wait3A_369 = tpu.memref_slice %arg9[%dma_wait3A_365, %dma_wait3A_367, %dma_wait3A_368] : memref<2x32x128xi32, #tpu.memory_space<vmem>> -> memref<1x32x128xi32, #tpu.memory_space<vmem>>
    %dma_wait3A_370 = tpu.memref_squeeze %dma_wait3A_369 : memref<1x32x128xi32, #tpu.memory_space<vmem>> -> memref<32x128xi32, #tpu.memory_space<vmem>>
    %dma_wait3A_371 = arith.constant 0 : i32
    %dma_wait3A_372 = tpu.memref_slice %dma_wait3A_370[%dma_wait3A_366, %dma_wait3A_371] : memref<32x128xi32, #tpu.memory_space<vmem>> -> memref<1x128xi32, #tpu.memory_space<vmem>>
    %dma_wait3A_373 = tpu.memref_squeeze %dma_wait3A_372 : memref<1x128xi32, #tpu.memory_space<vmem>> -> memref<128xi32, #tpu.memory_space<vmem>>
    %dma_wait3A_374 = arith.constant 0 : i32
    %dma_wait3A_375 = tpu.memref_slice %arg12[%dma_wait3A_374] : memref<1052672xf32, #tpu.memory_space<vmem_shared>> -> memref<1052672xf32, #tpu.memory_space<vmem_shared>>
    tpu.wait_indirect_dma semaphore(%arg14 : memref<!tpu.dma_semaphore, #tpu.memory_space<semaphore_mem>>) src(%arg10 : memref<128xf32, #tpu.memory_space<vmem>>) dst(%dma_wait3A_375 : memref<1052672xf32, #tpu.memory_space<vmem_shared>>)
    %dma_wait3A_376 = arith.constant 0 : i32
    %dma_wait3A_377 = arith.constant 16 : i32
    %dma_wait3A_378 = arith.constant 0 : i32
    %dma_wait3A_379 = arith.constant 0 : i32
    %dma_wait3A_380 = tpu.memref_slice %arg9[%dma_wait3A_376, %dma_wait3A_378, %dma_wait3A_379] : memref<2x32x128xi32, #tpu.memory_space<vmem>> -> memref<1x32x128xi32, #tpu.memory_space<vmem>>
    %dma_wait3A_381 = tpu.memref_squeeze %dma_wait3A_380 : memref<1x32x128xi32, #tpu.memory_space<vmem>> -> memref<32x128xi32, #tpu.memory_space<vmem>>
    %dma_wait3A_382 = arith.constant 0 : i32
    %dma_wait3A_383 = tpu.memref_slice %dma_wait3A_381[%dma_wait3A_377, %dma_wait3A_382] : memref<32x128xi32, #tpu.memory_space<vmem>> -> memref<1x128xi32, #tpu.memory_space<vmem>>
    %dma_wait3A_384 = tpu.memref_squeeze %dma_wait3A_383 : memref<1x128xi32, #tpu.memory_space<vmem>> -> memref<128xi32, #tpu.memory_space<vmem>>
    %dma_wait3A_385 = arith.constant 0 : i32
    %dma_wait3A_386 = tpu.memref_slice %arg12[%dma_wait3A_385] : memref<1052672xf32, #tpu.memory_space<vmem_shared>> -> memref<1052672xf32, #tpu.memory_space<vmem_shared>>
    tpu.wait_indirect_dma semaphore(%arg14 : memref<!tpu.dma_semaphore, #tpu.memory_space<semaphore_mem>>) src(%arg10 : memref<128xf32, #tpu.memory_space<vmem>>) dst(%dma_wait3A_386 : memref<1052672xf32, #tpu.memory_space<vmem_shared>>)
    %dma_wait3A_387 = arith.constant 0 : i32
    %dma_wait3A_388 = arith.constant 17 : i32
    %dma_wait3A_389 = arith.constant 0 : i32
    %dma_wait3A_390 = arith.constant 0 : i32
    %dma_wait3A_391 = tpu.memref_slice %arg9[%dma_wait3A_387, %dma_wait3A_389, %dma_wait3A_390] : memref<2x32x128xi32, #tpu.memory_space<vmem>> -> memref<1x32x128xi32, #tpu.memory_space<vmem>>
    %dma_wait3A_392 = tpu.memref_squeeze %dma_wait3A_391 : memref<1x32x128xi32, #tpu.memory_space<vmem>> -> memref<32x128xi32, #tpu.memory_space<vmem>>
    %dma_wait3A_393 = arith.constant 0 : i32
    %dma_wait3A_394 = tpu.memref_slice %dma_wait3A_392[%dma_wait3A_388, %dma_wait3A_393] : memref<32x128xi32, #tpu.memory_space<vmem>> -> memref<1x128xi32, #tpu.memory_space<vmem>>
    %dma_wait3A_395 = tpu.memref_squeeze %dma_wait3A_394 : memref<1x128xi32, #tpu.memory_space<vmem>> -> memref<128xi32, #tpu.memory_space<vmem>>
    %dma_wait3A_396 = arith.constant 0 : i32
    %dma_wait3A_397 = tpu.memref_slice %arg12[%dma_wait3A_396] : memref<1052672xf32, #tpu.memory_space<vmem_shared>> -> memref<1052672xf32, #tpu.memory_space<vmem_shared>>
    tpu.wait_indirect_dma semaphore(%arg14 : memref<!tpu.dma_semaphore, #tpu.memory_space<semaphore_mem>>) src(%arg10 : memref<128xf32, #tpu.memory_space<vmem>>) dst(%dma_wait3A_397 : memref<1052672xf32, #tpu.memory_space<vmem_shared>>)
    %dma_wait3A_398 = arith.constant 0 : i32
    %dma_wait3A_399 = arith.constant 18 : i32
    %dma_wait3A_400 = arith.constant 0 : i32
    %dma_wait3A_401 = arith.constant 0 : i32
    %dma_wait3A_402 = tpu.memref_slice %arg9[%dma_wait3A_398, %dma_wait3A_400, %dma_wait3A_401] : memref<2x32x128xi32, #tpu.memory_space<vmem>> -> memref<1x32x128xi32, #tpu.memory_space<vmem>>
    %dma_wait3A_403 = tpu.memref_squeeze %dma_wait3A_402 : memref<1x32x128xi32, #tpu.memory_space<vmem>> -> memref<32x128xi32, #tpu.memory_space<vmem>>
    %dma_wait3A_404 = arith.constant 0 : i32
    %dma_wait3A_405 = tpu.memref_slice %dma_wait3A_403[%dma_wait3A_399, %dma_wait3A_404] : memref<32x128xi32, #tpu.memory_space<vmem>> -> memref<1x128xi32, #tpu.memory_space<vmem>>
    %dma_wait3A_406 = tpu.memref_squeeze %dma_wait3A_405 : memref<1x128xi32, #tpu.memory_space<vmem>> -> memref<128xi32, #tpu.memory_space<vmem>>
    %dma_wait3A_407 = arith.constant 0 : i32
    %dma_wait3A_408 = tpu.memref_slice %arg12[%dma_wait3A_407] : memref<1052672xf32, #tpu.memory_space<vmem_shared>> -> memref<1052672xf32, #tpu.memory_space<vmem_shared>>
    tpu.wait_indirect_dma semaphore(%arg14 : memref<!tpu.dma_semaphore, #tpu.memory_space<semaphore_mem>>) src(%arg10 : memref<128xf32, #tpu.memory_space<vmem>>) dst(%dma_wait3A_408 : memref<1052672xf32, #tpu.memory_space<vmem_shared>>)
    %dma_wait3A_409 = arith.constant 0 : i32
    %dma_wait3A_410 = arith.constant 19 : i32
    %dma_wait3A_411 = arith.constant 0 : i32
    %dma_wait3A_412 = arith.constant 0 : i32
    %dma_wait3A_413 = tpu.memref_slice %arg9[%dma_wait3A_409, %dma_wait3A_411, %dma_wait3A_412] : memref<2x32x128xi32, #tpu.memory_space<vmem>> -> memref<1x32x128xi32, #tpu.memory_space<vmem>>
    %dma_wait3A_414 = tpu.memref_squeeze %dma_wait3A_413 : memref<1x32x128xi32, #tpu.memory_space<vmem>> -> memref<32x128xi32, #tpu.memory_space<vmem>>
    %dma_wait3A_415 = arith.constant 0 : i32
    %dma_wait3A_416 = tpu.memref_slice %dma_wait3A_414[%dma_wait3A_410, %dma_wait3A_415] : memref<32x128xi32, #tpu.memory_space<vmem>> -> memref<1x128xi32, #tpu.memory_space<vmem>>
    %dma_wait3A_417 = tpu.memref_squeeze %dma_wait3A_416 : memref<1x128xi32, #tpu.memory_space<vmem>> -> memref<128xi32, #tpu.memory_space<vmem>>
    %dma_wait3A_418 = arith.constant 0 : i32
    %dma_wait3A_419 = tpu.memref_slice %arg12[%dma_wait3A_418] : memref<1052672xf32, #tpu.memory_space<vmem_shared>> -> memref<1052672xf32, #tpu.memory_space<vmem_shared>>
    tpu.wait_indirect_dma semaphore(%arg14 : memref<!tpu.dma_semaphore, #tpu.memory_space<semaphore_mem>>) src(%arg10 : memref<128xf32, #tpu.memory_space<vmem>>) dst(%dma_wait3A_419 : memref<1052672xf32, #tpu.memory_space<vmem_shared>>)
    %dma_wait3A_420 = arith.constant 0 : i32
    %dma_wait3A_421 = arith.constant 20 : i32
    %dma_wait3A_422 = arith.constant 0 : i32
    %dma_wait3A_423 = arith.constant 0 : i32
    %dma_wait3A_424 = tpu.memref_slice %arg9[%dma_wait3A_420, %dma_wait3A_422, %dma_wait3A_423] : memref<2x32x128xi32, #tpu.memory_space<vmem>> -> memref<1x32x128xi32, #tpu.memory_space<vmem>>
    %dma_wait3A_425 = tpu.memref_squeeze %dma_wait3A_424 : memref<1x32x128xi32, #tpu.memory_space<vmem>> -> memref<32x128xi32, #tpu.memory_space<vmem>>
    %dma_wait3A_426 = arith.constant 0 : i32
    %dma_wait3A_427 = tpu.memref_slice %dma_wait3A_425[%dma_wait3A_421, %dma_wait3A_426] : memref<32x128xi32, #tpu.memory_space<vmem>> -> memref<1x128xi32, #tpu.memory_space<vmem>>
    %dma_wait3A_428 = tpu.memref_squeeze %dma_wait3A_427 : memref<1x128xi32, #tpu.memory_space<vmem>> -> memref<128xi32, #tpu.memory_space<vmem>>
    %dma_wait3A_429 = arith.constant 0 : i32
    %dma_wait3A_430 = tpu.memref_slice %arg12[%dma_wait3A_429] : memref<1052672xf32, #tpu.memory_space<vmem_shared>> -> memref<1052672xf32, #tpu.memory_space<vmem_shared>>
    tpu.wait_indirect_dma semaphore(%arg14 : memref<!tpu.dma_semaphore, #tpu.memory_space<semaphore_mem>>) src(%arg10 : memref<128xf32, #tpu.memory_space<vmem>>) dst(%dma_wait3A_430 : memref<1052672xf32, #tpu.memory_space<vmem_shared>>)
    %dma_wait3A_431 = arith.constant 0 : i32
    %dma_wait3A_432 = arith.constant 21 : i32
    %dma_wait3A_433 = arith.constant 0 : i32
    %dma_wait3A_434 = arith.constant 0 : i32
    %dma_wait3A_435 = tpu.memref_slice %arg9[%dma_wait3A_431, %dma_wait3A_433, %dma_wait3A_434] : memref<2x32x128xi32, #tpu.memory_space<vmem>> -> memref<1x32x128xi32, #tpu.memory_space<vmem>>
    %dma_wait3A_436 = tpu.memref_squeeze %dma_wait3A_435 : memref<1x32x128xi32, #tpu.memory_space<vmem>> -> memref<32x128xi32, #tpu.memory_space<vmem>>
    %dma_wait3A_437 = arith.constant 0 : i32
    %dma_wait3A_438 = tpu.memref_slice %dma_wait3A_436[%dma_wait3A_432, %dma_wait3A_437] : memref<32x128xi32, #tpu.memory_space<vmem>> -> memref<1x128xi32, #tpu.memory_space<vmem>>
    %dma_wait3A_439 = tpu.memref_squeeze %dma_wait3A_438 : memref<1x128xi32, #tpu.memory_space<vmem>> -> memref<128xi32, #tpu.memory_space<vmem>>
    %dma_wait3A_440 = arith.constant 0 : i32
    %dma_wait3A_441 = tpu.memref_slice %arg12[%dma_wait3A_440] : memref<1052672xf32, #tpu.memory_space<vmem_shared>> -> memref<1052672xf32, #tpu.memory_space<vmem_shared>>
    tpu.wait_indirect_dma semaphore(%arg14 : memref<!tpu.dma_semaphore, #tpu.memory_space<semaphore_mem>>) src(%arg10 : memref<128xf32, #tpu.memory_space<vmem>>) dst(%dma_wait3A_441 : memref<1052672xf32, #tpu.memory_space<vmem_shared>>)
    %dma_wait3A_442 = arith.constant 0 : i32
    %dma_wait3A_443 = arith.constant 22 : i32
    %dma_wait3A_444 = arith.constant 0 : i32
    %dma_wait3A_445 = arith.constant 0 : i32
    %dma_wait3A_446 = tpu.memref_slice %arg9[%dma_wait3A_442, %dma_wait3A_444, %dma_wait3A_445] : memref<2x32x128xi32, #tpu.memory_space<vmem>> -> memref<1x32x128xi32, #tpu.memory_space<vmem>>
    %dma_wait3A_447 = tpu.memref_squeeze %dma_wait3A_446 : memref<1x32x128xi32, #tpu.memory_space<vmem>> -> memref<32x128xi32, #tpu.memory_space<vmem>>
    %dma_wait3A_448 = arith.constant 0 : i32
    %dma_wait3A_449 = tpu.memref_slice %dma_wait3A_447[%dma_wait3A_443, %dma_wait3A_448] : memref<32x128xi32, #tpu.memory_space<vmem>> -> memref<1x128xi32, #tpu.memory_space<vmem>>
    %dma_wait3A_450 = tpu.memref_squeeze %dma_wait3A_449 : memref<1x128xi32, #tpu.memory_space<vmem>> -> memref<128xi32, #tpu.memory_space<vmem>>
    %dma_wait3A_451 = arith.constant 0 : i32
    %dma_wait3A_452 = tpu.memref_slice %arg12[%dma_wait3A_451] : memref<1052672xf32, #tpu.memory_space<vmem_shared>> -> memref<1052672xf32, #tpu.memory_space<vmem_shared>>
    tpu.wait_indirect_dma semaphore(%arg14 : memref<!tpu.dma_semaphore, #tpu.memory_space<semaphore_mem>>) src(%arg10 : memref<128xf32, #tpu.memory_space<vmem>>) dst(%dma_wait3A_452 : memref<1052672xf32, #tpu.memory_space<vmem_shared>>)
    %dma_wait3A_453 = arith.constant 0 : i32
    %dma_wait3A_454 = arith.constant 23 : i32
    %dma_wait3A_455 = arith.constant 0 : i32
    %dma_wait3A_456 = arith.constant 0 : i32
    %dma_wait3A_457 = tpu.memref_slice %arg9[%dma_wait3A_453, %dma_wait3A_455, %dma_wait3A_456] : memref<2x32x128xi32, #tpu.memory_space<vmem>> -> memref<1x32x128xi32, #tpu.memory_space<vmem>>
    %dma_wait3A_458 = tpu.memref_squeeze %dma_wait3A_457 : memref<1x32x128xi32, #tpu.memory_space<vmem>> -> memref<32x128xi32, #tpu.memory_space<vmem>>
    %dma_wait3A_459 = arith.constant 0 : i32
    %dma_wait3A_460 = tpu.memref_slice %dma_wait3A_458[%dma_wait3A_454, %dma_wait3A_459] : memref<32x128xi32, #tpu.memory_space<vmem>> -> memref<1x128xi32, #tpu.memory_space<vmem>>
    %dma_wait3A_461 = tpu.memref_squeeze %dma_wait3A_460 : memref<1x128xi32, #tpu.memory_space<vmem>> -> memref<128xi32, #tpu.memory_space<vmem>>
    %dma_wait3A_462 = arith.constant 0 : i32
    %dma_wait3A_463 = tpu.memref_slice %arg12[%dma_wait3A_462] : memref<1052672xf32, #tpu.memory_space<vmem_shared>> -> memref<1052672xf32, #tpu.memory_space<vmem_shared>>
    tpu.wait_indirect_dma semaphore(%arg14 : memref<!tpu.dma_semaphore, #tpu.memory_space<semaphore_mem>>) src(%arg10 : memref<128xf32, #tpu.memory_space<vmem>>) dst(%dma_wait3A_463 : memref<1052672xf32, #tpu.memory_space<vmem_shared>>)
    %dma_wait3A_464 = arith.constant 0 : i32
    %dma_wait3A_465 = arith.constant 24 : i32
    %dma_wait3A_466 = arith.constant 0 : i32
    %dma_wait3A_467 = arith.constant 0 : i32
    %dma_wait3A_468 = tpu.memref_slice %arg9[%dma_wait3A_464, %dma_wait3A_466, %dma_wait3A_467] : memref<2x32x128xi32, #tpu.memory_space<vmem>> -> memref<1x32x128xi32, #tpu.memory_space<vmem>>
    %dma_wait3A_469 = tpu.memref_squeeze %dma_wait3A_468 : memref<1x32x128xi32, #tpu.memory_space<vmem>> -> memref<32x128xi32, #tpu.memory_space<vmem>>
    %dma_wait3A_470 = arith.constant 0 : i32
    %dma_wait3A_471 = tpu.memref_slice %dma_wait3A_469[%dma_wait3A_465, %dma_wait3A_470] : memref<32x128xi32, #tpu.memory_space<vmem>> -> memref<1x128xi32, #tpu.memory_space<vmem>>
    %dma_wait3A_472 = tpu.memref_squeeze %dma_wait3A_471 : memref<1x128xi32, #tpu.memory_space<vmem>> -> memref<128xi32, #tpu.memory_space<vmem>>
    %dma_wait3A_473 = arith.constant 0 : i32
    %dma_wait3A_474 = tpu.memref_slice %arg12[%dma_wait3A_473] : memref<1052672xf32, #tpu.memory_space<vmem_shared>> -> memref<1052672xf32, #tpu.memory_space<vmem_shared>>
    tpu.wait_indirect_dma semaphore(%arg14 : memref<!tpu.dma_semaphore, #tpu.memory_space<semaphore_mem>>) src(%arg10 : memref<128xf32, #tpu.memory_space<vmem>>) dst(%dma_wait3A_474 : memref<1052672xf32, #tpu.memory_space<vmem_shared>>)
    %dma_wait3A_475 = arith.constant 0 : i32
    %dma_wait3A_476 = arith.constant 25 : i32
    %dma_wait3A_477 = arith.constant 0 : i32
    %dma_wait3A_478 = arith.constant 0 : i32
    %dma_wait3A_479 = tpu.memref_slice %arg9[%dma_wait3A_475, %dma_wait3A_477, %dma_wait3A_478] : memref<2x32x128xi32, #tpu.memory_space<vmem>> -> memref<1x32x128xi32, #tpu.memory_space<vmem>>
    %dma_wait3A_480 = tpu.memref_squeeze %dma_wait3A_479 : memref<1x32x128xi32, #tpu.memory_space<vmem>> -> memref<32x128xi32, #tpu.memory_space<vmem>>
    %dma_wait3A_481 = arith.constant 0 : i32
    %dma_wait3A_482 = tpu.memref_slice %dma_wait3A_480[%dma_wait3A_476, %dma_wait3A_481] : memref<32x128xi32, #tpu.memory_space<vmem>> -> memref<1x128xi32, #tpu.memory_space<vmem>>
    %dma_wait3A_483 = tpu.memref_squeeze %dma_wait3A_482 : memref<1x128xi32, #tpu.memory_space<vmem>> -> memref<128xi32, #tpu.memory_space<vmem>>
    %dma_wait3A_484 = arith.constant 0 : i32
    %dma_wait3A_485 = tpu.memref_slice %arg12[%dma_wait3A_484] : memref<1052672xf32, #tpu.memory_space<vmem_shared>> -> memref<1052672xf32, #tpu.memory_space<vmem_shared>>
    tpu.wait_indirect_dma semaphore(%arg14 : memref<!tpu.dma_semaphore, #tpu.memory_space<semaphore_mem>>) src(%arg10 : memref<128xf32, #tpu.memory_space<vmem>>) dst(%dma_wait3A_485 : memref<1052672xf32, #tpu.memory_space<vmem_shared>>)
    %dma_wait3A_486 = arith.constant 0 : i32
    %dma_wait3A_487 = arith.constant 26 : i32
    %dma_wait3A_488 = arith.constant 0 : i32
    %dma_wait3A_489 = arith.constant 0 : i32
    %dma_wait3A_490 = tpu.memref_slice %arg9[%dma_wait3A_486, %dma_wait3A_488, %dma_wait3A_489] : memref<2x32x128xi32, #tpu.memory_space<vmem>> -> memref<1x32x128xi32, #tpu.memory_space<vmem>>
    %dma_wait3A_491 = tpu.memref_squeeze %dma_wait3A_490 : memref<1x32x128xi32, #tpu.memory_space<vmem>> -> memref<32x128xi32, #tpu.memory_space<vmem>>
    %dma_wait3A_492 = arith.constant 0 : i32
    %dma_wait3A_493 = tpu.memref_slice %dma_wait3A_491[%dma_wait3A_487, %dma_wait3A_492] : memref<32x128xi32, #tpu.memory_space<vmem>> -> memref<1x128xi32, #tpu.memory_space<vmem>>
    %dma_wait3A_494 = tpu.memref_squeeze %dma_wait3A_493 : memref<1x128xi32, #tpu.memory_space<vmem>> -> memref<128xi32, #tpu.memory_space<vmem>>
    %dma_wait3A_495 = arith.constant 0 : i32
    %dma_wait3A_496 = tpu.memref_slice %arg12[%dma_wait3A_495] : memref<1052672xf32, #tpu.memory_space<vmem_shared>> -> memref<1052672xf32, #tpu.memory_space<vmem_shared>>
    tpu.wait_indirect_dma semaphore(%arg14 : memref<!tpu.dma_semaphore, #tpu.memory_space<semaphore_mem>>) src(%arg10 : memref<128xf32, #tpu.memory_space<vmem>>) dst(%dma_wait3A_496 : memref<1052672xf32, #tpu.memory_space<vmem_shared>>)
    %dma_wait3A_497 = arith.constant 0 : i32
    %dma_wait3A_498 = arith.constant 27 : i32
    %dma_wait3A_499 = arith.constant 0 : i32
    %dma_wait3A_500 = arith.constant 0 : i32
    %dma_wait3A_501 = tpu.memref_slice %arg9[%dma_wait3A_497, %dma_wait3A_499, %dma_wait3A_500] : memref<2x32x128xi32, #tpu.memory_space<vmem>> -> memref<1x32x128xi32, #tpu.memory_space<vmem>>
    %dma_wait3A_502 = tpu.memref_squeeze %dma_wait3A_501 : memref<1x32x128xi32, #tpu.memory_space<vmem>> -> memref<32x128xi32, #tpu.memory_space<vmem>>
    %dma_wait3A_503 = arith.constant 0 : i32
    %dma_wait3A_504 = tpu.memref_slice %dma_wait3A_502[%dma_wait3A_498, %dma_wait3A_503] : memref<32x128xi32, #tpu.memory_space<vmem>> -> memref<1x128xi32, #tpu.memory_space<vmem>>
    %dma_wait3A_505 = tpu.memref_squeeze %dma_wait3A_504 : memref<1x128xi32, #tpu.memory_space<vmem>> -> memref<128xi32, #tpu.memory_space<vmem>>
    %dma_wait3A_506 = arith.constant 0 : i32
    %dma_wait3A_507 = tpu.memref_slice %arg12[%dma_wait3A_506] : memref<1052672xf32, #tpu.memory_space<vmem_shared>> -> memref<1052672xf32, #tpu.memory_space<vmem_shared>>
    tpu.wait_indirect_dma semaphore(%arg14 : memref<!tpu.dma_semaphore, #tpu.memory_space<semaphore_mem>>) src(%arg10 : memref<128xf32, #tpu.memory_space<vmem>>) dst(%dma_wait3A_507 : memref<1052672xf32, #tpu.memory_space<vmem_shared>>)
    %dma_wait3A_508 = arith.constant 0 : i32
    %dma_wait3A_509 = arith.constant 28 : i32
    %dma_wait3A_510 = arith.constant 0 : i32
    %dma_wait3A_511 = arith.constant 0 : i32
    %dma_wait3A_512 = tpu.memref_slice %arg9[%dma_wait3A_508, %dma_wait3A_510, %dma_wait3A_511] : memref<2x32x128xi32, #tpu.memory_space<vmem>> -> memref<1x32x128xi32, #tpu.memory_space<vmem>>
    %dma_wait3A_513 = tpu.memref_squeeze %dma_wait3A_512 : memref<1x32x128xi32, #tpu.memory_space<vmem>> -> memref<32x128xi32, #tpu.memory_space<vmem>>
    %dma_wait3A_514 = arith.constant 0 : i32
    %dma_wait3A_515 = tpu.memref_slice %dma_wait3A_513[%dma_wait3A_509, %dma_wait3A_514] : memref<32x128xi32, #tpu.memory_space<vmem>> -> memref<1x128xi32, #tpu.memory_space<vmem>>
    %dma_wait3A_516 = tpu.memref_squeeze %dma_wait3A_515 : memref<1x128xi32, #tpu.memory_space<vmem>> -> memref<128xi32, #tpu.memory_space<vmem>>
    %dma_wait3A_517 = arith.constant 0 : i32
    %dma_wait3A_518 = tpu.memref_slice %arg12[%dma_wait3A_517] : memref<1052672xf32, #tpu.memory_space<vmem_shared>> -> memref<1052672xf32, #tpu.memory_space<vmem_shared>>
    tpu.wait_indirect_dma semaphore(%arg14 : memref<!tpu.dma_semaphore, #tpu.memory_space<semaphore_mem>>) src(%arg10 : memref<128xf32, #tpu.memory_space<vmem>>) dst(%dma_wait3A_518 : memref<1052672xf32, #tpu.memory_space<vmem_shared>>)
    %dma_wait3A_519 = arith.constant 0 : i32
    %dma_wait3A_520 = arith.constant 29 : i32
    %dma_wait3A_521 = arith.constant 0 : i32
    %dma_wait3A_522 = arith.constant 0 : i32
    %dma_wait3A_523 = tpu.memref_slice %arg9[%dma_wait3A_519, %dma_wait3A_521, %dma_wait3A_522] : memref<2x32x128xi32, #tpu.memory_space<vmem>> -> memref<1x32x128xi32, #tpu.memory_space<vmem>>
    %dma_wait3A_524 = tpu.memref_squeeze %dma_wait3A_523 : memref<1x32x128xi32, #tpu.memory_space<vmem>> -> memref<32x128xi32, #tpu.memory_space<vmem>>
    %dma_wait3A_525 = arith.constant 0 : i32
    %dma_wait3A_526 = tpu.memref_slice %dma_wait3A_524[%dma_wait3A_520, %dma_wait3A_525] : memref<32x128xi32, #tpu.memory_space<vmem>> -> memref<1x128xi32, #tpu.memory_space<vmem>>
    %dma_wait3A_527 = tpu.memref_squeeze %dma_wait3A_526 : memref<1x128xi32, #tpu.memory_space<vmem>> -> memref<128xi32, #tpu.memory_space<vmem>>
    %dma_wait3A_528 = arith.constant 0 : i32
    %dma_wait3A_529 = tpu.memref_slice %arg12[%dma_wait3A_528] : memref<1052672xf32, #tpu.memory_space<vmem_shared>> -> memref<1052672xf32, #tpu.memory_space<vmem_shared>>
    tpu.wait_indirect_dma semaphore(%arg14 : memref<!tpu.dma_semaphore, #tpu.memory_space<semaphore_mem>>) src(%arg10 : memref<128xf32, #tpu.memory_space<vmem>>) dst(%dma_wait3A_529 : memref<1052672xf32, #tpu.memory_space<vmem_shared>>)
    %dma_wait3A_530 = arith.constant 0 : i32
    %dma_wait3A_531 = arith.constant 30 : i32
    %dma_wait3A_532 = arith.constant 0 : i32
    %dma_wait3A_533 = arith.constant 0 : i32
    %dma_wait3A_534 = tpu.memref_slice %arg9[%dma_wait3A_530, %dma_wait3A_532, %dma_wait3A_533] : memref<2x32x128xi32, #tpu.memory_space<vmem>> -> memref<1x32x128xi32, #tpu.memory_space<vmem>>
    %dma_wait3A_535 = tpu.memref_squeeze %dma_wait3A_534 : memref<1x32x128xi32, #tpu.memory_space<vmem>> -> memref<32x128xi32, #tpu.memory_space<vmem>>
    %dma_wait3A_536 = arith.constant 0 : i32
    %dma_wait3A_537 = tpu.memref_slice %dma_wait3A_535[%dma_wait3A_531, %dma_wait3A_536] : memref<32x128xi32, #tpu.memory_space<vmem>> -> memref<1x128xi32, #tpu.memory_space<vmem>>
    %dma_wait3A_538 = tpu.memref_squeeze %dma_wait3A_537 : memref<1x128xi32, #tpu.memory_space<vmem>> -> memref<128xi32, #tpu.memory_space<vmem>>
    %dma_wait3A_539 = arith.constant 0 : i32
    %dma_wait3A_540 = tpu.memref_slice %arg12[%dma_wait3A_539] : memref<1052672xf32, #tpu.memory_space<vmem_shared>> -> memref<1052672xf32, #tpu.memory_space<vmem_shared>>
    tpu.wait_indirect_dma semaphore(%arg14 : memref<!tpu.dma_semaphore, #tpu.memory_space<semaphore_mem>>) src(%arg10 : memref<128xf32, #tpu.memory_space<vmem>>) dst(%dma_wait3A_540 : memref<1052672xf32, #tpu.memory_space<vmem_shared>>)
    %dma_wait3A_541 = arith.constant 0 : i32
    %dma_wait3A_542 = arith.constant 31 : i32
    %dma_wait3A_543 = arith.constant 0 : i32
    %dma_wait3A_544 = arith.constant 0 : i32
    %dma_wait3A_545 = tpu.memref_slice %arg9[%dma_wait3A_541, %dma_wait3A_543, %dma_wait3A_544] : memref<2x32x128xi32, #tpu.memory_space<vmem>> -> memref<1x32x128xi32, #tpu.memory_space<vmem>>
    %dma_wait3A_546 = tpu.memref_squeeze %dma_wait3A_545 : memref<1x32x128xi32, #tpu.memory_space<vmem>> -> memref<32x128xi32, #tpu.memory_space<vmem>>
    %dma_wait3A_547 = arith.constant 0 : i32
    %dma_wait3A_548 = tpu.memref_slice %dma_wait3A_546[%dma_wait3A_542, %dma_wait3A_547] : memref<32x128xi32, #tpu.memory_space<vmem>> -> memref<1x128xi32, #tpu.memory_space<vmem>>
    %dma_wait3A_549 = tpu.memref_squeeze %dma_wait3A_548 : memref<1x128xi32, #tpu.memory_space<vmem>> -> memref<128xi32, #tpu.memory_space<vmem>>
    %dma_wait3A_550 = arith.constant 0 : i32
    %dma_wait3A_551 = tpu.memref_slice %arg12[%dma_wait3A_550] : memref<1052672xf32, #tpu.memory_space<vmem_shared>> -> memref<1052672xf32, #tpu.memory_space<vmem_shared>>
    tpu.wait_indirect_dma semaphore(%arg14 : memref<!tpu.dma_semaphore, #tpu.memory_space<semaphore_mem>>) src(%arg10 : memref<128xf32, #tpu.memory_space<vmem>>) dst(%dma_wait3A_551 : memref<1052672xf32, #tpu.memory_space<vmem_shared>>)
    %dma_wait3A_552 = arith.constant 1 : i32
    %dma_wait3A_553 = arith.constant 0 : i32
    %dma_wait3A_554 = arith.constant 0 : i32
    %dma_wait3A_555 = arith.constant 0 : i32
    %dma_wait3A_556 = tpu.memref_slice %arg9[%dma_wait3A_552, %dma_wait3A_554, %dma_wait3A_555] : memref<2x32x128xi32, #tpu.memory_space<vmem>> -> memref<1x32x128xi32, #tpu.memory_space<vmem>>
    %dma_wait3A_557 = tpu.memref_squeeze %dma_wait3A_556 : memref<1x32x128xi32, #tpu.memory_space<vmem>> -> memref<32x128xi32, #tpu.memory_space<vmem>>
    %dma_wait3A_558 = arith.constant 0 : i32
    %dma_wait3A_559 = tpu.memref_slice %dma_wait3A_557[%dma_wait3A_553, %dma_wait3A_558] : memref<32x128xi32, #tpu.memory_space<vmem>> -> memref<1x128xi32, #tpu.memory_space<vmem>>
    %dma_wait3A_560 = tpu.memref_squeeze %dma_wait3A_559 : memref<1x128xi32, #tpu.memory_space<vmem>> -> memref<128xi32, #tpu.memory_space<vmem>>
    %dma_wait3A_561 = arith.constant 0 : i32
    %dma_wait3A_562 = tpu.memref_slice %arg12[%dma_wait3A_561] : memref<1052672xf32, #tpu.memory_space<vmem_shared>> -> memref<1052672xf32, #tpu.memory_space<vmem_shared>>
    tpu.wait_indirect_dma semaphore(%arg14 : memref<!tpu.dma_semaphore, #tpu.memory_space<semaphore_mem>>) src(%arg10 : memref<128xf32, #tpu.memory_space<vmem>>) dst(%dma_wait3A_562 : memref<1052672xf32, #tpu.memory_space<vmem_shared>>)
    %dma_wait3A_563 = arith.constant 1 : i32
    %dma_wait3A_564 = arith.constant 1 : i32
    %dma_wait3A_565 = arith.constant 0 : i32
    %dma_wait3A_566 = arith.constant 0 : i32
    %dma_wait3A_567 = tpu.memref_slice %arg9[%dma_wait3A_563, %dma_wait3A_565, %dma_wait3A_566] : memref<2x32x128xi32, #tpu.memory_space<vmem>> -> memref<1x32x128xi32, #tpu.memory_space<vmem>>
    %dma_wait3A_568 = tpu.memref_squeeze %dma_wait3A_567 : memref<1x32x128xi32, #tpu.memory_space<vmem>> -> memref<32x128xi32, #tpu.memory_space<vmem>>
    %dma_wait3A_569 = arith.constant 0 : i32
    %dma_wait3A_570 = tpu.memref_slice %dma_wait3A_568[%dma_wait3A_564, %dma_wait3A_569] : memref<32x128xi32, #tpu.memory_space<vmem>> -> memref<1x128xi32, #tpu.memory_space<vmem>>
    %dma_wait3A_571 = tpu.memref_squeeze %dma_wait3A_570 : memref<1x128xi32, #tpu.memory_space<vmem>> -> memref<128xi32, #tpu.memory_space<vmem>>
    %dma_wait3A_572 = arith.constant 0 : i32
    %dma_wait3A_573 = tpu.memref_slice %arg12[%dma_wait3A_572] : memref<1052672xf32, #tpu.memory_space<vmem_shared>> -> memref<1052672xf32, #tpu.memory_space<vmem_shared>>
    tpu.wait_indirect_dma semaphore(%arg14 : memref<!tpu.dma_semaphore, #tpu.memory_space<semaphore_mem>>) src(%arg10 : memref<128xf32, #tpu.memory_space<vmem>>) dst(%dma_wait3A_573 : memref<1052672xf32, #tpu.memory_space<vmem_shared>>)
    %dma_wait3A_574 = arith.constant 1 : i32
    %dma_wait3A_575 = arith.constant 2 : i32
    %dma_wait3A_576 = arith.constant 0 : i32
    %dma_wait3A_577 = arith.constant 0 : i32
    %dma_wait3A_578 = tpu.memref_slice %arg9[%dma_wait3A_574, %dma_wait3A_576, %dma_wait3A_577] : memref<2x32x128xi32, #tpu.memory_space<vmem>> -> memref<1x32x128xi32, #tpu.memory_space<vmem>>
    %dma_wait3A_579 = tpu.memref_squeeze %dma_wait3A_578 : memref<1x32x128xi32, #tpu.memory_space<vmem>> -> memref<32x128xi32, #tpu.memory_space<vmem>>
    %dma_wait3A_580 = arith.constant 0 : i32
    %dma_wait3A_581 = tpu.memref_slice %dma_wait3A_579[%dma_wait3A_575, %dma_wait3A_580] : memref<32x128xi32, #tpu.memory_space<vmem>> -> memref<1x128xi32, #tpu.memory_space<vmem>>
    %dma_wait3A_582 = tpu.memref_squeeze %dma_wait3A_581 : memref<1x128xi32, #tpu.memory_space<vmem>> -> memref<128xi32, #tpu.memory_space<vmem>>
    %dma_wait3A_583 = arith.constant 0 : i32
    %dma_wait3A_584 = tpu.memref_slice %arg12[%dma_wait3A_583] : memref<1052672xf32, #tpu.memory_space<vmem_shared>> -> memref<1052672xf32, #tpu.memory_space<vmem_shared>>
    tpu.wait_indirect_dma semaphore(%arg14 : memref<!tpu.dma_semaphore, #tpu.memory_space<semaphore_mem>>) src(%arg10 : memref<128xf32, #tpu.memory_space<vmem>>) dst(%dma_wait3A_584 : memref<1052672xf32, #tpu.memory_space<vmem_shared>>)
    %dma_wait3A_585 = arith.constant 1 : i32
    %dma_wait3A_586 = arith.constant 3 : i32
    %dma_wait3A_587 = arith.constant 0 : i32
    %dma_wait3A_588 = arith.constant 0 : i32
    %dma_wait3A_589 = tpu.memref_slice %arg9[%dma_wait3A_585, %dma_wait3A_587, %dma_wait3A_588] : memref<2x32x128xi32, #tpu.memory_space<vmem>> -> memref<1x32x128xi32, #tpu.memory_space<vmem>>
    %dma_wait3A_590 = tpu.memref_squeeze %dma_wait3A_589 : memref<1x32x128xi32, #tpu.memory_space<vmem>> -> memref<32x128xi32, #tpu.memory_space<vmem>>
    %dma_wait3A_591 = arith.constant 0 : i32
    %dma_wait3A_592 = tpu.memref_slice %dma_wait3A_590[%dma_wait3A_586, %dma_wait3A_591] : memref<32x128xi32, #tpu.memory_space<vmem>> -> memref<1x128xi32, #tpu.memory_space<vmem>>
    %dma_wait3A_593 = tpu.memref_squeeze %dma_wait3A_592 : memref<1x128xi32, #tpu.memory_space<vmem>> -> memref<128xi32, #tpu.memory_space<vmem>>
    %dma_wait3A_594 = arith.constant 0 : i32
    %dma_wait3A_595 = tpu.memref_slice %arg12[%dma_wait3A_594] : memref<1052672xf32, #tpu.memory_space<vmem_shared>> -> memref<1052672xf32, #tpu.memory_space<vmem_shared>>
    tpu.wait_indirect_dma semaphore(%arg14 : memref<!tpu.dma_semaphore, #tpu.memory_space<semaphore_mem>>) src(%arg10 : memref<128xf32, #tpu.memory_space<vmem>>) dst(%dma_wait3A_595 : memref<1052672xf32, #tpu.memory_space<vmem_shared>>)
    %dma_wait3A_596 = arith.constant 1 : i32
    %dma_wait3A_597 = arith.constant 4 : i32
    %dma_wait3A_598 = arith.constant 0 : i32
    %dma_wait3A_599 = arith.constant 0 : i32
    %dma_wait3A_600 = tpu.memref_slice %arg9[%dma_wait3A_596, %dma_wait3A_598, %dma_wait3A_599] : memref<2x32x128xi32, #tpu.memory_space<vmem>> -> memref<1x32x128xi32, #tpu.memory_space<vmem>>
    %dma_wait3A_601 = tpu.memref_squeeze %dma_wait3A_600 : memref<1x32x128xi32, #tpu.memory_space<vmem>> -> memref<32x128xi32, #tpu.memory_space<vmem>>
    %dma_wait3A_602 = arith.constant 0 : i32
    %dma_wait3A_603 = tpu.memref_slice %dma_wait3A_601[%dma_wait3A_597, %dma_wait3A_602] : memref<32x128xi32, #tpu.memory_space<vmem>> -> memref<1x128xi32, #tpu.memory_space<vmem>>
    %dma_wait3A_604 = tpu.memref_squeeze %dma_wait3A_603 : memref<1x128xi32, #tpu.memory_space<vmem>> -> memref<128xi32, #tpu.memory_space<vmem>>
    %dma_wait3A_605 = arith.constant 0 : i32
    %dma_wait3A_606 = tpu.memref_slice %arg12[%dma_wait3A_605] : memref<1052672xf32, #tpu.memory_space<vmem_shared>> -> memref<1052672xf32, #tpu.memory_space<vmem_shared>>
    tpu.wait_indirect_dma semaphore(%arg14 : memref<!tpu.dma_semaphore, #tpu.memory_space<semaphore_mem>>) src(%arg10 : memref<128xf32, #tpu.memory_space<vmem>>) dst(%dma_wait3A_606 : memref<1052672xf32, #tpu.memory_space<vmem_shared>>)
    %dma_wait3A_607 = arith.constant 1 : i32
    %dma_wait3A_608 = arith.constant 5 : i32
    %dma_wait3A_609 = arith.constant 0 : i32
    %dma_wait3A_610 = arith.constant 0 : i32
    %dma_wait3A_611 = tpu.memref_slice %arg9[%dma_wait3A_607, %dma_wait3A_609, %dma_wait3A_610] : memref<2x32x128xi32, #tpu.memory_space<vmem>> -> memref<1x32x128xi32, #tpu.memory_space<vmem>>
    %dma_wait3A_612 = tpu.memref_squeeze %dma_wait3A_611 : memref<1x32x128xi32, #tpu.memory_space<vmem>> -> memref<32x128xi32, #tpu.memory_space<vmem>>
    %dma_wait3A_613 = arith.constant 0 : i32
    %dma_wait3A_614 = tpu.memref_slice %dma_wait3A_612[%dma_wait3A_608, %dma_wait3A_613] : memref<32x128xi32, #tpu.memory_space<vmem>> -> memref<1x128xi32, #tpu.memory_space<vmem>>
    %dma_wait3A_615 = tpu.memref_squeeze %dma_wait3A_614 : memref<1x128xi32, #tpu.memory_space<vmem>> -> memref<128xi32, #tpu.memory_space<vmem>>
    %dma_wait3A_616 = arith.constant 0 : i32
    %dma_wait3A_617 = tpu.memref_slice %arg12[%dma_wait3A_616] : memref<1052672xf32, #tpu.memory_space<vmem_shared>> -> memref<1052672xf32, #tpu.memory_space<vmem_shared>>
    tpu.wait_indirect_dma semaphore(%arg14 : memref<!tpu.dma_semaphore, #tpu.memory_space<semaphore_mem>>) src(%arg10 : memref<128xf32, #tpu.memory_space<vmem>>) dst(%dma_wait3A_617 : memref<1052672xf32, #tpu.memory_space<vmem_shared>>)
    %dma_wait3A_618 = arith.constant 1 : i32
    %dma_wait3A_619 = arith.constant 6 : i32
    %dma_wait3A_620 = arith.constant 0 : i32
    %dma_wait3A_621 = arith.constant 0 : i32
    %dma_wait3A_622 = tpu.memref_slice %arg9[%dma_wait3A_618, %dma_wait3A_620, %dma_wait3A_621] : memref<2x32x128xi32, #tpu.memory_space<vmem>> -> memref<1x32x128xi32, #tpu.memory_space<vmem>>
    %dma_wait3A_623 = tpu.memref_squeeze %dma_wait3A_622 : memref<1x32x128xi32, #tpu.memory_space<vmem>> -> memref<32x128xi32, #tpu.memory_space<vmem>>
    %dma_wait3A_624 = arith.constant 0 : i32
    %dma_wait3A_625 = tpu.memref_slice %dma_wait3A_623[%dma_wait3A_619, %dma_wait3A_624] : memref<32x128xi32, #tpu.memory_space<vmem>> -> memref<1x128xi32, #tpu.memory_space<vmem>>
    %dma_wait3A_626 = tpu.memref_squeeze %dma_wait3A_625 : memref<1x128xi32, #tpu.memory_space<vmem>> -> memref<128xi32, #tpu.memory_space<vmem>>
    %dma_wait3A_627 = arith.constant 0 : i32
    %dma_wait3A_628 = tpu.memref_slice %arg12[%dma_wait3A_627] : memref<1052672xf32, #tpu.memory_space<vmem_shared>> -> memref<1052672xf32, #tpu.memory_space<vmem_shared>>
    tpu.wait_indirect_dma semaphore(%arg14 : memref<!tpu.dma_semaphore, #tpu.memory_space<semaphore_mem>>) src(%arg10 : memref<128xf32, #tpu.memory_space<vmem>>) dst(%dma_wait3A_628 : memref<1052672xf32, #tpu.memory_space<vmem_shared>>)
    %dma_wait3A_629 = arith.constant 1 : i32
    %dma_wait3A_630 = arith.constant 7 : i32
    %dma_wait3A_631 = arith.constant 0 : i32
    %dma_wait3A_632 = arith.constant 0 : i32
    %dma_wait3A_633 = tpu.memref_slice %arg9[%dma_wait3A_629, %dma_wait3A_631, %dma_wait3A_632] : memref<2x32x128xi32, #tpu.memory_space<vmem>> -> memref<1x32x128xi32, #tpu.memory_space<vmem>>
    %dma_wait3A_634 = tpu.memref_squeeze %dma_wait3A_633 : memref<1x32x128xi32, #tpu.memory_space<vmem>> -> memref<32x128xi32, #tpu.memory_space<vmem>>
    %dma_wait3A_635 = arith.constant 0 : i32
    %dma_wait3A_636 = tpu.memref_slice %dma_wait3A_634[%dma_wait3A_630, %dma_wait3A_635] : memref<32x128xi32, #tpu.memory_space<vmem>> -> memref<1x128xi32, #tpu.memory_space<vmem>>
    %dma_wait3A_637 = tpu.memref_squeeze %dma_wait3A_636 : memref<1x128xi32, #tpu.memory_space<vmem>> -> memref<128xi32, #tpu.memory_space<vmem>>
    %dma_wait3A_638 = arith.constant 0 : i32
    %dma_wait3A_639 = tpu.memref_slice %arg12[%dma_wait3A_638] : memref<1052672xf32, #tpu.memory_space<vmem_shared>> -> memref<1052672xf32, #tpu.memory_space<vmem_shared>>
    tpu.wait_indirect_dma semaphore(%arg14 : memref<!tpu.dma_semaphore, #tpu.memory_space<semaphore_mem>>) src(%arg10 : memref<128xf32, #tpu.memory_space<vmem>>) dst(%dma_wait3A_639 : memref<1052672xf32, #tpu.memory_space<vmem_shared>>)
    %dma_wait3A_640 = arith.constant 1 : i32
    %dma_wait3A_641 = arith.constant 8 : i32
    %dma_wait3A_642 = arith.constant 0 : i32
    %dma_wait3A_643 = arith.constant 0 : i32
    %dma_wait3A_644 = tpu.memref_slice %arg9[%dma_wait3A_640, %dma_wait3A_642, %dma_wait3A_643] : memref<2x32x128xi32, #tpu.memory_space<vmem>> -> memref<1x32x128xi32, #tpu.memory_space<vmem>>
    %dma_wait3A_645 = tpu.memref_squeeze %dma_wait3A_644 : memref<1x32x128xi32, #tpu.memory_space<vmem>> -> memref<32x128xi32, #tpu.memory_space<vmem>>
    %dma_wait3A_646 = arith.constant 0 : i32
    %dma_wait3A_647 = tpu.memref_slice %dma_wait3A_645[%dma_wait3A_641, %dma_wait3A_646] : memref<32x128xi32, #tpu.memory_space<vmem>> -> memref<1x128xi32, #tpu.memory_space<vmem>>
    %dma_wait3A_648 = tpu.memref_squeeze %dma_wait3A_647 : memref<1x128xi32, #tpu.memory_space<vmem>> -> memref<128xi32, #tpu.memory_space<vmem>>
    %dma_wait3A_649 = arith.constant 0 : i32
    %dma_wait3A_650 = tpu.memref_slice %arg12[%dma_wait3A_649] : memref<1052672xf32, #tpu.memory_space<vmem_shared>> -> memref<1052672xf32, #tpu.memory_space<vmem_shared>>
    tpu.wait_indirect_dma semaphore(%arg14 : memref<!tpu.dma_semaphore, #tpu.memory_space<semaphore_mem>>) src(%arg10 : memref<128xf32, #tpu.memory_space<vmem>>) dst(%dma_wait3A_650 : memref<1052672xf32, #tpu.memory_space<vmem_shared>>)
    %dma_wait3A_651 = arith.constant 1 : i32
    %dma_wait3A_652 = arith.constant 9 : i32
    %dma_wait3A_653 = arith.constant 0 : i32
    %dma_wait3A_654 = arith.constant 0 : i32
    %dma_wait3A_655 = tpu.memref_slice %arg9[%dma_wait3A_651, %dma_wait3A_653, %dma_wait3A_654] : memref<2x32x128xi32, #tpu.memory_space<vmem>> -> memref<1x32x128xi32, #tpu.memory_space<vmem>>
    %dma_wait3A_656 = tpu.memref_squeeze %dma_wait3A_655 : memref<1x32x128xi32, #tpu.memory_space<vmem>> -> memref<32x128xi32, #tpu.memory_space<vmem>>
    %dma_wait3A_657 = arith.constant 0 : i32
    %dma_wait3A_658 = tpu.memref_slice %dma_wait3A_656[%dma_wait3A_652, %dma_wait3A_657] : memref<32x128xi32, #tpu.memory_space<vmem>> -> memref<1x128xi32, #tpu.memory_space<vmem>>
    %dma_wait3A_659 = tpu.memref_squeeze %dma_wait3A_658 : memref<1x128xi32, #tpu.memory_space<vmem>> -> memref<128xi32, #tpu.memory_space<vmem>>
    %dma_wait3A_660 = arith.constant 0 : i32
    %dma_wait3A_661 = tpu.memref_slice %arg12[%dma_wait3A_660] : memref<1052672xf32, #tpu.memory_space<vmem_shared>> -> memref<1052672xf32, #tpu.memory_space<vmem_shared>>
    tpu.wait_indirect_dma semaphore(%arg14 : memref<!tpu.dma_semaphore, #tpu.memory_space<semaphore_mem>>) src(%arg10 : memref<128xf32, #tpu.memory_space<vmem>>) dst(%dma_wait3A_661 : memref<1052672xf32, #tpu.memory_space<vmem_shared>>)
    %dma_wait3A_662 = arith.constant 1 : i32
    %dma_wait3A_663 = arith.constant 10 : i32
    %dma_wait3A_664 = arith.constant 0 : i32
    %dma_wait3A_665 = arith.constant 0 : i32
    %dma_wait3A_666 = tpu.memref_slice %arg9[%dma_wait3A_662, %dma_wait3A_664, %dma_wait3A_665] : memref<2x32x128xi32, #tpu.memory_space<vmem>> -> memref<1x32x128xi32, #tpu.memory_space<vmem>>
    %dma_wait3A_667 = tpu.memref_squeeze %dma_wait3A_666 : memref<1x32x128xi32, #tpu.memory_space<vmem>> -> memref<32x128xi32, #tpu.memory_space<vmem>>
    %dma_wait3A_668 = arith.constant 0 : i32
    %dma_wait3A_669 = tpu.memref_slice %dma_wait3A_667[%dma_wait3A_663, %dma_wait3A_668] : memref<32x128xi32, #tpu.memory_space<vmem>> -> memref<1x128xi32, #tpu.memory_space<vmem>>
    %dma_wait3A_670 = tpu.memref_squeeze %dma_wait3A_669 : memref<1x128xi32, #tpu.memory_space<vmem>> -> memref<128xi32, #tpu.memory_space<vmem>>
    %dma_wait3A_671 = arith.constant 0 : i32
    %dma_wait3A_672 = tpu.memref_slice %arg12[%dma_wait3A_671] : memref<1052672xf32, #tpu.memory_space<vmem_shared>> -> memref<1052672xf32, #tpu.memory_space<vmem_shared>>
    tpu.wait_indirect_dma semaphore(%arg14 : memref<!tpu.dma_semaphore, #tpu.memory_space<semaphore_mem>>) src(%arg10 : memref<128xf32, #tpu.memory_space<vmem>>) dst(%dma_wait3A_672 : memref<1052672xf32, #tpu.memory_space<vmem_shared>>)
    %dma_wait3A_673 = arith.constant 1 : i32
    %dma_wait3A_674 = arith.constant 11 : i32
    %dma_wait3A_675 = arith.constant 0 : i32
    %dma_wait3A_676 = arith.constant 0 : i32
    %dma_wait3A_677 = tpu.memref_slice %arg9[%dma_wait3A_673, %dma_wait3A_675, %dma_wait3A_676] : memref<2x32x128xi32, #tpu.memory_space<vmem>> -> memref<1x32x128xi32, #tpu.memory_space<vmem>>
    %dma_wait3A_678 = tpu.memref_squeeze %dma_wait3A_677 : memref<1x32x128xi32, #tpu.memory_space<vmem>> -> memref<32x128xi32, #tpu.memory_space<vmem>>
    %dma_wait3A_679 = arith.constant 0 : i32
    %dma_wait3A_680 = tpu.memref_slice %dma_wait3A_678[%dma_wait3A_674, %dma_wait3A_679] : memref<32x128xi32, #tpu.memory_space<vmem>> -> memref<1x128xi32, #tpu.memory_space<vmem>>
    %dma_wait3A_681 = tpu.memref_squeeze %dma_wait3A_680 : memref<1x128xi32, #tpu.memory_space<vmem>> -> memref<128xi32, #tpu.memory_space<vmem>>
    %dma_wait3A_682 = arith.constant 0 : i32
    %dma_wait3A_683 = tpu.memref_slice %arg12[%dma_wait3A_682] : memref<1052672xf32, #tpu.memory_space<vmem_shared>> -> memref<1052672xf32, #tpu.memory_space<vmem_shared>>
    tpu.wait_indirect_dma semaphore(%arg14 : memref<!tpu.dma_semaphore, #tpu.memory_space<semaphore_mem>>) src(%arg10 : memref<128xf32, #tpu.memory_space<vmem>>) dst(%dma_wait3A_683 : memref<1052672xf32, #tpu.memory_space<vmem_shared>>)
    %dma_wait3A_684 = arith.constant 1 : i32
    %dma_wait3A_685 = arith.constant 12 : i32
    %dma_wait3A_686 = arith.constant 0 : i32
    %dma_wait3A_687 = arith.constant 0 : i32
    %dma_wait3A_688 = tpu.memref_slice %arg9[%dma_wait3A_684, %dma_wait3A_686, %dma_wait3A_687] : memref<2x32x128xi32, #tpu.memory_space<vmem>> -> memref<1x32x128xi32, #tpu.memory_space<vmem>>
    %dma_wait3A_689 = tpu.memref_squeeze %dma_wait3A_688 : memref<1x32x128xi32, #tpu.memory_space<vmem>> -> memref<32x128xi32, #tpu.memory_space<vmem>>
    %dma_wait3A_690 = arith.constant 0 : i32
    %dma_wait3A_691 = tpu.memref_slice %dma_wait3A_689[%dma_wait3A_685, %dma_wait3A_690] : memref<32x128xi32, #tpu.memory_space<vmem>> -> memref<1x128xi32, #tpu.memory_space<vmem>>
    %dma_wait3A_692 = tpu.memref_squeeze %dma_wait3A_691 : memref<1x128xi32, #tpu.memory_space<vmem>> -> memref<128xi32, #tpu.memory_space<vmem>>
    %dma_wait3A_693 = arith.constant 0 : i32
    %dma_wait3A_694 = tpu.memref_slice %arg12[%dma_wait3A_693] : memref<1052672xf32, #tpu.memory_space<vmem_shared>> -> memref<1052672xf32, #tpu.memory_space<vmem_shared>>
    tpu.wait_indirect_dma semaphore(%arg14 : memref<!tpu.dma_semaphore, #tpu.memory_space<semaphore_mem>>) src(%arg10 : memref<128xf32, #tpu.memory_space<vmem>>) dst(%dma_wait3A_694 : memref<1052672xf32, #tpu.memory_space<vmem_shared>>)
    %dma_wait3A_695 = arith.constant 1 : i32
    %dma_wait3A_696 = arith.constant 13 : i32
    %dma_wait3A_697 = arith.constant 0 : i32
    %dma_wait3A_698 = arith.constant 0 : i32
    %dma_wait3A_699 = tpu.memref_slice %arg9[%dma_wait3A_695, %dma_wait3A_697, %dma_wait3A_698] : memref<2x32x128xi32, #tpu.memory_space<vmem>> -> memref<1x32x128xi32, #tpu.memory_space<vmem>>
    %dma_wait3A_700 = tpu.memref_squeeze %dma_wait3A_699 : memref<1x32x128xi32, #tpu.memory_space<vmem>> -> memref<32x128xi32, #tpu.memory_space<vmem>>
    %dma_wait3A_701 = arith.constant 0 : i32
    %dma_wait3A_702 = tpu.memref_slice %dma_wait3A_700[%dma_wait3A_696, %dma_wait3A_701] : memref<32x128xi32, #tpu.memory_space<vmem>> -> memref<1x128xi32, #tpu.memory_space<vmem>>
    %dma_wait3A_703 = tpu.memref_squeeze %dma_wait3A_702 : memref<1x128xi32, #tpu.memory_space<vmem>> -> memref<128xi32, #tpu.memory_space<vmem>>
    %dma_wait3A_704 = arith.constant 0 : i32
    %dma_wait3A_705 = tpu.memref_slice %arg12[%dma_wait3A_704] : memref<1052672xf32, #tpu.memory_space<vmem_shared>> -> memref<1052672xf32, #tpu.memory_space<vmem_shared>>
    tpu.wait_indirect_dma semaphore(%arg14 : memref<!tpu.dma_semaphore, #tpu.memory_space<semaphore_mem>>) src(%arg10 : memref<128xf32, #tpu.memory_space<vmem>>) dst(%dma_wait3A_705 : memref<1052672xf32, #tpu.memory_space<vmem_shared>>)
    %dma_wait3A_706 = arith.constant 1 : i32
    %dma_wait3A_707 = arith.constant 14 : i32
    %dma_wait3A_708 = arith.constant 0 : i32
    %dma_wait3A_709 = arith.constant 0 : i32
    %dma_wait3A_710 = tpu.memref_slice %arg9[%dma_wait3A_706, %dma_wait3A_708, %dma_wait3A_709] : memref<2x32x128xi32, #tpu.memory_space<vmem>> -> memref<1x32x128xi32, #tpu.memory_space<vmem>>
    %dma_wait3A_711 = tpu.memref_squeeze %dma_wait3A_710 : memref<1x32x128xi32, #tpu.memory_space<vmem>> -> memref<32x128xi32, #tpu.memory_space<vmem>>
    %dma_wait3A_712 = arith.constant 0 : i32
    %dma_wait3A_713 = tpu.memref_slice %dma_wait3A_711[%dma_wait3A_707, %dma_wait3A_712] : memref<32x128xi32, #tpu.memory_space<vmem>> -> memref<1x128xi32, #tpu.memory_space<vmem>>
    %dma_wait3A_714 = tpu.memref_squeeze %dma_wait3A_713 : memref<1x128xi32, #tpu.memory_space<vmem>> -> memref<128xi32, #tpu.memory_space<vmem>>
    %dma_wait3A_715 = arith.constant 0 : i32
    %dma_wait3A_716 = tpu.memref_slice %arg12[%dma_wait3A_715] : memref<1052672xf32, #tpu.memory_space<vmem_shared>> -> memref<1052672xf32, #tpu.memory_space<vmem_shared>>
    tpu.wait_indirect_dma semaphore(%arg14 : memref<!tpu.dma_semaphore, #tpu.memory_space<semaphore_mem>>) src(%arg10 : memref<128xf32, #tpu.memory_space<vmem>>) dst(%dma_wait3A_716 : memref<1052672xf32, #tpu.memory_space<vmem_shared>>)
    %dma_wait3A_717 = arith.constant 1 : i32
    %dma_wait3A_718 = arith.constant 15 : i32
    %dma_wait3A_719 = arith.constant 0 : i32
    %dma_wait3A_720 = arith.constant 0 : i32
    %dma_wait3A_721 = tpu.memref_slice %arg9[%dma_wait3A_717, %dma_wait3A_719, %dma_wait3A_720] : memref<2x32x128xi32, #tpu.memory_space<vmem>> -> memref<1x32x128xi32, #tpu.memory_space<vmem>>
    %dma_wait3A_722 = tpu.memref_squeeze %dma_wait3A_721 : memref<1x32x128xi32, #tpu.memory_space<vmem>> -> memref<32x128xi32, #tpu.memory_space<vmem>>
    %dma_wait3A_723 = arith.constant 0 : i32
    %dma_wait3A_724 = tpu.memref_slice %dma_wait3A_722[%dma_wait3A_718, %dma_wait3A_723] : memref<32x128xi32, #tpu.memory_space<vmem>> -> memref<1x128xi32, #tpu.memory_space<vmem>>
    %dma_wait3A_725 = tpu.memref_squeeze %dma_wait3A_724 : memref<1x128xi32, #tpu.memory_space<vmem>> -> memref<128xi32, #tpu.memory_space<vmem>>
    %dma_wait3A_726 = arith.constant 0 : i32
    %dma_wait3A_727 = tpu.memref_slice %arg12[%dma_wait3A_726] : memref<1052672xf32, #tpu.memory_space<vmem_shared>> -> memref<1052672xf32, #tpu.memory_space<vmem_shared>>
    tpu.wait_indirect_dma semaphore(%arg14 : memref<!tpu.dma_semaphore, #tpu.memory_space<semaphore_mem>>) src(%arg10 : memref<128xf32, #tpu.memory_space<vmem>>) dst(%dma_wait3A_727 : memref<1052672xf32, #tpu.memory_space<vmem_shared>>)
    %dma_wait3A_728 = arith.constant 1 : i32
    %dma_wait3A_729 = arith.constant 16 : i32
    %dma_wait3A_730 = arith.constant 0 : i32
    %dma_wait3A_731 = arith.constant 0 : i32
    %dma_wait3A_732 = tpu.memref_slice %arg9[%dma_wait3A_728, %dma_wait3A_730, %dma_wait3A_731] : memref<2x32x128xi32, #tpu.memory_space<vmem>> -> memref<1x32x128xi32, #tpu.memory_space<vmem>>
    %dma_wait3A_733 = tpu.memref_squeeze %dma_wait3A_732 : memref<1x32x128xi32, #tpu.memory_space<vmem>> -> memref<32x128xi32, #tpu.memory_space<vmem>>
    %dma_wait3A_734 = arith.constant 0 : i32
    %dma_wait3A_735 = tpu.memref_slice %dma_wait3A_733[%dma_wait3A_729, %dma_wait3A_734] : memref<32x128xi32, #tpu.memory_space<vmem>> -> memref<1x128xi32, #tpu.memory_space<vmem>>
    %dma_wait3A_736 = tpu.memref_squeeze %dma_wait3A_735 : memref<1x128xi32, #tpu.memory_space<vmem>> -> memref<128xi32, #tpu.memory_space<vmem>>
    %dma_wait3A_737 = arith.constant 0 : i32
    %dma_wait3A_738 = tpu.memref_slice %arg12[%dma_wait3A_737] : memref<1052672xf32, #tpu.memory_space<vmem_shared>> -> memref<1052672xf32, #tpu.memory_space<vmem_shared>>
    tpu.wait_indirect_dma semaphore(%arg14 : memref<!tpu.dma_semaphore, #tpu.memory_space<semaphore_mem>>) src(%arg10 : memref<128xf32, #tpu.memory_space<vmem>>) dst(%dma_wait3A_738 : memref<1052672xf32, #tpu.memory_space<vmem_shared>>)
    %dma_wait3A_739 = arith.constant 1 : i32
    %dma_wait3A_740 = arith.constant 17 : i32
    %dma_wait3A_741 = arith.constant 0 : i32
    %dma_wait3A_742 = arith.constant 0 : i32
    %dma_wait3A_743 = tpu.memref_slice %arg9[%dma_wait3A_739, %dma_wait3A_741, %dma_wait3A_742] : memref<2x32x128xi32, #tpu.memory_space<vmem>> -> memref<1x32x128xi32, #tpu.memory_space<vmem>>
    %dma_wait3A_744 = tpu.memref_squeeze %dma_wait3A_743 : memref<1x32x128xi32, #tpu.memory_space<vmem>> -> memref<32x128xi32, #tpu.memory_space<vmem>>
    %dma_wait3A_745 = arith.constant 0 : i32
    %dma_wait3A_746 = tpu.memref_slice %dma_wait3A_744[%dma_wait3A_740, %dma_wait3A_745] : memref<32x128xi32, #tpu.memory_space<vmem>> -> memref<1x128xi32, #tpu.memory_space<vmem>>
    %dma_wait3A_747 = tpu.memref_squeeze %dma_wait3A_746 : memref<1x128xi32, #tpu.memory_space<vmem>> -> memref<128xi32, #tpu.memory_space<vmem>>
    %dma_wait3A_748 = arith.constant 0 : i32
    %dma_wait3A_749 = tpu.memref_slice %arg12[%dma_wait3A_748] : memref<1052672xf32, #tpu.memory_space<vmem_shared>> -> memref<1052672xf32, #tpu.memory_space<vmem_shared>>
    tpu.wait_indirect_dma semaphore(%arg14 : memref<!tpu.dma_semaphore, #tpu.memory_space<semaphore_mem>>) src(%arg10 : memref<128xf32, #tpu.memory_space<vmem>>) dst(%dma_wait3A_749 : memref<1052672xf32, #tpu.memory_space<vmem_shared>>)
    %dma_wait3A_750 = arith.constant 1 : i32
    %dma_wait3A_751 = arith.constant 18 : i32
    %dma_wait3A_752 = arith.constant 0 : i32
    %dma_wait3A_753 = arith.constant 0 : i32
    %dma_wait3A_754 = tpu.memref_slice %arg9[%dma_wait3A_750, %dma_wait3A_752, %dma_wait3A_753] : memref<2x32x128xi32, #tpu.memory_space<vmem>> -> memref<1x32x128xi32, #tpu.memory_space<vmem>>
    %dma_wait3A_755 = tpu.memref_squeeze %dma_wait3A_754 : memref<1x32x128xi32, #tpu.memory_space<vmem>> -> memref<32x128xi32, #tpu.memory_space<vmem>>
    %dma_wait3A_756 = arith.constant 0 : i32
    %dma_wait3A_757 = tpu.memref_slice %dma_wait3A_755[%dma_wait3A_751, %dma_wait3A_756] : memref<32x128xi32, #tpu.memory_space<vmem>> -> memref<1x128xi32, #tpu.memory_space<vmem>>
    %dma_wait3A_758 = tpu.memref_squeeze %dma_wait3A_757 : memref<1x128xi32, #tpu.memory_space<vmem>> -> memref<128xi32, #tpu.memory_space<vmem>>
    %dma_wait3A_759 = arith.constant 0 : i32
    %dma_wait3A_760 = tpu.memref_slice %arg12[%dma_wait3A_759] : memref<1052672xf32, #tpu.memory_space<vmem_shared>> -> memref<1052672xf32, #tpu.memory_space<vmem_shared>>
    tpu.wait_indirect_dma semaphore(%arg14 : memref<!tpu.dma_semaphore, #tpu.memory_space<semaphore_mem>>) src(%arg10 : memref<128xf32, #tpu.memory_space<vmem>>) dst(%dma_wait3A_760 : memref<1052672xf32, #tpu.memory_space<vmem_shared>>)
    %dma_wait3A_761 = arith.constant 1 : i32
    %dma_wait3A_762 = arith.constant 19 : i32
    %dma_wait3A_763 = arith.constant 0 : i32
    %dma_wait3A_764 = arith.constant 0 : i32
    %dma_wait3A_765 = tpu.memref_slice %arg9[%dma_wait3A_761, %dma_wait3A_763, %dma_wait3A_764] : memref<2x32x128xi32, #tpu.memory_space<vmem>> -> memref<1x32x128xi32, #tpu.memory_space<vmem>>
    %dma_wait3A_766 = tpu.memref_squeeze %dma_wait3A_765 : memref<1x32x128xi32, #tpu.memory_space<vmem>> -> memref<32x128xi32, #tpu.memory_space<vmem>>
    %dma_wait3A_767 = arith.constant 0 : i32
    %dma_wait3A_768 = tpu.memref_slice %dma_wait3A_766[%dma_wait3A_762, %dma_wait3A_767] : memref<32x128xi32, #tpu.memory_space<vmem>> -> memref<1x128xi32, #tpu.memory_space<vmem>>
    %dma_wait3A_769 = tpu.memref_squeeze %dma_wait3A_768 : memref<1x128xi32, #tpu.memory_space<vmem>> -> memref<128xi32, #tpu.memory_space<vmem>>
    %dma_wait3A_770 = arith.constant 0 : i32
    %dma_wait3A_771 = tpu.memref_slice %arg12[%dma_wait3A_770] : memref<1052672xf32, #tpu.memory_space<vmem_shared>> -> memref<1052672xf32, #tpu.memory_space<vmem_shared>>
    tpu.wait_indirect_dma semaphore(%arg14 : memref<!tpu.dma_semaphore, #tpu.memory_space<semaphore_mem>>) src(%arg10 : memref<128xf32, #tpu.memory_space<vmem>>) dst(%dma_wait3A_771 : memref<1052672xf32, #tpu.memory_space<vmem_shared>>)
    %dma_wait3A_772 = arith.constant 1 : i32
    %dma_wait3A_773 = arith.constant 20 : i32
    %dma_wait3A_774 = arith.constant 0 : i32
    %dma_wait3A_775 = arith.constant 0 : i32
    %dma_wait3A_776 = tpu.memref_slice %arg9[%dma_wait3A_772, %dma_wait3A_774, %dma_wait3A_775] : memref<2x32x128xi32, #tpu.memory_space<vmem>> -> memref<1x32x128xi32, #tpu.memory_space<vmem>>
    %dma_wait3A_777 = tpu.memref_squeeze %dma_wait3A_776 : memref<1x32x128xi32, #tpu.memory_space<vmem>> -> memref<32x128xi32, #tpu.memory_space<vmem>>
    %dma_wait3A_778 = arith.constant 0 : i32
    %dma_wait3A_779 = tpu.memref_slice %dma_wait3A_777[%dma_wait3A_773, %dma_wait3A_778] : memref<32x128xi32, #tpu.memory_space<vmem>> -> memref<1x128xi32, #tpu.memory_space<vmem>>
    %dma_wait3A_780 = tpu.memref_squeeze %dma_wait3A_779 : memref<1x128xi32, #tpu.memory_space<vmem>> -> memref<128xi32, #tpu.memory_space<vmem>>
    %dma_wait3A_781 = arith.constant 0 : i32
    %dma_wait3A_782 = tpu.memref_slice %arg12[%dma_wait3A_781] : memref<1052672xf32, #tpu.memory_space<vmem_shared>> -> memref<1052672xf32, #tpu.memory_space<vmem_shared>>
    tpu.wait_indirect_dma semaphore(%arg14 : memref<!tpu.dma_semaphore, #tpu.memory_space<semaphore_mem>>) src(%arg10 : memref<128xf32, #tpu.memory_space<vmem>>) dst(%dma_wait3A_782 : memref<1052672xf32, #tpu.memory_space<vmem_shared>>)
    %dma_wait3A_783 = arith.constant 1 : i32
    %dma_wait3A_784 = arith.constant 21 : i32
    %dma_wait3A_785 = arith.constant 0 : i32
    %dma_wait3A_786 = arith.constant 0 : i32
    %dma_wait3A_787 = tpu.memref_slice %arg9[%dma_wait3A_783, %dma_wait3A_785, %dma_wait3A_786] : memref<2x32x128xi32, #tpu.memory_space<vmem>> -> memref<1x32x128xi32, #tpu.memory_space<vmem>>
    %dma_wait3A_788 = tpu.memref_squeeze %dma_wait3A_787 : memref<1x32x128xi32, #tpu.memory_space<vmem>> -> memref<32x128xi32, #tpu.memory_space<vmem>>
    %dma_wait3A_789 = arith.constant 0 : i32
    %dma_wait3A_790 = tpu.memref_slice %dma_wait3A_788[%dma_wait3A_784, %dma_wait3A_789] : memref<32x128xi32, #tpu.memory_space<vmem>> -> memref<1x128xi32, #tpu.memory_space<vmem>>
    %dma_wait3A_791 = tpu.memref_squeeze %dma_wait3A_790 : memref<1x128xi32, #tpu.memory_space<vmem>> -> memref<128xi32, #tpu.memory_space<vmem>>
    %dma_wait3A_792 = arith.constant 0 : i32
    %dma_wait3A_793 = tpu.memref_slice %arg12[%dma_wait3A_792] : memref<1052672xf32, #tpu.memory_space<vmem_shared>> -> memref<1052672xf32, #tpu.memory_space<vmem_shared>>
    tpu.wait_indirect_dma semaphore(%arg14 : memref<!tpu.dma_semaphore, #tpu.memory_space<semaphore_mem>>) src(%arg10 : memref<128xf32, #tpu.memory_space<vmem>>) dst(%dma_wait3A_793 : memref<1052672xf32, #tpu.memory_space<vmem_shared>>)
    %dma_wait3A_794 = arith.constant 1 : i32
    %dma_wait3A_795 = arith.constant 22 : i32
    %dma_wait3A_796 = arith.constant 0 : i32
    %dma_wait3A_797 = arith.constant 0 : i32
    %dma_wait3A_798 = tpu.memref_slice %arg9[%dma_wait3A_794, %dma_wait3A_796, %dma_wait3A_797] : memref<2x32x128xi32, #tpu.memory_space<vmem>> -> memref<1x32x128xi32, #tpu.memory_space<vmem>>
    %dma_wait3A_799 = tpu.memref_squeeze %dma_wait3A_798 : memref<1x32x128xi32, #tpu.memory_space<vmem>> -> memref<32x128xi32, #tpu.memory_space<vmem>>
    %dma_wait3A_800 = arith.constant 0 : i32
    %dma_wait3A_801 = tpu.memref_slice %dma_wait3A_799[%dma_wait3A_795, %dma_wait3A_800] : memref<32x128xi32, #tpu.memory_space<vmem>> -> memref<1x128xi32, #tpu.memory_space<vmem>>
    %dma_wait3A_802 = tpu.memref_squeeze %dma_wait3A_801 : memref<1x128xi32, #tpu.memory_space<vmem>> -> memref<128xi32, #tpu.memory_space<vmem>>
    %dma_wait3A_803 = arith.constant 0 : i32
    %dma_wait3A_804 = tpu.memref_slice %arg12[%dma_wait3A_803] : memref<1052672xf32, #tpu.memory_space<vmem_shared>> -> memref<1052672xf32, #tpu.memory_space<vmem_shared>>
    tpu.wait_indirect_dma semaphore(%arg14 : memref<!tpu.dma_semaphore, #tpu.memory_space<semaphore_mem>>) src(%arg10 : memref<128xf32, #tpu.memory_space<vmem>>) dst(%dma_wait3A_804 : memref<1052672xf32, #tpu.memory_space<vmem_shared>>)
    %dma_wait3A_805 = arith.constant 1 : i32
    %dma_wait3A_806 = arith.constant 23 : i32
    %dma_wait3A_807 = arith.constant 0 : i32
    %dma_wait3A_808 = arith.constant 0 : i32
    %dma_wait3A_809 = tpu.memref_slice %arg9[%dma_wait3A_805, %dma_wait3A_807, %dma_wait3A_808] : memref<2x32x128xi32, #tpu.memory_space<vmem>> -> memref<1x32x128xi32, #tpu.memory_space<vmem>>
    %dma_wait3A_810 = tpu.memref_squeeze %dma_wait3A_809 : memref<1x32x128xi32, #tpu.memory_space<vmem>> -> memref<32x128xi32, #tpu.memory_space<vmem>>
    %dma_wait3A_811 = arith.constant 0 : i32
    %dma_wait3A_812 = tpu.memref_slice %dma_wait3A_810[%dma_wait3A_806, %dma_wait3A_811] : memref<32x128xi32, #tpu.memory_space<vmem>> -> memref<1x128xi32, #tpu.memory_space<vmem>>
    %dma_wait3A_813 = tpu.memref_squeeze %dma_wait3A_812 : memref<1x128xi32, #tpu.memory_space<vmem>> -> memref<128xi32, #tpu.memory_space<vmem>>
    %dma_wait3A_814 = arith.constant 0 : i32
    %dma_wait3A_815 = tpu.memref_slice %arg12[%dma_wait3A_814] : memref<1052672xf32, #tpu.memory_space<vmem_shared>> -> memref<1052672xf32, #tpu.memory_space<vmem_shared>>
    tpu.wait_indirect_dma semaphore(%arg14 : memref<!tpu.dma_semaphore, #tpu.memory_space<semaphore_mem>>) src(%arg10 : memref<128xf32, #tpu.memory_space<vmem>>) dst(%dma_wait3A_815 : memref<1052672xf32, #tpu.memory_space<vmem_shared>>)
    %dma_wait3A_816 = arith.constant 1 : i32
    %dma_wait3A_817 = arith.constant 24 : i32
    %dma_wait3A_818 = arith.constant 0 : i32
    %dma_wait3A_819 = arith.constant 0 : i32
    %dma_wait3A_820 = tpu.memref_slice %arg9[%dma_wait3A_816, %dma_wait3A_818, %dma_wait3A_819] : memref<2x32x128xi32, #tpu.memory_space<vmem>> -> memref<1x32x128xi32, #tpu.memory_space<vmem>>
    %dma_wait3A_821 = tpu.memref_squeeze %dma_wait3A_820 : memref<1x32x128xi32, #tpu.memory_space<vmem>> -> memref<32x128xi32, #tpu.memory_space<vmem>>
    %dma_wait3A_822 = arith.constant 0 : i32
    %dma_wait3A_823 = tpu.memref_slice %dma_wait3A_821[%dma_wait3A_817, %dma_wait3A_822] : memref<32x128xi32, #tpu.memory_space<vmem>> -> memref<1x128xi32, #tpu.memory_space<vmem>>
    %dma_wait3A_824 = tpu.memref_squeeze %dma_wait3A_823 : memref<1x128xi32, #tpu.memory_space<vmem>> -> memref<128xi32, #tpu.memory_space<vmem>>
    %dma_wait3A_825 = arith.constant 0 : i32
    %dma_wait3A_826 = tpu.memref_slice %arg12[%dma_wait3A_825] : memref<1052672xf32, #tpu.memory_space<vmem_shared>> -> memref<1052672xf32, #tpu.memory_space<vmem_shared>>
    tpu.wait_indirect_dma semaphore(%arg14 : memref<!tpu.dma_semaphore, #tpu.memory_space<semaphore_mem>>) src(%arg10 : memref<128xf32, #tpu.memory_space<vmem>>) dst(%dma_wait3A_826 : memref<1052672xf32, #tpu.memory_space<vmem_shared>>)
    %dma_wait3A_827 = arith.constant 1 : i32
    %dma_wait3A_828 = arith.constant 25 : i32
    %dma_wait3A_829 = arith.constant 0 : i32
    %dma_wait3A_830 = arith.constant 0 : i32
    %dma_wait3A_831 = tpu.memref_slice %arg9[%dma_wait3A_827, %dma_wait3A_829, %dma_wait3A_830] : memref<2x32x128xi32, #tpu.memory_space<vmem>> -> memref<1x32x128xi32, #tpu.memory_space<vmem>>
    %dma_wait3A_832 = tpu.memref_squeeze %dma_wait3A_831 : memref<1x32x128xi32, #tpu.memory_space<vmem>> -> memref<32x128xi32, #tpu.memory_space<vmem>>
    %dma_wait3A_833 = arith.constant 0 : i32
    %dma_wait3A_834 = tpu.memref_slice %dma_wait3A_832[%dma_wait3A_828, %dma_wait3A_833] : memref<32x128xi32, #tpu.memory_space<vmem>> -> memref<1x128xi32, #tpu.memory_space<vmem>>
    %dma_wait3A_835 = tpu.memref_squeeze %dma_wait3A_834 : memref<1x128xi32, #tpu.memory_space<vmem>> -> memref<128xi32, #tpu.memory_space<vmem>>
    %dma_wait3A_836 = arith.constant 0 : i32
    %dma_wait3A_837 = tpu.memref_slice %arg12[%dma_wait3A_836] : memref<1052672xf32, #tpu.memory_space<vmem_shared>> -> memref<1052672xf32, #tpu.memory_space<vmem_shared>>
    tpu.wait_indirect_dma semaphore(%arg14 : memref<!tpu.dma_semaphore, #tpu.memory_space<semaphore_mem>>) src(%arg10 : memref<128xf32, #tpu.memory_space<vmem>>) dst(%dma_wait3A_837 : memref<1052672xf32, #tpu.memory_space<vmem_shared>>)
    %dma_wait3A_838 = arith.constant 1 : i32
    %dma_wait3A_839 = arith.constant 26 : i32
    %dma_wait3A_840 = arith.constant 0 : i32
    %dma_wait3A_841 = arith.constant 0 : i32
    %dma_wait3A_842 = tpu.memref_slice %arg9[%dma_wait3A_838, %dma_wait3A_840, %dma_wait3A_841] : memref<2x32x128xi32, #tpu.memory_space<vmem>> -> memref<1x32x128xi32, #tpu.memory_space<vmem>>
    %dma_wait3A_843 = tpu.memref_squeeze %dma_wait3A_842 : memref<1x32x128xi32, #tpu.memory_space<vmem>> -> memref<32x128xi32, #tpu.memory_space<vmem>>
    %dma_wait3A_844 = arith.constant 0 : i32
    %dma_wait3A_845 = tpu.memref_slice %dma_wait3A_843[%dma_wait3A_839, %dma_wait3A_844] : memref<32x128xi32, #tpu.memory_space<vmem>> -> memref<1x128xi32, #tpu.memory_space<vmem>>
    %dma_wait3A_846 = tpu.memref_squeeze %dma_wait3A_845 : memref<1x128xi32, #tpu.memory_space<vmem>> -> memref<128xi32, #tpu.memory_space<vmem>>
    %dma_wait3A_847 = arith.constant 0 : i32
    %dma_wait3A_848 = tpu.memref_slice %arg12[%dma_wait3A_847] : memref<1052672xf32, #tpu.memory_space<vmem_shared>> -> memref<1052672xf32, #tpu.memory_space<vmem_shared>>
    tpu.wait_indirect_dma semaphore(%arg14 : memref<!tpu.dma_semaphore, #tpu.memory_space<semaphore_mem>>) src(%arg10 : memref<128xf32, #tpu.memory_space<vmem>>) dst(%dma_wait3A_848 : memref<1052672xf32, #tpu.memory_space<vmem_shared>>)
    %dma_wait3A_849 = arith.constant 1 : i32
    %dma_wait3A_850 = arith.constant 27 : i32
    %dma_wait3A_851 = arith.constant 0 : i32
    %dma_wait3A_852 = arith.constant 0 : i32
    %dma_wait3A_853 = tpu.memref_slice %arg9[%dma_wait3A_849, %dma_wait3A_851, %dma_wait3A_852] : memref<2x32x128xi32, #tpu.memory_space<vmem>> -> memref<1x32x128xi32, #tpu.memory_space<vmem>>
    %dma_wait3A_854 = tpu.memref_squeeze %dma_wait3A_853 : memref<1x32x128xi32, #tpu.memory_space<vmem>> -> memref<32x128xi32, #tpu.memory_space<vmem>>
    %dma_wait3A_855 = arith.constant 0 : i32
    %dma_wait3A_856 = tpu.memref_slice %dma_wait3A_854[%dma_wait3A_850, %dma_wait3A_855] : memref<32x128xi32, #tpu.memory_space<vmem>> -> memref<1x128xi32, #tpu.memory_space<vmem>>
    %dma_wait3A_857 = tpu.memref_squeeze %dma_wait3A_856 : memref<1x128xi32, #tpu.memory_space<vmem>> -> memref<128xi32, #tpu.memory_space<vmem>>
    %dma_wait3A_858 = arith.constant 0 : i32
    %dma_wait3A_859 = tpu.memref_slice %arg12[%dma_wait3A_858] : memref<1052672xf32, #tpu.memory_space<vmem_shared>> -> memref<1052672xf32, #tpu.memory_space<vmem_shared>>
    tpu.wait_indirect_dma semaphore(%arg14 : memref<!tpu.dma_semaphore, #tpu.memory_space<semaphore_mem>>) src(%arg10 : memref<128xf32, #tpu.memory_space<vmem>>) dst(%dma_wait3A_859 : memref<1052672xf32, #tpu.memory_space<vmem_shared>>)
    %dma_wait3A_860 = arith.constant 1 : i32
    %dma_wait3A_861 = arith.constant 28 : i32
    %dma_wait3A_862 = arith.constant 0 : i32
    %dma_wait3A_863 = arith.constant 0 : i32
    %dma_wait3A_864 = tpu.memref_slice %arg9[%dma_wait3A_860, %dma_wait3A_862, %dma_wait3A_863] : memref<2x32x128xi32, #tpu.memory_space<vmem>> -> memref<1x32x128xi32, #tpu.memory_space<vmem>>
    %dma_wait3A_865 = tpu.memref_squeeze %dma_wait3A_864 : memref<1x32x128xi32, #tpu.memory_space<vmem>> -> memref<32x128xi32, #tpu.memory_space<vmem>>
    %dma_wait3A_866 = arith.constant 0 : i32
    %dma_wait3A_867 = tpu.memref_slice %dma_wait3A_865[%dma_wait3A_861, %dma_wait3A_866] : memref<32x128xi32, #tpu.memory_space<vmem>> -> memref<1x128xi32, #tpu.memory_space<vmem>>
    %dma_wait3A_868 = tpu.memref_squeeze %dma_wait3A_867 : memref<1x128xi32, #tpu.memory_space<vmem>> -> memref<128xi32, #tpu.memory_space<vmem>>
    %dma_wait3A_869 = arith.constant 0 : i32
    %dma_wait3A_870 = tpu.memref_slice %arg12[%dma_wait3A_869] : memref<1052672xf32, #tpu.memory_space<vmem_shared>> -> memref<1052672xf32, #tpu.memory_space<vmem_shared>>
    tpu.wait_indirect_dma semaphore(%arg14 : memref<!tpu.dma_semaphore, #tpu.memory_space<semaphore_mem>>) src(%arg10 : memref<128xf32, #tpu.memory_space<vmem>>) dst(%dma_wait3A_870 : memref<1052672xf32, #tpu.memory_space<vmem_shared>>)
    %dma_wait3A_871 = arith.constant 1 : i32
    %dma_wait3A_872 = arith.constant 29 : i32
    %dma_wait3A_873 = arith.constant 0 : i32
    %dma_wait3A_874 = arith.constant 0 : i32
    %dma_wait3A_875 = tpu.memref_slice %arg9[%dma_wait3A_871, %dma_wait3A_873, %dma_wait3A_874] : memref<2x32x128xi32, #tpu.memory_space<vmem>> -> memref<1x32x128xi32, #tpu.memory_space<vmem>>
    %dma_wait3A_876 = tpu.memref_squeeze %dma_wait3A_875 : memref<1x32x128xi32, #tpu.memory_space<vmem>> -> memref<32x128xi32, #tpu.memory_space<vmem>>
    %dma_wait3A_877 = arith.constant 0 : i32
    %dma_wait3A_878 = tpu.memref_slice %dma_wait3A_876[%dma_wait3A_872, %dma_wait3A_877] : memref<32x128xi32, #tpu.memory_space<vmem>> -> memref<1x128xi32, #tpu.memory_space<vmem>>
    %dma_wait3A_879 = tpu.memref_squeeze %dma_wait3A_878 : memref<1x128xi32, #tpu.memory_space<vmem>> -> memref<128xi32, #tpu.memory_space<vmem>>
    %dma_wait3A_880 = arith.constant 0 : i32
    %dma_wait3A_881 = tpu.memref_slice %arg12[%dma_wait3A_880] : memref<1052672xf32, #tpu.memory_space<vmem_shared>> -> memref<1052672xf32, #tpu.memory_space<vmem_shared>>
    tpu.wait_indirect_dma semaphore(%arg14 : memref<!tpu.dma_semaphore, #tpu.memory_space<semaphore_mem>>) src(%arg10 : memref<128xf32, #tpu.memory_space<vmem>>) dst(%dma_wait3A_881 : memref<1052672xf32, #tpu.memory_space<vmem_shared>>)
    %dma_wait3A_882 = arith.constant 1 : i32
    %dma_wait3A_883 = arith.constant 30 : i32
    %dma_wait3A_884 = arith.constant 0 : i32
    %dma_wait3A_885 = arith.constant 0 : i32
    %dma_wait3A_886 = tpu.memref_slice %arg9[%dma_wait3A_882, %dma_wait3A_884, %dma_wait3A_885] : memref<2x32x128xi32, #tpu.memory_space<vmem>> -> memref<1x32x128xi32, #tpu.memory_space<vmem>>
    %dma_wait3A_887 = tpu.memref_squeeze %dma_wait3A_886 : memref<1x32x128xi32, #tpu.memory_space<vmem>> -> memref<32x128xi32, #tpu.memory_space<vmem>>
    %dma_wait3A_888 = arith.constant 0 : i32
    %dma_wait3A_889 = tpu.memref_slice %dma_wait3A_887[%dma_wait3A_883, %dma_wait3A_888] : memref<32x128xi32, #tpu.memory_space<vmem>> -> memref<1x128xi32, #tpu.memory_space<vmem>>
    %dma_wait3A_890 = tpu.memref_squeeze %dma_wait3A_889 : memref<1x128xi32, #tpu.memory_space<vmem>> -> memref<128xi32, #tpu.memory_space<vmem>>
    %dma_wait3A_891 = arith.constant 0 : i32
    %dma_wait3A_892 = tpu.memref_slice %arg12[%dma_wait3A_891] : memref<1052672xf32, #tpu.memory_space<vmem_shared>> -> memref<1052672xf32, #tpu.memory_space<vmem_shared>>
    tpu.wait_indirect_dma semaphore(%arg14 : memref<!tpu.dma_semaphore, #tpu.memory_space<semaphore_mem>>) src(%arg10 : memref<128xf32, #tpu.memory_space<vmem>>) dst(%dma_wait3A_892 : memref<1052672xf32, #tpu.memory_space<vmem_shared>>)
    %dma_wait3A_893 = arith.constant 1 : i32
    %dma_wait3A_894 = arith.constant 31 : i32
    %dma_wait3A_895 = arith.constant 0 : i32
    %dma_wait3A_896 = arith.constant 0 : i32
    %dma_wait3A_897 = tpu.memref_slice %arg9[%dma_wait3A_893, %dma_wait3A_895, %dma_wait3A_896] : memref<2x32x128xi32, #tpu.memory_space<vmem>> -> memref<1x32x128xi32, #tpu.memory_space<vmem>>
    %dma_wait3A_898 = tpu.memref_squeeze %dma_wait3A_897 : memref<1x32x128xi32, #tpu.memory_space<vmem>> -> memref<32x128xi32, #tpu.memory_space<vmem>>
    %dma_wait3A_899 = arith.constant 0 : i32
    %dma_wait3A_900 = tpu.memref_slice %dma_wait3A_898[%dma_wait3A_894, %dma_wait3A_899] : memref<32x128xi32, #tpu.memory_space<vmem>> -> memref<1x128xi32, #tpu.memory_space<vmem>>
    %dma_wait3A_901 = tpu.memref_squeeze %dma_wait3A_900 : memref<1x128xi32, #tpu.memory_space<vmem>> -> memref<128xi32, #tpu.memory_space<vmem>>
    %dma_wait3A_902 = arith.constant 0 : i32
    %dma_wait3A_903 = tpu.memref_slice %arg12[%dma_wait3A_902] : memref<1052672xf32, #tpu.memory_space<vmem_shared>> -> memref<1052672xf32, #tpu.memory_space<vmem_shared>>
    tpu.wait_indirect_dma semaphore(%arg14 : memref<!tpu.dma_semaphore, #tpu.memory_space<semaphore_mem>>) src(%arg10 : memref<128xf32, #tpu.memory_space<vmem>>) dst(%dma_wait3A_903 : memref<1052672xf32, #tpu.memory_space<vmem_shared>>)
    %barrier3A_904 = arith.constant 0 : index
    tpu.barrier barrier_id(%barrier3A_904)
    %mul3A_905 = arith.constant 65536 : i32
    %mul3A_906 = arith.muli %arg1, %mul3A_905 : i32
    %add3A_907 = arith.constant 0 : i32
    %add3A_908 = arith.addi %mul3A_906, %add3A_907 : i32
    %mul3A_909 = arith.constant 1048576 : i32
    %mul3A_910 = arith.muli %arg0, %mul3A_909 : i32
    %add3A_911 = arith.addi %mul3A_910, %add3A_908 : i32
    %dma_start3A_912 = tpu.memref_slice %arg4[%add3A_911] : memref<2097152xf32, #tpu.memory_space<hbm>> -> memref<16384xf32, #tpu.memory_space<hbm>>
    %dma_start3A_913 = tpu.memref_slice %arg12[%add3A_908] : memref<1052672xf32, #tpu.memory_space<vmem_shared>> -> memref<16384xf32, #tpu.memory_space<vmem_shared>>
    tpu.enqueue_dma source(%dma_start3A_913 : memref<16384xf32, #tpu.memory_space<vmem_shared>>) target(%dma_start3A_912 : memref<16384xf32, #tpu.memory_space<hbm>>) target_semaphore(%arg15 : memref<!tpu.dma_semaphore, #tpu.memory_space<semaphore_mem>>)
    %mul3A_914 = arith.constant 65536 : i32
    %mul3A_915 = arith.muli %arg1, %mul3A_914 : i32
    %add3A_916 = arith.constant 16384 : i32
    %add3A_917 = arith.addi %mul3A_915, %add3A_916 : i32
    %mul3A_918 = arith.constant 1048576 : i32
    %mul3A_919 = arith.muli %arg0, %mul3A_918 : i32
    %add3A_920 = arith.addi %mul3A_919, %add3A_917 : i32
    %dma_start3A_921 = tpu.memref_slice %arg4[%add3A_920] : memref<2097152xf32, #tpu.memory_space<hbm>> -> memref<16384xf32, #tpu.memory_space<hbm>>
    %dma_start3A_922 = tpu.memref_slice %arg12[%add3A_917] : memref<1052672xf32, #tpu.memory_space<vmem_shared>> -> memref<16384xf32, #tpu.memory_space<vmem_shared>>
    tpu.enqueue_dma source(%dma_start3A_922 : memref<16384xf32, #tpu.memory_space<vmem_shared>>) target(%dma_start3A_921 : memref<16384xf32, #tpu.memory_space<hbm>>) target_semaphore(%arg15 : memref<!tpu.dma_semaphore, #tpu.memory_space<semaphore_mem>>)
    %mul3A_923 = arith.constant 65536 : i32
    %mul3A_924 = arith.muli %arg1, %mul3A_923 : i32
    %add3A_925 = arith.constant 32768 : i32
    %add3A_926 = arith.addi %mul3A_924, %add3A_925 : i32
    %mul3A_927 = arith.constant 1048576 : i32
    %mul3A_928 = arith.muli %arg0, %mul3A_927 : i32
    %add3A_929 = arith.addi %mul3A_928, %add3A_926 : i32
    %dma_start3A_930 = tpu.memref_slice %arg4[%add3A_929] : memref<2097152xf32, #tpu.memory_space<hbm>> -> memref<16384xf32, #tpu.memory_space<hbm>>
    %dma_start3A_931 = tpu.memref_slice %arg12[%add3A_926] : memref<1052672xf32, #tpu.memory_space<vmem_shared>> -> memref<16384xf32, #tpu.memory_space<vmem_shared>>
    tpu.enqueue_dma source(%dma_start3A_931 : memref<16384xf32, #tpu.memory_space<vmem_shared>>) target(%dma_start3A_930 : memref<16384xf32, #tpu.memory_space<hbm>>) target_semaphore(%arg15 : memref<!tpu.dma_semaphore, #tpu.memory_space<semaphore_mem>>)
    %mul3A_932 = arith.constant 65536 : i32
    %mul3A_933 = arith.muli %arg1, %mul3A_932 : i32
    %add3A_934 = arith.constant 49152 : i32
    %add3A_935 = arith.addi %mul3A_933, %add3A_934 : i32
    %mul3A_936 = arith.constant 1048576 : i32
    %mul3A_937 = arith.muli %arg0, %mul3A_936 : i32
    %add3A_938 = arith.addi %mul3A_937, %add3A_935 : i32
    %dma_start3A_939 = tpu.memref_slice %arg4[%add3A_938] : memref<2097152xf32, #tpu.memory_space<hbm>> -> memref<16384xf32, #tpu.memory_space<hbm>>
    %dma_start3A_940 = tpu.memref_slice %arg12[%add3A_935] : memref<1052672xf32, #tpu.memory_space<vmem_shared>> -> memref<16384xf32, #tpu.memory_space<vmem_shared>>
    tpu.enqueue_dma source(%dma_start3A_940 : memref<16384xf32, #tpu.memory_space<vmem_shared>>) target(%dma_start3A_939 : memref<16384xf32, #tpu.memory_space<hbm>>) target_semaphore(%arg15 : memref<!tpu.dma_semaphore, #tpu.memory_space<semaphore_mem>>)
    %dma_wait3A_941 = tpu.memref_slice %arg4[%add3A_911] : memref<2097152xf32, #tpu.memory_space<hbm>> -> memref<16384xf32, #tpu.memory_space<hbm>>
    %dma_wait3A_942 = tpu.memref_slice %arg12[%add3A_908] : memref<1052672xf32, #tpu.memory_space<vmem_shared>> -> memref<16384xf32, #tpu.memory_space<vmem_shared>>
    tpu.wait_dma2 semaphore(%arg15 : memref<!tpu.dma_semaphore, #tpu.memory_space<semaphore_mem>>) src(%dma_wait3A_942 : memref<16384xf32, #tpu.memory_space<vmem_shared>>) dst(%dma_wait3A_941 : memref<16384xf32, #tpu.memory_space<hbm>>)
    %dma_wait3A_943 = tpu.memref_slice %arg4[%add3A_920] : memref<2097152xf32, #tpu.memory_space<hbm>> -> memref<16384xf32, #tpu.memory_space<hbm>>
    %dma_wait3A_944 = tpu.memref_slice %arg12[%add3A_917] : memref<1052672xf32, #tpu.memory_space<vmem_shared>> -> memref<16384xf32, #tpu.memory_space<vmem_shared>>
    tpu.wait_dma2 semaphore(%arg15 : memref<!tpu.dma_semaphore, #tpu.memory_space<semaphore_mem>>) src(%dma_wait3A_944 : memref<16384xf32, #tpu.memory_space<vmem_shared>>) dst(%dma_wait3A_943 : memref<16384xf32, #tpu.memory_space<hbm>>)
    %dma_wait3A_945 = tpu.memref_slice %arg4[%add3A_929] : memref<2097152xf32, #tpu.memory_space<hbm>> -> memref<16384xf32, #tpu.memory_space<hbm>>
    %dma_wait3A_946 = tpu.memref_slice %arg12[%add3A_926] : memref<1052672xf32, #tpu.memory_space<vmem_shared>> -> memref<16384xf32, #tpu.memory_space<vmem_shared>>
    tpu.wait_dma2 semaphore(%arg15 : memref<!tpu.dma_semaphore, #tpu.memory_space<semaphore_mem>>) src(%dma_wait3A_946 : memref<16384xf32, #tpu.memory_space<vmem_shared>>) dst(%dma_wait3A_945 : memref<16384xf32, #tpu.memory_space<hbm>>)
    %dma_wait3A_947 = tpu.memref_slice %arg4[%add3A_938] : memref<2097152xf32, #tpu.memory_space<hbm>> -> memref<16384xf32, #tpu.memory_space<hbm>>
    %dma_wait3A_948 = tpu.memref_slice %arg12[%add3A_935] : memref<1052672xf32, #tpu.memory_space<vmem_shared>> -> memref<16384xf32, #tpu.memory_space<vmem_shared>>
    tpu.wait_dma2 semaphore(%arg15 : memref<!tpu.dma_semaphore, #tpu.memory_space<semaphore_mem>>) src(%dma_wait3A_948 : memref<16384xf32, #tpu.memory_space<vmem_shared>>) dst(%dma_wait3A_947 : memref<16384xf32, #tpu.memory_space<hbm>>)
    return
  }
}

</mosaic_0001>

<sc_bundles>
// kernel: kernel.3.cloned.1.call-start
scs
__scs_entry_jumppad:
0x0: {  	(pc) =	sbr.rel $0x88, $3  }
0x1: {  	(tag) =	ssettag $0x0;
	lr =	simm.s32 $0x1  }
0x2: {  	[smem:$0x3F9F] =	sst lr;
	_ =	strace $0xD0000000  }
0x3: {  	_ = 	snop  }
0x4: {  	_ = 	snop  }
0x5: {  	_ = 	snop  }
0x6: {  	_ = 	snop  }
0x7: {  	_ = 	snop  }
__scs_overlays_trampoline_lowered:
0x8: {  	[smem:$0x3FAE] =	sst s0  }
0x9: {  	[smem:$0x3FAF] =	sst s1  }
0xa: {  	[smem:$0x3FB0] =	sst s2  }
0xb: {  	[smem:$0x3FB1] =	sst s3  }
0xc: {  	[smem:$0x3FB2] =	sst s4  }
0xd: {  	[smem:$0x3FB3] =	sst s5  }
0xe: {  	[smem:$0x3FB4] =	sst s6  }
0xf: {  	[smem:$0x3FB5] =	sst s7  }
0x10: {  	[smem:$0x3FB6] =	sst s8  }
0x11: {  	[smem:$0x3FB7] =	sst s9;
	s0 =	simm.s32 @!p0 $0x0  }
0x12: {  	s1 =	sld [smem:$0x3F9D];
	s0 =	simm.s32 @p0 $0x1  }
0x13: {  	[smem:$0x3FB8] =	sst s0;
	s0 =	simm.s32 @!p1 $0x0  }
0x14: {  	s2 =	sld [smem:$0x3F9C];
	s0 =	simm.s32 @p1 $0x1  }
0x15: {  	[smem:$0x3FB9] =	sst s0;
	s0 =	simm.s32 @!p2 $0x0  }
0x16: {  	s3 =	sld [smem:$0x3FDB];
	s0 =	simm.s32 @p2 $0x1  }
0x17: {  	s4 =	simm.s32 $0x1BF5;
	[smem:$0x3FBB] =	sst s0  }
0x18: {  	s0 =	sld [smem:$0x3F9E];
	_ =	swait.ge [sflag:s4], $0x0  }
0x19: {  	s7 =	sld [smem:$0x3F9F]  }
0x1a: {  	s8 =	sadd.s32 $0xFFFFE003, lr  }
0x1b: {  	s9 =	sadd.s32 $0xFFFFFEF7, lr;
	s5 =	simm.s32 $0xFFFFFFFF;
	p2 =	slt.u32 s8, $0xFFFFF086  }
0x1c: {  	p1 =	slt.u32 s9, $0xF7A;
	s5 =	simm.s32 @!p2 $0x0  }
0x1d: {  	s5 =	simm.s32 @p1 $0x1;
	p0 =	seq.s32 s7, s2  }
0x1e: {  	s7 =	smul.u32 @!p0 $0xF7A, s2;
	p2 =	seq.s32 @!p0 s5, $0x0  }
0x1f: {  	s9 =	smul.u32 $0xF7A, s1;
	s8 =	simm.s32 @!p0 $0x1BF5;
	p2 =	por !p2, p0  }
0x20: {  	[sflag:s8] =	ssyncset.s32 @!p0 $0xFFFFF086;
	s6 =	sadd.s32 @!p0 s3, s7;
	s7 =	simm.s32 @!p0 $0x108  }
0x21: {  	s3 =	sadd.s32 s3, s9;
	s6 =	sadd.s32 @!p0 $0x88, s6;
	s7 =	simm.s32 @p2 $0x1082  }
0x22: {  	[simem:s7], [sflag:s8] =	dma.local @!p0 [hbm:s6], $0xF7A  }
0x23: {  	s9 =	sor.u32 $0xD0000000, s2;
	s6 =	simm.s32 $0x108;
	_ =	swait.ge @!p0 [sflag:s8], $0x0  }
0x24: {  	s3 =	sadd.s32 $0x88, s3;
	s6 =	simm.s32 @!p1 $0x1082;
	[sflag:s4] =	ssyncset.s32 $0xFFFFF086  }
0x25: {  	[simem:s6], [sflag:s4] =	dma.local [hbm:s3], $0xF7A  }
0x26: {  	[smem:$0x3F9F] =	sst s1;
	(tag) =	ssettag s2;
	_ =	strace s9  }
0x27: {  	s1 =	sld [smem:$0x3FAF]  }
0x28: {  	s2 =	sld [smem:$0x3FB0]  }
0x29: {  	s4 =	sld [smem:$0x3FB2]  }
0x2a: {  	p0 =	seq.s32 s5, $0x0;
	s5 =	sld [smem:$0x3FB3]  }
0x2b: {  	s6 =	sld [smem:$0x3FB4]  }
0x2c: {  	s7 =	sld [smem:$0x3FB5]  }
0x2d: {  	s3 =	simm.s32 $0x108;
	s8 =	sld [smem:$0x3FB6]  }
0x2e: {  	s3 =	simm.s32 @!p0 $0x1082;
	s9 =	sld [smem:$0x3FB7]  }
0x2f: {  	lr =	sadd.s32 s0, s3;
	s0 =	sld [smem:$0x3FAE]  }
0x30: {  	s3 =	sld [smem:$0x3FB1]  }
0x31: {  	[smem:$0x3FBA] =	sst s10  }
0x32: {  	s10 =	sld [smem:$0x3FB8];
	_ =	sdelay $0x3  }
0x33: {  	p0 =	seq.s32 s10, $0x1;
	s10 =	sld [smem:$0x3FBA];
	_ =	sdelay $0x3  }
0x34: {  	[smem:$0x3FBA] =	sst s10  }
0x35: {  	s10 =	sld [smem:$0x3FB9];
	_ =	sdelay $0x3  }
0x36: {  	p1 =	seq.s32 s10, $0x1;
	s10 =	sld [smem:$0x3FBA];
	_ =	sdelay $0x3  }
0x37: {  	[smem:$0x3FBA] =	sst s10  }
0x38: {  	s10 =	sld [smem:$0x3FBB]  }
0x39: {  	_ = 	snop;
	(pc) =	sbr.ind lr, $3  }
0x3a: {  	_ = 	snop  }
0x3b: {  	_ = 	snop  }
0x3c: {  	p2 =	seq.s32 s10, $0x1;
	s10 =	sld [smem:$0x3FBA]  }
0x3d: {  	_ =	shalt  }
0x3e: {  	_ =	shalt  }
0x3f: {  	_ =	shalt  }
0x40: {  	_ =	shalt  }
0x41: {  	_ =	shalt  }
0x42: {  	_ =	shalt  }
0x43: {  	_ =	shalt  }
0x44: {  	_ =	shalt  }
0x45: {  	_ =	shalt  }
0x46: {  	_ =	shalt  }
0x47: {  	_ =	shalt  }
0x48: {  	_ =	shalt  }
0x49: {  	_ =	shalt  }
0x4a: {  	_ =	shalt  }
0x4b: {  	_ =	shalt  }
0x4c: {  	_ =	shalt  }
0x4d: {  	_ =	shalt  }
0x4e: {  	_ =	shalt  }
0x4f: {  	_ =	shalt  }
0x50: {  	_ =	shalt  }
0x51: {  	_ =	shalt  }
0x52: {  	_ =	shalt  }
0x53: {  	_ =	shalt  }
0x54: {  	_ =	shalt  }
0x55: {  	_ =	shalt  }
0x56: {  	_ =	shalt  }
0x57: {  	_ =	shalt  }
0x58: {  	_ =	shalt  }
0x59: {  	_ =	shalt  }
0x5a: {  	_ =	shalt  }
0x5b: {  	_ =	shalt  }
0x5c: {  	_ =	shalt  }
0x5d: {  	_ =	shalt  }
0x5e: {  	_ =	shalt  }
0x5f: {  	_ =	shalt  }
0x60: {  	_ =	shalt  }
0x61: {  	_ =	shalt  }
0x62: {  	_ =	shalt  }
0x63: {  	_ =	shalt  }
0x64: {  	_ =	shalt  }
0x65: {  	_ =	shalt  }
0x66: {  	_ =	shalt  }
0x67: {  	_ =	shalt  }
0x68: {  	_ =	shalt  }
0x69: {  	_ =	shalt  }
0x6a: {  	_ =	shalt  }
0x6b: {  	_ =	shalt  }
0x6c: {  	_ =	shalt  }
0x6d: {  	_ =	shalt  }
0x6e: {  	_ =	shalt  }
0x6f: {  	_ =	shalt  }
0x70: {  	_ =	shalt  }
0x71: {  	_ =	shalt  }
0x72: {  	_ =	shalt  }
0x73: {  	_ =	shalt  }
0x74: {  	_ =	shalt  }
0x75: {  	_ =	shalt  }
0x76: {  	_ =	shalt  }
0x77: {  	_ =	shalt  }
0x78: {  	_ =	shalt  }
0x79: {  	_ =	shalt  }
0x7a: {  	_ =	shalt  }
0x7b: {  	_ =	shalt  }
0x7c: {  	_ =	shalt  }
0x7d: {  	_ =	shalt  }
0x7e: {  	_ =	shalt  }
0x7f: {  	_ =	shalt  }
0x80: {  	_ =	shalt  }
0x81: {  	_ =	shalt  }
0x82: {  	_ =	shalt  }
0x83: {  	_ =	shalt  }
0x84: {  	_ =	shalt  }
0x85: {  	_ =	shalt  }
0x86: {  	_ =	shalt  }
0x87: {  	_ =	shalt  }
.Lfunc_end0:
.L_simem_size_0:
called_computation_lowered:
.L_overlay_start_0:
0x88: {  	s2 =	sld [smem:$0x3FD9]  }
0x89: {  	s3 =	sld [smem:$0x3FFE];
	_ =	sdelay $0x1  }
0x8a: {  	s1 =	srdreg.scid  }
0x8b: {  	s0 =	sand.u32 $0x1, s1  }
0x8c: {  	s17 =	sshll.u32 s0, $0xA;
	s2 =	sadd.s32 s3, s2  }
0x8d: {  	s2 =	sadd.s32 s2, s17  }
0x8e: {  	[smem:$0x3FC6] =	sst s2  }
0x8f: {  	_ = 	snop  }
0x90: {  	s2 =	sld [smem:$0x3FC8]  }
0x91: {  	s18 =	sld [smem:$0x3FD0];
	(tm) =	ssettm $0x1  }
0x92: {  	s4 =	sld [smem:$0x3FFB];
	_ =	sdelay $0x3  }
0x93: {  	_ =	strace s4  }
0x94: {  	s4 =	sld [smem:$0x3FFC];
	_ =	sdelay $0x3  }
0x95: {  	_ =	strace s4  }
0x96: {  	s4 =	sld [smem:$0x3FFD];
	_ =	sdelay $0x3  }
0x97: {  	_ =	strace s4  }
0x98: {  	_ =	strace $0x8FFFFFFF  }
0x99: {  	s19 =	sld [smem:$0x3FDB];
	_ =	sdelay $0x1  }
0x9a: {  	s5 =	simm.s32 $_scs_section_size  }
0x9b: {  	s6 =	simm.s32 $_size__tile_overlayer_lowered;
	s7 =	simm.s32 $_tile_overlayer_lowered  }
0x9c: {  	s22 =	simm.s32 $0x1BFF;
	s21 =	sshll.u32 s7, $0x1;
	s4 =	sadd.s32 s5, s19  }
0x9d: {  	s8 =	simm.s32 $0x0;
	s20 =	sshll.u32 s6, $0x1;
	s6 =	sadd.s32 s21, s4  }
0x9e: {  	[timem:s8], [sflag:s22] =	dma.local [hbm:s6], s20  }
0x9f: {  	_ =	swait.ge [sflag:s22], s20  }
0xa0: {  	s5 =	ssub.s32 $0x0, s20;
	[sflag:s22] =	ssyncset.done $0x0  }
0xa1: {  	[sflag:s22] =	ssyncadd.s32 s5;
	_ =	sdelay $0x1  }
0xa2: {  	s23 =	simm.s32 $0x1B8B  }
0xa3: {  	_ =	swait.ge [sflag:s23], $0x1  }
0xa4: {  	[sflag:s23] =	ssyncset.done $0x0  }
0xa5: {  	s25 =	simm.s32 $0x1B8E;
	s24 =	sld [smem:$0x3FFE];
	[sflag:s23] =	ssyncadd.s32 $0xFFFFFFFF  }
0xa6: {  	s26 =	simm.s32 $execute0_lowered;
	[smem:$0x3FD2] =	sst s25  }
0xa7: {  	s6 =	sshll.u32 s26, $0x1;
	_ =	strace $0x80000046;
	[dreg:$0x1] =	wrdreg $0xFFFFFFFF  }
0xa8: {  	s28 =	simm.s32 $_size_execute0_lowered;
	s4 =	sadd.s32 s4, s6;
	[dreg:$0x0] =	wrdreg $0x0  }
0xa9: {  	s6 =	sshll.u32 s28, $0x1;
	[dreg:$0x2] =	wrdreg s4  }
0xaa: {  	[dreg:$0x3] =	wrdreg s6  }
0xab: {  	[dreg:$0x4] =	wrdreg $0xC0  }
0xac: {  	_ =	task [dreg:s8], $0x5FFFF  }
0xad: {  	[dreg:$0x1] =	wrdreg $0xFFFFFFFF  }
0xae: {  	[dreg:$0x0] =	wrdreg $0x60  }
0xaf: {  	[dreg:$0x2] =	wrdreg s24  }
0xb0: {  	[dreg:$0x3] =	wrdreg s2  }
0xb1: {  	[dreg:$0x4] =	wrdreg s18  }
0xb2: {  	[dreg:$0x5] =	wrdreg $0xC0800  }
0xb3: {  	[dreg:$0x6] =	wrdreg $0x9  }
0xb4: {  	_ =	task.clear_ibuf [dreg:s8], $0x7FFFF;
	_ =	strace $0x90000046  }
0xb5: {  	s29 =	simm.s32 $0x9;
	_ =	strace $0x80000048  }
0xb6: {  	_ =	swait.ge [sflag:s29], $0x1  }
0xb7: {  	[sflag:s29] =	ssyncadd.s32 $0xFFFFFFFF  }
0xb8: {  	_ =	strace $0x90000048  }
0xb9: {  	_ =	sfence  }
0xba: {  	s30 =	sld [smem:$0x0];
	_ =	sdelay $0x2  }
0xbb: {  	s31 =	sshll.u32 s1, $0xD;
	s1 =	sshrl.u32 s1, $0x2  }
0xbc: {  	s3 =	sand.u32 $0x4000, s31;
	s1 =	sadd.s32 s1, s30  }
0xbd: {  	s0 =	sor.u32 s3, s0;
	s1 =	sshll.u32 s1, $0x11  }
0xbe: {  	s0 =	sor.u32 s1, s0  }
0xbf: {  	s0 =	sadd.s32 $0x8F2B, s0  }
0xc0: {  	[sflag:s0] =	ssyncadd.remote.s32 $0x1  }
0xc1: {  	_ =	sfence.sel $0xFFFF  }
0xc2: {  	[dreg:$0x0] =	wrdreg $0xFFFFFFFF;
	(pc) =	sbr.abs _section_cstart, $3  }
0xc3: {  	[dreg:$0x1] =	wrdreg $0xFFFFFFFF  }
0xc4: {  	_ =	task.clear_ibuf [dreg:s8], $0x2FFFF;
	_ =	strace $0x9FFFFFFF  }
0xc5: {  	(tm) =	ssettm $0x7FFFFFFF  }
tec
execute0_lowered:
.L_overlay_start_1:
0x0: {  	(tag) =	ssettag $0x1  }
0x1: {  	s0 =	rddreg [dreg:$0x0]  }
0x2: {  	s6 =	rddreg [dreg:$0x1]  }
0x3: {  	s1 =	rddreg [dreg:$0x2]  }
0x4: {  	s9 =	rddreg [dreg:$0x3]  }
0x5: {  	s8 =	stileid.u32;
	s2 =	srdreg.scid;
	s4 =	simm.s32 $0x0  }
0x6: {  	s5 =	simm.s32 $0x0;
	s3 =	smul.u32 $0xFA0, s8;
	[dreg:$0xe] =	wrdreg s4  }
0x7: {  	[smem:$0x7FF] =	sst s5;
	s2 =	sand.u32 $0x1, s2;
	s15 =	sadd.s32 $0x400, s0  }
0x8: {  	s19 =	sshll.u32 s8, $0x10;
	s16 =	ssub.s32 $0x2, s2;
	_ =	strace $0x80000047  }
0x9: {  	[dreg:$0xf] =	wrdreg s15;
	s10 =	sadd.s32 s19, s9;
	s20 =	sor.u32 $0x4000, s19  }
0xa: {  	s24 =	sor.u32 $0x8000, s19;
	s21 =	sadd.s32 $0x2000, s10;
	[dreg:$0x13] =	wrdreg s10  }
0xb: {  	s25 =	sshll.u32 s2, $0x14;
	s22 =	sadd.s32 s20, s9;
	[dreg:$0x15] =	wrdreg s21  }
0xc: {  	s26 =	sor.u32 $0xC000, s19;
	s23 =	sadd.s32 $0x6000, s10;
	[dreg:$0x16] =	wrdreg s22  }
0xd: {  	s3 =	sshrl.u32 s3, $0x3;
	s7 =	sadd.s32 s24, s9;
	[dreg:$0x17] =	wrdreg s23  }
0xe: {  	s17 =	sshrl.u32 s16, $0x1;
	s11 =	sadd.s32 $0xA000, s10;
	[dreg:$0x18] =	wrdreg s7  }
0xf: {  	s4 =	sor.u32 s19, s25;
	s9 =	sadd.s32 s26, s9;
	[dreg:$0x19] =	wrdreg s11  }
0x10: {  	s28 =	sadd.s32 $0xE000, s10;
	s29 =	sor.u32 s25, s20;
	[dreg:$0x1a] =	wrdreg s9  }
0x11: {  	s30 =	sor.u32 s25, s26;
	s5 =	sadd.s32 s15, s3;
	[dreg:$0x1b] =	wrdreg s28  }
0x12: {  	s0 =	ssub.s32 s16, s17;
	s3 =	sadd.s32 s6, s3;
	[dreg:$0x10] =	wrdreg s5  }
0x13: {  	s4 =	sshrl.u32 s4, $0x3;
	s18 =	sadd.s32 $0x1E848, s5;
	[dreg:$0x14] =	wrdreg s3  }
0x14: {  	s5 =	sadd.s32 $0x3D090, s5;
	s4 =	sadd.s32 s1, s4;
	[dreg:$0x11] =	wrdreg s18  }
0x15: {  	s3 =	sor.u32 s25, s24;
	s0 =	smax.u32 s0, $0x1;
	[dreg:$0x12] =	wrdreg s5  }
.Ltmp0:
0x16: {  	[dreg:$0x1c] =	wrdreg s4;
	s4 =	sshrl.u32 s29, $0x3;
	(pc) =	sbr.rel .LBB2_1-.Ltmp0, $4  }
0x17: {  	s3 =	sshrl.u32 s3, $0x3;
	[smem:$0x7FD] =	sst s0;
	s4 =	sadd.s32 s1, s4  }
0x18: {  	s31 =	sshrl.u32 s30, $0x3;
	s3 =	sadd.s32 s1, s3;
	[dreg:$0x1d] =	wrdreg s4  }
0x19: {  	v3 =	vlaneseq.u32;
	v1 =	vimm.f32 $0.0e+00;
	s1 =	sadd.s32 s1, s31;
	[dreg:$0x1e] =	wrdreg s3  }
0x1a: {  	v2 =	vimm.f32 $1.000000000e+00;
	v3 =	vor.u32 $0x100000, v3;
	v0 =	vmov s2;
	s2 =	simm.s32 $0x3;
	[dreg:$0x1f] =	wrdreg s1  }
.LBB2_11:
0x1b: {  	s0 =	simm.s32 $0x2  }
0x1c: {  	_ =	swait.ge [sflag:s0], $0x80  }
0x1d: {  	[sflag:s0] =	ssyncset.done $0x0  }
0x1e: {  	[sflag:s0] =	ssyncadd.s32 $0xFFFFFF80  }
0x1f: {  	_ =	swait.ge [sflag:s0], $0x80  }
0x20: {  	[sflag:s0] =	ssyncset.done $0x0  }
0x21: {  	[sflag:s0] =	ssyncadd.s32 $0xFFFFFF80  }
0x22: {  	_ =	swait.ge [sflag:s0], $0x80  }
0x23: {  	[sflag:s0] =	ssyncset.done $0x0  }
0x24: {  	[sflag:s0] =	ssyncadd.s32 $0xFFFFFF80  }
0x25: {  	_ =	swait.ge [sflag:s0], $0x80  }
0x26: {  	[sflag:s0] =	ssyncset.done $0x0  }
0x27: {  	[sflag:s0] =	ssyncadd.s32 $0xFFFFFF80  }
0x28: {  	_ =	swait.ge [sflag:s0], $0x80  }
0x29: {  	[sflag:s0] =	ssyncset.done $0x0  }
0x2a: {  	[sflag:s0] =	ssyncadd.s32 $0xFFFFFF80  }
0x2b: {  	_ =	swait.ge [sflag:s0], $0x80  }
0x2c: {  	[sflag:s0] =	ssyncset.done $0x0  }
0x2d: {  	[sflag:s0] =	ssyncadd.s32 $0xFFFFFF80  }
0x2e: {  	_ =	swait.ge [sflag:s0], $0x80  }
0x2f: {  	[sflag:s0] =	ssyncset.done $0x0  }
0x30: {  	[sflag:s0] =	ssyncadd.s32 $0xFFFFFF80  }
0x31: {  	_ =	swait.ge [sflag:s0], $0x80  }
0x32: {  	[sflag:s0] =	ssyncset.done $0x0  }
0x33: {  	[sflag:s0] =	ssyncadd.s32 $0xFFFFFF80  }
0x34: {  	_ =	swait.ge [sflag:s0], $0x80  }
0x35: {  	[sflag:s0] =	ssyncset.done $0x0  }
0x36: {  	[sflag:s0] =	ssyncadd.s32 $0xFFFFFF80  }
0x37: {  	_ =	swait.ge [sflag:s0], $0x80  }
0x38: {  	[sflag:s0] =	ssyncset.done $0x0  }
0x39: {  	[sflag:s0] =	ssyncadd.s32 $0xFFFFFF80  }
0x3a: {  	_ =	swait.ge [sflag:s0], $0x80  }
0x3b: {  	[sflag:s0] =	ssyncset.done $0x0  }
0x3c: {  	[sflag:s0] =	ssyncadd.s32 $0xFFFFFF80  }
0x3d: {  	_ =	swait.ge [sflag:s0], $0x80  }
0x3e: {  	[sflag:s0] =	ssyncset.done $0x0  }
0x3f: {  	[sflag:s0] =	ssyncadd.s32 $0xFFFFFF80  }
0x40: {  	_ =	swait.ge [sflag:s0], $0x80  }
0x41: {  	[sflag:s0] =	ssyncset.done $0x0  }
0x42: {  	[sflag:s0] =	ssyncadd.s32 $0xFFFFFF80  }
0x43: {  	_ =	swait.ge [sflag:s0], $0x80  }
0x44: {  	[sflag:s0] =	ssyncset.done $0x0  }
0x45: {  	[sflag:s0] =	ssyncadd.s32 $0xFFFFFF80  }
0x46: {  	_ =	swait.ge [sflag:s0], $0x80  }
0x47: {  	[sflag:s0] =	ssyncset.done $0x0  }
0x48: {  	[sflag:s0] =	ssyncadd.s32 $0xFFFFFF80  }
0x49: {  	_ =	swait.ge [sflag:s0], $0x80  }
0x4a: {  	[sflag:s0] =	ssyncset.done $0x0  }
0x4b: {  	[sflag:s0] =	ssyncadd.s32 $0xFFFFFF80  }
0x4c: {  	_ =	swait.ge [sflag:s0], $0x80  }
0x4d: {  	[sflag:s0] =	ssyncset.done $0x0  }
0x4e: {  	[sflag:s0] =	ssyncadd.s32 $0xFFFFFF80  }
0x4f: {  	_ =	swait.ge [sflag:s0], $0x80  }
0x50: {  	[sflag:s0] =	ssyncset.done $0x0  }
0x51: {  	[sflag:s0] =	ssyncadd.s32 $0xFFFFFF80  }
0x52: {  	_ =	swait.ge [sflag:s0], $0x80  }
0x53: {  	[sflag:s0] =	ssyncset.done $0x0  }
0x54: {  	[sflag:s0] =	ssyncadd.s32 $0xFFFFFF80  }
0x55: {  	_ =	swait.ge [sflag:s0], $0x80  }
0x56: {  	[sflag:s0] =	ssyncset.done $0x0  }
0x57: {  	[sflag:s0] =	ssyncadd.s32 $0xFFFFFF80  }
0x58: {  	_ =	swait.ge [sflag:s0], $0x80  }
0x59: {  	[sflag:s0] =	ssyncset.done $0x0  }
0x5a: {  	[sflag:s0] =	ssyncadd.s32 $0xFFFFFF80  }
0x5b: {  	_ =	swait.ge [sflag:s0], $0x80  }
0x5c: {  	[sflag:s0] =	ssyncset.done $0x0  }
0x5d: {  	[sflag:s0] =	ssyncadd.s32 $0xFFFFFF80  }
0x5e: {  	_ =	swait.ge [sflag:s0], $0x80  }
0x5f: {  	[sflag:s0] =	ssyncset.done $0x0  }
0x60: {  	[sflag:s0] =	ssyncadd.s32 $0xFFFFFF80  }
0x61: {  	_ =	swait.ge [sflag:s0], $0x80  }
0x62: {  	[sflag:s0] =	ssyncset.done $0x0  }
0x63: {  	[sflag:s0] =	ssyncadd.s32 $0xFFFFFF80  }
0x64: {  	_ =	swait.ge [sflag:s0], $0x80  }
0x65: {  	[sflag:s0] =	ssyncset.done $0x0  }
0x66: {  	[sflag:s0] =	ssyncadd.s32 $0xFFFFFF80  }
0x67: {  	_ =	swait.ge [sflag:s0], $0x80  }
0x68: {  	[sflag:s0] =	ssyncset.done $0x0  }
0x69: {  	[sflag:s0] =	ssyncadd.s32 $0xFFFFFF80  }
0x6a: {  	_ =	swait.ge [sflag:s0], $0x80  }
0x6b: {  	[sflag:s0] =	ssyncset.done $0x0  }
0x6c: {  	[sflag:s0] =	ssyncadd.s32 $0xFFFFFF80  }
0x6d: {  	_ =	swait.ge [sflag:s0], $0x80  }
0x6e: {  	[sflag:s0] =	ssyncset.done $0x0  }
0x6f: {  	[sflag:s0] =	ssyncadd.s32 $0xFFFFFF80  }
0x70: {  	_ =	swait.ge [sflag:s0], $0x80  }
0x71: {  	[sflag:s0] =	ssyncset.done $0x0  }
0x72: {  	[sflag:s0] =	ssyncadd.s32 $0xFFFFFF80  }
0x73: {  	_ =	swait.ge [sflag:s0], $0x80  }
0x74: {  	[sflag:s0] =	ssyncset.done $0x0  }
0x75: {  	[sflag:s0] =	ssyncadd.s32 $0xFFFFFF80  }
0x76: {  	_ =	swait.ge [sflag:s0], $0x80  }
0x77: {  	[sflag:s0] =	ssyncset.done $0x0  }
0x78: {  	[sflag:s0] =	ssyncadd.s32 $0xFFFFFF80  }
0x79: {  	_ =	swait.ge [sflag:s0], $0x80  }
0x7a: {  	[sflag:s0] =	ssyncset.done $0x0  }
0x7b: {  	[sflag:s0] =	ssyncadd.s32 $0xFFFFFF80  }
0x7c: {  	_ =	swait.ge [sflag:s0], $0x80  }
0x7d: {  	[sflag:s0] =	ssyncset.done $0x0  }
0x7e: {  	[sflag:s0] =	ssyncadd.s32 $0xFFFFFF80  }
0x7f: {  	_ =	swait.ge [sflag:s0], $0x80  }
0x80: {  	[sflag:s0] =	ssyncset.done $0x0  }
0x81: {  	[sflag:s0] =	ssyncadd.s32 $0xFFFFFF80  }
0x82: {  	_ =	swait.ge [sflag:s0], $0x80  }
0x83: {  	[sflag:s0] =	ssyncset.done $0x0  }
0x84: {  	[sflag:s0] =	ssyncadd.s32 $0xFFFFFF80  }
0x85: {  	_ =	swait.ge [sflag:s0], $0x80  }
0x86: {  	[sflag:s0] =	ssyncset.done $0x0  }
0x87: {  	[sflag:s0] =	ssyncadd.s32 $0xFFFFFF80  }
0x88: {  	_ =	swait.ge [sflag:s0], $0x80  }
0x89: {  	[sflag:s0] =	ssyncset.done $0x0  }
0x8a: {  	[sflag:s0] =	ssyncadd.s32 $0xFFFFFF80  }
0x8b: {  	_ =	swait.ge [sflag:s0], $0x80  }
0x8c: {  	[sflag:s0] =	ssyncset.done $0x0  }
0x8d: {  	[sflag:s0] =	ssyncadd.s32 $0xFFFFFF80  }
0x8e: {  	_ =	swait.ge [sflag:s0], $0x80  }
0x8f: {  	[sflag:s0] =	ssyncset.done $0x0  }
0x90: {  	[sflag:s0] =	ssyncadd.s32 $0xFFFFFF80  }
0x91: {  	_ =	swait.ge [sflag:s0], $0x80  }
0x92: {  	[sflag:s0] =	ssyncset.done $0x0  }
0x93: {  	[sflag:s0] =	ssyncadd.s32 $0xFFFFFF80  }
0x94: {  	_ =	swait.ge [sflag:s0], $0x80  }
0x95: {  	[sflag:s0] =	ssyncset.done $0x0  }
0x96: {  	[sflag:s0] =	ssyncadd.s32 $0xFFFFFF80  }
0x97: {  	_ =	swait.ge [sflag:s0], $0x80  }
0x98: {  	[sflag:s0] =	ssyncset.done $0x0  }
0x99: {  	[sflag:s0] =	ssyncadd.s32 $0xFFFFFF80  }
0x9a: {  	_ =	swait.ge [sflag:s0], $0x80  }
0x9b: {  	[sflag:s0] =	ssyncset.done $0x0  }
0x9c: {  	[sflag:s0] =	ssyncadd.s32 $0xFFFFFF80  }
0x9d: {  	_ =	swait.ge [sflag:s0], $0x80  }
0x9e: {  	[sflag:s0] =	ssyncset.done $0x0  }
0x9f: {  	[sflag:s0] =	ssyncadd.s32 $0xFFFFFF80  }
0xa0: {  	_ =	swait.ge [sflag:s0], $0x80  }
0xa1: {  	[sflag:s0] =	ssyncset.done $0x0  }
0xa2: {  	[sflag:s0] =	ssyncadd.s32 $0xFFFFFF80  }
0xa3: {  	_ =	swait.ge [sflag:s0], $0x80  }
0xa4: {  	[sflag:s0] =	ssyncset.done $0x0  }
0xa5: {  	[sflag:s0] =	ssyncadd.s32 $0xFFFFFF80  }
0xa6: {  	_ =	swait.ge [sflag:s0], $0x80  }
0xa7: {  	[sflag:s0] =	ssyncset.done $0x0  }
0xa8: {  	[sflag:s0] =	ssyncadd.s32 $0xFFFFFF80  }
0xa9: {  	_ =	swait.ge [sflag:s0], $0x80  }
0xaa: {  	[sflag:s0] =	ssyncset.done $0x0  }
0xab: {  	[sflag:s0] =	ssyncadd.s32 $0xFFFFFF80  }
0xac: {  	_ =	swait.ge [sflag:s0], $0x80  }
0xad: {  	[sflag:s0] =	ssyncset.done $0x0  }
0xae: {  	[sflag:s0] =	ssyncadd.s32 $0xFFFFFF80  }
0xaf: {  	_ =	swait.ge [sflag:s0], $0x80  }
0xb0: {  	[sflag:s0] =	ssyncset.done $0x0  }
0xb1: {  	[sflag:s0] =	ssyncadd.s32 $0xFFFFFF80  }
0xb2: {  	_ =	swait.ge [sflag:s0], $0x80  }
0xb3: {  	[sflag:s0] =	ssyncset.done $0x0  }
0xb4: {  	[sflag:s0] =	ssyncadd.s32 $0xFFFFFF80  }
0xb5: {  	_ =	swait.ge [sflag:s0], $0x80  }
0xb6: {  	[sflag:s0] =	ssyncset.done $0x0  }
0xb7: {  	[sflag:s0] =	ssyncadd.s32 $0xFFFFFF80  }
0xb8: {  	_ =	swait.ge [sflag:s0], $0x80  }
0xb9: {  	[sflag:s0] =	ssyncset.done $0x0  }
0xba: {  	[sflag:s0] =	ssyncadd.s32 $0xFFFFFF80  }
0xbb: {  	_ =	swait.ge [sflag:s0], $0x80  }
0xbc: {  	[sflag:s0] =	ssyncset.done $0x0  }
0xbd: {  	[sflag:s0] =	ssyncadd.s32 $0xFFFFFF80  }
0xbe: {  	_ =	swait.ge [sflag:s0], $0x80  }
0xbf: {  	[sflag:s0] =	ssyncset.done $0x0  }
0xc0: {  	[sflag:s0] =	ssyncadd.s32 $0xFFFFFF80  }
0xc1: {  	_ =	swait.ge [sflag:s0], $0x80  }
0xc2: {  	[sflag:s0] =	ssyncset.done $0x0  }
0xc3: {  	[sflag:s0] =	ssyncadd.s32 $0xFFFFFF80  }
0xc4: {  	_ =	swait.ge [sflag:s0], $0x80  }
0xc5: {  	[sflag:s0] =	ssyncset.done $0x0  }
0xc6: {  	[sflag:s0] =	ssyncadd.s32 $0xFFFFFF80  }
0xc7: {  	_ =	swait.ge [sflag:s0], $0x80  }
0xc8: {  	[sflag:s0] =	ssyncset.done $0x0  }
0xc9: {  	[sflag:s0] =	ssyncadd.s32 $0xFFFFFF80  }
0xca: {  	_ =	swait.ge [sflag:s0], $0x80  }
0xcb: {  	[sflag:s0] =	ssyncset.done $0x0  }
0xcc: {  	[sflag:s0] =	ssyncadd.s32 $0xFFFFFF80  }
0xcd: {  	_ =	swait.ge [sflag:s0], $0x80  }
0xce: {  	[sflag:s0] =	ssyncset.done $0x0  }
0xcf: {  	[sflag:s0] =	ssyncadd.s32 $0xFFFFFF80  }
0xd0: {  	_ =	swait.ge [sflag:s0], $0x80  }
0xd1: {  	[sflag:s0] =	ssyncset.done $0x0  }
0xd2: {  	[sflag:s0] =	ssyncadd.s32 $0xFFFFFF80  }
0xd3: {  	_ =	swait.ge [sflag:s0], $0x80  }
0xd4: {  	[sflag:s0] =	ssyncset.done $0x0  }
0xd5: {  	[sflag:s0] =	ssyncadd.s32 $0xFFFFFF80  }
0xd6: {  	_ =	swait.ge [sflag:s0], $0x80  }
0xd7: {  	[sflag:s0] =	ssyncset.done $0x0  }
0xd8: {  	[sflag:s0] =	ssyncadd.s32 $0xFFFFFF80  }
0xd9: {  	_ =	swait.ge [sflag:s0], $0x80  }
0xda: {  	[sflag:s0] =	ssyncset.done $0x0  }
0xdb: {  	[sflag:s0] =	ssyncadd.s32 $0xFFFFFF80  }
0xdc: {  	[bflag:$0x0] =	sbarrier.arrive $0xFFFF  }
0xdd: {  	s29 =	sshll.u32 s8, $0x6;
	s1 =	rddreg [dreg:$0x13]  }
0xde: {  	s0 =	sor.u32 $0x1C03, s29;
	s2 =	rddreg [dreg:$0x1c];
	s1 =	sshrl.u32 s1, $0x3  }
0xdf: {  	[hbm:s2], [sflag:s0] =	dma.local [spmem:s1], $0x800  }
0xe0: {  	s1 =	rddreg [dreg:$0x16]  }
0xe1: {  	s2 =	rddreg [dreg:$0x1d];
	s1 =	sshrl.u32 s1, $0x3  }
0xe2: {  	[hbm:s2], [sflag:s0] =	dma.local [spmem:s1], $0x800  }
0xe3: {  	s1 =	rddreg [dreg:$0x18]  }
0xe4: {  	s2 =	rddreg [dreg:$0x1e];
	s1 =	sshrl.u32 s1, $0x3  }
0xe5: {  	[hbm:s2], [sflag:s0] =	dma.local [spmem:s1], $0x800  }
0xe6: {  	s1 =	rddreg [dreg:$0x1a]  }
0xe7: {  	s2 =	rddreg [dreg:$0x1f];
	s1 =	sshrl.u32 s1, $0x3  }
0xe8: {  	[hbm:s2], [sflag:s0] =	dma.local [spmem:s1], $0x800  }
0xe9: {  	s2 =	simm.s32 $0x3  }
0xea: {  	_ =	swait.ge [sflag:s2], $0x800  }
0xeb: {  	[sflag:s2] =	ssyncset.done $0x0  }
0xec: {  	[sflag:s2] =	ssyncadd.s32 $0xFFFFF800  }
0xed: {  	_ =	swait.ge [sflag:s2], $0x800  }
0xee: {  	[sflag:s2] =	ssyncset.done $0x0  }
0xef: {  	[sflag:s2] =	ssyncadd.s32 $0xFFFFF800  }
0xf0: {  	_ =	swait.ge [sflag:s2], $0x800  }
0xf1: {  	[sflag:s2] =	ssyncset.done $0x0  }
0xf2: {  	[sflag:s2] =	ssyncadd.s32 $0xFFFFF800  }
0xf3: {  	_ =	swait.ge [sflag:s2], $0x800  }
0xf4: {  	s31 =	sld [smem:$0x7FD]  }
0xf5: {  	s30 =	rddreg [dreg:$0xe]  }
0xf6: {  	s0 =	sadd.s32 $0x1, s30  }
0xf7: {  	p0 =	sne.s32 s0, s31  }
.Ltmp1:
0xf8: {  	_ = 	snop;
	(pc) =	sbr.rel @!p0 .LBB2_12-.Ltmp1, $3  }
0xf9: {  	_ =	sdelay $0x1  }
0xfa: {  	[sflag:s2] =	ssyncset.done $0x0  }
0xfb: {  	[sflag:s2] =	ssyncadd.s32 $0xFFFFF800;
	[dreg:$0xe] =	wrdreg s0  }
.LBB2_1:
0xfc: {  	s0 =	simm.s32 $0x40;
	s1 =	simm.s32 $0x0  }
.LBB2_2:
0xfd: {  	p0 =	sne.s32 s0, $0x7FC0;
	[tilespmem:s1+$0xA080] =	vst v1;
	s1 =	smov.u32 s0;
	s0 =	sadd.s32 $0x40, s0  }
.Ltmp2:
0xfe: {  	(pc) =	sbr.rel @p0 .LBB2_2-.Ltmp2, $2  }
0xff: {  	_ =	sdelay $0x2  }
0x100: {  	s1 =	sshra.s32 s1, $0x2  }
0x101: {  	[tilespmem:s1+$0xA080] =	vst v1  }
0x102: {  	[tilespmem:$0xA000] =	vst v2  }
0x103: {  	[tilespmem:$0xA010] =	vst v2  }
0x104: {  	[tilespmem:$0xA020] =	vst v2  }
0x105: {  	[tilespmem:$0xA030] =	vst v2  }
0x106: {  	[tilespmem:$0xA040] =	vst v2  }
0x107: {  	[tilespmem:$0xA050] =	vst v2  }
0x108: {  	[tilespmem:$0xA060] =	vst v2  }
0x109: {  	[tilespmem:$0xA070] =	vst v2  }
0x10a: {  	[tilespmem:$0x8FA0] =	vst v3  }
0x10b: {  	[tilespmem:$0x8FB0] =	vst v3  }
0x10c: {  	[tilespmem:$0x8FC0] =	vst v3  }
0x10d: {  	[tilespmem:$0x8FD0] =	vst v3  }
0x10e: {  	[tilespmem:$0x8FE0] =	vst v3  }
0x10f: {  	[tilespmem:$0x8FF0] =	vst v3  }
0x110: {  	[tilespmem:$0x9FA0] =	vst v3  }
0x111: {  	[tilespmem:$0x9FB0] =	vst v3  }
0x112: {  	[tilespmem:$0x9FC0] =	vst v3  }
0x113: {  	[tilespmem:$0x9FD0] =	vst v3  }
0x114: {  	[tilespmem:$0x9FE0] =	vst v3  }
0x115: {  	s3 =	simm.s32 $0x0;
	s0 =	rddreg [dreg:$0x10];
	[tilespmem:$0x9FF0] =	vst v3  }
0x116: {  	[tilespmem:s3], [sflag:$0x1] =	stream.linear.gather [hbm4b:s0+s3], $0xFA0, $0x38;
	[tilespmem:$0x1C180] =	vst v63  }
0x117: {  	s16 =	rddreg [dreg:$0x11];
	s17 =	simm.s32 $0x2000  }
0x118: {  	[tilespmem:s17], [sflag:$0x1] =	stream.linear.gather [hbm4b:s16+s3], $0xFA0, $0x38;
	[tilespmem:$0x1C180] =	vst v63  }
0x119: {  	s18 =	rddreg [dreg:$0x12];
	s19 =	simm.s32 $0x4000  }
0x11a: {  	[tilespmem:s19], [sflag:$0x1] =	stream.linear.gather [hbm4b:s18+s3], $0xFA0, $0x38;
	[tilespmem:$0x1C180] =	vst v63  }
0x11b: {  	s20 =	rddreg [dreg:$0x14];
	s21 =	simm.s32 $0x6000  }
0x11c: {  	[tilespmem:s21], [sflag:$0x1] =	stream.linear.gather [hbm4b:s20+s3], $0xFA0, $0x38;
	[tilespmem:$0x1C180] =	vst v63  }
0x11d: {  	s22 =	rddreg [dreg:$0x13];
	s23 =	simm.s32 $0xA080  }
0x11e: {  	[spmem:s22] =	stream.linear.scatter [tilespmem:s23], [sflag:$0x3], $0x2000, $0x38;
	[tilespmem:$0x1C180] =	vst v63  }
0x11f: {  	s24 =	rddreg [dreg:$0x15]  }
0x120: {  	[spmem:s24] =	stream.linear.scatter [tilespmem:s23], [sflag:$0x3], $0x2000, $0x38;
	[tilespmem:$0x1C180] =	vst v63  }
0x121: {  	s25 =	rddreg [dreg:$0x16]  }
0x122: {  	[spmem:s25] =	stream.linear.scatter [tilespmem:s23], [sflag:$0x3], $0x2000, $0x38;
	[tilespmem:$0x1C180] =	vst v63  }
0x123: {  	s26 =	rddreg [dreg:$0x17]  }
0x124: {  	[spmem:s26] =	stream.linear.scatter [tilespmem:s23], [sflag:$0x3], $0x2000, $0x38;
	[tilespmem:$0x1C180] =	vst v63  }
0x125: {  	s28 =	rddreg [dreg:$0x18]  }
0x126: {  	[spmem:s28] =	stream.linear.scatter [tilespmem:s23], [sflag:$0x3], $0x2000, $0x38;
	[tilespmem:$0x1C180] =	vst v63  }
0x127: {  	s29 =	rddreg [dreg:$0x19]  }
0x128: {  	[spmem:s29] =	stream.linear.scatter [tilespmem:s23], [sflag:$0x3], $0x2000, $0x38;
	[tilespmem:$0x1C180] =	vst v63  }
0x129: {  	s30 =	rddreg [dreg:$0x1a]  }
0x12a: {  	[spmem:s30] =	stream.linear.scatter [tilespmem:s23], [sflag:$0x3], $0x2000, $0x38;
	[tilespmem:$0x1C180] =	vst v63  }
0x12b: {  	s31 =	rddreg [dreg:$0x1b]  }
0x12c: {  	[spmem:s31] =	stream.linear.scatter [tilespmem:s23], [sflag:$0x3], $0x2000, $0x38;
	[tilespmem:$0x1C180] =	vst v63  }
0x12d: {  	_ =	swait.ge [sflag:s2], $0x2000  }
0x12e: {  	[sflag:s2] =	ssyncset.done $0x0  }
0x12f: {  	[sflag:s2] =	ssyncadd.s32 $0xFFFFE000  }
0x130: {  	_ =	swait.ge [sflag:s2], $0x2000  }
0x131: {  	[sflag:s2] =	ssyncset.done $0x0  }
0x132: {  	[sflag:s2] =	ssyncadd.s32 $0xFFFFE000  }
0x133: {  	_ =	swait.ge [sflag:s2], $0x2000  }
0x134: {  	[sflag:s2] =	ssyncset.done $0x0  }
0x135: {  	[sflag:s2] =	ssyncadd.s32 $0xFFFFE000  }
0x136: {  	_ =	swait.ge [sflag:s2], $0x2000  }
0x137: {  	[sflag:s2] =	ssyncset.done $0x0  }
0x138: {  	[sflag:s2] =	ssyncadd.s32 $0xFFFFE000  }
0x139: {  	_ =	swait.ge [sflag:s2], $0x2000  }
0x13a: {  	[sflag:s2] =	ssyncset.done $0x0  }
0x13b: {  	[sflag:s2] =	ssyncadd.s32 $0xFFFFE000  }
0x13c: {  	_ =	swait.ge [sflag:s2], $0x2000  }
0x13d: {  	[sflag:s2] =	ssyncset.done $0x0  }
0x13e: {  	[sflag:s2] =	ssyncadd.s32 $0xFFFFE000  }
0x13f: {  	_ =	swait.ge [sflag:s2], $0x2000  }
0x140: {  	[sflag:s2] =	ssyncset.done $0x0  }
0x141: {  	[sflag:s2] =	ssyncadd.s32 $0xFFFFE000  }
.Ltmp3:
0x142: {  	_ =	swait.ge [sflag:s2], $0x2000;
	(pc) =	sbr.rel .LBB2_4-.Ltmp3, $4  }
0x143: {  	[sflag:s2] =	ssyncset.done $0x0  }
0x144: {  	[sflag:s2] =	ssyncadd.s32 $0xFFFFE000  }
0x145: {  	[bflag:$0x0] =	sbarrier.arrive $0xFFFF  }
0x146: {  	p0 =	por $0x0, $0x0  }
.LBB2_10:
0x147: {  	s3 =	sadd.s32 $0x1, s3  }
0x148: {  	p1 =	sne.s32 s3, $0x10  }
.Ltmp4:
0x149: {  	_ = 	snop;
	(pc) =	sbr.rel @!p1 .LBB2_11-.Ltmp4, $2  }
0x14a: {  	_ =	sdelay $0x2  }
0x14b: {  	p0 =	por !p0, !p0  }
.LBB2_4:
0x14c: {  	s0 =	sshll.u32 s3, $0x4  }
0x14d: {  	s0 =	sor.u32 s8, s0  }
0x14e: {  	p1 =	sgt.u32 s0, $0xF9  }
.Ltmp5:
0x14f: {  	_ = 	snop;
	(pc) =	sbr.rel @p1 .LBB2_10-.Ltmp5, $1  }
0x150: {  	_ =	sdelay $0x3  }
0x151: {  	p1 =	slt.u32 s3, $0x2  }
.Ltmp6:
0x152: {  	_ = 	snop;
	(pc) =	sbr.rel @p1 .LBB2_7-.Ltmp6, $1  }
0x153: {  	_ =	sdelay $0x3  }
0x154: {  	s1 =	simm.s32 $0x2  }
0x155: {  	_ =	swait.ge [sflag:s1], $0x80  }
0x156: {  	[sflag:s1] =	ssyncset.done $0x0  }
0x157: {  	[sflag:s1] =	ssyncadd.s32 $0xFFFFFF80  }
0x158: {  	_ =	swait.ge [sflag:s1], $0x80  }
0x159: {  	[sflag:s1] =	ssyncset.done $0x0  }
0x15a: {  	[sflag:s1] =	ssyncadd.s32 $0xFFFFFF80  }
0x15b: {  	_ =	swait.ge [sflag:s1], $0x80  }
0x15c: {  	[sflag:s1] =	ssyncset.done $0x0  }
0x15d: {  	[sflag:s1] =	ssyncadd.s32 $0xFFFFFF80  }
0x15e: {  	_ =	swait.ge [sflag:s1], $0x80  }
0x15f: {  	[sflag:s1] =	ssyncset.done $0x0  }
0x160: {  	[sflag:s1] =	ssyncadd.s32 $0xFFFFFF80  }
0x161: {  	_ =	swait.ge [sflag:s1], $0x80  }
0x162: {  	[sflag:s1] =	ssyncset.done $0x0  }
0x163: {  	[sflag:s1] =	ssyncadd.s32 $0xFFFFFF80  }
0x164: {  	_ =	swait.ge [sflag:s1], $0x80  }
0x165: {  	[sflag:s1] =	ssyncset.done $0x0  }
0x166: {  	[sflag:s1] =	ssyncadd.s32 $0xFFFFFF80  }
0x167: {  	_ =	swait.ge [sflag:s1], $0x80  }
0x168: {  	[sflag:s1] =	ssyncset.done $0x0  }
0x169: {  	[sflag:s1] =	ssyncadd.s32 $0xFFFFFF80  }
0x16a: {  	_ =	swait.ge [sflag:s1], $0x80  }
0x16b: {  	[sflag:s1] =	ssyncset.done $0x0  }
0x16c: {  	[sflag:s1] =	ssyncadd.s32 $0xFFFFFF80  }
0x16d: {  	_ =	swait.ge [sflag:s1], $0x80  }
0x16e: {  	[sflag:s1] =	ssyncset.done $0x0  }
0x16f: {  	[sflag:s1] =	ssyncadd.s32 $0xFFFFFF80  }
0x170: {  	_ =	swait.ge [sflag:s1], $0x80  }
0x171: {  	[sflag:s1] =	ssyncset.done $0x0  }
0x172: {  	[sflag:s1] =	ssyncadd.s32 $0xFFFFFF80  }
0x173: {  	_ =	swait.ge [sflag:s1], $0x80  }
0x174: {  	[sflag:s1] =	ssyncset.done $0x0  }
0x175: {  	[sflag:s1] =	ssyncadd.s32 $0xFFFFFF80  }
0x176: {  	_ =	swait.ge [sflag:s1], $0x80  }
0x177: {  	[sflag:s1] =	ssyncset.done $0x0  }
0x178: {  	[sflag:s1] =	ssyncadd.s32 $0xFFFFFF80  }
0x179: {  	_ =	swait.ge [sflag:s1], $0x80  }
0x17a: {  	[sflag:s1] =	ssyncset.done $0x0  }
0x17b: {  	[sflag:s1] =	ssyncadd.s32 $0xFFFFFF80  }
0x17c: {  	_ =	swait.ge [sflag:s1], $0x80  }
0x17d: {  	[sflag:s1] =	ssyncset.done $0x0  }
0x17e: {  	[sflag:s1] =	ssyncadd.s32 $0xFFFFFF80  }
0x17f: {  	_ =	swait.ge [sflag:s1], $0x80  }
0x180: {  	[sflag:s1] =	ssyncset.done $0x0  }
0x181: {  	[sflag:s1] =	ssyncadd.s32 $0xFFFFFF80  }
0x182: {  	_ =	swait.ge [sflag:s1], $0x80  }
0x183: {  	[sflag:s1] =	ssyncset.done $0x0  }
0x184: {  	[sflag:s1] =	ssyncadd.s32 $0xFFFFFF80  }
0x185: {  	_ =	swait.ge [sflag:s1], $0x80  }
0x186: {  	[sflag:s1] =	ssyncset.done $0x0  }
0x187: {  	[sflag:s1] =	ssyncadd.s32 $0xFFFFFF80  }
0x188: {  	_ =	swait.ge [sflag:s1], $0x80  }
0x189: {  	[sflag:s1] =	ssyncset.done $0x0  }
0x18a: {  	[sflag:s1] =	ssyncadd.s32 $0xFFFFFF80  }
0x18b: {  	_ =	swait.ge [sflag:s1], $0x80  }
0x18c: {  	[sflag:s1] =	ssyncset.done $0x0  }
0x18d: {  	[sflag:s1] =	ssyncadd.s32 $0xFFFFFF80  }
0x18e: {  	_ =	swait.ge [sflag:s1], $0x80  }
0x18f: {  	[sflag:s1] =	ssyncset.done $0x0  }
0x190: {  	[sflag:s1] =	ssyncadd.s32 $0xFFFFFF80  }
0x191: {  	_ =	swait.ge [sflag:s1], $0x80  }
0x192: {  	[sflag:s1] =	ssyncset.done $0x0  }
0x193: {  	[sflag:s1] =	ssyncadd.s32 $0xFFFFFF80  }
0x194: {  	_ =	swait.ge [sflag:s1], $0x80  }
0x195: {  	[sflag:s1] =	ssyncset.done $0x0  }
0x196: {  	[sflag:s1] =	ssyncadd.s32 $0xFFFFFF80  }
0x197: {  	_ =	swait.ge [sflag:s1], $0x80  }
0x198: {  	[sflag:s1] =	ssyncset.done $0x0  }
0x199: {  	[sflag:s1] =	ssyncadd.s32 $0xFFFFFF80  }
0x19a: {  	_ =	swait.ge [sflag:s1], $0x80  }
0x19b: {  	[sflag:s1] =	ssyncset.done $0x0  }
0x19c: {  	[sflag:s1] =	ssyncadd.s32 $0xFFFFFF80  }
0x19d: {  	_ =	swait.ge [sflag:s1], $0x80  }
0x19e: {  	[sflag:s1] =	ssyncset.done $0x0  }
0x19f: {  	[sflag:s1] =	ssyncadd.s32 $0xFFFFFF80  }
0x1a0: {  	_ =	swait.ge [sflag:s1], $0x80  }
0x1a1: {  	[sflag:s1] =	ssyncset.done $0x0  }
0x1a2: {  	[sflag:s1] =	ssyncadd.s32 $0xFFFFFF80  }
0x1a3: {  	_ =	swait.ge [sflag:s1], $0x80  }
0x1a4: {  	[sflag:s1] =	ssyncset.done $0x0  }
0x1a5: {  	[sflag:s1] =	ssyncadd.s32 $0xFFFFFF80  }
0x1a6: {  	_ =	swait.ge [sflag:s1], $0x80  }
0x1a7: {  	[sflag:s1] =	ssyncset.done $0x0  }
0x1a8: {  	[sflag:s1] =	ssyncadd.s32 $0xFFFFFF80  }
0x1a9: {  	_ =	swait.ge [sflag:s1], $0x80  }
0x1aa: {  	[sflag:s1] =	ssyncset.done $0x0  }
0x1ab: {  	[sflag:s1] =	ssyncadd.s32 $0xFFFFFF80  }
0x1ac: {  	_ =	swait.ge [sflag:s1], $0x80  }
0x1ad: {  	[sflag:s1] =	ssyncset.done $0x0  }
0x1ae: {  	[sflag:s1] =	ssyncadd.s32 $0xFFFFFF80  }
0x1af: {  	_ =	swait.ge [sflag:s1], $0x80  }
0x1b0: {  	[sflag:s1] =	ssyncset.done $0x0  }
0x1b1: {  	[sflag:s1] =	ssyncadd.s32 $0xFFFFFF80  }
0x1b2: {  	_ =	swait.ge [sflag:s1], $0x80  }
0x1b3: {  	[sflag:s1] =	ssyncset.done $0x0  }
0x1b4: {  	[sflag:s1] =	ssyncadd.s32 $0xFFFFFF80  }
.LBB2_7:
0x1b5: {  	s2 =	simm.s32 $0x1  }
0x1b6: {  	_ =	swait.ge [sflag:s2], $0xFA0  }
0x1b7: {  	[sflag:s2] =	ssyncset.done $0x0  }
0x1b8: {  	[sflag:s2] =	ssyncadd.s32 $0xFFFFF060  }
0x1b9: {  	_ =	swait.ge [sflag:s2], $0xFA0  }
0x1ba: {  	[sflag:s2] =	ssyncset.done $0x0  }
0x1bb: {  	[sflag:s2] =	ssyncadd.s32 $0xFFFFF060  }
0x1bc: {  	_ =	swait.ge [sflag:s2], $0xFA0  }
0x1bd: {  	p1 =	sgt.u32 s0, $0xE9;
	s1 =	sshll.u32 s3, $0xC;
	[sflag:s2] =	ssyncset.done $0x0  }
0x1be: {  	s11 =	simm.s32 $0x40;
	s0 =	smul.u32 @!p1 $0xFA0, s0;
	[sflag:s2] =	ssyncadd.s32 $0xFFFFF060  }
0x1bf: {  	s24 =	sand.u32 $0x1000, s1;
	s4 =	simm.s32 @!p1 $0x0;
	_ =	swait.ge [sflag:s2], $0xFA0  }
0x1c0: {  	s23 =	sand.u32 $0x60, s11;
	s0 =	sshrl.u32 @!p1 s0, $0x3;
	[smem:$0x7F9] =	sst s3  }
0x1c1: {  	s1 =	sadd.s32 @!p1 $0x1F40, s0;
	[sflag:s2] =	ssyncset.done $0x0;
	s5 =	rddreg [dreg:$0xf]  }
0x1c2: {  	[sflag:s2] =	ssyncadd.s32 $0xFFFFF060;
	s2 =	sxor.u32 @!p1 $0x1000, s24;
	s3 =	sadd.s32 @!p1 s5, s1  }
0x1c3: {  	[tilespmem:s2], [sflag:$0x1] =	stream.linear.gather @!p1 [hbm4b:s3+s4], $0xFA0, $0x38;
	[tilespmem:$0x1C180] =	vst v63  }
0x1c4: {  	s0 =	sadd.s32 @!p1 s5, s0;
	s3 =	simm.s32 $0x1;
	s5 =	sor.u32 @!p1 $0x2000, s2  }
0x1c5: {  	s6 =	sadd.s32 @!p1 $0x20788, s0;
	s0 =	sadd.s32 @!p1 $0x3EFD0, s0;
	s3 =	simm.s32 @!p0 $0x0  }
0x1c6: {  	[tilespmem:s5], [sflag:$0x1] =	stream.linear.gather @!p1 [hbm4b:s6+s4], $0xFA0, $0x38;
	[tilespmem:$0x1C180] =	vst v63  }
0x1c7: {  	s5 =	sor.u32 @!p1 $0x4000, s2;
	s13 =	sshll.u32 s3, $0xC;
	s3 =	simm.s32 $0x80  }
0x1c8: {  	[tilespmem:s5], [sflag:$0x1] =	stream.linear.gather @!p1 [hbm4b:s0+s4], $0xFA0, $0x38;
	[tilespmem:$0x1C180] =	vst v63  }
0x1c9: {  	s31 =	sadd.s32 $0x90, s13;
	s0 =	sor.u32 @!p1 $0x6000, s2;
	s2 =	rddreg [dreg:$0x1]  }
0x1ca: {  	s6 =	sadd.s32 $0xFFFFFF90, s31;
	s9 =	sadd.s32 $0xFFFFFFB0, s31;
	s1 =	sadd.s32 @!p1 s2, s1  }
0x1cb: {  	[tilespmem:s0], [sflag:$0x1] =	stream.linear.gather @!p1 [hbm4b:s1+s4], $0xFA0, $0x38;
	[tilespmem:$0x1C180] =	vst v63  }
0x1cc: {  	s12 =	sand.u32 $0x3F80, s9;
	s4 =	sadd.s32 $0xFFFFFFF0, s31;
	s1 =	sand.u32 $0x60, s3  }
0x1cd: {  	s3 =	sand.u32 $0x3F80, s6;
	s6 =	sor.u32 s23, s12;
	s2 =	sand.u32 $0x3F80, s4  }
0x1ce: {  	v12 =	vld [tilespmem:s6+$0x0];
	s2 =	sor.u32 s1, s2  }
0x1cf: {  	v4 =	vld [tilespmem:s2+$0x0]  }
0x1d0: {  	s7 =	simm.s32 $0x30;
	s19 =	simm.s32 $0x60;
	s8 =	sadd.s32 $0xFFFFFFA0, s31;
	v5 =	vld [tilespmem:s2+$0x2000]  }
0x1d1: {  	s10 =	sand.u32 $0x70, s7;
	s5 =	simm.s32 $0x20;
	s4 =	sand.u32 $0x3F80, s8;
	v6 =	vld [tilespmem:s2+$0x4000]  }
0x1d2: {  	s18 =	sand.u32 $0x60, s5;
	s12 =	simm.s32 $0x90;
	s5 =	sor.u32 s10, s4;
	v9 =	vld [tilespmem:s2+$0x6000]  }
0x1d3: {  	s0 =	sand.u32 $0x3F80, s31;
	s8 =	sand.u32 $0x60, s19;
	s19 =	sand.u32 $0x70, s12;
	v10 =	vld [tilespmem:s5+$0x0]  }
0x1d4: {  	s28 =	sor.u32 s19, s0;
	v11 =	vld [tilespmem:s5+$0x2000]  }
0x1d5: {  	s17 =	sadd.s32 $0xFFFFFFD0, s31;
	v22 =	vld [tilespmem:s28+$0x0]  }
0x1d6: {  	s20 =	sand.u32 $0x3F80, s17;
	v23 =	vld [tilespmem:s28+$0x2000]  }
0x1d7: {  	s2 =	sor.u32 s8, s20;
	v31 =	vld [tilespmem:s5+$0x4000]  }
0x1d8: {  	v17 =	vld [tilespmem:s2+$0x0]  }
0x1d9: {  	s15 =	simm.s32 $0x50;
	s14 =	sadd.s32 $0xFFFFFFC0, s31;
	v19 =	vld [tilespmem:s2+$0x2000];
	v12 =	vmul.f32 $1.280000000e+02, v12;
	v4 =	vmul.f32 $1.280000000e+02, v4  }
0x1da: {  	s11 =	sand.u32 $0x70, s15;
	s16 =	sand.u32 $0x3F80, s14;
	v33 =	vld [tilespmem:s2+$0x4000];
	v5 =	vmul.f32 $1.280000000e+02, v5;
	v6 =	vmul.f32 $1.280000000e+02, v6  }
0x1db: {  	s7 =	sor.u32 s11, s16;
	v10 =	vmul.f32 $1.280000000e+02, v10;
	v11 =	vmul.f32 $1.280000000e+02, v11  }
0x1dc: {  	v16 =	vld [tilespmem:s7+$0x0];
	v12 =	vtrunc.f32 v12;
	v22 =	vmul.f32 $1.280000000e+02, v22  }
0x1dd: {  	v23 =	vmul.f32 $1.280000000e+02, v23;
	v31 =	vmul.f32 $1.280000000e+02, v31  }
0x1de: {  	v17 =	vmul.f32 $1.280000000e+02, v17;
	v19 =	vmul.f32 $1.280000000e+02, v19  }
0x1df: {  	s1 =	sor.u32 s18, s3;
	v33 =	vmul.f32 $1.280000000e+02, v33;
	v12 =	vcvt.f32.s32 v12  }
0x1e0: {  	v7 =	vld [tilespmem:s1+$0x0];
	v4 =	vtrunc.f32 v4;
	v5 =	vtrunc.f32 v5  }
0x1e1: {  	v8 =	vld [tilespmem:s1+$0x2000];
	v21 =	vtrunc.f32 v10;
	v10 =	vmul.f32 $1.280000000e+02, v16  }
0x1e2: {  	v11 =	vtrunc.f32 v11;
	v22 =	vtrunc.f32 v22  }
0x1e3: {  	v23 =	vtrunc.f32 v23;
	v31 =	vtrunc.f32 v31  }
0x1e4: {  	v13 =	vcvt.f32.s32 v4;
	v4 =	vtrunc.f32 v6  }
0x1e5: {  	v14 =	vcvt.f32.s32 v5;
	v5 =	vmul.f32 $1.280000000e+02, v7  }
0x1e6: {  	v7 =	vmul.f32 $1.280000000e+02, v8;
	v17 =	vtrunc.f32 v17  }
0x1e7: {  	v19 =	vtrunc.f32 v19;
	v21 =	vcvt.f32.s32 v21  }
0x1e8: {  	v11 =	vcvt.f32.s32 v11;
	v22 =	vcvt.f32.s32 v22  }
0x1e9: {  	s22 =	simm.s32 $0x70;
	s21 =	sadd.s32 $0xFFFFFFE0, s31;
	vm0 =	vgt.f32 v9, $9.999999770e-03;
	v23 =	vcvt.f32.s32 v23;
	v33 =	vtrunc.f32 v33  }
0x1ea: {  	s9 =	sor.u32 $0x10, s13;
	s17 =	sand.u32 $0x70, s22;
	s3 =	sand.u32 $0x3F80, s21;
	v12 =	vshll.u32 v12, $0xE;
	v31 =	vcvt.f32.s32 v31;
	v15 =	vcvt.f32.s32 v4  }
0x1eb: {  	s25 =	sor.u32 $0x2010, s13;
	s26 =	sor.u32 s17, s3;
	v4 =	vmov s9;
	v27 =	vtrunc.f32 v10;
	v17 =	vcvt.f32.s32 v17  }
0x1ec: {  	v16 =	vld [tilespmem:s26+$0x2000];
	v19 =	vcvt.f32.s32 v19;
	v18 =	vtrunc.f32 v5;
	v5 =	vmov s25  }
0x1ed: {  	v6 =	vld [tilespmem:s6+$0x2000];
	v20 =	vtrunc.f32 v7;
	v13 =	vshll.u32 v13, $0xE;
	v14 =	vshll.u32 v14, $0x7  }
0x1ee: {  	v8 =	vld [tilespmem:s7+$0x2000];
	v21 =	vshll.u32 v21, $0xE;
	v27 =	vcvt.f32.s32 v27;
	v11 =	vshll.u32 v11, $0x7  }
0x1ef: {  	v22 =	vshll.u32 v22, $0xE;
	v23 =	vshll.u32 v23, $0x7;
	v18 =	vcvt.f32.s32 v18  }
0x1f0: {  	v7 =	vld [tilespmem:s26+$0x0];
	v20 =	vcvt.f32.s32 v20;
	v17 =	vshll.u32 v17, $0xE;
	v19 =	vshll.u32 v19, $0x7  }
0x1f1: {  	v11 =	vadd.s32 v21, v11;
	v21 =	vcvt.f32.s32 v33;
	v16 =	vmul.f32 $1.280000000e+02, v16  }
0x1f2: {  	v27 =	vshll.u32 v27, $0xE;
	v17 =	vadd.s32 v17, v19;
	v6 =	vmul.f32 $1.280000000e+02, v6  }
0x1f3: {  	s29 =	simm.s32 $0x90;
	v19 =	vld [tilespmem:s1+$0x6000];
	v8 =	vmul.f32 $1.280000000e+02, v8;
	v18 =	vshll.u32 v18, $0xE;
	v20 =	vshll.u32 v20, $0x7  }
0x1f4: {  	v17 =	vadd.s32 v21, v17;
	v24 =	vld.idx.msk [tilespmem:v4+s29+$0xFFFFFF60 ss:$0x1], $0xffff;
	v16 =	vtrunc.f32 v16;
	v25 =	vtrunc.f32 v6  }
0x1f5: {  	s30 =	sor.u32 $0x4000, s13;
	v28 =	vld.idx.msk [tilespmem:v4+s29+$0xFFFFFF70 ss:$0x1], $0xffff;
	v18 =	vadd.s32 v18, v20;
	v10 =	vmul.f32 $1.280000000e+02, v7;
	v8 =	vtrunc.f32 v8  }
0x1f6: {  	s31 =	sor.u32 $0x6000, s13;
	v6 =	vmov s30;
	v16 =	vcvt.f32.s32 v16;
	v25 =	vcvt.f32.s32 v25  }
0x1f7: {  	v26 =	vld.idx.msk [tilespmem:v5+s29+$0xFFFFFF60 ss:$0x1], $0xffff;
	v7 =	vmov s31;
	v8 =	vcvt.f32.s32 v8;
	v32 =	vtrunc.f32 v10  }
0x1f8: {  	v30 =	vld [tilespmem:s1+$0x4000];
	v10 =	vadd.s32 v13, v14;
	v16 =	vshll.u32 v16, $0x7;
	vm6 =	vgt.f32 v19, $9.999999770e-03  }
0x1f9: {  	v29 =	vld.idx.msk [tilespmem:v5+s29+$0xFFFFFF70 ss:$0x1], $0xffff;
	v10 =	vadd.s32 v15, v10;
	v32 =	vcvt.f32.s32 v32;
	v25 =	vshll.u32 v25, $0x7  }
0x1fa: {  	v14 =	vld [tilespmem:s6+$0x4000];
	v8 =	vshll.u32 v8, $0x7;
	v13 =	vmul.f32 $1.280000000e+02, v24;
	v28 =	vmul.f32 $1.280000000e+02, v28  }
0x1fb: {  	v34 =	vand.u32 $0xFFF, v10;
	v12 =	vadd.s32 v12, v25;
	v8 =	vadd.s32 v27, v8  }
0x1fc: {  	v27 =	vshra.s32 v17, $0x14;
	v15 =	vmul.f32 $1.280000000e+02, v26;
	v26 =	vshra.s32 v10, $0x14  }
0x1fd: {  	v24 =	vld [tilespmem:s7+$0x4000];
	v13 =	vtrunc.f32 v13;
	vm1 =	veq.s32 v26, v0;
	v26 =	vtrunc.f32 v28  }
0x1fe: {  	v35 =	vld.idx.msk [tilespmem:v6+s29+$0xFFFFFF70 ss:$0x1], $0xffff;
	v10 =	vand.u32 $0xFFFFF, v10;
	v28 =	vmul.f32 $1.280000000e+02, v30;
	v9 =	vtrunc.f32 v15  }
0x1ff: {  	v36 =	vld.idx.msk [tilespmem:v6+s29+$0xFFFFFF80 ss:$0x1], $0xffff;
	v34 =	vor.u32 $0x100000, v34;
	v15 =	vmul.f32 $1.280000000e+02, v29;
	v14 =	vmul.f32 $1.280000000e+02, v14  }
0x200: {  	v32 =	vshll.u32 v32, $0xE;
	v13 =	vcvt.f32.s32 v13;
	v26 =	vcvt.f32.s32 v26  }
0x201: {  	vm3 =	veq.s32 v27, v0;
	v30 =	vld [tilespmem:s28+$0x4000];
	v9 =	vcvt.f32.s32 v9;
	v28 =	vtrunc.f32 v28  }
0x202: {  	vm0 =	vmand vm0, vm1;
	v15 =	vtrunc.f32 v15;
	v24 =	vmul.f32 $1.280000000e+02, v24  }
0x203: {  	v29 =	vld [tilespmem:s26+$0x4000];
	v10 =	vsel vm0, v10, v34;
	v14 =	vtrunc.f32 v14;
	v28 =	vcvt.f32.s32 v28  }
0x204: {  	v13 =	vshll.u32 v13, $0xE;
	v57 =	vmul.f32 $1.280000000e+02, v35;
	v58 =	vmul.f32 $1.280000000e+02, v36  }
0x205: {  	v26 =	vshll.u32 v26, $0xE;
	v15 =	vcvt.f32.s32 v15;
	v14 =	vcvt.f32.s32 v14  }
0x206: {  	v9 =	vshll.u32 v9, $0x7;
	v30 =	vmul.f32 $1.280000000e+02, v30;
	v24 =	vtrunc.f32 v24  }
0x207: {  	v9 =	vadd.s32 v13, v9;
	v13 =	vadd.s32 v32, v16;
	v16 =	vadd.s32 v22, v23  }
0x208: {  	v22 =	vadd.s32 v28, v18;
	v29 =	vmul.f32 $1.280000000e+02, v29;
	v34 =	vtrunc.f32 v57  }
0x209: {  	v35 =	vtrunc.f32 v58;
	v15 =	vshll.u32 v15, $0x7;
	v20 =	vcvt.f32.s32 v24  }
0x20a: {  	s0 =	sadd.s32 $0x130, s13;
	[dreg:$0x5] =	wrdreg s13;
	v12 =	vadd.s32 v14, v12;
	v14 =	vshra.s32 v22, $0x14;
	v30 =	vtrunc.f32 v30  }
0x20b: {  	s14 =	simm.s32 $0x120;
	s15 =	sadd.s32 $0xFFFFFFF0, s0;
	v23 =	vld [tilespmem:s5+$0x6000];
	v15 =	vadd.s32 v26, v15;
	v26 =	vadd.s32 v31, v11;
	v21 =	vshra.s32 v12, $0x14  }
0x20c: {  	s1 =	sand.u32 $0x60, s14;
	s5 =	sand.u32 $0x3F80, s15;
	vm4 =	veq.s32 v14, v0;
	v29 =	vtrunc.f32 v29;
	v25 =	vcvt.f32.s32 v30  }
0x20d: {  	s1 =	sor.u32 s1, s5;
	v11 =	vld [tilespmem:s6+$0x6000];
	v30 =	vcvt.f32.s32 v35;
	v18 =	vadd.s32 v20, v8;
	v20 =	vshra.s32 v26, $0x14  }
0x20e: {  	v14 =	vld [tilespmem:s1+$0x4000];
	vm7 =	veq.s32 v21, v0;
	v24 =	vcvt.f32.s32 v29;
	v29 =	vcvt.f32.s32 v34  }
0x20f: {  	vm8 =	vmand vm6, vm4;
	vm5 =	veq.s32 v20, v0;
	v16 =	vadd.s32 v25, v16;
	v25 =	vld [tilespmem:s1+$0x0]  }
0x210: {  	v15 =	vadd.s32 v30, v15;
	v30 =	vld [tilespmem:s1+$0x2000];
	vm10 =	vgt.f32 v23, $9.999999770e-03;
	v9 =	vadd.s32 v29, v9  }
0x211: {  	v8 =	vadd.s32 v24, v13;
	v13 =	vld [tilespmem:s7+$0x6000];
	v24 =	vshra.s32 v18, $0x14;
	v31 =	vshra.s32 v16, $0x14  }
0x212: {  	v21 =	vld [tilespmem:s26+$0x6000];
	v59 =	vshra.s32 v15, $0x14;
	vm6 =	vmand vm10, vm5;
	v39 =	vand.u32 $0xFFF, v16  }
0x213: {  	s16 =	simm.s32 $0xC0;
	s22 =	sadd.s32 $0xFFFFFFA0, s0;
	v20 =	vld [tilespmem:s2+$0x6000];
	v16 =	vand.u32 $0xFFFFF, v16;
	v28 =	vshra.s32 v9, $0x14;
	v29 =	vshra.s32 v8, $0x14  }
0x214: {  	s20 =	sadd.s32 $0xFFFFFF90, s0;
	s3 =	sand.u32 $0x3F80, s22;
	s9 =	sand.u32 $0x60, s16;
	v23 =	vld.idx.msk [tilespmem:v7+s29+$0xFFFFFF70 ss:$0x1], $0xffff;
	vm9 =	veq.s32 v24, v0;
	vm0 =	veq.s32 v31, v0;
	vm11 =	vgt.f32 v11, $9.999999770e-03  }
0x215: {  	s25 =	sadd.s32 $0xFFFFFFB0, s0;
	s26 =	simm.s32 $0xE0;
	s2 =	sand.u32 $0x3F80, s20;
	vm1 =	veq.s32 v29, v0;
	v11 =	vmul.f32 $1.280000000e+02, v25;
	v19 =	vmul.f32 $1.280000000e+02, v30  }
0x216: {  	s22 =	sand.u32 $0x60, s26;
	s20 =	sor.u32 s9, s2;
	s2 =	sand.u32 $0x3F80, s25;
	vm2 =	veq.s32 v28, v0;
	vm4 =	vgt.f32 v13, $9.999999770e-03;
	v13 =	vmul.f32 $1.280000000e+02, v14  }
0x217: {  	s26 =	sor.u32 s22, s2;
	vm15 =	vgt.f32 v21, $9.999999770e-03;
	v14 =	vld [tilespmem:s28+$0x6000];
	v11 =	vtrunc.f32 v11;
	v19 =	vtrunc.f32 v19  }
0x218: {  	s21 =	simm.s32 $0xD0;
	v24 =	vld [tilespmem:s26+$0x0];
	vm14 =	vgt.f32 v20, $9.999999770e-03;
	v11 =	vcvt.f32.s32 v11;
	v19 =	vcvt.f32.s32 v19  }
0x219: {  	s6 =	sand.u32 $0x70, s21;
	v20 =	vld [tilespmem:s1+$0x6000];
	vm12 =	vgt.f32 v23, $9.999999770e-03;
	vm5 =	vmand vm4, vm9;
	v13 =	vtrunc.f32 v13  }
0x21a: {  	s14 =	sor.u32 s6, s3;
	v21 =	vld.idx.msk [tilespmem:v7+s29+$0xFFFFFF80 ss:$0x1], $0xffff;
	v13 =	vcvt.f32.s32 v13;
	v11 =	vshll.u32 v11, $0xE;
	v19 =	vshll.u32 v19, $0x7  }
0x21b: {  	v23 =	vld [tilespmem:s14+$0x2000];
	vm4 =	vmand vm14, vm3;
	vm3 =	vmand vm15, vm1;
	v11 =	vadd.s32 v11, v19  }
0x21c: {  	s12 =	sadd.s32 $0xFFFFFFE0, s0;
	s30 =	sadd.s32 $0xFFFFFFD0, s0;
	v25 =	vld [tilespmem:s26+$0x2000];
	vm1 =	vmand vm12, vm2;
	vm13 =	vgt.f32 v14, $9.999999770e-03;
	v11 =	vadd.s32 v13, v11  }
0x21d: {  	s31 =	simm.s32 $0x100;
	s29 =	simm.s32 $0xF0;
	s28 =	sadd.s32 $0xFFFFFFC0, s0;
	v19 =	vld [tilespmem:s20+$0x0];
	v14 =	vand.u32 $0xFFF, v26;
	v26 =	vand.u32 $0xFFFFF, v26;
	v13 =	vshra.s32 v11, $0x14  }
0x21e: {  	s5 =	sand.u32 $0x60, s31;
	s4 =	sand.u32 $0x70, s29;
	s1 =	sand.u32 $0x3F80, s28;
	vm2 =	vmand vm13, vm0;
	vm0 =	vgt.f32 v20, $9.999999770e-03;
	v20 =	vld [tilespmem:s20+$0x2000];
	vm14 =	veq.s32 v13, v0  }
0x21f: {  	s13 =	simm.s32 $0x110;
	s2 =	sor.u32 s4, s1;
	v14 =	vor.u32 $0x100000, v14;
	vm9 =	vmand vm0, vm14;
	vm0 =	vgt.f32 v21, $9.999999770e-03;
	v21 =	vld [tilespmem:s14+$0x0];
	[smem:$0x7FB] =	sst s5  }
0x220: {  	s15 =	sand.u32 $0x3F80, s12;
	s12 =	sand.u32 $0x70, s13;
	s3 =	sand.u32 $0x3F80, s30;
	v52 =	vand.u32 $0xFFF, v9;
	v23 =	vmul.f32 $1.280000000e+02, v23;
	v14 =	vsel vm6, v26, v14;
	v26 =	vld [tilespmem:s2+$0x0]  }
0x221: {  	v39 =	vor.u32 $0x100000, v39;
	v47 =	vand.u32 $0xFFFFF, v9;
	s28 =	sor.u32 s5, s3;
	v25 =	vmul.f32 $1.280000000e+02, v25;
	s5 =	sor.u32 s12, s15;
	v27 =	vld [tilespmem:s2+$0x2000]  }
0x222: {  	vm7 =	vmand vm11, vm7;
	s1 =	simm.s32 $0x130;
	v60 =	vtrunc.f32 v23;
	v13 =	vand.u32 $0xFFF, v11;
	v30 =	vld [tilespmem:s5+$0x0]  }
0x223: {  	v63 =	vtrunc.f32 v25;
	v11 =	vand.u32 $0xFFFFF, v11;
	v13 =	vor.u32 $0x100000, v13;
	v62 =	vld.idx.msk [tilespmem:v4+s1+$0xFFFFFF60 ss:$0x1], $0xffff  }
0x224: {  	v32 =	vcvt.f32.s32 v60;
	v11 =	vsel vm9, v11, v13;
	v13 =	vand.u32 $0xFFF, v22;
	v51 =	vld.idx.msk [tilespmem:v4+s1+$0xFFFFFF70 ss:$0x1], $0xffff  }
0x225: {  	v22 =	vand.u32 $0xFFFFF, v22;
	v38 =	vld [tilespmem:s20+$0x4000];
	v13 =	vor.u32 $0x100000, v13;
	v20 =	vmul.f32 $1.280000000e+02, v20  }
0x226: {  	v35 =	vcvt.f32.s32 v63;
	v19 =	vmul.f32 $1.280000000e+02, v19;
	v40 =	vld [tilespmem:s14+$0x4000];
	v13 =	vsel vm8, v22, v13  }
0x227: {  	v42 =	vld [tilespmem:s26+$0x4000];
	v22 =	vand.u32 $0xFFF, v12;
	v12 =	vand.u32 $0xFFFFF, v12;
	v20 =	vtrunc.f32 v20  }
0x228: {  	v44 =	vld [tilespmem:s2+$0x4000];
	v22 =	vor.u32 $0x100000, v22;
	v28 =	vmul.f32 $1.280000000e+02, v21;
	v20 =	vcvt.f32.s32 v20  }
0x229: {  	v12 =	vsel vm7, v12, v22;
	v26 =	vmul.f32 $1.280000000e+02, v26;
	v27 =	vmul.f32 $1.280000000e+02, v27  }
0x22a: {  	s16 =	simm.s32 $0x130;
	v45 =	vld [tilespmem:s28+$0x4000];
	v22 =	vand.u32 $0xFFF, v18;
	v30 =	vmul.f32 $1.280000000e+02, v30;
	v34 =	vmul.f32 $1.280000000e+02, v62  }
0x22b: {  	s16 =	sand.u32 $0x70, s16;
	s0 =	sand.u32 $0x3F80, s0;
	v18 =	vand.u32 $0xFFFFF, v18;
	v36 =	vmul.f32 $1.280000000e+02, v51;
	v31 =	vtrunc.f32 v28;
	v28 =	vld [tilespmem:s5+$0x2000]  }
0x22c: {  	s29 =	sor.u32 s16, s0;
	v29 =	vld [tilespmem:s28+$0x0];
	v22 =	vor.u32 $0x100000, v22;
	v38 =	vmul.f32 $1.280000000e+02, v38;
	v40 =	vmul.f32 $1.280000000e+02, v40  }
0x22d: {  	v46 =	vld [tilespmem:s29+$0x4000];
	v42 =	vmul.f32 $1.280000000e+02, v42;
	v44 =	vmul.f32 $1.280000000e+02, v44;
	v21 =	vsel vm5, v18, v22  }
0x22e: {  	v61 =	vld [tilespmem:s29+$0x0];
	v18 =	vtrunc.f32 v19;
	v19 =	vmul.f32 $1.280000000e+02, v24;
	v24 =	vand.u32 $0xFFF, v17  }
0x22f: {  	v53 =	vmul.f32 $1.280000000e+02, v45;
	v17 =	vand.u32 $0xFFFFF, v17;
	v24 =	vor.u32 $0x100000, v24  }
0x230: {  	s31 =	simm.s32 $0x0;
	s21 =	simm.s32 $0x10;
	s25 =	simm.s32 $0x200;
	v37 =	vtrunc.f32 v27;
	v23 =	vsel vm4, v17, v24;
	v27 =	vmul.f32 $1.280000000e+02, v28;
	v28 =	vld.idx.msk [tilespmem:v5+s1+$0xFFFFFF70 ss:$0x1], $0xffff  }
0x231: {  	s13 =	sand.u32 $0x60, s31;
	s30 =	simm.s32 $0x0;
	s3 =	sand.u32 $0x7E00, s25;
	v17 =	vtrunc.f32 v19;
	v19 =	vmul.f32 $1.280000000e+02, v29;
	v29 =	vand.u32 $0xFFF, v8  }
0x232: {  	s0 =	sand.u32 $0x70, s21;
	s21 =	sor.u32 $0x8000, s24;
	s3 =	sshrl.u32 s3, $0x2;
	v55 =	vmul.f32 $1.280000000e+02, v46;
	v22 =	vld [tilespmem:s28+$0x2000];
	v8 =	vand.u32 $0xFFFFF, v8;
	v25 =	vor.u32 $0x100000, v29  }
0x233: {  	s25 =	simm.s32 $0x80;
	s3 =	sadd.s32 s3, s21;
	s15 =	sand.u32 $0x3E00, s30;
	v26 =	vtrunc.f32 v26;
	v24 =	vld [tilespmem:s29+$0x2000];
	v25 =	vsel vm3, v8, v25;
	v8 =	vmul.f32 $1.280000000e+02, v61  }
0x234: {  	s30 =	sand.u32 $0x7E00, s25;
	s25 =	simm.s32 $0x100;
	s7 =	sshrl.u32 s15, $0x2;
	v30 =	vtrunc.f32 v30;
	v29 =	vld.idx.msk [tilespmem:v5+s1+$0xFFFFFF60 ss:$0x1], $0xffff;
	v41 =	vtrunc.f32 v27;
	v27 =	vand.u32 $0xFFF, v15  }
0x235: {  	s15 =	sadd.s32 s13, s3;
	v43 =	vtrunc.f32 v8;
	v8 =	vor.u32 $0x100000, v27;
	v27 =	vmul.f32 $1.280000000e+02, v28;
	v28 =	vld [tilespmem:s5+$0x4000];
	[smem:$0x7FA] =	sst s24;
	s24 =	sadd.s32 s7, s21  }
0x236: {  	v9 =	vand.u32 $0xFFFFF, v15;
	v34 =	vtrunc.f32 v34;
	v36 =	vtrunc.f32 v36;
	s7 =	sshrl.u32 s30, $0x2;
	s31 =	sadd.s32 s13, s24;
	s13 =	sadd.s32 s0, s24  }
0x237: {  	v33 =	vor.u32 $0x100000, v52;
	v18 =	vcvt.f32.s32 v18;
	v31 =	vcvt.f32.s32 v31;
	v15 =	vld.idx.msk [tilespmem:v6+s1+$0xFFFFFF70 ss:$0x1], $0xffff;
	s0 =	sadd.s32 s7, s21;
	s24 =	simm.s32 $0xC0;
	s7 =	simm.s32 $0x140  }
0x238: {  	v38 =	vtrunc.f32 v38;
	v48 =	vtrunc.f32 v27;
	v27 =	vsel vm2, v16, v39;
	v16 =	vld.idx.msk [tilespmem:v6+s1+$0xFFFFFF80 ss:$0x1], $0xffff;
	[smem:$0x7FC] =	sst s31;
	s18 =	sadd.s32 s18, s0;
	s30 =	sand.u32 $0x7E00, s24  }
0x239: {  	vm15 =	veq.s32 v59, v0;
	v40 =	vtrunc.f32 v40;
	v42 =	vtrunc.f32 v42;
	s31 =	sand.u32 $0x7E00, s25;
	s24 =	sand.u32 $0x7E00, s7;
	s7 =	simm.s32 $0x1C0  }
0x23a: {  	v32 =	vshll.u32 v32, $0x7;
	v44 =	vtrunc.f32 v44;
	v26 =	vcvt.f32.s32 v26;
	s0 =	sshrl.u32 s30, $0x2;
	s3 =	sshrl.u32 s31, $0x2;
	s25 =	sshrl.u32 s24, $0x2  }
0x23b: {  	v35 =	vshll.u32 v35, $0x7;
	v37 =	vcvt.f32.s32 v37;
	v30 =	vcvt.f32.s32 v30;
	s31 =	simm.s32 $0x180;
	s0 =	sadd.s32 s0, s21;
	s3 =	sadd.s32 s3, s21  }
0x23c: {  	vm0 =	vmand vm0, vm15;
	v34 =	vcvt.f32.s32 v34;
	v36 =	vcvt.f32.s32 v36;
	s30 =	sadd.s32 s10, s0;
	s23 =	sadd.s32 s23, s3;
	s0 =	sadd.s32 s25, s21  }
0x23d: {  	v20 =	vshll.u32 v20, $0x7;
	v38 =	vcvt.f32.s32 v38;
	v40 =	vcvt.f32.s32 v40;
	s25 =	sand.u32 $0x7E00, s31;
	s31 =	sand.u32 $0x7E00, s7;
	s7 =	simm.s32 $0x240  }
0x23e: {  	v42 =	vcvt.f32.s32 v42;
	v44 =	vcvt.f32.s32 v44;
	v18 =	vshll.u32 v18, $0xE;
	s24 =	sadd.s32 s11, s0;
	s3 =	sshrl.u32 s31, $0x2;
	s10 =	sand.u32 $0x7E00, s7  }
0x23f: {  	v17 =	vcvt.f32.s32 v17;
	v19 =	vtrunc.f32 v19;
	v26 =	vshll.u32 v26, $0xE;
	s0 =	sshrl.u32 s25, $0x2;
	s3 =	sadd.s32 s3, s21;
	s10 =	sshrl.u32 s10, $0x2  }
0x240: {  	v37 =	vshll.u32 v37, $0x7;
	v30 =	vshll.u32 v30, $0xE;
	v22 =	vmul.f32 $1.280000000e+02, v22;
	s11 =	simm.s32 $0xB0;
	s31 =	sadd.s32 s17, s3;
	s3 =	sadd.s32 s10, s21  }
0x241: {  	v34 =	vshll.u32 v34, $0xE;
	v18 =	vadd.s32 v18, v20;
	v19 =	vcvt.f32.s32 v19;
	s0 =	sadd.s32 s0, s21;
	s3 =	sadd.s32 s19, s3;
	s19 =	simm.s32 $0x280  }
0x242: {  	v17 =	vshll.u32 v17, $0xE;
	v22 =	vtrunc.f32 v22;
	v24 =	vmul.f32 $1.280000000e+02, v24;
	s0 =	sadd.s32 s8, s0;
	s8 =	sand.u32 $0x70, s11;
	s11 =	sand.u32 $0x3E00, s19  }
0x243: {  	v26 =	vadd.s32 v26, v37;
	v43 =	vcvt.f32.s32 v43;
	v29 =	vmul.f32 $1.280000000e+02, v29;
	s17 =	simm.s32 $0x480;
	s11 =	sshrl.u32 s11, $0x2  }
0x244: {  	v56 =	vshll.u32 v19, $0xE;
	v22 =	vcvt.f32.s32 v22;
	v41 =	vcvt.f32.s32 v41;
	s10 =	sand.u32 $0x7E00, s17;
	s11 =	sadd.s32 s11, s21  }
0x245: {  	v24 =	vtrunc.f32 v24;
	v43 =	vshll.u32 v43, $0xE;
	v29 =	vtrunc.f32 v29;
	s25 =	simm.s32 $0xA0;
	s10 =	sshrl.u32 s10, $0x2;
	s8 =	sadd.s32 s8, s11  }
0x246: {  	v24 =	vcvt.f32.s32 v24;
	v22 =	vshll.u32 v22, $0x7;
	v41 =	vshll.u32 v41, $0x7;
	s17 =	sand.u32 $0x60, s25;
	s10 =	sadd.s32 s10, s21;
	[dreg:$0x6] =	wrdreg s8  }
0x247: {  	v29 =	vcvt.f32.s32 v29;
	v60 =	vadd.s32 v56, v22;
	v19 =	vcvt.f32.s32 v48;
	s25 =	sadd.s32 s17, s10;
	[tilespmem:s15+$0x0] =	vst v10  }
0x248: {  	v54 =	vmul.f32 $1.280000000e+02, v28;
	v28 =	vsel vm1, v47, v33;
	v33 =	vtrunc.f32 v55;
	s7 =	simm.s32 $0x300;
	[tilespmem:s25+$0x0] =	vst v11  }
0x249: {  	v24 =	vshll.u32 v24, $0x7;
	v15 =	vmul.f32 $1.280000000e+02, v15;
	v33 =	vcvt.f32.s32 v33;
	s19 =	sand.u32 $0x7E00, s7;
	s7 =	simm.s32 $0x380;
	[tilespmem:s18+$0x0] =	vst v13  }
0x24a: {  	v57 =	vshll.u32 v19, $0x7;
	v16 =	vmul.f32 $1.280000000e+02, v16;
	v45 =	vtrunc.f32 v54;
	s19 =	sshrl.u32 s19, $0x2;
	s10 =	sadd.s32 s17, s11;
	s17 =	simm.s32 $0x340;
	v19 =	vld [tilespmem:s20+$0x6000];
	[tilespmem:s30+$0x0] =	vst v14  }
0x24b: {  	v29 =	vshll.u32 v29, $0x7;
	v15 =	vtrunc.f32 v15;
	v59 =	vcvt.f32.s32 v45;
	s11 =	sand.u32 $0x7E00, s7;
	s8 =	sadd.s32 s19, s21;
	s19 =	smov.u32 s13;
	v20 =	vld [tilespmem:s14+$0x6000];
	[tilespmem:s23+$0x0] =	vst v12  }
0x24c: {  	v16 =	vtrunc.f32 v16;
	s13 =	simm.s32 $0x3C0;
	s8 =	sadd.s32 s9, s8;
	s9 =	sand.u32 $0x7E00, s17;
	v10 =	vcvt.f32.s32 v15;
	v15 =	vadd.s32 v17, v35;
	v22 =	vld [tilespmem:s26+$0x6000];
	[tilespmem:s24+$0x0] =	vst v21  }
0x24d: {  	s17 =	sand.u32 $0x7E00, s13;
	s15 =	sshrl.u32 s11, $0x2;
	v13 =	vadd.s32 v34, v29;
	v29 =	vadd.s32 v30, v41;
	v30 =	vadd.s32 v43, v24;
	s25 =	simm.s32 $0x400;
	v24 =	vld [tilespmem:s2+$0x6000];
	[tilespmem:s0+$0x0] =	vst v23  }
0x24e: {  	v11 =	vcvt.f32.s32 v16;
	s26 =	simm.s32 $0x440;
	[tilespmem:s31+$0x0] =	vst v25;
	s9 =	sshrl.u32 s9, $0x2;
	s20 =	sshrl.u32 s17, $0x2;
	v16 =	vadd.s32 v42, v15;
	v15 =	vadd.s32 v44, v26;
	v26 =	vld [tilespmem:s28+$0x6000]  }
0x24f: {  	v31 =	vshll.u32 v31, $0xE;
	v18 =	vadd.s32 v38, v18;
	s15 =	sadd.s32 s15, s21;
	s2 =	sand.u32 $0x7E00, s26;
	v12 =	vadd.s32 v33, v30;
	v30 =	vld [tilespmem:s29+$0x6000];
	s30 =	sld [smem:$0x7FB];
	[tilespmem:s3+$0x0] =	vst v27  }
0x250: {  	v39 =	vtrunc.f32 v53;
	s9 =	sadd.s32 s9, s21;
	s11 =	sadd.s32 s22, s15;
	v10 =	vadd.s32 v10, v13;
	v13 =	vadd.s32 v59, v29;
	v29 =	vld [tilespmem:s5+$0x6000];
	[dreg:$0x7] =	wrdreg s21  }
0x251: {  	v31 =	vadd.s32 v31, v32;
	v62 =	vshra.s32 v18, $0x14;
	v58 =	vcvt.f32.s32 v39;
	s22 =	sadd.s32 s20, s21;
	s2 =	sshrl.u32 s2, $0x2;
	s31 =	sld [smem:$0x7FC]  }
0x252: {  	v36 =	vshll.u32 v36, $0xE;
	vm2 =	veq.s32 v62, v0;
	v17 =	vadd.s32 v40, v31;
	s18 =	sadd.s32 s6, s9;
	s7 =	sadd.s32 s4, s22;
	s22 =	simm.s32 $0x4C0  }
0x253: {  	v61 =	vadd.s32 v36, v57;
	v14 =	vadd.s32 v58, v60;
	v63 =	vshra.s32 v17, $0x14;
	s4 =	sand.u32 $0x7E00, s25;
	s2 =	sadd.s32 s2, s21;
	s28 =	sand.u32 $0x7E00, s22  }
0x254: {  	v35 =	vshra.s32 v14, $0x14;
	v11 =	vadd.s32 v11, v61;
	v33 =	vshra.s32 v16, $0x14;
	s6 =	simm.s32 $0xA;
	s4 =	sshrl.u32 s4, $0x2;
	s0 =	sshrl.u32 s28, $0x2  }
0x255: {  	v34 =	vshra.s32 v15, $0x14;
	v25 =	vshra.s32 v12, $0x14;
	vm3 =	veq.s32 v63, v0;
	v31 =	vld.idx.msk [tilespmem:v7+s1+$0xFFFFFF70 ss:$0x1], $0xffff;
	s13 =	sadd.s32 s12, s2;
	s4 =	sadd.s32 s4, s21;
	s0 =	sadd.s32 s0, s21  }
0x256: {  	v23 =	vshra.s32 v10, $0x14;
	v27 =	vshra.s32 v13, $0x14;
	v32 =	vld.idx.msk [tilespmem:v7+s1+$0xFFFFFF80 ss:$0x1], $0xffff;
	v21 =	vshra.s32 v11, $0x14;
	s12 =	simm.s32 $0x1D0;
	[tilespmem:s31+$0x0] =	vst v28;
	s20 =	sadd.s32 s30, s4;
	s0 =	sadd.s32 s16, s0  }
.LBB2_8:
0x257: {  	s30 =	rddreg [dreg:$0x5];
	vm5 =	veq.s32 v33, v0  }
0x258: {  	vm4 =	veq.s32 v34, v0;
	vm1 =	veq.s32 v35, v0;
	v28 =	vimm.s32 $0x0;
	s1 =	sadd.s32 s12, s30  }
0x259: {  	s3 =	sadd.s32 $0xFFFFFFF0, s12;
	v36 =	vand.u32 $0xFFF, v17;
	v37 =	vand.u32 $0xFFF, v16;
	v38 =	vand.u32 $0xFFF, v15;
	s4 =	sadd.s32 $0xFFFFFFF0, s1  }
0x25a: {  	[dreg:$0xb] =	wrdreg s13;
	v39 =	vand.u32 $0xFFF, v14;
	vm6 =	veq.s32 v23, v0;
	v40 =	vand.u32 $0xFFF, v13;
	s3 =	sand.u32 $0x60, s3;
	s4 =	sand.u32 $0x3F80, s4  }
0x25b: {  	[dreg:$0xa] =	wrdreg s10;
	vm11 =	veq.s32 v25, v0;
	v48 =	vand.u32 $0xFFF, v10;
	vm10 =	veq.s32 v21, v0;
	s16 =	sor.u32 s3, s4  }
0x25c: {  	s2 =	sadd.s32 $0xFFFFFF90, s12;
	s31 =	sadd.s32 $0xFFFFFFA0, s12;
	v49 =	vand.u32 $0xFFF, v12;
	v50 =	vand.u32 $0xFFF, v11;
	v62 =	vand.u32 $0xFFFFF, v17;
	s5 =	sadd.s32 $0xFFFFFF90, s1;
	v41 =	vld [tilespmem:s16+$0x0]  }
0x25d: {  	s26 =	sadd.s32 $0xFFFFFFD0, s12;
	v63 =	vand.u32 $0xFFFFF, v16;
	v15 =	vand.u32 $0xFFFFF, v15;
	v14 =	vand.u32 $0xFFFFF, v14;
	s28 =	sand.u32 $0x60, s2;
	s5 =	sand.u32 $0x3F80, s5;
	v42 =	vld [tilespmem:s16+$0x2000]  }
0x25e: {  	v13 =	vand.u32 $0xFFFFF, v13;
	v12 =	vand.u32 $0xFFFFF, v12;
	v10 =	vand.u32 $0xFFFFF, v10;
	s29 =	sand.u32 $0x60, s26;
	s9 =	sadd.s32 $0xFFFFFFA0, s1;
	s26 =	sor.u32 s28, s5;
	v57 =	vld [tilespmem:s16+$0x4000]  }
0x25f: {  	v28 =	vsel vm1, $0xFFFFFFFF, v28;
	vm1 =	vmmov vm0;
	s31 =	sand.u32 $0x70, s31;
	s14 =	sadd.s32 $0xFFFFFFD0, s1;
	s9 =	sand.u32 $0x3F80, s9;
	vm7 =	vgt.f32 v24, $9.999999770e-03;
	v24 =	vld [tilespmem:s26+$0x0]  }
0x260: {  	[dreg:$0x9] =	wrdreg s8;
	vm0 =	veq.s32 v27, v0;
	v27 =	vimm.s32 $0x0;
	s13 =	sand.u32 $0x3F80, s14;
	vm14 =	vgt.f32 v30, $9.999999770e-03;
	s14 =	sor.u32 s31, s9;
	v30 =	vld [tilespmem:s16+$0x6000]  }
0x261: {  	s22 =	sadd.s32 $0x280, s22;
	v25 =	vor.u32 $0x100000, v37;
	v23 =	vor.u32 $0x100000, v38;
	s8 =	sadd.s32 $0xFFFFFFB0, s1;
	s10 =	sadd.s32 $0xFFFFFFC0, s1;
	vm13 =	vgt.f32 v31, $9.999999770e-03;
	v31 =	vld [tilespmem:s14+$0x0]  }
0x262: {  	v21 =	vor.u32 $0x100000, v39;
	[tilespmem:$0x1FFD0] =	vst v28;
	v28 =	vimm.s32 $0x0;
	v27 =	vsel vm0, $0xFFFFFFFF, v27;
	s25 =	sadd.s32 $0xFFFFFFE0, s1;
	s15 =	sand.u32 $0x3F80, s1;
	s1 =	sor.u32 s29, s13;
	v58 =	vld [tilespmem:s14+$0x2000]  }
0x263: {  	v33 =	vor.u32 $0x100000, v48;
	v28 =	vsel vm1, $0xFFFFFFFF, v28;
	[tilespmem:$0x1FFE0] =	vst v27;
	vm4 =	vmand vm7, vm4;
	s16 =	sshra.s32 s22, $0x2;
	v61 =	vld [tilespmem:s1+$0x0]  }
0x264: {  	v27 =	vor.u32 $0x100000, v36;
	[tilespmem:$0x1FFF0] =	vst v28;
	v28 =	vand.u32 $0xFFF, v18;
	v15 =	vsel vm4, v15, v23;
	v23 =	vld.idx.msk [tilespmem:v6+s16+$0xFFFFFF70 ss:$0x1], $0xffff  }
0x265: {  	s30 =	sadd.s32 $0xFFFFFFE0, s12;
	vm8 =	vgt.f32 v19, $9.999999770e-03;
	vm1 =	vgt.f32 v20, $9.999999770e-03;
	vm9 =	vgt.f32 v22, $9.999999770e-03  }
0x266: {  	vm0 =	vgt.f32 v26, $9.999999770e-03;
	s3 =	sand.u32 $0x70, s30;
	s30 =	sand.u32 $0x70, s12;
	v60 =	vld [tilespmem:$0x1FFF0];
	v19 =	vmul.f32 $1.280000000e+02, v41;
	v20 =	vmul.f32 $1.280000000e+02, v42  }
0x267: {  	vm15 =	vgt.f32 v29, $9.999999770e-03;
	s2 =	sor.u32 s30, s15;
	v22 =	vmul.f32 $1.280000000e+02, v57;
	v24 =	vmul.f32 $1.280000000e+02, v24  }
0x268: {  	vm12 =	vgt.f32 v32, $9.999999770e-03;
	v51 =	vld [tilespmem:s2+$0x0];
	v31 =	vmul.f32 $1.280000000e+02, v31;
	v32 =	vmul.f32 $1.280000000e+02, v58  }
0x269: {  	[dreg:$0x8] =	wrdreg s0;
	s23 =	sadd.s32 $0xFFFFFFB0, s12;
	s24 =	sadd.s32 $0xFFFFFFC0, s12;
	v28 =	vor.u32 $0x100000, v28;
	v26 =	vld [tilespmem:s26+$0x2000];
	v36 =	vmul.f32 $1.280000000e+02, v61;
	v23 =	vmul.f32 $1.280000000e+02, v23  }
0x26a: {  	s0 =	sand.u32 $0x60, s23;
	s23 =	sand.u32 $0x70, s24;
	s4 =	sand.u32 $0x3F80, s10;
	vm7 =	vmand vm13, vm6;
	v57 =	vld [tilespmem:s26+$0x4000];
	v19 =	vtrunc.f32 v19;
	v20 =	vtrunc.f32 v20  }
0x26b: {  	s5 =	sor.u32 s23, s4;
	vm13 =	vnez.u8 v60;
	v58 =	vld [tilespmem:s14+$0x4000];
	v22 =	vtrunc.f32 v22;
	v17 =	vtrunc.f32 v31  }
0x26c: {  	[dreg:$0xd] =	wrdreg s20;
	v8 =	vsel vm13, v9, v8;
	v9 =	vld [tilespmem:s5+$0x0];
	v16 =	vtrunc.f32 v32;
	v36 =	vtrunc.f32 v36  }
0x26d: {  	[dreg:$0xc] =	wrdreg s11;
	s25 =	sand.u32 $0x3F80, s25;
	vm2 =	vmand vm8, vm2;
	[tilespmem:s19+$0x0] =	vst v8;
	v8 =	vld [tilespmem:s5+$0x2000];
	v32 =	vmul.f32 $1.280000000e+02, v51;
	v29 =	vcvt.f32.s32 v19  }
0x26e: {  	s17 =	sadd.s32 $0xFFFFFF80, s12;
	s21 =	sadd.s32 $0xFFFFFF70, s12;
	vm8 =	vmand vm1, vm3;
	s4 =	sor.u32 s3, s25;
	v20 =	vcvt.f32.s32 v20;
	v19 =	vld [tilespmem:$0x1FFD0];
	v22 =	vcvt.f32.s32 v22  }
0x26f: {  	s24 =	sand.u32 $0x70, s17;
	s20 =	sadd.s32 $0xFFFFFFC0, s22;
	s17 =	sadd.s32 $0xFFFFFF00, s22;
	vm1 =	vmand vm9, vm5;
	v31 =	vld [tilespmem:s4+$0x2000];
	v36 =	vcvt.f32.s32 v36;
	v23 =	vtrunc.f32 v23  }
0x270: {  	s17 =	sand.u32 $0x7E00, s17;
	s11 =	sand.u32 $0x3F80, s8;
	s8 =	sadd.s32 $0xFFFFFDC0, s22;
	vm6 =	vmand vm14, vm11;
	v48 =	vtrunc.f32 v32;
	v23 =	vcvt.f32.s32 v23  }
0x271: {  	s17 =	sshrl.u32 s17, $0x2;
	s9 =	sor.u32 s0, s11;
	s10 =	sadd.s32 $0xFFFFFE40, s22;
	v29 =	vshll.u32 v29, $0xE;
	v20 =	vshll.u32 v20, $0x7;
	v34 =	vmul.f32 $1.280000000e+02, v57  }
0x272: {  	s11 =	sadd.s32 $0xFFFFFE80, s22;
	s13 =	sand.u32 $0x60, s21;
	s21 =	smov.u32 s7;
	v61 =	vmul.f32 $1.280000000e+02, v58;
	v20 =	vadd.s32 v29, v20;
	v9 =	vmul.f32 $1.280000000e+02, v9  }
0x273: {  	s7 =	smov.u32 s18;
	s18 =	sadd.s32 $0xFFFFFF40, s22;
	s8 =	sand.u32 $0x3E00, s8;
	v20 =	vadd.s32 v22, v20;
	v22 =	vmul.f32 $1.280000000e+02, v26;
	vm3 =	vnez.u8 v19;
	v19 =	vld [tilespmem:$0x1FFE0]  }
0x274: {  	s25 =	sand.u32 $0x7E00, s20;
	s15 =	sadd.s32 $0xFFFFFEC0, s22;
	s20 =	rddreg [dreg:$0x7];
	v10 =	vsel vm7, v10, v33;
	v8 =	vmul.f32 $1.280000000e+02, v8;
	v31 =	vmul.f32 $1.280000000e+02, v31  }
0x275: {  	s10 =	sand.u32 $0x7E00, s10;
	s11 =	sand.u32 $0x7E00, s11;
	s18 =	sand.u32 $0x7E00, s18;
	vm14 =	vgt.f32 v30, $9.999999770e-03;
	v34 =	vtrunc.f32 v34;
	v35 =	vtrunc.f32 v61  }
0x276: {  	s8 =	sshrl.u32 s8, $0x2;
	s25 =	sshrl.u32 s25, $0x2;
	s15 =	sand.u32 $0x7E00, s15;
	v59 =	vshra.s32 v20, $0x14;
	v30 =	vand.u32 $0xFFF, v20;
	v55 =	vtrunc.f32 v9  }
0x277: {  	s10 =	sshrl.u32 s10, $0x2;
	s11 =	sshrl.u32 s11, $0x2;
	s18 =	sshrl.u32 s18, $0x2;
	v29 =	vld [tilespmem:s9+$0x0];
	v20 =	vand.u32 $0xFFFFF, v20;
	v34 =	vcvt.f32.s32 v34;
	v35 =	vcvt.f32.s32 v35  }
0x278: {  	s8 =	sadd.s32 s8, s20;
	s17 =	sadd.s32 s17, s20;
	s25 =	sadd.s32 s25, s20;
	v26 =	vld [tilespmem:s9+$0x2000];
	vm5 =	vmand vm0, vm3;
	v30 =	vor.u32 $0x100000, v30;
	vm0 =	vnez.u8 v19  }
0x279: {  	v53 =	vld.idx.msk [tilespmem:v4+s16+$0xFFFFFF60 ss:$0x1], $0xffff;
	s15 =	sshrl.u32 s15, $0x2;
	s10 =	sadd.s32 s10, s20;
	s11 =	sadd.s32 s11, s20;
	v43 =	vtrunc.f32 v8;
	vm3 =	vmand vm15, vm0;
	vm15 =	veq.s32 v59, v0  }
0x27a: {  	s18 =	sadd.s32 s18, s20;
	s25 =	sadd.s32 s13, s25;
	s19 =	sadd.s32 $0xFFFFFF80, s22;
	v8 =	vor.u32 $0x100000, v50;
	v47 =	vtrunc.f32 v31;
	v59 =	vld [tilespmem:s9+$0x4000];
	vm9 =	vmand vm14, vm15  }
0x27b: {  	s15 =	sadd.s32 s15, s20;
	s10 =	sadd.s32 s28, s10;
	s19 =	sand.u32 $0x7E00, s19;
	v50 =	vcvt.f32.s32 v55;
	v51 =	vcvt.f32.s32 v43;
	v30 =	vsel vm9, v20, v30  }
0x27c: {  	s11 =	sadd.s32 s31, s11;
	s19 =	sshrl.u32 s19, $0x2;
	v36 =	vshll.u32 v36, $0xE;
	v20 =	vtrunc.f32 v24;
	v24 =	vmul.f32 $1.280000000e+02, v29;
	v29 =	vld [tilespmem:s1+$0x2000];
	[tilespmem:s25+$0x0] =	vst v30;
	s25 =	sand.u32 $0x7E00, s22  }
0x27d: {  	s28 =	sadd.s32 s23, s17;
	s19 =	sadd.s32 s19, s20;
	v30 =	vand.u32 $0xFFFFF, v18;
	v18 =	vtrunc.f32 v22;
	v22 =	vmul.f32 $1.280000000e+02, v26;
	v26 =	vld [tilespmem:s4+$0x0];
	s25 =	sshrl.u32 s25, $0x2  }
0x27e: {  	v60 =	vld [tilespmem:s4+$0x4000];
	v31 =	vmul.f32 $1.280000000e+02, v53;
	v14 =	vsel vm5, v14, v21;
	v55 =	vcvt.f32.s32 v47;
	s20 =	sadd.s32 s25, s20;
	s25 =	sadd.s32 s13, s8;
	s8 =	sadd.s32 s24, s8  }
0x27f: {  	v52 =	vld [tilespmem:s2+$0x2000];
	s31 =	rddreg [dreg:$0x6];
	v33 =	vshll.u32 v50, $0xE;
	v39 =	vshll.u32 v51, $0x7;
	v21 =	vmul.f32 $1.280000000e+02, v59;
	s17 =	sadd.s32 s30, s20;
	s20 =	smov.u32 s8  }
0x280: {  	s29 =	sadd.s32 s29, s18;
	v19 =	vor.u32 $0x100000, v40;
	v24 =	vtrunc.f32 v24;
	v54 =	vtrunc.f32 v22;
	[dreg:$0x6] =	wrdreg s20  }
0x281: {  	v13 =	vsel vm3, v13, v19;
	v22 =	vmul.f32 $1.280000000e+02, v29;
	s20 =	smov.u32 s29;
	s29 =	rddreg [dreg:$0xb];
	v21 =	vtrunc.f32 v21  }
0x282: {  	v43 =	vshll.u32 v55, $0x7;
	v9 =	vmul.f32 $1.280000000e+02, v26;
	[tilespmem:s29+$0x0] =	vst v13;
	v13 =	vcvt.f32.s32 v18  }
0x283: {  	v56 =	vld.idx.msk [tilespmem:v4+s16+$0xFFFFFF70 ss:$0x1], $0xffff;
	vm0 =	vmand vm12, vm10;
	v18 =	vmul.f32 $1.280000000e+02, v60;
	v45 =	vtrunc.f32 v22  }
0x284: {  	s3 =	sadd.s32 s3, s19;
	s19 =	smov.u32 s31;
	s31 =	rddreg [dreg:$0xa];
	v29 =	vld.idx.msk [tilespmem:v5+s16+$0xFFFFFF60 ss:$0x1], $0xffff;
	v26 =	vor.u32 $0x100000, v49;
	v22 =	vmul.f32 $1.280000000e+02, v52;
	v46 =	vtrunc.f32 v9  }
0x285: {  	v44 =	vld.idx.msk [tilespmem:v5+s16+$0xFFFFFF70 ss:$0x1], $0xffff;
	[tilespmem:s31+$0x0] =	vst v10;
	v10 =	vshll.u32 v13, $0x7;
	v13 =	vcvt.f32.s32 v16;
	v16 =	vcvt.f32.s32 v24  }
0x286: {  	v12 =	vsel vm6, v12, v26;
	v53 =	vcvt.f32.s32 v45;
	v18 =	vtrunc.f32 v18  }
0x287: {  	v49 =	vtrunc.f32 v22;
	v22 =	vsel vm2, v30, v28;
	v28 =	vtrunc.f32 v31  }
0x288: {  	s23 =	rddreg [dreg:$0x9];
	v9 =	vand.u32 $0xFFFFF, v11;
	v30 =	vmul.f32 $1.280000000e+02, v56;
	v56 =	vcvt.f32.s32 v48  }
0x289: {  	v58 =	vcvt.f32.s32 v18;
	v11 =	vmul.f32 $1.280000000e+02, v29;
	[tilespmem:s23+$0x0] =	vst v22;
	v22 =	vsel vm8, v62, v27  }
0x28a: {  	v27 =	vmul.f32 $1.280000000e+02, v44;
	v44 =	vcvt.f32.s32 v54;
	v13 =	vshll.u32 v13, $0x7  }
0x28b: {  	v16 =	vshll.u32 v16, $0xE;
	v54 =	vcvt.f32.s32 v46;
	v28 =	vcvt.f32.s32 v28  }
0x28c: {  	v31 =	vld [tilespmem:s1+$0x4000];
	v57 =	vcvt.f32.s32 v49;
	v41 =	vshll.u32 v53, $0x7;
	[tilespmem:s7+$0x0] =	vst v22;
	v22 =	vsel vm1, v63, v25  }
0x28d: {  	v29 =	vld [tilespmem:s5+$0x4000];
	[tilespmem:s21+$0x0] =	vst v15;
	v25 =	vtrunc.f32 v30;
	s7 =	smov.u32 s28;
	s28 =	rddreg [dreg:$0xd];
	v61 =	vadd.s32 v36, v41;
	v11 =	vtrunc.f32 v11  }
0x28e: {  	v15 =	vld.idx.msk [tilespmem:v6+s16+$0xFFFFFF80 ss:$0x1], $0xffff;
	v27 =	vtrunc.f32 v27;
	[tilespmem:s28+$0x0] =	vst v14;
	v14 =	vcvt.f32.s32 v20;
	v52 =	vshll.u32 v44, $0x7  }
0x28f: {  	v25 =	vcvt.f32.s32 v25;
	v42 =	vshll.u32 v54, $0xE;
	v44 =	vshll.u32 v56, $0xE  }
0x290: {  	v30 =	vld [tilespmem:s2+$0x4000];
	v45 =	vshll.u32 v57, $0x7;
	v28 =	vshll.u32 v28, $0xE;
	v11 =	vcvt.f32.s32 v11  }
0x291: {  	s30 =	rddreg [dreg:$0x8];
	v27 =	vcvt.f32.s32 v27;
	v16 =	vadd.s32 v16, v52;
	v63 =	vmul.f32 $1.280000000e+02, v31  }
0x292: {  	[tilespmem:s30+$0x0] =	vst v12;
	v12 =	vshll.u32 v14, $0xE;
	v14 =	vcvt.f32.s32 v17;
	v25 =	vshll.u32 v25, $0xE  }
0x293: {  	v62 =	vmul.f32 $1.280000000e+02, v29;
	v15 =	vmul.f32 $1.280000000e+02, v15;
	v11 =	vshll.u32 v11, $0x7  }
0x294: {  	v27 =	vshll.u32 v27, $0x7;
	v10 =	vadd.s32 v12, v10;
	v12 =	vcvt.f32.s32 v21  }
0x295: {  	v17 =	vmul.f32 $1.280000000e+02, v30;
	v14 =	vshll.u32 v14, $0xE;
	v38 =	vtrunc.f32 v63  }
0x296: {  	v11 =	vadd.s32 v28, v11;
	v28 =	vadd.s32 v42, v43;
	v25 =	vadd.s32 v25, v27  }
0x297: {  	v18 =	vadd.s32 v34, v10;
	v37 =	vtrunc.f32 v62;
	v15 =	vtrunc.f32 v15  }
0x298: {  	v32 =	vld.idx.msk [tilespmem:v7+s16+$0xFFFFFF80 ss:$0x1], $0xffff;
	v13 =	vadd.s32 v14, v13;
	v14 =	vcvt.f32.s32 v38;
	v62 =	vadd.s32 v44, v45  }
0x299: {  	v19 =	vld [tilespmem:s26+$0x6000];
	v16 =	vadd.s32 v12, v16;
	v10 =	vadd.s32 v23, v11;
	v17 =	vtrunc.f32 v17  }
0x29a: {  	s6 =	sadd.s32 $0xA, s6;
	s24 =	rddreg [dreg:$0xc];
	v24 =	vld [tilespmem:s5+$0x6000];
	v21 =	vcvt.f32.s32 v37;
	v60 =	vcvt.f32.s32 v15;
	v15 =	vadd.s32 v33, v39  }
0x29b: {  	p1 =	slt.u32 s6, $0xF0;
	[tilespmem:s24+$0x0] =	vst v22;
	v20 =	vld [tilespmem:s14+$0x6000];
	v33 =	vshra.s32 v16, $0x14;
	v23 =	vshra.s32 v10, $0x14;
	v59 =	vcvt.f32.s32 v17  }
.Ltmp7:
0x29c: {  	v22 =	vld [tilespmem:s9+$0x6000];
	v17 =	vadd.s32 v35, v13;
	v14 =	vadd.s32 v14, v61;
	v13 =	vadd.s32 v58, v28;
	(pc) =	sbr.rel @p1 .LBB2_8-.Ltmp7, $4  }
0x29d: {  	v26 =	vld [tilespmem:s1+$0x6000];
	v28 =	vshra.s32 v18, $0x14;
	v15 =	vadd.s32 v21, v15;
	v11 =	vadd.s32 v60, v25  }
0x29e: {  	s12 =	sadd.s32 $0xA0, s12;
	s0 =	sadd.s32 s0, s15;
	v31 =	vld.idx.msk [tilespmem:v7+s16+$0xFFFFFF70 ss:$0x1], $0xffff;
	v63 =	vshra.s32 v17, $0x14;
	v35 =	vshra.s32 v14, $0x14;
	v27 =	vshra.s32 v13, $0x14  }
0x29f: {  	s18 =	smov.u32 s11;
	s11 =	smov.u32 s0;
	s13 =	smov.u32 s3;
	v29 =	vld [tilespmem:s4+$0x6000];
	vm2 =	veq.s32 v28, v0;
	v12 =	vadd.s32 v59, v62;
	v34 =	vshra.s32 v15, $0x14  }
0x2a0: {  	s8 =	smov.u32 s10;
	s10 =	smov.u32 s25;
	s0 =	smov.u32 s17;
	v30 =	vld [tilespmem:s2+$0x6000];
	v21 =	vshra.s32 v11, $0x14;
	vm3 =	veq.s32 v63, v0;
	v25 =	vshra.s32 v12, $0x14  }
0x2a1: {  	vm1 =	veq.s32 v33, v0;
	vm4 =	veq.s32 v34, v0;
	vm6 =	veq.s32 v35, v0  }
0x2a2: {  	vm7 =	veq.s32 v27, v0;
	vm8 =	veq.s32 v23, v0;
	vm5 =	vgt.f32 v19, $9.999999770e-03  }
0x2a3: {  	vm9 =	veq.s32 v25, v0;
	vm10 =	vgt.f32 v20, $9.999999770e-03;
	vm13 =	vgt.f32 v22, $9.999999770e-03  }
0x2a4: {  	vm0 =	vmmov vm0;
	v4 =	vand.u32 $0xFFF, v18;
	v6 =	vand.u32 $0xFFF, v17  }
0x2a5: {  	v7 =	vand.u32 $0xFFFFF, v18;
	v48 =	vand.u32 $0xFFFFF, v17;
	v49 =	vand.u32 $0xFFF, v16  }
0x2a6: {  	v50 =	vand.u32 $0xFFF, v15;
	v51 =	vand.u32 $0xFFFFF, v16;
	v52 =	vand.u32 $0xFFF, v14  }
0x2a7: {  	v53 =	vand.u32 $0xFFFFF, v15;
	v54 =	vand.u32 $0xFFFFF, v14;
	v55 =	vand.u32 $0xFFF, v13  }
0x2a8: {  	v56 =	vand.u32 $0xFFF, v12;
	v57 =	vand.u32 $0xFFFFF, v13;
	v59 =	vand.u32 $0xFFF, v10  }
0x2a9: {  	v60 =	vand.u32 $0xFFFFF, v12;
	v61 =	vand.u32 $0xFFFFF, v10;
	vm11 =	vmand vm5, vm2  }
0x2aa: {  	vm10 =	vmand vm10, vm3;
	vm3 =	vgt.f32 v24, $9.999999770e-03;
	vm12 =	vmand vm13, vm1  }
0x2ab: {  	vm14 =	vgt.f32 v26, $9.999999770e-03;
	v5 =	vsel vm0, v9, v8;
	v4 =	vor.u32 $0x100000, v4  }
0x2ac: {  	v6 =	vor.u32 $0x100000, v6;
	v8 =	vor.u32 $0x100000, v50;
	vm5 =	vmand vm3, vm4  }
0x2ad: {  	vm6 =	vmand vm14, vm6;
	vm13 =	vgt.f32 v31, $9.999999770e-03;
	v4 =	vsel vm11, v7, v4;
	[tilespmem:s19+$0x0] =	vst v5  }
0x2ae: {  	v6 =	vsel vm10, v48, v6;
	v7 =	vor.u32 $0x100000, v49;
	v5 =	vor.u32 $0x100000, v52;
	[tilespmem:s8+$0x0] =	vst v4  }
0x2af: {  	vm15 =	vgt.f32 v29, $9.999999770e-03;
	v7 =	vsel vm12, v51, v7;
	v4 =	vsel vm5, v53, v8;
	[tilespmem:s18+$0x0] =	vst v6  }
0x2b0: {  	v5 =	vsel vm6, v54, v5;
	v8 =	vor.u32 $0x100000, v55;
	v6 =	vor.u32 $0x100000, v56;
	[tilespmem:s11+$0x0] =	vst v7  }
0x2b1: {  	vm4 =	vmand vm15, vm7;
	vm14 =	vgt.f32 v30, $9.999999770e-03;
	vm15 =	vmand vm13, vm8;
	[tilespmem:s7+$0x0] =	vst v4  }
0x2b2: {  	vm13 =	veq.s32 v21, v0;
	v4 =	vor.u32 $0x100000, v59;
	[tilespmem:s20+$0x0] =	vst v5;
	v58 =	vsel vm4, v57, v8  }
0x2b3: {  	vm3 =	vmand vm14, vm9;
	vm14 =	vgt.f32 v32, $9.999999770e-03;
	v4 =	vsel vm15, v61, v4;
	[tilespmem:s13+$0x0] =	vst v58  }
0x2b4: {  	v62 =	vand.u32 $0xFFF, v11;
	vm1 =	vmand vm14, vm13;
	v5 =	vsel vm3, v60, v6;
	[tilespmem:s10+$0x0] =	vst v4  }
0x2b5: {  	v63 =	vand.u32 $0xFFFFF, v11;
	v6 =	vor.u32 $0x100000, v62;
	[tilespmem:s0+$0x0] =	vst v5;
	vm15 =	vmmov vm1  }
0x2b6: {  	v5 =	vsel vm15, v63, v6;
	s0 =	rddreg [dreg:$0x6]  }
0x2b7: {  	s1 =	rddreg [dreg:$0x3];
	[tilespmem:s0+$0x0] =	vst v5  }
0x2b8: {  	s4 =	sld [smem:$0x7FA]  }
0x2b9: {  	s2 =	simm.s32 $0x80;
	s3 =	simm.s32 $0xA000;
	s0 =	rddreg [dreg:$0x7]  }
0x2ba: {  	[spmem:s1] =	stream.indirect.scatter [tilespmem:s3], [sflag:$0x2], $0x1, s0, s2, $0xb8;
	[tilespmem:$0x1C180] =	vst v63  }
0x2bb: {  	s26 =	sadd.s32 $0x8080, s4  }
0x2bc: {  	[spmem:s1] =	stream.indirect.scatter [tilespmem:s3], [sflag:$0x2], $0x1, s26, s2, $0xb8;
	[tilespmem:$0x1C180] =	vst v63  }
0x2bd: {  	s28 =	sadd.s32 $0x8100, s4  }
0x2be: {  	[spmem:s1] =	stream.indirect.scatter [tilespmem:s3], [sflag:$0x2], $0x1, s28, s2, $0xb8;
	[tilespmem:$0x1C180] =	vst v63  }
0x2bf: {  	s29 =	sadd.s32 $0x8180, s4  }
0x2c0: {  	[spmem:s1] =	stream.indirect.scatter [tilespmem:s3], [sflag:$0x2], $0x1, s29, s2, $0xb8;
	[tilespmem:$0x1C180] =	vst v63  }
0x2c1: {  	s30 =	sadd.s32 $0x8200, s4  }
0x2c2: {  	[spmem:s1] =	stream.indirect.scatter [tilespmem:s3], [sflag:$0x2], $0x1, s30, s2, $0xb8;
	[tilespmem:$0x1C180] =	vst v63  }
0x2c3: {  	s31 =	sadd.s32 $0x8280, s4  }
0x2c4: {  	[spmem:s1] =	stream.indirect.scatter [tilespmem:s3], [sflag:$0x2], $0x1, s31, s2, $0xb8;
	[tilespmem:$0x1C180] =	vst v63  }
0x2c5: {  	s5 =	sadd.s32 $0x8300, s4  }
0x2c6: {  	[spmem:s1] =	stream.indirect.scatter [tilespmem:s3], [sflag:$0x2], $0x1, s5, s2, $0xb8;
	[tilespmem:$0x1C180] =	vst v63  }
0x2c7: {  	s6 =	sadd.s32 $0x8380, s4  }
0x2c8: {  	[spmem:s1] =	stream.indirect.scatter [tilespmem:s3], [sflag:$0x2], $0x1, s6, s2, $0xb8;
	[tilespmem:$0x1C180] =	vst v63  }
0x2c9: {  	s7 =	sadd.s32 $0x8400, s4  }
0x2ca: {  	[spmem:s1] =	stream.indirect.scatter [tilespmem:s3], [sflag:$0x2], $0x1, s7, s2, $0xb8;
	[tilespmem:$0x1C180] =	vst v63  }
0x2cb: {  	s8 =	sadd.s32 $0x8480, s4  }
0x2cc: {  	[spmem:s1] =	stream.indirect.scatter [tilespmem:s3], [sflag:$0x2], $0x1, s8, s2, $0xb8;
	[tilespmem:$0x1C180] =	vst v63  }
0x2cd: {  	s9 =	sadd.s32 $0x8500, s4  }
0x2ce: {  	[spmem:s1] =	stream.indirect.scatter [tilespmem:s3], [sflag:$0x2], $0x1, s9, s2, $0xb8;
	[tilespmem:$0x1C180] =	vst v63  }
0x2cf: {  	s10 =	sadd.s32 $0x8580, s4  }
0x2d0: {  	[spmem:s1] =	stream.indirect.scatter [tilespmem:s3], [sflag:$0x2], $0x1, s10, s2, $0xb8;
	[tilespmem:$0x1C180] =	vst v63  }
0x2d1: {  	s11 =	sadd.s32 $0x8600, s4  }
0x2d2: {  	[spmem:s1] =	stream.indirect.scatter [tilespmem:s3], [sflag:$0x2], $0x1, s11, s2, $0xb8;
	[tilespmem:$0x1C180] =	vst v63  }
0x2d3: {  	s12 =	sadd.s32 $0x8680, s4  }
0x2d4: {  	[spmem:s1] =	stream.indirect.scatter [tilespmem:s3], [sflag:$0x2], $0x1, s12, s2, $0xb8;
	[tilespmem:$0x1C180] =	vst v63  }
0x2d5: {  	s13 =	sadd.s32 $0x8700, s4  }
0x2d6: {  	[spmem:s1] =	stream.indirect.scatter [tilespmem:s3], [sflag:$0x2], $0x1, s13, s2, $0xb8;
	[tilespmem:$0x1C180] =	vst v63  }
0x2d7: {  	s14 =	sadd.s32 $0x8780, s4  }
0x2d8: {  	[spmem:s1] =	stream.indirect.scatter [tilespmem:s3], [sflag:$0x2], $0x1, s14, s2, $0xb8;
	[tilespmem:$0x1C180] =	vst v63  }
0x2d9: {  	s15 =	sadd.s32 $0x8800, s4  }
0x2da: {  	[spmem:s1] =	stream.indirect.scatter [tilespmem:s3], [sflag:$0x2], $0x1, s15, s2, $0xb8;
	[tilespmem:$0x1C180] =	vst v63  }
0x2db: {  	s16 =	sadd.s32 $0x8880, s4  }
0x2dc: {  	[spmem:s1] =	stream.indirect.scatter [tilespmem:s3], [sflag:$0x2], $0x1, s16, s2, $0xb8;
	[tilespmem:$0x1C180] =	vst v63  }
0x2dd: {  	s17 =	sadd.s32 $0x8900, s4  }
0x2de: {  	[spmem:s1] =	stream.indirect.scatter [tilespmem:s3], [sflag:$0x2], $0x1, s17, s2, $0xb8;
	[tilespmem:$0x1C180] =	vst v63  }
0x2df: {  	s18 =	sadd.s32 $0x8980, s4  }
0x2e0: {  	[spmem:s1] =	stream.indirect.scatter [tilespmem:s3], [sflag:$0x2], $0x1, s18, s2, $0xb8;
	[tilespmem:$0x1C180] =	vst v63  }
0x2e1: {  	s19 =	sadd.s32 $0x8A00, s4  }
0x2e2: {  	[spmem:s1] =	stream.indirect.scatter [tilespmem:s3], [sflag:$0x2], $0x1, s19, s2, $0xb8;
	[tilespmem:$0x1C180] =	vst v63  }
0x2e3: {  	s20 =	sadd.s32 $0x8A80, s4  }
0x2e4: {  	[spmem:s1] =	stream.indirect.scatter [tilespmem:s3], [sflag:$0x2], $0x1, s20, s2, $0xb8;
	[tilespmem:$0x1C180] =	vst v63  }
0x2e5: {  	s21 =	sadd.s32 $0x8B00, s4  }
0x2e6: {  	[spmem:s1] =	stream.indirect.scatter [tilespmem:s3], [sflag:$0x2], $0x1, s21, s2, $0xb8;
	[tilespmem:$0x1C180] =	vst v63  }
0x2e7: {  	s22 =	sadd.s32 $0x8B80, s4  }
0x2e8: {  	[spmem:s1] =	stream.indirect.scatter [tilespmem:s3], [sflag:$0x2], $0x1, s22, s2, $0xb8;
	[tilespmem:$0x1C180] =	vst v63  }
0x2e9: {  	s23 =	sadd.s32 $0x8C00, s4  }
0x2ea: {  	[spmem:s1] =	stream.indirect.scatter [tilespmem:s3], [sflag:$0x2], $0x1, s23, s2, $0xb8;
	[tilespmem:$0x1C180] =	vst v63  }
0x2eb: {  	s24 =	sadd.s32 $0x8C80, s4  }
0x2ec: {  	[spmem:s1] =	stream.indirect.scatter [tilespmem:s3], [sflag:$0x2], $0x1, s24, s2, $0xb8;
	[tilespmem:$0x1C180] =	vst v63  }
0x2ed: {  	s25 =	sadd.s32 $0x8D00, s4  }
0x2ee: {  	[spmem:s1] =	stream.indirect.scatter [tilespmem:s3], [sflag:$0x2], $0x1, s25, s2, $0xb8;
	[tilespmem:$0x1C180] =	vst v63  }
0x2ef: {  	s26 =	sadd.s32 $0x8D80, s4  }
0x2f0: {  	[spmem:s1] =	stream.indirect.scatter [tilespmem:s3], [sflag:$0x2], $0x1, s26, s2, $0xb8;
	[tilespmem:$0x1C180] =	vst v63  }
0x2f1: {  	s28 =	sadd.s32 $0x8E00, s4  }
0x2f2: {  	[spmem:s1] =	stream.indirect.scatter [tilespmem:s3], [sflag:$0x2], $0x1, s28, s2, $0xb8;
	[tilespmem:$0x1C180] =	vst v63  }
0x2f3: {  	s29 =	sadd.s32 $0x8E80, s4  }
0x2f4: {  	[spmem:s1] =	stream.indirect.scatter [tilespmem:s3], [sflag:$0x2], $0x1, s29, s2, $0xb8;
	[tilespmem:$0x1C180] =	vst v63  }
0x2f5: {  	s30 =	sadd.s32 $0x8F00, s4  }
0x2f6: {  	[spmem:s1] =	stream.indirect.scatter [tilespmem:s3], [sflag:$0x2], $0x1, s30, s2, $0xb8;
	[tilespmem:$0x1C180] =	vst v63  }
.Ltmp8:
0x2f7: {  	s31 =	sadd.s32 $0x8F80, s4;
	(pc) =	sbr.rel .LBB2_10-.Ltmp8, $3  }
0x2f8: {  	[spmem:s1] =	stream.indirect.scatter [tilespmem:s3], [sflag:$0x2], $0x1, s31, s2, $0xb8;
	[tilespmem:$0x1C180] =	vst v63  }
0x2f9: {  	s3 =	sld [smem:$0x7F9];
	_ =	sdelay $0x1  }
0x2fa: {  	s8 =	stileid.u32  }
.LBB2_12:
0x2fb: {  	_ =	sfence.sel $0x180000  }
0x2fc: {  	[bflag:$0x0] =	sbarrier.arrive $0xFFFF  }
0x2fd: {  	_ =	strace $0x90000047  }
0x2fe: {  	[bflag:$0x2] =	sbarrier.arrive $0xFFFF  }
0x2ff: {  	p0 =	sne.s32 s8, $0x0;
	s0 =	rddreg [dreg:$0x4]  }
0x300: {  	s0 =	sadd.s32 @!p0 $0x100000, s0  }
0x301: {  	[sflag:s0] =	ssyncadd.tile.s32 @!p0 $0x1;
	_ =	shalt  }
.Lfunc_end2:
_tile_overlayer_lowered:
.L_overlay_start_2:
0x302: {  	(tag) =	ssettag $0x2  }
0x303: {  	s0 =	rddreg [dreg:$0x0];
	s2 =	stileid.u32  }
0x304: {  	s1 =	rddreg [dreg:$0x1];
	p0 =	sne.s32 s2, $0x0  }
0x305: {  	s3 =	rddreg [dreg:$0x2];
	[bflag:$0x3] =	sbarrier.arrive $0xFFFF;
	s2 =	simm.s32 @!p0 $0x1C04  }
0x306: {  	[timem:s3], [sflag:s2] =	dma.local @!p0 [hbm:s0], s1  }
0x307: {  	s0 =	simm.s32 @!p0 $0x4  }
0x308: {  	_ =	swait.ge @!p0 [sflag:s0], s1  }
0x309: {  	s1 =	ssub.s32 @!p0 $0x0, s1;
	[sflag:s0] =	ssyncset.done @!p0 $0x0  }
0x30a: {  	[sflag:s0] =	ssyncadd.s32 @!p0 s1  }
0x30b: {  	[bflag:$0x3] =	sbarrier.arrive $0xFFFF  }
0x30c: {  	_ =	shalt  }

</sc_bundles>
